<compile_context>
chip_gen: v7x
topology: tpu7x:2x2x1
jax: 0.10.2.dev20260603
libtpu: 0.0.44.dev20260713+nightly
codegen_flags: <defaults>
</compile_context>

<pallas_src>
import functools

import jax
import jax.numpy as jnp
from jax import lax
from jax.experimental import pallas as pl
from jax.experimental.pallas import tpu as pltpu
from jax.experimental.pallas import tpu_sc as plsc

N = 10000
E = 320000
D = 128
D2 = 64

NC = 2
NS = 16
CHUNK = 125
ECH = E // CHUNK
CPW_F = ECH // NS
CPW_E = ECH // (NC * NS)
NP = 10240
RPW = NP // NS
ZROWS = 64

_P = lax.Precision.DEFAULT


def _dot(a, b):
    return lax.dot_general(a, b, (((1,), (0,)), ((), ())),
                           precision=_P, preferred_element_type=jnp.float32)


def _elu(x):
    return jnp.where(x > 0, x, jnp.exp(x) - 1.0)



def _tc_mm1(x, w0, w1, w2, w3):
    def body(x_ref, w0_ref, w1_ref, w2_ref, w3_ref, o0, o1, o2, o3):
        xb = x_ref[...]
        o0[...] = _dot(xb, w0_ref[...])
        o1[...] = _dot(xb, w1_ref[...])
        o2[...] = _dot(xb, w2_ref[...])
        o3[...] = _dot(xb, w3_ref[...])

    return pl.pallas_call(
        body,
        grid=(10,),
        in_specs=[pl.BlockSpec((N // 10, D), lambda i: (i, 0))] +
                 [pl.BlockSpec((D, D2), lambda i: (0, 0))] * 4,
        out_specs=[pl.BlockSpec((N // 10, D2), lambda i: (i, 0))] * 4,
        out_shape=[jax.ShapeDtypeStruct((N, D2), jnp.float32)] * 4,
    )(x, w0, w1, w2, w3)


def _tc_mid(accs, cnt_a, cnt_b, w2):
    def body(a0, a1, a2, a3, ca_ref, cb_ref, w_ref, o_ref):
        cnt = ca_ref[:, 0:1] + cb_ref[:, 0:1]
        denom = jnp.maximum(cnt, 1.0)
        acc = _dot(_elu(a0[...] / denom), w_ref[pl.ds(0, D2), :])
        acc += _dot(_elu(a1[...] / denom), w_ref[pl.ds(D2, D2), :])
        acc += _dot(_elu(a2[...] / denom), w_ref[pl.ds(2 * D2, D2), :])
        acc += _dot(_elu(a3[...] / denom), w_ref[pl.ds(3 * D2, D2), :])
        o_ref[...] = acc

    return pl.pallas_call(
        body,
        grid=(10,),
        in_specs=[pl.BlockSpec((NP // 10, D2), lambda i: (i, 0))] * 4 +
                 [pl.BlockSpec((NP // 10, 16), lambda i: (i, 0))] * 2 +
                 [pl.BlockSpec((4 * D2, D2), lambda i: (0, 0))],
        out_specs=[pl.BlockSpec((NP // 10, D2), lambda i: (i, 0))],
        out_shape=[jax.ShapeDtypeStruct((NP, D2), jnp.float32)],
    )(*accs, cnt_a, cnt_b, w2)[0]


def _tc_final(p0, p1, cnt_a, cnt_b):
    def body(p0_ref, p1_ref, ca_ref, cb_ref, o_ref):
        cnt = ca_ref[:, 0:1] + cb_ref[:, 0:1]
        denom = jnp.maximum(cnt, 1.0)
        o_ref[...] = (p0_ref[...] + p1_ref[...]) / denom

    return pl.pallas_call(
        body,
        grid=(10,),
        in_specs=[pl.BlockSpec((N // 10, D2), lambda i: (i, 0))] * 2 +
                 [pl.BlockSpec((N // 10, 16), lambda i: (i, 0))] * 2,
        out_specs=[pl.BlockSpec((N // 10, D2), lambda i: (i, 0))],
        out_shape=[jax.ShapeDtypeStruct((N, D2), jnp.float32)],
    )(p0, p1, cnt_a, cnt_b)[0]



NBUF = 5
LOOK = 4


def _edge_pipeline(t_hbm, acc_sp, dst_v, src_v, bufs, gsems, ssems, nchunks):
    lag = NBUF - LOOK
    assert nchunks % NBUF == 0
    for j in range(LOOK):
        pltpu.async_copy(t_hbm.at[dst_v.at[j]], bufs[j], gsems[j])

    @pl.loop(0, nchunks // NBUF)
    def _(jj):
        i_base = NBUF * jj
        for b in range(NBUF):
            i = i_base + b
            pltpu.make_async_copy(t_hbm.at[dst_v.at[i]], bufs[b],
                                  gsems[b]).wait()

            @pl.when(i >= lag)
            def _():
                pltpu.make_async_copy(bufs[(b - lag) % NBUF],
                                      acc_sp.at[src_v.at[i - lag]],
                                      ssems[(b - lag) % NBUF]).wait()

            @pl.when(i + LOOK < nchunks)
            def _():
                pltpu.async_copy(t_hbm.at[dst_v.at[i + LOOK]],
                                 bufs[(b + LOOK) % NBUF],
                                 gsems[(b + LOOK) % NBUF])

            pltpu.async_copy(bufs[b], acc_sp.at[src_v.at[i]], ssems[b],
                             add=True)

    for j in range(lag):
        i = nchunks - lag + j
        pltpu.make_async_copy(bufs[i % NBUF], acc_sp.at[src_v.at[i]],
                              ssems[i % NBUF]).wait()


def _zero_vmem(buf, rows, cols):
    @pl.loop(0, rows)
    def _(i):
        @pl.loop(0, cols, step=16)
        def _(j):
            buf[i, pl.ds(j, 16)] = jnp.zeros((16,), jnp.float32)


def _zero_stripe(buf, acc_sp, base):
    @pl.loop(0, RPW // ZROWS)
    def _(k):
        pltpu.sync_copy(buf, acc_sp.at[pl.ds(base + k * ZROWS, ZROWS)])


def _sc_counts(er3):
    mesh = plsc.VectorSubcoreMesh(core_axis_name="c", subcore_axis_name="s")
    out_type = [jax.ShapeDtypeStruct((NP, 16), jnp.float32)] * 2

    @functools.partial(
        pl.kernel, mesh=mesh, out_type=out_type,
        compiler_params=pltpu.CompilerParams(use_tc_tiling_on_sc=False),
        scratch_types=[
            pltpu.VMEM((CPW_E, CHUNK), jnp.int32),
            pltpu.VMEM((ZROWS, 16), jnp.float32),
            pltpu.VMEM((CHUNK, 16), jnp.float32),
            pltpu.VMEM_SHARED((NP, 16), jnp.float32),
            pltpu.SemaphoreType.DMA,
        ],
    )
    def k(er_hbm, cnta_hbm, cntb_hbm, srcc_v, z16_v, ones_v, cnt_sp, csem):
        c = lax.axis_index("c")
        s = lax.axis_index("s")
        base = s * RPW

        pltpu.sync_copy(
            er_hbm.at[0, pl.ds(c * (ECH // NC) + s * CPW_E, CPW_E)], srcc_v)
        _zero_vmem(z16_v, ZROWS, 16)
        _zero_stripe(z16_v, cnt_sp, base)

        @pl.loop(0, CHUNK)
        def _(i):
            ones_v[i, pl.ds(0, 16)] = jnp.ones((16,), jnp.float32)

        plsc.subcore_barrier()

        @pl.loop(0, CPW_E // 8)
        def _(f):
            @pl.loop(0, 8)
            def _(j):
                pltpu.async_copy(ones_v, cnt_sp.at[srcc_v.at[f * 8 + j]],
                                 csem, add=True)

            @pl.loop(0, 8)
            def _(j):
                pltpu.make_async_copy(ones_v, cnt_sp.at[srcc_v.at[f * 8 + j]],
                                      csem).wait()

        plsc.subcore_barrier()

        @pl.when(c == 0)
        def _():
            pltpu.sync_copy(cnt_sp.at[pl.ds(base, RPW)],
                            cnta_hbm.at[pl.ds(base, RPW)])

        @pl.when(c == 1)
        def _():
            pltpu.sync_copy(cnt_sp.at[pl.ds(base, RPW)],
                            cntb_hbm.at[pl.ds(base, RPW)])

    return k(er3)


def _sc_layer1(t1qs, er3, cnt_dep):
    mesh = plsc.VectorSubcoreMesh(core_axis_name="c", subcore_axis_name="s")
    out_type = [jax.ShapeDtypeStruct((NP, D2), jnp.float32)] * 4

    @functools.partial(
        pl.kernel, mesh=mesh, out_type=out_type,
        compiler_params=pltpu.CompilerParams(use_tc_tiling_on_sc=False),
        scratch_types=[
            pltpu.VMEM((CPW_F, CHUNK), jnp.int32),
            pltpu.VMEM((CPW_F, CHUNK), jnp.int32),
        ] + [pltpu.VMEM((CHUNK, D2), jnp.float32)] * NBUF +
        [
            pltpu.VMEM((ZROWS, D2), jnp.float32),
            pltpu.VMEM_SHARED((NP, D2), jnp.float32),
        ] + [pltpu.SemaphoreType.DMA] * (2 * NBUF),
    )
    def k(t1q0_hbm, t1q1_hbm, t1q2_hbm, t1q3_hbm, er_hbm, cnt_dep_hbm,
          acc0_hbm, acc1_hbm, acc2_hbm, acc3_hbm,
          dst_v, src_v, *scr):
        del cnt_dep_hbm
        bufs = list(scr[:NBUF])
        zf_v = scr[NBUF]
        acc_sp = scr[NBUF + 1]
        gsems = list(scr[NBUF + 2:2 * NBUF + 2])
        ssems = list(scr[2 * NBUF + 2:3 * NBUF + 2])
        c = lax.axis_index("c")
        s = lax.axis_index("s")
        base = s * RPW

        _zero_vmem(zf_v, ZROWS, D2)
        _zero_stripe(zf_v, acc_sp, base)

        plsc.subcore_barrier()

        pltpu.sync_copy(er_hbm.at[1, pl.ds(s * CPW_F, CPW_F)], dst_v)
        pltpu.sync_copy(er_hbm.at[0, pl.ds(s * CPW_F, CPW_F)], src_v)

        def head_pass(t_hbm, out_hbm):
            _edge_pipeline(t_hbm, acc_sp, dst_v, src_v, bufs, gsems,
                           ssems, CPW_F)
            plsc.subcore_barrier()
            pltpu.sync_copy(acc_sp.at[pl.ds(base, RPW)],
                            out_hbm.at[pl.ds(base, RPW)])

        def core_passes(ta_hbm, tb_hbm, outa_hbm, outb_hbm):
            head_pass(ta_hbm, outa_hbm)
            _zero_stripe(zf_v, acc_sp, base)
            plsc.subcore_barrier()
            head_pass(tb_hbm, outb_hbm)

        @pl.when(c == 0)
        def _():
            core_passes(t1q0_hbm, t1q1_hbm, acc0_hbm, acc1_hbm)

        @pl.when(c == 1)
        def _():
            core_passes(t1q2_hbm, t1q3_hbm, acc2_hbm, acc3_hbm)

    return k(*t1qs, er3, cnt_dep)


def _sc_layer2(t2, er3):
    mesh = plsc.VectorSubcoreMesh(core_axis_name="c", subcore_axis_name="s")
    out_type = [
        jax.ShapeDtypeStruct((NP, D2), jnp.float32),
        jax.ShapeDtypeStruct((NP, D2), jnp.float32),
    ]

    @functools.partial(
        pl.kernel, mesh=mesh, out_type=out_type,
        compiler_params=pltpu.CompilerParams(use_tc_tiling_on_sc=False),
        scratch_types=[
            pltpu.VMEM((CPW_E, CHUNK), jnp.int32),
            pltpu.VMEM((CPW_E, CHUNK), jnp.int32),
        ] + [pltpu.VMEM((CHUNK, D2), jnp.float32)] * NBUF +
        [
            pltpu.VMEM((ZROWS, D2), jnp.float32),
            pltpu.VMEM_SHARED((NP, D2), jnp.float32),
        ] + [pltpu.SemaphoreType.DMA] * (2 * NBUF),
    )
    def k(t2_hbm, er_hbm, p0_hbm, p1_hbm,
          dst_v, src_v, *scr):
        bufs = list(scr[:NBUF])
        zf_v = scr[NBUF]
        acc_sp = scr[NBUF + 1]
        gsems = list(scr[NBUF + 2:2 * NBUF + 2])
        ssems = list(scr[2 * NBUF + 2:3 * NBUF + 2])
        c = lax.axis_index("c")
        s = lax.axis_index("s")
        base = s * RPW

        _zero_vmem(zf_v, ZROWS, D2)
        _zero_stripe(zf_v, acc_sp, base)

        plsc.subcore_barrier()

        row0 = c * (ECH // NC) + s * CPW_E
        pltpu.sync_copy(er_hbm.at[1, pl.ds(row0, CPW_E)], dst_v)
        pltpu.sync_copy(er_hbm.at[0, pl.ds(row0, CPW_E)], src_v)
        _edge_pipeline(t2_hbm, acc_sp, dst_v, src_v, bufs, gsems, ssems,
                       CPW_E)

        plsc.subcore_barrier()

        @pl.when(c == 0)
        def _():
            pltpu.sync_copy(acc_sp.at[pl.ds(base, RPW)],
                            p0_hbm.at[pl.ds(base, RPW)])

        @pl.when(c == 1)
        def _():
            pltpu.sync_copy(acc_sp.at[pl.ds(base, RPW)],
                            p1_hbm.at[pl.ds(base, RPW)])

    return k(t2, er3)



def kernel(node_features, edge_index, W1_0, W1_1, W1_2, W1_3, W2_0):
    er3 = edge_index.reshape(2, ECH, CHUNK)

    cnt_a, cnt_b = _sc_counts(er3)
    t1qs = _tc_mm1(node_features, W1_0, W1_1, W1_2, W1_3)
    a0, a1, a2, a3 = _sc_layer1(t1qs, er3, cnt_a)
    t2 = _tc_mid((a0, a1, a2, a3), cnt_a, cnt_b, W2_0)
    p0, p1 = _sc_layer2(t2, er3)
    return _tc_final(p0, p1, cnt_a, cnt_b)

# --- scband reference (transcript-rebuilt; emitter-appended) ---
"""Pipeline reference for scband-gatmodel-placeholder-13340168421673 (READ-ONLY COPY).

The authoritative reference and input builder live on the scoring server;
editing this copy changes nothing except your own understanding.
"""

import jax, jax.numpy as jnp
import numpy as np

N = 10000
E = 320000
D = 128


def setup_inputs(seed: int = 0) -> dict:
    key = jax.random.key(seed)
    k1, k2, k3, k4, k5, k6, k7 = jax.random.split(key, 7)
    node_features = jax.random.normal(k1, (N, D), dtype=jnp.float32)
    edge_index = jax.random.randint(k2, (2, E), 0, N, dtype=jnp.int32)
    # Layer 1: 4 heads, each Dense(128 -> 64, no bias)
    W1_0 = jax.random.normal(k3, (D, 64), dtype=jnp.float32) * 0.05
    W1_1 = jax.random.normal(k4, (D, 64), dtype=jnp.float32) * 0.05
    W1_2 = jax.random.normal(k5, (D, 64), dtype=jnp.float32) * 0.05
    W1_3 = jax.random.normal(k6, (D, 64), dtype=jnp.float32) * 0.05
    # Layer 2: 1 head, Dense(256 -> 64, no bias) since layer-1 output is 4*64=256
    W2_0 = jax.random.normal(k7, (4 * 64, 64), dtype=jnp.float32) * 0.05
    return {
        "node_features": node_features,
        "edge_index": edge_index,
        "W1_0": W1_0,
        "W1_1": W1_1,
        "W1_2": W1_2,
        "W1_3": W1_3,
        "W2_0": W2_0,
    }


def _gat_layer(h, edge_index, Ws, act):
    n = h.shape[0]
    src = edge_index[0]  # segment ids
    dst = edge_index[1]  # gather ids
    ones = jnp.ones((edge_index.shape[1],), dtype=h.dtype)
    cnt = jax.ops.segment_sum(ones, src, num_segments=n)
    denom = jnp.maximum(cnt, 1.0)[:, None]
    outs = []
    for W in Ws:
        t = h @ W
        gathered = jnp.take(t, dst, axis=0)
        seg = jax.ops.segment_sum(gathered, src, num_segments=n)
        outs.append(seg / denom)  # unsorted_segment_mean (empty segments -> 0)
    out = jnp.concatenate(outs, axis=-1) if len(outs) > 1 else outs[0]
    return act(out)


def reference(node_features, edge_index, W1_0, W1_1, W1_2, W1_3, W2_0):
    # Layer 1: 4 heads, elu activation (not last layer)
    h1 = _gat_layer(node_features, edge_index, [W1_0, W1_1, W1_2, W1_3], jax.nn.elu)
    # Layer 2: 1 head, linear activation (last layer)
    h2 = _gat_layer(h1, edge_index, [W2_0], lambda v: v)
    return h2

if __name__ == "__main__":
    import jax
    _d = setup_inputs()
    print(jax.jit(kernel)(*tuple(_d.values())))

</pallas_src>

<mosaic_0001>
#map = affine_map<(d0, d1) -> (0, 0, 0)>
#map1 = affine_map<(d0, d1) -> (0, 0)>
module attributes {stable_mosaic.version = 14 : i64} {
  func.func @k(%arg0: i32, %arg1: i32, %arg2: memref<2x2560x125xi32, #tpu.memory_space<hbm>>, %arg3: memref<10240x16xf32, #tpu.memory_space<hbm>>, %arg4: memref<10240x16xf32, #tpu.memory_space<hbm>>, %arg5: memref<80x125xi32, #tpu.memory_space<vmem>>, %arg6: memref<64x16xf32, #tpu.memory_space<vmem>>, %arg7: memref<125x16xf32, #tpu.memory_space<vmem>>, %arg8: memref<10240x16xf32, #tpu.memory_space<vmem_shared>>, %arg9: memref<!tpu.dma_semaphore, #tpu.memory_space<semaphore_mem>>) attributes {dimension_semantics = [#tpu.dimension_semantics<core_parallel>, #tpu.dimension_semantics<subcore_parallel>], iteration_bounds = array<i64: 2, 16>, scalar_prefetch = 0 : i64, scratch_operands = 5 : i64, tpu.core_type = #tpu.core_type<sc_vector_subcore>, window_params = [{transform_indices = #map}, {transform_indices = #map1}, {transform_indices = #map1}]} {
    %mul3A = arith.constant 640 : i32
    %mul3A_0 = arith.muli %arg1, %mul3A : i32
    %mul3A_1 = arith.constant 1280 : i32
    %mul3A_2 = arith.muli %arg0, %mul3A_1 : i32
    %mul3A_3 = arith.constant 80 : i32
    %mul3A_4 = arith.muli %arg1, %mul3A_3 : i32
    %add3A = arith.addi %mul3A_2, %mul3A_4 : i32
    %run_scoped3A = arith.constant 0 : i32
    "tpu.region"() ({
      %run_scoped3A_32 = tpu.sem_alloc : memref<!tpu.dma_semaphore, #tpu.memory_space<semaphore_mem>>
      %dma_start3A = arith.constant 0 : i32
      %dma_start3A_33 = tpu.memref_slice %arg2[%run_scoped3A, %add3A, %dma_start3A] : memref<2x2560x125xi32, #tpu.memory_space<hbm>> -> memref<1x80x125xi32, #tpu.memory_space<hbm>>
      %dma_start3A_34 = tpu.memref_squeeze %dma_start3A_33 : memref<1x80x125xi32, #tpu.memory_space<hbm>> -> memref<80x125xi32, #tpu.memory_space<hbm>>
      %dma_start3A_35 = arith.constant 0 : i32
      %dma_start3A_36 = tpu.memref_slice %arg2[%run_scoped3A, %add3A, %dma_start3A_35] : memref<2x2560x125xi32, #tpu.memory_space<hbm>> -> memref<1x80x125xi32, #tpu.memory_space<hbm>>
      %dma_start3A_37 = tpu.memref_squeeze %dma_start3A_36 : memref<1x80x125xi32, #tpu.memory_space<hbm>> -> memref<80x125xi32, #tpu.memory_space<hbm>>
      tpu.enqueue_dma source(%dma_start3A_37 : memref<80x125xi32, #tpu.memory_space<hbm>>) target(%arg5 : memref<80x125xi32, #tpu.memory_space<vmem>>) target_semaphore(%run_scoped3A_32 : memref<!tpu.dma_semaphore, #tpu.memory_space<semaphore_mem>>)
      %dma_wait3A = arith.constant 0 : i32
      %dma_wait3A_38 = tpu.memref_slice %arg2[%run_scoped3A, %add3A, %dma_wait3A] : memref<2x2560x125xi32, #tpu.memory_space<hbm>> -> memref<1x80x125xi32, #tpu.memory_space<hbm>>
      %dma_wait3A_39 = tpu.memref_squeeze %dma_wait3A_38 : memref<1x80x125xi32, #tpu.memory_space<hbm>> -> memref<80x125xi32, #tpu.memory_space<hbm>>
      %dma_wait3A_40 = arith.constant 0 : i32
      %dma_wait3A_41 = tpu.memref_slice %arg2[%run_scoped3A, %add3A, %dma_wait3A_40] : memref<2x2560x125xi32, #tpu.memory_space<hbm>> -> memref<1x80x125xi32, #tpu.memory_space<hbm>>
      %dma_wait3A_42 = tpu.memref_squeeze %dma_wait3A_41 : memref<1x80x125xi32, #tpu.memory_space<hbm>> -> memref<80x125xi32, #tpu.memory_space<hbm>>
      tpu.wait_dma2 semaphore(%run_scoped3A_32 : memref<!tpu.dma_semaphore, #tpu.memory_space<semaphore_mem>>) src(%dma_wait3A_42 : memref<80x125xi32, #tpu.memory_space<hbm>>) dst(%arg5 : memref<80x125xi32, #tpu.memory_space<vmem>>)
      tpu.yield
    }) : () -> ()
    %scan3A = arith.constant 0 : i32
    %scan3A_5 = arith.constant 64 : i32
    %scan3A_6 = arith.addi %scan3A, %scan3A_5 : i32
    %scan3A_7 = arith.constant 1 : i32
    scf.for %scan3A_32 = %scan3A to %scan3A_6 step %scan3A_7  : i32 {
      %mul3A_33 = arith.constant 1 : i32
      %mul3A_34 = arith.muli %scan3A_32, %mul3A_33 : i32
      %add3A_35 = arith.constant 0 : i32
      %add3A_36 = arith.addi %add3A_35, %mul3A_34 : i32
      %scan3A_37 = arith.constant 0 : i32
      %mul3A_38 = arith.constant 16 : i32
      %mul3A_39 = arith.muli %scan3A_37, %mul3A_38 : i32
      %add3A_40 = arith.constant 0 : i32
      %add3A_41 = arith.addi %add3A_40, %mul3A_39 : i32
      %broadcast_in_dim3A = arith.constant 0.000000e+00 : f32
      %broadcast_in_dim3A_42 = vector.broadcast %broadcast_in_dim3A : f32 to vector<16xf32>
      %swap3A = arith.index_cast %add3A_36 : i32 to index
      %swap3A_43 = arith.index_cast %add3A_41 : i32 to index
      %swap3A_44 = tpu.vector_load %arg6[%swap3A, %swap3A_43] {strides = array<i32>} : memref<64x16xf32, #tpu.memory_space<vmem>>, vector<1x16xf32>,
      %swap3A_45 = vector.shape_cast %swap3A_44 : vector<1x16xf32> to vector<16xf32>
      %swap3A_46 = vector.shape_cast %broadcast_in_dim3A_42 : vector<16xf32> to vector<1x16xf32>
      tpu.vector_store %arg6[%swap3A, %swap3A_43], %swap3A_46 {strides = array<i32>} : memref<64x16xf32, #tpu.memory_space<vmem>>, vector<1x16xf32>,
      %scan3A_47 = arith.constant 1 : i32
    }
    %scan3A_8 = arith.constant 64 : i32
    %scan3A_9 = arith.constant 0 : i32
    %scan3A_10 = arith.constant 10 : i32
    %scan3A_11 = arith.addi %scan3A_9, %scan3A_10 : i32
    %scan3A_12 = arith.constant 1 : i32
    scf.for %scan3A_32 = %scan3A_9 to %scan3A_11 step %scan3A_12  : i32 {
      %mul3A_33 = arith.constant 1 : i32
      %mul3A_34 = arith.muli %scan3A_32, %mul3A_33 : i32
      %add3A_35 = arith.constant 0 : i32
      %add3A_36 = arith.addi %add3A_35, %mul3A_34 : i32
      %mul3A_37 = arith.constant 64 : i32
      %mul3A_38 = arith.muli %add3A_36, %mul3A_37 : i32
      %add3A_39 = arith.addi %mul3A_0, %mul3A_38 : i32
      "tpu.region"() ({
        %run_scoped3A_40 = tpu.sem_alloc : memref<!tpu.dma_semaphore, #tpu.memory_space<semaphore_mem>>
        %dma_start3A = arith.constant 0 : i32
        %dma_start3A_41 = tpu.memref_slice %arg8[%add3A_39, %dma_start3A] : memref<10240x16xf32, #tpu.memory_space<vmem_shared>> -> memref<64x16xf32, #tpu.memory_space<vmem_shared>>
        %dma_start3A_42 = arith.constant 0 : i32
        %dma_start3A_43 = tpu.memref_slice %arg8[%add3A_39, %dma_start3A_42] : memref<10240x16xf32, #tpu.memory_space<vmem_shared>> -> memref<64x16xf32, #tpu.memory_space<vmem_shared>>
        tpu.enqueue_dma source(%arg6 : memref<64x16xf32, #tpu.memory_space<vmem>>) target(%dma_start3A_43 : memref<64x16xf32, #tpu.memory_space<vmem_shared>>) target_semaphore(%run_scoped3A_40 : memref<!tpu.dma_semaphore, #tpu.memory_space<semaphore_mem>>)
        %dma_wait3A = arith.constant 0 : i32
        %dma_wait3A_44 = tpu.memref_slice %arg8[%add3A_39, %dma_wait3A] : memref<10240x16xf32, #tpu.memory_space<vmem_shared>> -> memref<64x16xf32, #tpu.memory_space<vmem_shared>>
        %dma_wait3A_45 = arith.constant 0 : i32
        %dma_wait3A_46 = tpu.memref_slice %arg8[%add3A_39, %dma_wait3A_45] : memref<10240x16xf32, #tpu.memory_space<vmem_shared>> -> memref<64x16xf32, #tpu.memory_space<vmem_shared>>
        tpu.wait_dma2 semaphore(%run_scoped3A_40 : memref<!tpu.dma_semaphore, #tpu.memory_space<semaphore_mem>>) src(%arg6 : memref<64x16xf32, #tpu.memory_space<vmem>>) dst(%dma_wait3A_46 : memref<64x16xf32, #tpu.memory_space<vmem_shared>>)
        tpu.yield
      }) : () -> ()
    }
    %scan3A_13 = arith.constant 10 : i32
    %scan3A_14 = arith.constant 0 : i32
    %scan3A_15 = arith.constant 125 : i32
    %scan3A_16 = arith.addi %scan3A_14, %scan3A_15 : i32
    %scan3A_17 = arith.constant 1 : i32
    scf.for %scan3A_32 = %scan3A_14 to %scan3A_16 step %scan3A_17  : i32 {
      %mul3A_33 = arith.constant 1 : i32
      %mul3A_34 = arith.muli %scan3A_32, %mul3A_33 : i32
      %add3A_35 = arith.constant 0 : i32
      %add3A_36 = arith.addi %add3A_35, %mul3A_34 : i32
      %broadcast_in_dim3A = arith.constant 1.000000e+00 : f32
      %broadcast_in_dim3A_37 = vector.broadcast %broadcast_in_dim3A : f32 to vector<16xf32>
      %swap3A = arith.index_cast %add3A_36 : i32 to index
      %swap3A_38 = arith.constant 0 : index
      %swap3A_39 = tpu.vector_load %arg7[%swap3A, %swap3A_38] {strides = array<i32>} : memref<125x16xf32, #tpu.memory_space<vmem>>, vector<1x16xf32>,
      %swap3A_40 = vector.shape_cast %swap3A_39 : vector<1x16xf32> to vector<16xf32>
      %swap3A_41 = vector.shape_cast %broadcast_in_dim3A_37 : vector<16xf32> to vector<1x16xf32>
      tpu.vector_store %arg7[%swap3A, %swap3A_38], %swap3A_41 {strides = array<i32>} : memref<125x16xf32, #tpu.memory_space<vmem>>, vector<1x16xf32>,
    }
    %scan3A_18 = arith.constant 125 : i32
    %barrier3A = arith.constant 0 : index
    tpu.barrier barrier_id(%barrier3A)
    %scan3A_19 = arith.constant 0 : i32
    %scan3A_20 = arith.constant 10 : i32
    %scan3A_21 = arith.addi %scan3A_19, %scan3A_20 : i32
    %scan3A_22 = arith.constant 1 : i32
    scf.for %scan3A_32 = %scan3A_19 to %scan3A_21 step %scan3A_22  : i32 {
      %mul3A_33 = arith.constant 1 : i32
      %mul3A_34 = arith.muli %scan3A_32, %mul3A_33 : i32
      %add3A_35 = arith.constant 0 : i32
      %add3A_36 = arith.addi %add3A_35, %mul3A_34 : i32
      %scan3A_37 = arith.constant 0 : i32
      %scan3A_38 = arith.constant 8 : i32
      %scan3A_39 = arith.addi %scan3A_37, %scan3A_38 : i32
      %scan3A_40 = arith.constant 1 : i32
      scf.for %scan3A_47 = %scan3A_37 to %scan3A_39 step %scan3A_40  : i32 {
        %mul3A_48 = arith.constant 1 : i32
        %mul3A_49 = arith.muli %scan3A_47, %mul3A_48 : i32
        %add3A_50 = arith.constant 0 : i32
        %add3A_51 = arith.addi %add3A_50, %mul3A_49 : i32
        %mul3A_52 = arith.constant 8 : i32
        %mul3A_53 = arith.muli %add3A_36, %mul3A_52 : i32
        %add3A_54 = arith.addi %mul3A_53, %add3A_51 : i32
        %dma_start3A = arith.constant 0 : i32
        %dma_start3A_55 = tpu.memref_slice %arg5[%add3A_54, %dma_start3A] : memref<80x125xi32, #tpu.memory_space<vmem>> -> memref<1x125xi32, #tpu.memory_space<vmem>>
        %dma_start3A_56 = tpu.memref_squeeze %dma_start3A_55 : memref<1x125xi32, #tpu.memory_space<vmem>> -> memref<125xi32, #tpu.memory_space<vmem>>
        %dma_start3A_57 = arith.constant 0 : i32
        %dma_start3A_58 = arith.constant 0 : i32
        %dma_start3A_59 = tpu.memref_slice %arg8[%dma_start3A_57, %dma_start3A_58] : memref<10240x16xf32, #tpu.memory_space<vmem_shared>> -> memref<10240x16xf32, #tpu.memory_space<vmem_shared>>
        tpu.enqueue_indirect_dma source(%arg7 : memref<125x16xf32, #tpu.memory_space<vmem>>) target(%dma_start3A_59 : memref<10240x16xf32, #tpu.memory_space<vmem_shared>>) offsets(%dma_start3A_56 : memref<125xi32, #tpu.memory_space<vmem>>) semaphore(%arg9 : memref<!tpu.dma_semaphore, #tpu.memory_space<semaphore_mem>>) {add = true}
      }
      %scan3A_41 = arith.constant 8 : i32
      %scan3A_42 = arith.constant 0 : i32
      %scan3A_43 = arith.constant 8 : i32
      %scan3A_44 = arith.addi %scan3A_42, %scan3A_43 : i32
      %scan3A_45 = arith.constant 1 : i32
      scf.for %scan3A_47 = %scan3A_42 to %scan3A_44 step %scan3A_45  : i32 {
        %mul3A_48 = arith.constant 1 : i32
        %mul3A_49 = arith.muli %scan3A_47, %mul3A_48 : i32
        %add3A_50 = arith.constant 0 : i32
        %add3A_51 = arith.addi %add3A_50, %mul3A_49 : i32
        %mul3A_52 = arith.constant 8 : i32
        %mul3A_53 = arith.muli %add3A_36, %mul3A_52 : i32
        %add3A_54 = arith.addi %mul3A_53, %add3A_51 : i32
        %dma_wait3A = arith.constant 0 : i32
        %dma_wait3A_55 = tpu.memref_slice %arg5[%add3A_54, %dma_wait3A] : memref<80x125xi32, #tpu.memory_space<vmem>> -> memref<1x125xi32, #tpu.memory_space<vmem>>
        %dma_wait3A_56 = tpu.memref_squeeze %dma_wait3A_55 : memref<1x125xi32, #tpu.memory_space<vmem>> -> memref<125xi32, #tpu.memory_space<vmem>>
        %dma_wait3A_57 = arith.constant 0 : i32
        %dma_wait3A_58 = arith.constant 0 : i32
        %dma_wait3A_59 = tpu.memref_slice %arg8[%dma_wait3A_57, %dma_wait3A_58] : memref<10240x16xf32, #tpu.memory_space<vmem_shared>> -> memref<10240x16xf32, #tpu.memory_space<vmem_shared>>
        tpu.wait_indirect_dma semaphore(%arg9 : memref<!tpu.dma_semaphore, #tpu.memory_space<semaphore_mem>>) src(%arg7 : memref<125x16xf32, #tpu.memory_space<vmem>>) dst(%dma_wait3A_59 : memref<10240x16xf32, #tpu.memory_space<vmem_shared>>)
      }
      %scan3A_46 = arith.constant 8 : i32
    }
    %scan3A_23 = arith.constant 10 : i32
    %barrier3A_24 = arith.constant 0 : index
    tpu.barrier barrier_id(%barrier3A_24)
    %eq3A = arith.constant 0 : i32
    %eq3A_25 = arith.cmpi eq, %arg0, %eq3A : i32
    %convert_element_type3A = arith.extui %eq3A_25 : i1 to i32
    %cond3A = arith.constant 0 : i32
    %cond3A_26 = arith.cmpi ne, %convert_element_type3A, %cond3A : i32
    scf.if %cond3A_26 {
      "tpu.region"() ({
        %run_scoped3A_32 = tpu.sem_alloc : memref<!tpu.dma_semaphore, #tpu.memory_space<semaphore_mem>>
        %dma_start3A = arith.constant 0 : i32
        %dma_start3A_33 = tpu.memref_slice %arg3[%mul3A_0, %dma_start3A] : memref<10240x16xf32, #tpu.memory_space<hbm>> -> memref<640x16xf32, #tpu.memory_space<hbm>>
        %dma_start3A_34 = arith.constant 0 : i32
        %dma_start3A_35 = tpu.memref_slice %arg8[%mul3A_0, %dma_start3A_34] : memref<10240x16xf32, #tpu.memory_space<vmem_shared>> -> memref<640x16xf32, #tpu.memory_space<vmem_shared>>
        tpu.enqueue_dma source(%dma_start3A_35 : memref<640x16xf32, #tpu.memory_space<vmem_shared>>) target(%dma_start3A_33 : memref<640x16xf32, #tpu.memory_space<hbm>>) target_semaphore(%run_scoped3A_32 : memref<!tpu.dma_semaphore, #tpu.memory_space<semaphore_mem>>)
        %dma_wait3A = arith.constant 0 : i32
        %dma_wait3A_36 = tpu.memref_slice %arg3[%mul3A_0, %dma_wait3A] : memref<10240x16xf32, #tpu.memory_space<hbm>> -> memref<640x16xf32, #tpu.memory_space<hbm>>
        %dma_wait3A_37 = arith.constant 0 : i32
        %dma_wait3A_38 = tpu.memref_slice %arg8[%mul3A_0, %dma_wait3A_37] : memref<10240x16xf32, #tpu.memory_space<vmem_shared>> -> memref<640x16xf32, #tpu.memory_space<vmem_shared>>
        tpu.wait_dma2 semaphore(%run_scoped3A_32 : memref<!tpu.dma_semaphore, #tpu.memory_space<semaphore_mem>>) src(%dma_wait3A_38 : memref<640x16xf32, #tpu.memory_space<vmem_shared>>) dst(%dma_wait3A_36 : memref<640x16xf32, #tpu.memory_space<hbm>>)
        tpu.yield
      }) : () -> ()
    } else {
    }
    %eq3A_27 = arith.constant 1 : i32
    %eq3A_28 = arith.cmpi eq, %arg0, %eq3A_27 : i32
    %convert_element_type3A_29 = arith.extui %eq3A_28 : i1 to i32
    %cond3A_30 = arith.constant 0 : i32
    %cond3A_31 = arith.cmpi ne, %convert_element_type3A_29, %cond3A_30 : i32
    scf.if %cond3A_31 {
      "tpu.region"() ({
        %run_scoped3A_32 = tpu.sem_alloc : memref<!tpu.dma_semaphore, #tpu.memory_space<semaphore_mem>>
        %dma_start3A = arith.constant 0 : i32
        %dma_start3A_33 = tpu.memref_slice %arg4[%mul3A_0, %dma_start3A] : memref<10240x16xf32, #tpu.memory_space<hbm>> -> memref<640x16xf32, #tpu.memory_space<hbm>>
        %dma_start3A_34 = arith.constant 0 : i32
        %dma_start3A_35 = tpu.memref_slice %arg8[%mul3A_0, %dma_start3A_34] : memref<10240x16xf32, #tpu.memory_space<vmem_shared>> -> memref<640x16xf32, #tpu.memory_space<vmem_shared>>
        tpu.enqueue_dma source(%dma_start3A_35 : memref<640x16xf32, #tpu.memory_space<vmem_shared>>) target(%dma_start3A_33 : memref<640x16xf32, #tpu.memory_space<hbm>>) target_semaphore(%run_scoped3A_32 : memref<!tpu.dma_semaphore, #tpu.memory_space<semaphore_mem>>)
        %dma_wait3A = arith.constant 0 : i32
        %dma_wait3A_36 = tpu.memref_slice %arg4[%mul3A_0, %dma_wait3A] : memref<10240x16xf32, #tpu.memory_space<hbm>> -> memref<640x16xf32, #tpu.memory_space<hbm>>
        %dma_wait3A_37 = arith.constant 0 : i32
        %dma_wait3A_38 = tpu.memref_slice %arg8[%mul3A_0, %dma_wait3A_37] : memref<10240x16xf32, #tpu.memory_space<vmem_shared>> -> memref<640x16xf32, #tpu.memory_space<vmem_shared>>
        tpu.wait_dma2 semaphore(%run_scoped3A_32 : memref<!tpu.dma_semaphore, #tpu.memory_space<semaphore_mem>>) src(%dma_wait3A_38 : memref<640x16xf32, #tpu.memory_space<vmem_shared>>) dst(%dma_wait3A_36 : memref<640x16xf32, #tpu.memory_space<hbm>>)
        tpu.yield
      }) : () -> ()
    } else {
    }
    return
  }
}

#map = affine_map<(d0, d1) -> (0, 0)>
#map1 = affine_map<(d0, d1) -> (0, 0, 0)>
module attributes {stable_mosaic.version = 14 : i64} {
  func.func @k(%arg0: i32, %arg1: i32, %arg2: memref<10000x64xf32, #tpu.memory_space<hbm>>, %arg3: memref<10000x64xf32, #tpu.memory_space<hbm>>, %arg4: memref<10000x64xf32, #tpu.memory_space<hbm>>, %arg5: memref<10000x64xf32, #tpu.memory_space<hbm>>, %arg6: memref<2x2560x125xi32, #tpu.memory_space<hbm>>, %arg7: memref<10240x16xf32, #tpu.memory_space<hbm>>, %arg8: memref<10240x64xf32, #tpu.memory_space<hbm>>, %arg9: memref<10240x64xf32, #tpu.memory_space<hbm>>, %arg10: memref<10240x64xf32, #tpu.memory_space<hbm>>, %arg11: memref<10240x64xf32, #tpu.memory_space<hbm>>, %arg12: memref<160x125xi32, #tpu.memory_space<vmem>>, %arg13: memref<160x125xi32, #tpu.memory_space<vmem>>, %arg14: memref<125x64xf32, #tpu.memory_space<vmem>>, %arg15: memref<125x64xf32, #tpu.memory_space<vmem>>, %arg16: memref<125x64xf32, #tpu.memory_space<vmem>>, %arg17: memref<125x64xf32, #tpu.memory_space<vmem>>, %arg18: memref<125x64xf32, #tpu.memory_space<vmem>>, %arg19: memref<64x64xf32, #tpu.memory_space<vmem>>, %arg20: memref<10240x64xf32, #tpu.memory_space<vmem_shared>>, %arg21: memref<!tpu.dma_semaphore, #tpu.memory_space<semaphore_mem>>, %arg22: memref<!tpu.dma_semaphore, #tpu.memory_space<semaphore_mem>>, %arg23: memref<!tpu.dma_semaphore, #tpu.memory_space<semaphore_mem>>, %arg24: memref<!tpu.dma_semaphore, #tpu.memory_space<semaphore_mem>>, %arg25: memref<!tpu.dma_semaphore, #tpu.memory_space<semaphore_mem>>, %arg26: memref<!tpu.dma_semaphore, #tpu.memory_space<semaphore_mem>>, %arg27: memref<!tpu.dma_semaphore, #tpu.memory_space<semaphore_mem>>, %arg28: memref<!tpu.dma_semaphore, #tpu.memory_space<semaphore_mem>>, %arg29: memref<!tpu.dma_semaphore, #tpu.memory_space<semaphore_mem>>, %arg30: memref<!tpu.dma_semaphore, #tpu.memory_space<semaphore_mem>>) attributes {dimension_semantics = [#tpu.dimension_semantics<core_parallel>, #tpu.dimension_semantics<subcore_parallel>], iteration_bounds = array<i64: 2, 16>, scalar_prefetch = 0 : i64, scratch_operands = 19 : i64, tpu.core_type = #tpu.core_type<sc_vector_subcore>, window_params = [{transform_indices = #map}, {transform_indices = #map}, {transform_indices = #map}, {transform_indices = #map}, {transform_indices = #map1}, {transform_indices = #map}, {transform_indices = #map}, {transform_indices = #map}, {transform_indices = #map}, {transform_indices = #map}]} {
    %mul3A = arith.constant 640 : i32
    %mul3A_0 = arith.muli %arg1, %mul3A : i32
    %scan3A = arith.constant 0 : i32
    %scan3A_1 = arith.constant 64 : i32
    %scan3A_2 = arith.addi %scan3A, %scan3A_1 : i32
    %scan3A_3 = arith.constant 1 : i32
    scf.for %scan3A_22 = %scan3A to %scan3A_2 step %scan3A_3  : i32 {
      %mul3A_23 = arith.constant 1 : i32
      %mul3A_24 = arith.muli %scan3A_22, %mul3A_23 : i32
      %add3A = arith.constant 0 : i32
      %add3A_25 = arith.addi %add3A, %mul3A_24 : i32
      %scan3A_26 = arith.constant 0 : i32
      %scan3A_27 = arith.constant 4 : i32
      %scan3A_28 = arith.addi %scan3A_26, %scan3A_27 : i32
      %scan3A_29 = arith.constant 1 : i32
      scf.for %scan3A_31 = %scan3A_26 to %scan3A_28 step %scan3A_29  : i32 {
        %mul3A_32 = arith.constant 16 : i32
        %mul3A_33 = arith.muli %scan3A_31, %mul3A_32 : i32
        %add3A_34 = arith.constant 0 : i32
        %add3A_35 = arith.addi %add3A_34, %mul3A_33 : i32
        %broadcast_in_dim3A = arith.constant 0.000000e+00 : f32
        %broadcast_in_dim3A_36 = vector.broadcast %broadcast_in_dim3A : f32 to vector<16xf32>
        %swap3A = arith.index_cast %add3A_25 : i32 to index
        %swap3A_37 = arith.index_cast %add3A_35 : i32 to index
        %swap3A_38 = tpu.vector_load %arg19[%swap3A, %swap3A_37] {strides = array<i32>} : memref<64x64xf32, #tpu.memory_space<vmem>>, vector<1x16xf32>,
        %swap3A_39 = vector.shape_cast %swap3A_38 : vector<1x16xf32> to vector<16xf32>
        %swap3A_40 = vector.shape_cast %broadcast_in_dim3A_36 : vector<16xf32> to vector<1x16xf32>
        tpu.vector_store %arg19[%swap3A, %swap3A_37], %swap3A_40 {strides = array<i32>} : memref<64x64xf32, #tpu.memory_space<vmem>>, vector<1x16xf32>,
      }
      %scan3A_30 = arith.constant 4 : i32
    }
    %scan3A_4 = arith.constant 64 : i32
    %scan3A_5 = arith.constant 0 : i32
    %scan3A_6 = arith.constant 10 : i32
    %scan3A_7 = arith.addi %scan3A_5, %scan3A_6 : i32
    %scan3A_8 = arith.constant 1 : i32
    scf.for %scan3A_22 = %scan3A_5 to %scan3A_7 step %scan3A_8  : i32 {
      %mul3A_23 = arith.constant 1 : i32
      %mul3A_24 = arith.muli %scan3A_22, %mul3A_23 : i32
      %add3A = arith.constant 0 : i32
      %add3A_25 = arith.addi %add3A, %mul3A_24 : i32
      %mul3A_26 = arith.constant 64 : i32
      %mul3A_27 = arith.muli %add3A_25, %mul3A_26 : i32
      %add3A_28 = arith.addi %mul3A_0, %mul3A_27 : i32
      "tpu.region"() ({
        %run_scoped3A_29 = tpu.sem_alloc : memref<!tpu.dma_semaphore, #tpu.memory_space<semaphore_mem>>
        %dma_start3A = arith.constant 0 : i32
        %dma_start3A_30 = tpu.memref_slice %arg20[%add3A_28, %dma_start3A] : memref<10240x64xf32, #tpu.memory_space<vmem_shared>> -> memref<64x64xf32, #tpu.memory_space<vmem_shared>>
        %dma_start3A_31 = arith.constant 0 : i32
        %dma_start3A_32 = tpu.memref_slice %arg20[%add3A_28, %dma_start3A_31] : memref<10240x64xf32, #tpu.memory_space<vmem_shared>> -> memref<64x64xf32, #tpu.memory_space<vmem_shared>>
        tpu.enqueue_dma source(%arg19 : memref<64x64xf32, #tpu.memory_space<vmem>>) target(%dma_start3A_32 : memref<64x64xf32, #tpu.memory_space<vmem_shared>>) target_semaphore(%run_scoped3A_29 : memref<!tpu.dma_semaphore, #tpu.memory_space<semaphore_mem>>)
        %dma_wait3A = arith.constant 0 : i32
        %dma_wait3A_33 = tpu.memref_slice %arg20[%add3A_28, %dma_wait3A] : memref<10240x64xf32, #tpu.memory_space<vmem_shared>> -> memref<64x64xf32, #tpu.memory_space<vmem_shared>>
        %dma_wait3A_34 = arith.constant 0 : i32
        %dma_wait3A_35 = tpu.memref_slice %arg20[%add3A_28, %dma_wait3A_34] : memref<10240x64xf32, #tpu.memory_space<vmem_shared>> -> memref<64x64xf32, #tpu.memory_space<vmem_shared>>
        tpu.wait_dma2 semaphore(%run_scoped3A_29 : memref<!tpu.dma_semaphore, #tpu.memory_space<semaphore_mem>>) src(%arg19 : memref<64x64xf32, #tpu.memory_space<vmem>>) dst(%dma_wait3A_35 : memref<64x64xf32, #tpu.memory_space<vmem_shared>>)
        tpu.yield
      }) : () -> ()
    }
    %scan3A_9 = arith.constant 10 : i32
    %barrier3A = arith.constant 0 : index
    tpu.barrier barrier_id(%barrier3A)
    %mul3A_10 = arith.constant 160 : i32
    %mul3A_11 = arith.muli %arg1, %mul3A_10 : i32
    %run_scoped3A = arith.constant 1 : i32
    "tpu.region"() ({
      %run_scoped3A_22 = tpu.sem_alloc : memref<!tpu.dma_semaphore, #tpu.memory_space<semaphore_mem>>
      %dma_start3A = arith.constant 0 : i32
      %dma_start3A_23 = tpu.memref_slice %arg6[%run_scoped3A, %mul3A_11, %dma_start3A] : memref<2x2560x125xi32, #tpu.memory_space<hbm>> -> memref<1x160x125xi32, #tpu.memory_space<hbm>>
      %dma_start3A_24 = tpu.memref_squeeze %dma_start3A_23 : memref<1x160x125xi32, #tpu.memory_space<hbm>> -> memref<160x125xi32, #tpu.memory_space<hbm>>
      %dma_start3A_25 = arith.constant 0 : i32
      %dma_start3A_26 = tpu.memref_slice %arg6[%run_scoped3A, %mul3A_11, %dma_start3A_25] : memref<2x2560x125xi32, #tpu.memory_space<hbm>> -> memref<1x160x125xi32, #tpu.memory_space<hbm>>
      %dma_start3A_27 = tpu.memref_squeeze %dma_start3A_26 : memref<1x160x125xi32, #tpu.memory_space<hbm>> -> memref<160x125xi32, #tpu.memory_space<hbm>>
      tpu.enqueue_dma source(%dma_start3A_27 : memref<160x125xi32, #tpu.memory_space<hbm>>) target(%arg12 : memref<160x125xi32, #tpu.memory_space<vmem>>) target_semaphore(%run_scoped3A_22 : memref<!tpu.dma_semaphore, #tpu.memory_space<semaphore_mem>>)
      %dma_wait3A = arith.constant 0 : i32
      %dma_wait3A_28 = tpu.memref_slice %arg6[%run_scoped3A, %mul3A_11, %dma_wait3A] : memref<2x2560x125xi32, #tpu.memory_space<hbm>> -> memref<1x160x125xi32, #tpu.memory_space<hbm>>
      %dma_wait3A_29 = tpu.memref_squeeze %dma_wait3A_28 : memref<1x160x125xi32, #tpu.memory_space<hbm>> -> memref<160x125xi32, #tpu.memory_space<hbm>>
      %dma_wait3A_30 = arith.constant 0 : i32
      %dma_wait3A_31 = tpu.memref_slice %arg6[%run_scoped3A, %mul3A_11, %dma_wait3A_30] : memref<2x2560x125xi32, #tpu.memory_space<hbm>> -> memref<1x160x125xi32, #tpu.memory_space<hbm>>
      %dma_wait3A_32 = tpu.memref_squeeze %dma_wait3A_31 : memref<1x160x125xi32, #tpu.memory_space<hbm>> -> memref<160x125xi32, #tpu.memory_space<hbm>>
      tpu.wait_dma2 semaphore(%run_scoped3A_22 : memref<!tpu.dma_semaphore, #tpu.memory_space<semaphore_mem>>) src(%dma_wait3A_32 : memref<160x125xi32, #tpu.memory_space<hbm>>) dst(%arg12 : memref<160x125xi32, #tpu.memory_space<vmem>>)
      tpu.yield
    }) : () -> ()
    %mul3A_12 = arith.constant 160 : i32
    %mul3A_13 = arith.muli %arg1, %mul3A_12 : i32
    %run_scoped3A_14 = arith.constant 0 : i32
    "tpu.region"() ({
      %run_scoped3A_22 = tpu.sem_alloc : memref<!tpu.dma_semaphore, #tpu.memory_space<semaphore_mem>>
      %dma_start3A = arith.constant 0 : i32
      %dma_start3A_23 = tpu.memref_slice %arg6[%run_scoped3A_14, %mul3A_13, %dma_start3A] : memref<2x2560x125xi32, #tpu.memory_space<hbm>> -> memref<1x160x125xi32, #tpu.memory_space<hbm>>
      %dma_start3A_24 = tpu.memref_squeeze %dma_start3A_23 : memref<1x160x125xi32, #tpu.memory_space<hbm>> -> memref<160x125xi32, #tpu.memory_space<hbm>>
      %dma_start3A_25 = arith.constant 0 : i32
      %dma_start3A_26 = tpu.memref_slice %arg6[%run_scoped3A_14, %mul3A_13, %dma_start3A_25] : memref<2x2560x125xi32, #tpu.memory_space<hbm>> -> memref<1x160x125xi32, #tpu.memory_space<hbm>>
      %dma_start3A_27 = tpu.memref_squeeze %dma_start3A_26 : memref<1x160x125xi32, #tpu.memory_space<hbm>> -> memref<160x125xi32, #tpu.memory_space<hbm>>
      tpu.enqueue_dma source(%dma_start3A_27 : memref<160x125xi32, #tpu.memory_space<hbm>>) target(%arg13 : memref<160x125xi32, #tpu.memory_space<vmem>>) target_semaphore(%run_scoped3A_22 : memref<!tpu.dma_semaphore, #tpu.memory_space<semaphore_mem>>)
      %dma_wait3A = arith.constant 0 : i32
      %dma_wait3A_28 = tpu.memref_slice %arg6[%run_scoped3A_14, %mul3A_13, %dma_wait3A] : memref<2x2560x125xi32, #tpu.memory_space<hbm>> -> memref<1x160x125xi32, #tpu.memory_space<hbm>>
      %dma_wait3A_29 = tpu.memref_squeeze %dma_wait3A_28 : memref<1x160x125xi32, #tpu.memory_space<hbm>> -> memref<160x125xi32, #tpu.memory_space<hbm>>
      %dma_wait3A_30 = arith.constant 0 : i32
      %dma_wait3A_31 = tpu.memref_slice %arg6[%run_scoped3A_14, %mul3A_13, %dma_wait3A_30] : memref<2x2560x125xi32, #tpu.memory_space<hbm>> -> memref<1x160x125xi32, #tpu.memory_space<hbm>>
      %dma_wait3A_32 = tpu.memref_squeeze %dma_wait3A_31 : memref<1x160x125xi32, #tpu.memory_space<hbm>> -> memref<160x125xi32, #tpu.memory_space<hbm>>
      tpu.wait_dma2 semaphore(%run_scoped3A_22 : memref<!tpu.dma_semaphore, #tpu.memory_space<semaphore_mem>>) src(%dma_wait3A_32 : memref<160x125xi32, #tpu.memory_space<hbm>>) dst(%arg13 : memref<160x125xi32, #tpu.memory_space<vmem>>)
      tpu.yield
    }) : () -> ()
    %eq3A = arith.constant 0 : i32
    %eq3A_15 = arith.cmpi eq, %arg0, %eq3A : i32
    %convert_element_type3A = arith.extui %eq3A_15 : i1 to i32
    %cond3A = arith.constant 0 : i32
    %cond3A_16 = arith.cmpi ne, %convert_element_type3A, %cond3A : i32
    scf.if %cond3A_16 {
      %dma_start3A = arith.constant 0 : i32
      %dma_start3A_22 = arith.constant 0 : i32
      %dma_start3A_23 = tpu.memref_slice %arg12[%dma_start3A, %dma_start3A_22] : memref<160x125xi32, #tpu.memory_space<vmem>> -> memref<1x125xi32, #tpu.memory_space<vmem>>
      %dma_start3A_24 = tpu.memref_squeeze %dma_start3A_23 : memref<1x125xi32, #tpu.memory_space<vmem>> -> memref<125xi32, #tpu.memory_space<vmem>>
      %dma_start3A_25 = arith.constant 0 : i32
      %dma_start3A_26 = arith.constant 0 : i32
      %dma_start3A_27 = tpu.memref_slice %arg2[%dma_start3A_25, %dma_start3A_26] : memref<10000x64xf32, #tpu.memory_space<hbm>> -> memref<10000x64xf32, #tpu.memory_space<hbm>>
      tpu.enqueue_indirect_dma source(%dma_start3A_27 : memref<10000x64xf32, #tpu.memory_space<hbm>>) target(%arg14 : memref<125x64xf32, #tpu.memory_space<vmem>>) offsets(%dma_start3A_24 : memref<125xi32, #tpu.memory_space<vmem>>) semaphore(%arg21 : memref<!tpu.dma_semaphore, #tpu.memory_space<semaphore_mem>>)
      %dma_start3A_28 = arith.constant 1 : i32
      %dma_start3A_29 = arith.constant 0 : i32
      %dma_start3A_30 = tpu.memref_slice %arg12[%dma_start3A_28, %dma_start3A_29] : memref<160x125xi32, #tpu.memory_space<vmem>> -> memref<1x125xi32, #tpu.memory_space<vmem>>
      %dma_start3A_31 = tpu.memref_squeeze %dma_start3A_30 : memref<1x125xi32, #tpu.memory_space<vmem>> -> memref<125xi32, #tpu.memory_space<vmem>>
      %dma_start3A_32 = arith.constant 0 : i32
      %dma_start3A_33 = arith.constant 0 : i32
      %dma_start3A_34 = tpu.memref_slice %arg2[%dma_start3A_32, %dma_start3A_33] : memref<10000x64xf32, #tpu.memory_space<hbm>> -> memref<10000x64xf32, #tpu.memory_space<hbm>>
      tpu.enqueue_indirect_dma source(%dma_start3A_34 : memref<10000x64xf32, #tpu.memory_space<hbm>>) target(%arg15 : memref<125x64xf32, #tpu.memory_space<vmem>>) offsets(%dma_start3A_31 : memref<125xi32, #tpu.memory_space<vmem>>) semaphore(%arg22 : memref<!tpu.dma_semaphore, #tpu.memory_space<semaphore_mem>>)
      %dma_start3A_35 = arith.constant 2 : i32
      %dma_start3A_36 = arith.constant 0 : i32
      %dma_start3A_37 = tpu.memref_slice %arg12[%dma_start3A_35, %dma_start3A_36] : memref<160x125xi32, #tpu.memory_space<vmem>> -> memref<1x125xi32, #tpu.memory_space<vmem>>
      %dma_start3A_38 = tpu.memref_squeeze %dma_start3A_37 : memref<1x125xi32, #tpu.memory_space<vmem>> -> memref<125xi32, #tpu.memory_space<vmem>>
      %dma_start3A_39 = arith.constant 0 : i32
      %dma_start3A_40 = arith.constant 0 : i32
      %dma_start3A_41 = tpu.memref_slice %arg2[%dma_start3A_39, %dma_start3A_40] : memref<10000x64xf32, #tpu.memory_space<hbm>> -> memref<10000x64xf32, #tpu.memory_space<hbm>>
      tpu.enqueue_indirect_dma source(%dma_start3A_41 : memref<10000x64xf32, #tpu.memory_space<hbm>>) target(%arg16 : memref<125x64xf32, #tpu.memory_space<vmem>>) offsets(%dma_start3A_38 : memref<125xi32, #tpu.memory_space<vmem>>) semaphore(%arg23 : memref<!tpu.dma_semaphore, #tpu.memory_space<semaphore_mem>>)
      %dma_start3A_42 = arith.constant 3 : i32
      %dma_start3A_43 = arith.constant 0 : i32
      %dma_start3A_44 = tpu.memref_slice %arg12[%dma_start3A_42, %dma_start3A_43] : memref<160x125xi32, #tpu.memory_space<vmem>> -> memref<1x125xi32, #tpu.memory_space<vmem>>
      %dma_start3A_45 = tpu.memref_squeeze %dma_start3A_44 : memref<1x125xi32, #tpu.memory_space<vmem>> -> memref<125xi32, #tpu.memory_space<vmem>>
      %dma_start3A_46 = arith.constant 0 : i32
      %dma_start3A_47 = arith.constant 0 : i32
      %dma_start3A_48 = tpu.memref_slice %arg2[%dma_start3A_46, %dma_start3A_47] : memref<10000x64xf32, #tpu.memory_space<hbm>> -> memref<10000x64xf32, #tpu.memory_space<hbm>>
      tpu.enqueue_indirect_dma source(%dma_start3A_48 : memref<10000x64xf32, #tpu.memory_space<hbm>>) target(%arg17 : memref<125x64xf32, #tpu.memory_space<vmem>>) offsets(%dma_start3A_45 : memref<125xi32, #tpu.memory_space<vmem>>) semaphore(%arg24 : memref<!tpu.dma_semaphore, #tpu.memory_space<semaphore_mem>>)
      %scan3A_49 = arith.constant 0 : i32
      %scan3A_50 = arith.constant 32 : i32
      %scan3A_51 = arith.addi %scan3A_49, %scan3A_50 : i32
      %scan3A_52 = arith.constant 1 : i32
      scf.for %scan3A_108 = %scan3A_49 to %scan3A_51 step %scan3A_52  : i32 {
        %mul3A_109 = arith.constant 1 : i32
        %mul3A_110 = arith.muli %scan3A_108, %mul3A_109 : i32
        %add3A = arith.constant 0 : i32
        %add3A_111 = arith.addi %add3A, %mul3A_110 : i32
        %mul3A_112 = arith.constant 5 : i32
        %mul3A_113 = arith.muli %mul3A_112, %add3A_111 : i32
        %add3A_114 = arith.constant 0 : i32
        %add3A_115 = arith.addi %mul3A_113, %add3A_114 : i32
        %dma_wait3A_116 = arith.constant 0 : i32
        %dma_wait3A_117 = tpu.memref_slice %arg12[%add3A_115, %dma_wait3A_116] : memref<160x125xi32, #tpu.memory_space<vmem>> -> memref<1x125xi32, #tpu.memory_space<vmem>>
        %dma_wait3A_118 = tpu.memref_squeeze %dma_wait3A_117 : memref<1x125xi32, #tpu.memory_space<vmem>> -> memref<125xi32, #tpu.memory_space<vmem>>
        %dma_wait3A_119 = arith.constant 0 : i32
        %dma_wait3A_120 = arith.constant 0 : i32
        %dma_wait3A_121 = tpu.memref_slice %arg2[%dma_wait3A_119, %dma_wait3A_120] : memref<10000x64xf32, #tpu.memory_space<hbm>> -> memref<10000x64xf32, #tpu.memory_space<hbm>>
        tpu.wait_indirect_dma semaphore(%arg21 : memref<!tpu.dma_semaphore, #tpu.memory_space<semaphore_mem>>) src(%dma_wait3A_121 : memref<10000x64xf32, #tpu.memory_space<hbm>>) dst(%arg14 : memref<125x64xf32, #tpu.memory_space<vmem>>)
        %ge3A = arith.constant 1 : i32
        %ge3A_122 = arith.cmpi sge, %add3A_115, %ge3A : i32
        %convert_element_type3A_123 = arith.extui %ge3A_122 : i1 to i32
        %cond3A_124 = arith.constant 0 : i32
        %cond3A_125 = arith.cmpi ne, %convert_element_type3A_123, %cond3A_124 : i32
        scf.if %cond3A_125 {
          %sub3A = arith.constant 1 : i32
          %sub3A_242 = arith.subi %add3A_115, %sub3A : i32
          %dma_wait3A_243 = arith.constant 0 : i32
          %dma_wait3A_244 = tpu.memref_slice %arg13[%sub3A_242, %dma_wait3A_243] : memref<160x125xi32, #tpu.memory_space<vmem>> -> memref<1x125xi32, #tpu.memory_space<vmem>>
          %dma_wait3A_245 = tpu.memref_squeeze %dma_wait3A_244 : memref<1x125xi32, #tpu.memory_space<vmem>> -> memref<125xi32, #tpu.memory_space<vmem>>
          %dma_wait3A_246 = arith.constant 0 : i32
          %dma_wait3A_247 = arith.constant 0 : i32
          %dma_wait3A_248 = tpu.memref_slice %arg20[%dma_wait3A_246, %dma_wait3A_247] : memref<10240x64xf32, #tpu.memory_space<vmem_shared>> -> memref<10240x64xf32, #tpu.memory_space<vmem_shared>>
          tpu.wait_indirect_dma semaphore(%arg30 : memref<!tpu.dma_semaphore, #tpu.memory_space<semaphore_mem>>) src(%arg18 : memref<125x64xf32, #tpu.memory_space<vmem>>) dst(%dma_wait3A_248 : memref<10240x64xf32, #tpu.memory_space<vmem_shared>>)
        } else {
        }
        %add3A_126 = arith.constant 4 : i32
        %add3A_127 = arith.addi %add3A_115, %add3A_126 : i32
        %lt3A = arith.constant 160 : i32
        %lt3A_128 = arith.cmpi slt, %add3A_127, %lt3A : i32
        %convert_element_type3A_129 = arith.extui %lt3A_128 : i1 to i32
        %cond3A_130 = arith.constant 0 : i32
        %cond3A_131 = arith.cmpi ne, %convert_element_type3A_129, %cond3A_130 : i32
        scf.if %cond3A_131 {
          %add3A_242 = arith.constant 4 : i32
          %add3A_243 = arith.addi %add3A_115, %add3A_242 : i32
          %dma_start3A_244 = arith.constant 0 : i32
          %dma_start3A_245 = tpu.memref_slice %arg12[%add3A_243, %dma_start3A_244] : memref<160x125xi32, #tpu.memory_space<vmem>> -> memref<1x125xi32, #tpu.memory_space<vmem>>
          %dma_start3A_246 = tpu.memref_squeeze %dma_start3A_245 : memref<1x125xi32, #tpu.memory_space<vmem>> -> memref<125xi32, #tpu.memory_space<vmem>>
          %dma_start3A_247 = arith.constant 0 : i32
          %dma_start3A_248 = arith.constant 0 : i32
          %dma_start3A_249 = tpu.memref_slice %arg2[%dma_start3A_247, %dma_start3A_248] : memref<10000x64xf32, #tpu.memory_space<hbm>> -> memref<10000x64xf32, #tpu.memory_space<hbm>>
          tpu.enqueue_indirect_dma source(%dma_start3A_249 : memref<10000x64xf32, #tpu.memory_space<hbm>>) target(%arg18 : memref<125x64xf32, #tpu.memory_space<vmem>>) offsets(%dma_start3A_246 : memref<125xi32, #tpu.memory_space<vmem>>) semaphore(%arg25 : memref<!tpu.dma_semaphore, #tpu.memory_space<semaphore_mem>>)
        } else {
        }
        %dma_start3A_132 = arith.constant 0 : i32
        %dma_start3A_133 = tpu.memref_slice %arg13[%add3A_115, %dma_start3A_132] : memref<160x125xi32, #tpu.memory_space<vmem>> -> memref<1x125xi32, #tpu.memory_space<vmem>>
        %dma_start3A_134 = tpu.memref_squeeze %dma_start3A_133 : memref<1x125xi32, #tpu.memory_space<vmem>> -> memref<125xi32, #tpu.memory_space<vmem>>
        %dma_start3A_135 = arith.constant 0 : i32
        %dma_start3A_136 = arith.constant 0 : i32
        %dma_start3A_137 = tpu.memref_slice %arg20[%dma_start3A_135, %dma_start3A_136] : memref<10240x64xf32, #tpu.memory_space<vmem_shared>> -> memref<10240x64xf32, #tpu.memory_space<vmem_shared>>
        tpu.enqueue_indirect_dma source(%arg14 : memref<125x64xf32, #tpu.memory_space<vmem>>) target(%dma_start3A_137 : memref<10240x64xf32, #tpu.memory_space<vmem_shared>>) offsets(%dma_start3A_134 : memref<125xi32, #tpu.memory_space<vmem>>) semaphore(%arg26 : memref<!tpu.dma_semaphore, #tpu.memory_space<semaphore_mem>>) {add = true}
        %add3A_138 = arith.constant 1 : i32
        %add3A_139 = arith.addi %mul3A_113, %add3A_138 : i32
        %dma_wait3A_140 = arith.constant 0 : i32
        %dma_wait3A_141 = tpu.memref_slice %arg12[%add3A_139, %dma_wait3A_140] : memref<160x125xi32, #tpu.memory_space<vmem>> -> memref<1x125xi32, #tpu.memory_space<vmem>>
        %dma_wait3A_142 = tpu.memref_squeeze %dma_wait3A_141 : memref<1x125xi32, #tpu.memory_space<vmem>> -> memref<125xi32, #tpu.memory_space<vmem>>
        %dma_wait3A_143 = arith.constant 0 : i32
        %dma_wait3A_144 = arith.constant 0 : i32
        %dma_wait3A_145 = tpu.memref_slice %arg2[%dma_wait3A_143, %dma_wait3A_144] : memref<10000x64xf32, #tpu.memory_space<hbm>> -> memref<10000x64xf32, #tpu.memory_space<hbm>>
        tpu.wait_indirect_dma semaphore(%arg22 : memref<!tpu.dma_semaphore, #tpu.memory_space<semaphore_mem>>) src(%dma_wait3A_145 : memref<10000x64xf32, #tpu.memory_space<hbm>>) dst(%arg15 : memref<125x64xf32, #tpu.memory_space<vmem>>)
        %ge3A_146 = arith.constant 1 : i32
        %ge3A_147 = arith.cmpi sge, %add3A_139, %ge3A_146 : i32
        %convert_element_type3A_148 = arith.extui %ge3A_147 : i1 to i32
        %cond3A_149 = arith.constant 0 : i32
        %cond3A_150 = arith.cmpi ne, %convert_element_type3A_148, %cond3A_149 : i32
        scf.if %cond3A_150 {
          %sub3A = arith.constant 1 : i32
          %sub3A_242 = arith.subi %add3A_139, %sub3A : i32
          %dma_wait3A_243 = arith.constant 0 : i32
          %dma_wait3A_244 = tpu.memref_slice %arg13[%sub3A_242, %dma_wait3A_243] : memref<160x125xi32, #tpu.memory_space<vmem>> -> memref<1x125xi32, #tpu.memory_space<vmem>>
          %dma_wait3A_245 = tpu.memref_squeeze %dma_wait3A_244 : memref<1x125xi32, #tpu.memory_space<vmem>> -> memref<125xi32, #tpu.memory_space<vmem>>
          %dma_wait3A_246 = arith.constant 0 : i32
          %dma_wait3A_247 = arith.constant 0 : i32
          %dma_wait3A_248 = tpu.memref_slice %arg20[%dma_wait3A_246, %dma_wait3A_247] : memref<10240x64xf32, #tpu.memory_space<vmem_shared>> -> memref<10240x64xf32, #tpu.memory_space<vmem_shared>>
          tpu.wait_indirect_dma semaphore(%arg26 : memref<!tpu.dma_semaphore, #tpu.memory_space<semaphore_mem>>) src(%arg14 : memref<125x64xf32, #tpu.memory_space<vmem>>) dst(%dma_wait3A_248 : memref<10240x64xf32, #tpu.memory_space<vmem_shared>>)
        } else {
        }
        %add3A_151 = arith.constant 4 : i32
        %add3A_152 = arith.addi %add3A_139, %add3A_151 : i32
        %lt3A_153 = arith.constant 160 : i32
        %lt3A_154 = arith.cmpi slt, %add3A_152, %lt3A_153 : i32
        %convert_element_type3A_155 = arith.extui %lt3A_154 : i1 to i32
        %cond3A_156 = arith.constant 0 : i32
        %cond3A_157 = arith.cmpi ne, %convert_element_type3A_155, %cond3A_156 : i32
        scf.if %cond3A_157 {
          %add3A_242 = arith.constant 4 : i32
          %add3A_243 = arith.addi %add3A_139, %add3A_242 : i32
          %dma_start3A_244 = arith.constant 0 : i32
          %dma_start3A_245 = tpu.memref_slice %arg12[%add3A_243, %dma_start3A_244] : memref<160x125xi32, #tpu.memory_space<vmem>> -> memref<1x125xi32, #tpu.memory_space<vmem>>
          %dma_start3A_246 = tpu.memref_squeeze %dma_start3A_245 : memref<1x125xi32, #tpu.memory_space<vmem>> -> memref<125xi32, #tpu.memory_space<vmem>>
          %dma_start3A_247 = arith.constant 0 : i32
          %dma_start3A_248 = arith.constant 0 : i32
          %dma_start3A_249 = tpu.memref_slice %arg2[%dma_start3A_247, %dma_start3A_248] : memref<10000x64xf32, #tpu.memory_space<hbm>> -> memref<10000x64xf32, #tpu.memory_space<hbm>>
          tpu.enqueue_indirect_dma source(%dma_start3A_249 : memref<10000x64xf32, #tpu.memory_space<hbm>>) target(%arg14 : memref<125x64xf32, #tpu.memory_space<vmem>>) offsets(%dma_start3A_246 : memref<125xi32, #tpu.memory_space<vmem>>) semaphore(%arg21 : memref<!tpu.dma_semaphore, #tpu.memory_space<semaphore_mem>>)
        } else {
        }
        %dma_start3A_158 = arith.constant 0 : i32
        %dma_start3A_159 = tpu.memref_slice %arg13[%add3A_139, %dma_start3A_158] : memref<160x125xi32, #tpu.memory_space<vmem>> -> memref<1x125xi32, #tpu.memory_space<vmem>>
        %dma_start3A_160 = tpu.memref_squeeze %dma_start3A_159 : memref<1x125xi32, #tpu.memory_space<vmem>> -> memref<125xi32, #tpu.memory_space<vmem>>
        %dma_start3A_161 = arith.constant 0 : i32
        %dma_start3A_162 = arith.constant 0 : i32
        %dma_start3A_163 = tpu.memref_slice %arg20[%dma_start3A_161, %dma_start3A_162] : memref<10240x64xf32, #tpu.memory_space<vmem_shared>> -> memref<10240x64xf32, #tpu.memory_space<vmem_shared>>
        tpu.enqueue_indirect_dma source(%arg15 : memref<125x64xf32, #tpu.memory_space<vmem>>) target(%dma_start3A_163 : memref<10240x64xf32, #tpu.memory_space<vmem_shared>>) offsets(%dma_start3A_160 : memref<125xi32, #tpu.memory_space<vmem>>) semaphore(%arg27 : memref<!tpu.dma_semaphore, #tpu.memory_space<semaphore_mem>>) {add = true}
        %add3A_164 = arith.constant 2 : i32
        %add3A_165 = arith.addi %mul3A_113, %add3A_164 : i32
        %dma_wait3A_166 = arith.constant 0 : i32
        %dma_wait3A_167 = tpu.memref_slice %arg12[%add3A_165, %dma_wait3A_166] : memref<160x125xi32, #tpu.memory_space<vmem>> -> memref<1x125xi32, #tpu.memory_space<vmem>>
        %dma_wait3A_168 = tpu.memref_squeeze %dma_wait3A_167 : memref<1x125xi32, #tpu.memory_space<vmem>> -> memref<125xi32, #tpu.memory_space<vmem>>
        %dma_wait3A_169 = arith.constant 0 : i32
        %dma_wait3A_170 = arith.constant 0 : i32
        %dma_wait3A_171 = tpu.memref_slice %arg2[%dma_wait3A_169, %dma_wait3A_170] : memref<10000x64xf32, #tpu.memory_space<hbm>> -> memref<10000x64xf32, #tpu.memory_space<hbm>>
        tpu.wait_indirect_dma semaphore(%arg23 : memref<!tpu.dma_semaphore, #tpu.memory_space<semaphore_mem>>) src(%dma_wait3A_171 : memref<10000x64xf32, #tpu.memory_space<hbm>>) dst(%arg16 : memref<125x64xf32, #tpu.memory_space<vmem>>)
        %ge3A_172 = arith.constant 1 : i32
        %ge3A_173 = arith.cmpi sge, %add3A_165, %ge3A_172 : i32
        %convert_element_type3A_174 = arith.extui %ge3A_173 : i1 to i32
        %cond3A_175 = arith.constant 0 : i32
        %cond3A_176 = arith.cmpi ne, %convert_element_type3A_174, %cond3A_175 : i32
        scf.if %cond3A_176 {
          %sub3A = arith.constant 1 : i32
          %sub3A_242 = arith.subi %add3A_165, %sub3A : i32
          %dma_wait3A_243 = arith.constant 0 : i32
          %dma_wait3A_244 = tpu.memref_slice %arg13[%sub3A_242, %dma_wait3A_243] : memref<160x125xi32, #tpu.memory_space<vmem>> -> memref<1x125xi32, #tpu.memory_space<vmem>>
          %dma_wait3A_245 = tpu.memref_squeeze %dma_wait3A_244 : memref<1x125xi32, #tpu.memory_space<vmem>> -> memref<125xi32, #tpu.memory_space<vmem>>
          %dma_wait3A_246 = arith.constant 0 : i32
          %dma_wait3A_247 = arith.constant 0 : i32
          %dma_wait3A_248 = tpu.memref_slice %arg20[%dma_wait3A_246, %dma_wait3A_247] : memref<10240x64xf32, #tpu.memory_space<vmem_shared>> -> memref<10240x64xf32, #tpu.memory_space<vmem_shared>>
          tpu.wait_indirect_dma semaphore(%arg27 : memref<!tpu.dma_semaphore, #tpu.memory_space<semaphore_mem>>) src(%arg15 : memref<125x64xf32, #tpu.memory_space<vmem>>) dst(%dma_wait3A_248 : memref<10240x64xf32, #tpu.memory_space<vmem_shared>>)
        } else {
        }
        %add3A_177 = arith.constant 4 : i32
        %add3A_178 = arith.addi %add3A_165, %add3A_177 : i32
        %lt3A_179 = arith.constant 160 : i32
        %lt3A_180 = arith.cmpi slt, %add3A_178, %lt3A_179 : i32
        %convert_element_type3A_181 = arith.extui %lt3A_180 : i1 to i32
        %cond3A_182 = arith.constant 0 : i32
        %cond3A_183 = arith.cmpi ne, %convert_element_type3A_181, %cond3A_182 : i32
        scf.if %cond3A_183 {
          %add3A_242 = arith.constant 4 : i32
          %add3A_243 = arith.addi %add3A_165, %add3A_242 : i32
          %dma_start3A_244 = arith.constant 0 : i32
          %dma_start3A_245 = tpu.memref_slice %arg12[%add3A_243, %dma_start3A_244] : memref<160x125xi32, #tpu.memory_space<vmem>> -> memref<1x125xi32, #tpu.memory_space<vmem>>
          %dma_start3A_246 = tpu.memref_squeeze %dma_start3A_245 : memref<1x125xi32, #tpu.memory_space<vmem>> -> memref<125xi32, #tpu.memory_space<vmem>>
          %dma_start3A_247 = arith.constant 0 : i32
          %dma_start3A_248 = arith.constant 0 : i32
          %dma_start3A_249 = tpu.memref_slice %arg2[%dma_start3A_247, %dma_start3A_248] : memref<10000x64xf32, #tpu.memory_space<hbm>> -> memref<10000x64xf32, #tpu.memory_space<hbm>>
          tpu.enqueue_indirect_dma source(%dma_start3A_249 : memref<10000x64xf32, #tpu.memory_space<hbm>>) target(%arg15 : memref<125x64xf32, #tpu.memory_space<vmem>>) offsets(%dma_start3A_246 : memref<125xi32, #tpu.memory_space<vmem>>) semaphore(%arg22 : memref<!tpu.dma_semaphore, #tpu.memory_space<semaphore_mem>>)
        } else {
        }
        %dma_start3A_184 = arith.constant 0 : i32
        %dma_start3A_185 = tpu.memref_slice %arg13[%add3A_165, %dma_start3A_184] : memref<160x125xi32, #tpu.memory_space<vmem>> -> memref<1x125xi32, #tpu.memory_space<vmem>>
        %dma_start3A_186 = tpu.memref_squeeze %dma_start3A_185 : memref<1x125xi32, #tpu.memory_space<vmem>> -> memref<125xi32, #tpu.memory_space<vmem>>
        %dma_start3A_187 = arith.constant 0 : i32
        %dma_start3A_188 = arith.constant 0 : i32
        %dma_start3A_189 = tpu.memref_slice %arg20[%dma_start3A_187, %dma_start3A_188] : memref<10240x64xf32, #tpu.memory_space<vmem_shared>> -> memref<10240x64xf32, #tpu.memory_space<vmem_shared>>
        tpu.enqueue_indirect_dma source(%arg16 : memref<125x64xf32, #tpu.memory_space<vmem>>) target(%dma_start3A_189 : memref<10240x64xf32, #tpu.memory_space<vmem_shared>>) offsets(%dma_start3A_186 : memref<125xi32, #tpu.memory_space<vmem>>) semaphore(%arg28 : memref<!tpu.dma_semaphore, #tpu.memory_space<semaphore_mem>>) {add = true}
        %add3A_190 = arith.constant 3 : i32
        %add3A_191 = arith.addi %mul3A_113, %add3A_190 : i32
        %dma_wait3A_192 = arith.constant 0 : i32
        %dma_wait3A_193 = tpu.memref_slice %arg12[%add3A_191, %dma_wait3A_192] : memref<160x125xi32, #tpu.memory_space<vmem>> -> memref<1x125xi32, #tpu.memory_space<vmem>>
        %dma_wait3A_194 = tpu.memref_squeeze %dma_wait3A_193 : memref<1x125xi32, #tpu.memory_space<vmem>> -> memref<125xi32, #tpu.memory_space<vmem>>
        %dma_wait3A_195 = arith.constant 0 : i32
        %dma_wait3A_196 = arith.constant 0 : i32
        %dma_wait3A_197 = tpu.memref_slice %arg2[%dma_wait3A_195, %dma_wait3A_196] : memref<10000x64xf32, #tpu.memory_space<hbm>> -> memref<10000x64xf32, #tpu.memory_space<hbm>>
        tpu.wait_indirect_dma semaphore(%arg24 : memref<!tpu.dma_semaphore, #tpu.memory_space<semaphore_mem>>) src(%dma_wait3A_197 : memref<10000x64xf32, #tpu.memory_space<hbm>>) dst(%arg17 : memref<125x64xf32, #tpu.memory_space<vmem>>)
        %ge3A_198 = arith.constant 1 : i32
        %ge3A_199 = arith.cmpi sge, %add3A_191, %ge3A_198 : i32
        %convert_element_type3A_200 = arith.extui %ge3A_199 : i1 to i32
        %cond3A_201 = arith.constant 0 : i32
        %cond3A_202 = arith.cmpi ne, %convert_element_type3A_200, %cond3A_201 : i32
        scf.if %cond3A_202 {
          %sub3A = arith.constant 1 : i32
          %sub3A_242 = arith.subi %add3A_191, %sub3A : i32
          %dma_wait3A_243 = arith.constant 0 : i32
          %dma_wait3A_244 = tpu.memref_slice %arg13[%sub3A_242, %dma_wait3A_243] : memref<160x125xi32, #tpu.memory_space<vmem>> -> memref<1x125xi32, #tpu.memory_space<vmem>>
          %dma_wait3A_245 = tpu.memref_squeeze %dma_wait3A_244 : memref<1x125xi32, #tpu.memory_space<vmem>> -> memref<125xi32, #tpu.memory_space<vmem>>
          %dma_wait3A_246 = arith.constant 0 : i32
          %dma_wait3A_247 = arith.constant 0 : i32
          %dma_wait3A_248 = tpu.memref_slice %arg20[%dma_wait3A_246, %dma_wait3A_247] : memref<10240x64xf32, #tpu.memory_space<vmem_shared>> -> memref<10240x64xf32, #tpu.memory_space<vmem_shared>>
          tpu.wait_indirect_dma semaphore(%arg28 : memref<!tpu.dma_semaphore, #tpu.memory_space<semaphore_mem>>) src(%arg16 : memref<125x64xf32, #tpu.memory_space<vmem>>) dst(%dma_wait3A_248 : memref<10240x64xf32, #tpu.memory_space<vmem_shared>>)
        } else {
        }
        %add3A_203 = arith.constant 4 : i32
        %add3A_204 = arith.addi %add3A_191, %add3A_203 : i32
        %lt3A_205 = arith.constant 160 : i32
        %lt3A_206 = arith.cmpi slt, %add3A_204, %lt3A_205 : i32
        %convert_element_type3A_207 = arith.extui %lt3A_206 : i1 to i32
        %cond3A_208 = arith.constant 0 : i32
        %cond3A_209 = arith.cmpi ne, %convert_element_type3A_207, %cond3A_208 : i32
        scf.if %cond3A_209 {
          %add3A_242 = arith.constant 4 : i32
          %add3A_243 = arith.addi %add3A_191, %add3A_242 : i32
          %dma_start3A_244 = arith.constant 0 : i32
          %dma_start3A_245 = tpu.memref_slice %arg12[%add3A_243, %dma_start3A_244] : memref<160x125xi32, #tpu.memory_space<vmem>> -> memref<1x125xi32, #tpu.memory_space<vmem>>
          %dma_start3A_246 = tpu.memref_squeeze %dma_start3A_245 : memref<1x125xi32, #tpu.memory_space<vmem>> -> memref<125xi32, #tpu.memory_space<vmem>>
          %dma_start3A_247 = arith.constant 0 : i32
          %dma_start3A_248 = arith.constant 0 : i32
          %dma_start3A_249 = tpu.memref_slice %arg2[%dma_start3A_247, %dma_start3A_248] : memref<10000x64xf32, #tpu.memory_space<hbm>> -> memref<10000x64xf32, #tpu.memory_space<hbm>>
          tpu.enqueue_indirect_dma source(%dma_start3A_249 : memref<10000x64xf32, #tpu.memory_space<hbm>>) target(%arg16 : memref<125x64xf32, #tpu.memory_space<vmem>>) offsets(%dma_start3A_246 : memref<125xi32, #tpu.memory_space<vmem>>) semaphore(%arg23 : memref<!tpu.dma_semaphore, #tpu.memory_space<semaphore_mem>>)
        } else {
        }
        %dma_start3A_210 = arith.constant 0 : i32
        %dma_start3A_211 = tpu.memref_slice %arg13[%add3A_191, %dma_start3A_210] : memref<160x125xi32, #tpu.memory_space<vmem>> -> memref<1x125xi32, #tpu.memory_space<vmem>>
        %dma_start3A_212 = tpu.memref_squeeze %dma_start3A_211 : memref<1x125xi32, #tpu.memory_space<vmem>> -> memref<125xi32, #tpu.memory_space<vmem>>
        %dma_start3A_213 = arith.constant 0 : i32
        %dma_start3A_214 = arith.constant 0 : i32
        %dma_start3A_215 = tpu.memref_slice %arg20[%dma_start3A_213, %dma_start3A_214] : memref<10240x64xf32, #tpu.memory_space<vmem_shared>> -> memref<10240x64xf32, #tpu.memory_space<vmem_shared>>
        tpu.enqueue_indirect_dma source(%arg17 : memref<125x64xf32, #tpu.memory_space<vmem>>) target(%dma_start3A_215 : memref<10240x64xf32, #tpu.memory_space<vmem_shared>>) offsets(%dma_start3A_212 : memref<125xi32, #tpu.memory_space<vmem>>) semaphore(%arg29 : memref<!tpu.dma_semaphore, #tpu.memory_space<semaphore_mem>>) {add = true}
        %add3A_216 = arith.constant 4 : i32
        %add3A_217 = arith.addi %mul3A_113, %add3A_216 : i32
        %dma_wait3A_218 = arith.constant 0 : i32
        %dma_wait3A_219 = tpu.memref_slice %arg12[%add3A_217, %dma_wait3A_218] : memref<160x125xi32, #tpu.memory_space<vmem>> -> memref<1x125xi32, #tpu.memory_space<vmem>>
        %dma_wait3A_220 = tpu.memref_squeeze %dma_wait3A_219 : memref<1x125xi32, #tpu.memory_space<vmem>> -> memref<125xi32, #tpu.memory_space<vmem>>
        %dma_wait3A_221 = arith.constant 0 : i32
        %dma_wait3A_222 = arith.constant 0 : i32
        %dma_wait3A_223 = tpu.memref_slice %arg2[%dma_wait3A_221, %dma_wait3A_222] : memref<10000x64xf32, #tpu.memory_space<hbm>> -> memref<10000x64xf32, #tpu.memory_space<hbm>>
        tpu.wait_indirect_dma semaphore(%arg25 : memref<!tpu.dma_semaphore, #tpu.memory_space<semaphore_mem>>) src(%dma_wait3A_223 : memref<10000x64xf32, #tpu.memory_space<hbm>>) dst(%arg18 : memref<125x64xf32, #tpu.memory_space<vmem>>)
        %ge3A_224 = arith.constant 1 : i32
        %ge3A_225 = arith.cmpi sge, %add3A_217, %ge3A_224 : i32
        %convert_element_type3A_226 = arith.extui %ge3A_225 : i1 to i32
        %cond3A_227 = arith.constant 0 : i32
        %cond3A_228 = arith.cmpi ne, %convert_element_type3A_226, %cond3A_227 : i32
        scf.if %cond3A_228 {
          %sub3A = arith.constant 1 : i32
          %sub3A_242 = arith.subi %add3A_217, %sub3A : i32
          %dma_wait3A_243 = arith.constant 0 : i32
          %dma_wait3A_244 = tpu.memref_slice %arg13[%sub3A_242, %dma_wait3A_243] : memref<160x125xi32, #tpu.memory_space<vmem>> -> memref<1x125xi32, #tpu.memory_space<vmem>>
          %dma_wait3A_245 = tpu.memref_squeeze %dma_wait3A_244 : memref<1x125xi32, #tpu.memory_space<vmem>> -> memref<125xi32, #tpu.memory_space<vmem>>
          %dma_wait3A_246 = arith.constant 0 : i32
          %dma_wait3A_247 = arith.constant 0 : i32
          %dma_wait3A_248 = tpu.memref_slice %arg20[%dma_wait3A_246, %dma_wait3A_247] : memref<10240x64xf32, #tpu.memory_space<vmem_shared>> -> memref<10240x64xf32, #tpu.memory_space<vmem_shared>>
          tpu.wait_indirect_dma semaphore(%arg29 : memref<!tpu.dma_semaphore, #tpu.memory_space<semaphore_mem>>) src(%arg17 : memref<125x64xf32, #tpu.memory_space<vmem>>) dst(%dma_wait3A_248 : memref<10240x64xf32, #tpu.memory_space<vmem_shared>>)
        } else {
        }
        %add3A_229 = arith.constant 4 : i32
        %add3A_230 = arith.addi %add3A_217, %add3A_229 : i32
        %lt3A_231 = arith.constant 160 : i32
        %lt3A_232 = arith.cmpi slt, %add3A_230, %lt3A_231 : i32
        %convert_element_type3A_233 = arith.extui %lt3A_232 : i1 to i32
        %cond3A_234 = arith.constant 0 : i32
        %cond3A_235 = arith.cmpi ne, %convert_element_type3A_233, %cond3A_234 : i32
        scf.if %cond3A_235 {
          %add3A_242 = arith.constant 4 : i32
          %add3A_243 = arith.addi %add3A_217, %add3A_242 : i32
          %dma_start3A_244 = arith.constant 0 : i32
          %dma_start3A_245 = tpu.memref_slice %arg12[%add3A_243, %dma_start3A_244] : memref<160x125xi32, #tpu.memory_space<vmem>> -> memref<1x125xi32, #tpu.memory_space<vmem>>
          %dma_start3A_246 = tpu.memref_squeeze %dma_start3A_245 : memref<1x125xi32, #tpu.memory_space<vmem>> -> memref<125xi32, #tpu.memory_space<vmem>>
          %dma_start3A_247 = arith.constant 0 : i32
          %dma_start3A_248 = arith.constant 0 : i32
          %dma_start3A_249 = tpu.memref_slice %arg2[%dma_start3A_247, %dma_start3A_248] : memref<10000x64xf32, #tpu.memory_space<hbm>> -> memref<10000x64xf32, #tpu.memory_space<hbm>>
          tpu.enqueue_indirect_dma source(%dma_start3A_249 : memref<10000x64xf32, #tpu.memory_space<hbm>>) target(%arg17 : memref<125x64xf32, #tpu.memory_space<vmem>>) offsets(%dma_start3A_246 : memref<125xi32, #tpu.memory_space<vmem>>) semaphore(%arg24 : memref<!tpu.dma_semaphore, #tpu.memory_space<semaphore_mem>>)
        } else {
        }
        %dma_start3A_236 = arith.constant 0 : i32
        %dma_start3A_237 = tpu.memref_slice %arg13[%add3A_217, %dma_start3A_236] : memref<160x125xi32, #tpu.memory_space<vmem>> -> memref<1x125xi32, #tpu.memory_space<vmem>>
        %dma_start3A_238 = tpu.memref_squeeze %dma_start3A_237 : memref<1x125xi32, #tpu.memory_space<vmem>> -> memref<125xi32, #tpu.memory_space<vmem>>
        %dma_start3A_239 = arith.constant 0 : i32
        %dma_start3A_240 = arith.constant 0 : i32
        %dma_start3A_241 = tpu.memref_slice %arg20[%dma_start3A_239, %dma_start3A_240] : memref<10240x64xf32, #tpu.memory_space<vmem_shared>> -> memref<10240x64xf32, #tpu.memory_space<vmem_shared>>
        tpu.enqueue_indirect_dma source(%arg18 : memref<125x64xf32, #tpu.memory_space<vmem>>) target(%dma_start3A_241 : memref<10240x64xf32, #tpu.memory_space<vmem_shared>>) offsets(%dma_start3A_238 : memref<125xi32, #tpu.memory_space<vmem>>) semaphore(%arg30 : memref<!tpu.dma_semaphore, #tpu.memory_space<semaphore_mem>>) {add = true}
      }
      %scan3A_53 = arith.constant 32 : i32
      %dma_wait3A = arith.constant 159 : i32
      %dma_wait3A_54 = arith.constant 0 : i32
      %dma_wait3A_55 = tpu.memref_slice %arg13[%dma_wait3A, %dma_wait3A_54] : memref<160x125xi32, #tpu.memory_space<vmem>> -> memref<1x125xi32, #tpu.memory_space<vmem>>
      %dma_wait3A_56 = tpu.memref_squeeze %dma_wait3A_55 : memref<1x125xi32, #tpu.memory_space<vmem>> -> memref<125xi32, #tpu.memory_space<vmem>>
      %dma_wait3A_57 = arith.constant 0 : i32
      %dma_wait3A_58 = arith.constant 0 : i32
      %dma_wait3A_59 = tpu.memref_slice %arg20[%dma_wait3A_57, %dma_wait3A_58] : memref<10240x64xf32, #tpu.memory_space<vmem_shared>> -> memref<10240x64xf32, #tpu.memory_space<vmem_shared>>
      tpu.wait_indirect_dma semaphore(%arg30 : memref<!tpu.dma_semaphore, #tpu.memory_space<semaphore_mem>>) src(%arg18 : memref<125x64xf32, #tpu.memory_space<vmem>>) dst(%dma_wait3A_59 : memref<10240x64xf32, #tpu.memory_space<vmem_shared>>)
      %barrier3A_60 = arith.constant 0 : index
      tpu.barrier barrier_id(%barrier3A_60)
      "tpu.region"() ({
        %run_scoped3A_108 = tpu.sem_alloc : memref<!tpu.dma_semaphore, #tpu.memory_space<semaphore_mem>>
        %dma_start3A_109 = arith.constant 0 : i32
        %dma_start3A_110 = tpu.memref_slice %arg8[%mul3A_0, %dma_start3A_109] : memref<10240x64xf32, #tpu.memory_space<hbm>> -> memref<640x64xf32, #tpu.memory_space<hbm>>
        %dma_start3A_111 = arith.constant 0 : i32
        %dma_start3A_112 = tpu.memref_slice %arg20[%mul3A_0, %dma_start3A_111] : memref<10240x64xf32, #tpu.memory_space<vmem_shared>> -> memref<640x64xf32, #tpu.memory_space<vmem_shared>>
        tpu.enqueue_dma source(%dma_start3A_112 : memref<640x64xf32, #tpu.memory_space<vmem_shared>>) target(%dma_start3A_110 : memref<640x64xf32, #tpu.memory_space<hbm>>) target_semaphore(%run_scoped3A_108 : memref<!tpu.dma_semaphore, #tpu.memory_space<semaphore_mem>>)
        %dma_wait3A_113 = arith.constant 0 : i32
        %dma_wait3A_114 = tpu.memref_slice %arg8[%mul3A_0, %dma_wait3A_113] : memref<10240x64xf32, #tpu.memory_space<hbm>> -> memref<640x64xf32, #tpu.memory_space<hbm>>
        %dma_wait3A_115 = arith.constant 0 : i32
        %dma_wait3A_116 = tpu.memref_slice %arg20[%mul3A_0, %dma_wait3A_115] : memref<10240x64xf32, #tpu.memory_space<vmem_shared>> -> memref<640x64xf32, #tpu.memory_space<vmem_shared>>
        tpu.wait_dma2 semaphore(%run_scoped3A_108 : memref<!tpu.dma_semaphore, #tpu.memory_space<semaphore_mem>>) src(%dma_wait3A_116 : memref<640x64xf32, #tpu.memory_space<vmem_shared>>) dst(%dma_wait3A_114 : memref<640x64xf32, #tpu.memory_space<hbm>>)
        tpu.yield
      }) : () -> ()
      %scan3A_61 = arith.constant 0 : i32
      %scan3A_62 = arith.constant 10 : i32
      %scan3A_63 = arith.addi %scan3A_61, %scan3A_62 : i32
      %scan3A_64 = arith.constant 1 : i32
      scf.for %scan3A_108 = %scan3A_61 to %scan3A_63 step %scan3A_64  : i32 {
        %mul3A_109 = arith.constant 1 : i32
        %mul3A_110 = arith.muli %scan3A_108, %mul3A_109 : i32
        %add3A = arith.constant 0 : i32
        %add3A_111 = arith.addi %add3A, %mul3A_110 : i32
        %mul3A_112 = arith.constant 64 : i32
        %mul3A_113 = arith.muli %add3A_111, %mul3A_112 : i32
        %add3A_114 = arith.addi %mul3A_0, %mul3A_113 : i32
        "tpu.region"() ({
          %run_scoped3A_115 = tpu.sem_alloc : memref<!tpu.dma_semaphore, #tpu.memory_space<semaphore_mem>>
          %dma_start3A_116 = arith.constant 0 : i32
          %dma_start3A_117 = tpu.memref_slice %arg20[%add3A_114, %dma_start3A_116] : memref<10240x64xf32, #tpu.memory_space<vmem_shared>> -> memref<64x64xf32, #tpu.memory_space<vmem_shared>>
          %dma_start3A_118 = arith.constant 0 : i32
          %dma_start3A_119 = tpu.memref_slice %arg20[%add3A_114, %dma_start3A_118] : memref<10240x64xf32, #tpu.memory_space<vmem_shared>> -> memref<64x64xf32, #tpu.memory_space<vmem_shared>>
          tpu.enqueue_dma source(%arg19 : memref<64x64xf32, #tpu.memory_space<vmem>>) target(%dma_start3A_119 : memref<64x64xf32, #tpu.memory_space<vmem_shared>>) target_semaphore(%run_scoped3A_115 : memref<!tpu.dma_semaphore, #tpu.memory_space<semaphore_mem>>)
          %dma_wait3A_120 = arith.constant 0 : i32
          %dma_wait3A_121 = tpu.memref_slice %arg20[%add3A_114, %dma_wait3A_120] : memref<10240x64xf32, #tpu.memory_space<vmem_shared>> -> memref<64x64xf32, #tpu.memory_space<vmem_shared>>
          %dma_wait3A_122 = arith.constant 0 : i32
          %dma_wait3A_123 = tpu.memref_slice %arg20[%add3A_114, %dma_wait3A_122] : memref<10240x64xf32, #tpu.memory_space<vmem_shared>> -> memref<64x64xf32, #tpu.memory_space<vmem_shared>>
          tpu.wait_dma2 semaphore(%run_scoped3A_115 : memref<!tpu.dma_semaphore, #tpu.memory_space<semaphore_mem>>) src(%arg19 : memref<64x64xf32, #tpu.memory_space<vmem>>) dst(%dma_wait3A_123 : memref<64x64xf32, #tpu.memory_space<vmem_shared>>)
          tpu.yield
        }) : () -> ()
      }
      %scan3A_65 = arith.constant 10 : i32
      %barrier3A_66 = arith.constant 0 : index
      tpu.barrier barrier_id(%barrier3A_66)
      %dma_start3A_67 = arith.constant 0 : i32
      %dma_start3A_68 = arith.constant 0 : i32
      %dma_start3A_69 = tpu.memref_slice %arg12[%dma_start3A_67, %dma_start3A_68] : memref<160x125xi32, #tpu.memory_space<vmem>> -> memref<1x125xi32, #tpu.memory_space<vmem>>
      %dma_start3A_70 = tpu.memref_squeeze %dma_start3A_69 : memref<1x125xi32, #tpu.memory_space<vmem>> -> memref<125xi32, #tpu.memory_space<vmem>>
      %dma_start3A_71 = arith.constant 0 : i32
      %dma_start3A_72 = arith.constant 0 : i32
      %dma_start3A_73 = tpu.memref_slice %arg3[%dma_start3A_71, %dma_start3A_72] : memref<10000x64xf32, #tpu.memory_space<hbm>> -> memref<10000x64xf32, #tpu.memory_space<hbm>>
      tpu.enqueue_indirect_dma source(%dma_start3A_73 : memref<10000x64xf32, #tpu.memory_space<hbm>>) target(%arg14 : memref<125x64xf32, #tpu.memory_space<vmem>>) offsets(%dma_start3A_70 : memref<125xi32, #tpu.memory_space<vmem>>) semaphore(%arg21 : memref<!tpu.dma_semaphore, #tpu.memory_space<semaphore_mem>>)
      %dma_start3A_74 = arith.constant 1 : i32
      %dma_start3A_75 = arith.constant 0 : i32
      %dma_start3A_76 = tpu.memref_slice %arg12[%dma_start3A_74, %dma_start3A_75] : memref<160x125xi32, #tpu.memory_space<vmem>> -> memref<1x125xi32, #tpu.memory_space<vmem>>
      %dma_start3A_77 = tpu.memref_squeeze %dma_start3A_76 : memref<1x125xi32, #tpu.memory_space<vmem>> -> memref<125xi32, #tpu.memory_space<vmem>>
      %dma_start3A_78 = arith.constant 0 : i32
      %dma_start3A_79 = arith.constant 0 : i32
      %dma_start3A_80 = tpu.memref_slice %arg3[%dma_start3A_78, %dma_start3A_79] : memref<10000x64xf32, #tpu.memory_space<hbm>> -> memref<10000x64xf32, #tpu.memory_space<hbm>>
      tpu.enqueue_indirect_dma source(%dma_start3A_80 : memref<10000x64xf32, #tpu.memory_space<hbm>>) target(%arg15 : memref<125x64xf32, #tpu.memory_space<vmem>>) offsets(%dma_start3A_77 : memref<125xi32, #tpu.memory_space<vmem>>) semaphore(%arg22 : memref<!tpu.dma_semaphore, #tpu.memory_space<semaphore_mem>>)
      %dma_start3A_81 = arith.constant 2 : i32
      %dma_start3A_82 = arith.constant 0 : i32
      %dma_start3A_83 = tpu.memref_slice %arg12[%dma_start3A_81, %dma_start3A_82] : memref<160x125xi32, #tpu.memory_space<vmem>> -> memref<1x125xi32, #tpu.memory_space<vmem>>
      %dma_start3A_84 = tpu.memref_squeeze %dma_start3A_83 : memref<1x125xi32, #tpu.memory_space<vmem>> -> memref<125xi32, #tpu.memory_space<vmem>>
      %dma_start3A_85 = arith.constant 0 : i32
      %dma_start3A_86 = arith.constant 0 : i32
      %dma_start3A_87 = tpu.memref_slice %arg3[%dma_start3A_85, %dma_start3A_86] : memref<10000x64xf32, #tpu.memory_space<hbm>> -> memref<10000x64xf32, #tpu.memory_space<hbm>>
      tpu.enqueue_indirect_dma source(%dma_start3A_87 : memref<10000x64xf32, #tpu.memory_space<hbm>>) target(%arg16 : memref<125x64xf32, #tpu.memory_space<vmem>>) offsets(%dma_start3A_84 : memref<125xi32, #tpu.memory_space<vmem>>) semaphore(%arg23 : memref<!tpu.dma_semaphore, #tpu.memory_space<semaphore_mem>>)
      %dma_start3A_88 = arith.constant 3 : i32
      %dma_start3A_89 = arith.constant 0 : i32
      %dma_start3A_90 = tpu.memref_slice %arg12[%dma_start3A_88, %dma_start3A_89] : memref<160x125xi32, #tpu.memory_space<vmem>> -> memref<1x125xi32, #tpu.memory_space<vmem>>
      %dma_start3A_91 = tpu.memref_squeeze %dma_start3A_90 : memref<1x125xi32, #tpu.memory_space<vmem>> -> memref<125xi32, #tpu.memory_space<vmem>>
      %dma_start3A_92 = arith.constant 0 : i32
      %dma_start3A_93 = arith.constant 0 : i32
      %dma_start3A_94 = tpu.memref_slice %arg3[%dma_start3A_92, %dma_start3A_93] : memref<10000x64xf32, #tpu.memory_space<hbm>> -> memref<10000x64xf32, #tpu.memory_space<hbm>>
      tpu.enqueue_indirect_dma source(%dma_start3A_94 : memref<10000x64xf32, #tpu.memory_space<hbm>>) target(%arg17 : memref<125x64xf32, #tpu.memory_space<vmem>>) offsets(%dma_start3A_91 : memref<125xi32, #tpu.memory_space<vmem>>) semaphore(%arg24 : memref<!tpu.dma_semaphore, #tpu.memory_space<semaphore_mem>>)
      %scan3A_95 = arith.constant 0 : i32
      %scan3A_96 = arith.constant 32 : i32
      %scan3A_97 = arith.addi %scan3A_95, %scan3A_96 : i32
      %scan3A_98 = arith.constant 1 : i32
      scf.for %scan3A_108 = %scan3A_95 to %scan3A_97 step %scan3A_98  : i32 {
        %mul3A_109 = arith.constant 1 : i32
        %mul3A_110 = arith.muli %scan3A_108, %mul3A_109 : i32
        %add3A = arith.constant 0 : i32
        %add3A_111 = arith.addi %add3A, %mul3A_110 : i32
        %mul3A_112 = arith.constant 5 : i32
        %mul3A_113 = arith.muli %mul3A_112, %add3A_111 : i32
        %add3A_114 = arith.constant 0 : i32
        %add3A_115 = arith.addi %mul3A_113, %add3A_114 : i32
        %dma_wait3A_116 = arith.constant 0 : i32
        %dma_wait3A_117 = tpu.memref_slice %arg12[%add3A_115, %dma_wait3A_116] : memref<160x125xi32, #tpu.memory_space<vmem>> -> memref<1x125xi32, #tpu.memory_space<vmem>>
        %dma_wait3A_118 = tpu.memref_squeeze %dma_wait3A_117 : memref<1x125xi32, #tpu.memory_space<vmem>> -> memref<125xi32, #tpu.memory_space<vmem>>
        %dma_wait3A_119 = arith.constant 0 : i32
        %dma_wait3A_120 = arith.constant 0 : i32
        %dma_wait3A_121 = tpu.memref_slice %arg3[%dma_wait3A_119, %dma_wait3A_120] : memref<10000x64xf32, #tpu.memory_space<hbm>> -> memref<10000x64xf32, #tpu.memory_space<hbm>>
        tpu.wait_indirect_dma semaphore(%arg21 : memref<!tpu.dma_semaphore, #tpu.memory_space<semaphore_mem>>) src(%dma_wait3A_121 : memref<10000x64xf32, #tpu.memory_space<hbm>>) dst(%arg14 : memref<125x64xf32, #tpu.memory_space<vmem>>)
        %ge3A = arith.constant 1 : i32
        %ge3A_122 = arith.cmpi sge, %add3A_115, %ge3A : i32
        %convert_element_type3A_123 = arith.extui %ge3A_122 : i1 to i32
        %cond3A_124 = arith.constant 0 : i32
        %cond3A_125 = arith.cmpi ne, %convert_element_type3A_123, %cond3A_124 : i32
        scf.if %cond3A_125 {
          %sub3A = arith.constant 1 : i32
          %sub3A_242 = arith.subi %add3A_115, %sub3A : i32
          %dma_wait3A_243 = arith.constant 0 : i32
          %dma_wait3A_244 = tpu.memref_slice %arg13[%sub3A_242, %dma_wait3A_243] : memref<160x125xi32, #tpu.memory_space<vmem>> -> memref<1x125xi32, #tpu.memory_space<vmem>>
          %dma_wait3A_245 = tpu.memref_squeeze %dma_wait3A_244 : memref<1x125xi32, #tpu.memory_space<vmem>> -> memref<125xi32, #tpu.memory_space<vmem>>
          %dma_wait3A_246 = arith.constant 0 : i32
          %dma_wait3A_247 = arith.constant 0 : i32
          %dma_wait3A_248 = tpu.memref_slice %arg20[%dma_wait3A_246, %dma_wait3A_247] : memref<10240x64xf32, #tpu.memory_space<vmem_shared>> -> memref<10240x64xf32, #tpu.memory_space<vmem_shared>>
          tpu.wait_indirect_dma semaphore(%arg30 : memref<!tpu.dma_semaphore, #tpu.memory_space<semaphore_mem>>) src(%arg18 : memref<125x64xf32, #tpu.memory_space<vmem>>) dst(%dma_wait3A_248 : memref<10240x64xf32, #tpu.memory_space<vmem_shared>>)
        } else {
        }
        %add3A_126 = arith.constant 4 : i32
        %add3A_127 = arith.addi %add3A_115, %add3A_126 : i32
        %lt3A = arith.constant 160 : i32
        %lt3A_128 = arith.cmpi slt, %add3A_127, %lt3A : i32
        %convert_element_type3A_129 = arith.extui %lt3A_128 : i1 to i32
        %cond3A_130 = arith.constant 0 : i32
        %cond3A_131 = arith.cmpi ne, %convert_element_type3A_129, %cond3A_130 : i32
        scf.if %cond3A_131 {
          %add3A_242 = arith.constant 4 : i32
          %add3A_243 = arith.addi %add3A_115, %add3A_242 : i32
          %dma_start3A_244 = arith.constant 0 : i32
          %dma_start3A_245 = tpu.memref_slice %arg12[%add3A_243, %dma_start3A_244] : memref<160x125xi32, #tpu.memory_space<vmem>> -> memref<1x125xi32, #tpu.memory_space<vmem>>
          %dma_start3A_246 = tpu.memref_squeeze %dma_start3A_245 : memref<1x125xi32, #tpu.memory_space<vmem>> -> memref<125xi32, #tpu.memory_space<vmem>>
          %dma_start3A_247 = arith.constant 0 : i32
          %dma_start3A_248 = arith.constant 0 : i32
          %dma_start3A_249 = tpu.memref_slice %arg3[%dma_start3A_247, %dma_start3A_248] : memref<10000x64xf32, #tpu.memory_space<hbm>> -> memref<10000x64xf32, #tpu.memory_space<hbm>>
          tpu.enqueue_indirect_dma source(%dma_start3A_249 : memref<10000x64xf32, #tpu.memory_space<hbm>>) target(%arg18 : memref<125x64xf32, #tpu.memory_space<vmem>>) offsets(%dma_start3A_246 : memref<125xi32, #tpu.memory_space<vmem>>) semaphore(%arg25 : memref<!tpu.dma_semaphore, #tpu.memory_space<semaphore_mem>>)
        } else {
        }
        %dma_start3A_132 = arith.constant 0 : i32
        %dma_start3A_133 = tpu.memref_slice %arg13[%add3A_115, %dma_start3A_132] : memref<160x125xi32, #tpu.memory_space<vmem>> -> memref<1x125xi32, #tpu.memory_space<vmem>>
        %dma_start3A_134 = tpu.memref_squeeze %dma_start3A_133 : memref<1x125xi32, #tpu.memory_space<vmem>> -> memref<125xi32, #tpu.memory_space<vmem>>
        %dma_start3A_135 = arith.constant 0 : i32
        %dma_start3A_136 = arith.constant 0 : i32
        %dma_start3A_137 = tpu.memref_slice %arg20[%dma_start3A_135, %dma_start3A_136] : memref<10240x64xf32, #tpu.memory_space<vmem_shared>> -> memref<10240x64xf32, #tpu.memory_space<vmem_shared>>
        tpu.enqueue_indirect_dma source(%arg14 : memref<125x64xf32, #tpu.memory_space<vmem>>) target(%dma_start3A_137 : memref<10240x64xf32, #tpu.memory_space<vmem_shared>>) offsets(%dma_start3A_134 : memref<125xi32, #tpu.memory_space<vmem>>) semaphore(%arg26 : memref<!tpu.dma_semaphore, #tpu.memory_space<semaphore_mem>>) {add = true}
        %add3A_138 = arith.constant 1 : i32
        %add3A_139 = arith.addi %mul3A_113, %add3A_138 : i32
        %dma_wait3A_140 = arith.constant 0 : i32
        %dma_wait3A_141 = tpu.memref_slice %arg12[%add3A_139, %dma_wait3A_140] : memref<160x125xi32, #tpu.memory_space<vmem>> -> memref<1x125xi32, #tpu.memory_space<vmem>>
        %dma_wait3A_142 = tpu.memref_squeeze %dma_wait3A_141 : memref<1x125xi32, #tpu.memory_space<vmem>> -> memref<125xi32, #tpu.memory_space<vmem>>
        %dma_wait3A_143 = arith.constant 0 : i32
        %dma_wait3A_144 = arith.constant 0 : i32
        %dma_wait3A_145 = tpu.memref_slice %arg3[%dma_wait3A_143, %dma_wait3A_144] : memref<10000x64xf32, #tpu.memory_space<hbm>> -> memref<10000x64xf32, #tpu.memory_space<hbm>>
        tpu.wait_indirect_dma semaphore(%arg22 : memref<!tpu.dma_semaphore, #tpu.memory_space<semaphore_mem>>) src(%dma_wait3A_145 : memref<10000x64xf32, #tpu.memory_space<hbm>>) dst(%arg15 : memref<125x64xf32, #tpu.memory_space<vmem>>)
        %ge3A_146 = arith.constant 1 : i32
        %ge3A_147 = arith.cmpi sge, %add3A_139, %ge3A_146 : i32
        %convert_element_type3A_148 = arith.extui %ge3A_147 : i1 to i32
        %cond3A_149 = arith.constant 0 : i32
        %cond3A_150 = arith.cmpi ne, %convert_element_type3A_148, %cond3A_149 : i32
        scf.if %cond3A_150 {
          %sub3A = arith.constant 1 : i32
          %sub3A_242 = arith.subi %add3A_139, %sub3A : i32
          %dma_wait3A_243 = arith.constant 0 : i32
          %dma_wait3A_244 = tpu.memref_slice %arg13[%sub3A_242, %dma_wait3A_243] : memref<160x125xi32, #tpu.memory_space<vmem>> -> memref<1x125xi32, #tpu.memory_space<vmem>>
          %dma_wait3A_245 = tpu.memref_squeeze %dma_wait3A_244 : memref<1x125xi32, #tpu.memory_space<vmem>> -> memref<125xi32, #tpu.memory_space<vmem>>
          %dma_wait3A_246 = arith.constant 0 : i32
          %dma_wait3A_247 = arith.constant 0 : i32
          %dma_wait3A_248 = tpu.memref_slice %arg20[%dma_wait3A_246, %dma_wait3A_247] : memref<10240x64xf32, #tpu.memory_space<vmem_shared>> -> memref<10240x64xf32, #tpu.memory_space<vmem_shared>>
          tpu.wait_indirect_dma semaphore(%arg26 : memref<!tpu.dma_semaphore, #tpu.memory_space<semaphore_mem>>) src(%arg14 : memref<125x64xf32, #tpu.memory_space<vmem>>) dst(%dma_wait3A_248 : memref<10240x64xf32, #tpu.memory_space<vmem_shared>>)
        } else {
        }
        %add3A_151 = arith.constant 4 : i32
        %add3A_152 = arith.addi %add3A_139, %add3A_151 : i32
        %lt3A_153 = arith.constant 160 : i32
        %lt3A_154 = arith.cmpi slt, %add3A_152, %lt3A_153 : i32
        %convert_element_type3A_155 = arith.extui %lt3A_154 : i1 to i32
        %cond3A_156 = arith.constant 0 : i32
        %cond3A_157 = arith.cmpi ne, %convert_element_type3A_155, %cond3A_156 : i32
        scf.if %cond3A_157 {
          %add3A_242 = arith.constant 4 : i32
          %add3A_243 = arith.addi %add3A_139, %add3A_242 : i32
          %dma_start3A_244 = arith.constant 0 : i32
          %dma_start3A_245 = tpu.memref_slice %arg12[%add3A_243, %dma_start3A_244] : memref<160x125xi32, #tpu.memory_space<vmem>> -> memref<1x125xi32, #tpu.memory_space<vmem>>
          %dma_start3A_246 = tpu.memref_squeeze %dma_start3A_245 : memref<1x125xi32, #tpu.memory_space<vmem>> -> memref<125xi32, #tpu.memory_space<vmem>>
          %dma_start3A_247 = arith.constant 0 : i32
          %dma_start3A_248 = arith.constant 0 : i32
          %dma_start3A_249 = tpu.memref_slice %arg3[%dma_start3A_247, %dma_start3A_248] : memref<10000x64xf32, #tpu.memory_space<hbm>> -> memref<10000x64xf32, #tpu.memory_space<hbm>>
          tpu.enqueue_indirect_dma source(%dma_start3A_249 : memref<10000x64xf32, #tpu.memory_space<hbm>>) target(%arg14 : memref<125x64xf32, #tpu.memory_space<vmem>>) offsets(%dma_start3A_246 : memref<125xi32, #tpu.memory_space<vmem>>) semaphore(%arg21 : memref<!tpu.dma_semaphore, #tpu.memory_space<semaphore_mem>>)
        } else {
        }
        %dma_start3A_158 = arith.constant 0 : i32
        %dma_start3A_159 = tpu.memref_slice %arg13[%add3A_139, %dma_start3A_158] : memref<160x125xi32, #tpu.memory_space<vmem>> -> memref<1x125xi32, #tpu.memory_space<vmem>>
        %dma_start3A_160 = tpu.memref_squeeze %dma_start3A_159 : memref<1x125xi32, #tpu.memory_space<vmem>> -> memref<125xi32, #tpu.memory_space<vmem>>
        %dma_start3A_161 = arith.constant 0 : i32
        %dma_start3A_162 = arith.constant 0 : i32
        %dma_start3A_163 = tpu.memref_slice %arg20[%dma_start3A_161, %dma_start3A_162] : memref<10240x64xf32, #tpu.memory_space<vmem_shared>> -> memref<10240x64xf32, #tpu.memory_space<vmem_shared>>
        tpu.enqueue_indirect_dma source(%arg15 : memref<125x64xf32, #tpu.memory_space<vmem>>) target(%dma_start3A_163 : memref<10240x64xf32, #tpu.memory_space<vmem_shared>>) offsets(%dma_start3A_160 : memref<125xi32, #tpu.memory_space<vmem>>) semaphore(%arg27 : memref<!tpu.dma_semaphore, #tpu.memory_space<semaphore_mem>>) {add = true}
        %add3A_164 = arith.constant 2 : i32
        %add3A_165 = arith.addi %mul3A_113, %add3A_164 : i32
        %dma_wait3A_166 = arith.constant 0 : i32
        %dma_wait3A_167 = tpu.memref_slice %arg12[%add3A_165, %dma_wait3A_166] : memref<160x125xi32, #tpu.memory_space<vmem>> -> memref<1x125xi32, #tpu.memory_space<vmem>>
        %dma_wait3A_168 = tpu.memref_squeeze %dma_wait3A_167 : memref<1x125xi32, #tpu.memory_space<vmem>> -> memref<125xi32, #tpu.memory_space<vmem>>
        %dma_wait3A_169 = arith.constant 0 : i32
        %dma_wait3A_170 = arith.constant 0 : i32
        %dma_wait3A_171 = tpu.memref_slice %arg3[%dma_wait3A_169, %dma_wait3A_170] : memref<10000x64xf32, #tpu.memory_space<hbm>> -> memref<10000x64xf32, #tpu.memory_space<hbm>>
        tpu.wait_indirect_dma semaphore(%arg23 : memref<!tpu.dma_semaphore, #tpu.memory_space<semaphore_mem>>) src(%dma_wait3A_171 : memref<10000x64xf32, #tpu.memory_space<hbm>>) dst(%arg16 : memref<125x64xf32, #tpu.memory_space<vmem>>)
        %ge3A_172 = arith.constant 1 : i32
        %ge3A_173 = arith.cmpi sge, %add3A_165, %ge3A_172 : i32
        %convert_element_type3A_174 = arith.extui %ge3A_173 : i1 to i32
        %cond3A_175 = arith.constant 0 : i32
        %cond3A_176 = arith.cmpi ne, %convert_element_type3A_174, %cond3A_175 : i32
        scf.if %cond3A_176 {
          %sub3A = arith.constant 1 : i32
          %sub3A_242 = arith.subi %add3A_165, %sub3A : i32
          %dma_wait3A_243 = arith.constant 0 : i32
          %dma_wait3A_244 = tpu.memref_slice %arg13[%sub3A_242, %dma_wait3A_243] : memref<160x125xi32, #tpu.memory_space<vmem>> -> memref<1x125xi32, #tpu.memory_space<vmem>>
          %dma_wait3A_245 = tpu.memref_squeeze %dma_wait3A_244 : memref<1x125xi32, #tpu.memory_space<vmem>> -> memref<125xi32, #tpu.memory_space<vmem>>
          %dma_wait3A_246 = arith.constant 0 : i32
          %dma_wait3A_247 = arith.constant 0 : i32
          %dma_wait3A_248 = tpu.memref_slice %arg20[%dma_wait3A_246, %dma_wait3A_247] : memref<10240x64xf32, #tpu.memory_space<vmem_shared>> -> memref<10240x64xf32, #tpu.memory_space<vmem_shared>>
          tpu.wait_indirect_dma semaphore(%arg27 : memref<!tpu.dma_semaphore, #tpu.memory_space<semaphore_mem>>) src(%arg15 : memref<125x64xf32, #tpu.memory_space<vmem>>) dst(%dma_wait3A_248 : memref<10240x64xf32, #tpu.memory_space<vmem_shared>>)
        } else {
        }
        %add3A_177 = arith.constant 4 : i32
        %add3A_178 = arith.addi %add3A_165, %add3A_177 : i32
        %lt3A_179 = arith.constant 160 : i32
        %lt3A_180 = arith.cmpi slt, %add3A_178, %lt3A_179 : i32
        %convert_element_type3A_181 = arith.extui %lt3A_180 : i1 to i32
        %cond3A_182 = arith.constant 0 : i32
        %cond3A_183 = arith.cmpi ne, %convert_element_type3A_181, %cond3A_182 : i32
        scf.if %cond3A_183 {
          %add3A_242 = arith.constant 4 : i32
          %add3A_243 = arith.addi %add3A_165, %add3A_242 : i32
          %dma_start3A_244 = arith.constant 0 : i32
          %dma_start3A_245 = tpu.memref_slice %arg12[%add3A_243, %dma_start3A_244] : memref<160x125xi32, #tpu.memory_space<vmem>> -> memref<1x125xi32, #tpu.memory_space<vmem>>
          %dma_start3A_246 = tpu.memref_squeeze %dma_start3A_245 : memref<1x125xi32, #tpu.memory_space<vmem>> -> memref<125xi32, #tpu.memory_space<vmem>>
          %dma_start3A_247 = arith.constant 0 : i32
          %dma_start3A_248 = arith.constant 0 : i32
          %dma_start3A_249 = tpu.memref_slice %arg3[%dma_start3A_247, %dma_start3A_248] : memref<10000x64xf32, #tpu.memory_space<hbm>> -> memref<10000x64xf32, #tpu.memory_space<hbm>>
          tpu.enqueue_indirect_dma source(%dma_start3A_249 : memref<10000x64xf32, #tpu.memory_space<hbm>>) target(%arg15 : memref<125x64xf32, #tpu.memory_space<vmem>>) offsets(%dma_start3A_246 : memref<125xi32, #tpu.memory_space<vmem>>) semaphore(%arg22 : memref<!tpu.dma_semaphore, #tpu.memory_space<semaphore_mem>>)
        } else {
        }
        %dma_start3A_184 = arith.constant 0 : i32
        %dma_start3A_185 = tpu.memref_slice %arg13[%add3A_165, %dma_start3A_184] : memref<160x125xi32, #tpu.memory_space<vmem>> -> memref<1x125xi32, #tpu.memory_space<vmem>>
        %dma_start3A_186 = tpu.memref_squeeze %dma_start3A_185 : memref<1x125xi32, #tpu.memory_space<vmem>> -> memref<125xi32, #tpu.memory_space<vmem>>
        %dma_start3A_187 = arith.constant 0 : i32
        %dma_start3A_188 = arith.constant 0 : i32
        %dma_start3A_189 = tpu.memref_slice %arg20[%dma_start3A_187, %dma_start3A_188] : memref<10240x64xf32, #tpu.memory_space<vmem_shared>> -> memref<10240x64xf32, #tpu.memory_space<vmem_shared>>
        tpu.enqueue_indirect_dma source(%arg16 : memref<125x64xf32, #tpu.memory_space<vmem>>) target(%dma_start3A_189 : memref<10240x64xf32, #tpu.memory_space<vmem_shared>>) offsets(%dma_start3A_186 : memref<125xi32, #tpu.memory_space<vmem>>) semaphore(%arg28 : memref<!tpu.dma_semaphore, #tpu.memory_space<semaphore_mem>>) {add = true}
        %add3A_190 = arith.constant 3 : i32
        %add3A_191 = arith.addi %mul3A_113, %add3A_190 : i32
        %dma_wait3A_192 = arith.constant 0 : i32
        %dma_wait3A_193 = tpu.memref_slice %arg12[%add3A_191, %dma_wait3A_192] : memref<160x125xi32, #tpu.memory_space<vmem>> -> memref<1x125xi32, #tpu.memory_space<vmem>>
        %dma_wait3A_194 = tpu.memref_squeeze %dma_wait3A_193 : memref<1x125xi32, #tpu.memory_space<vmem>> -> memref<125xi32, #tpu.memory_space<vmem>>
        %dma_wait3A_195 = arith.constant 0 : i32
        %dma_wait3A_196 = arith.constant 0 : i32
        %dma_wait3A_197 = tpu.memref_slice %arg3[%dma_wait3A_195, %dma_wait3A_196] : memref<10000x64xf32, #tpu.memory_space<hbm>> -> memref<10000x64xf32, #tpu.memory_space<hbm>>
        tpu.wait_indirect_dma semaphore(%arg24 : memref<!tpu.dma_semaphore, #tpu.memory_space<semaphore_mem>>) src(%dma_wait3A_197 : memref<10000x64xf32, #tpu.memory_space<hbm>>) dst(%arg17 : memref<125x64xf32, #tpu.memory_space<vmem>>)
        %ge3A_198 = arith.constant 1 : i32
        %ge3A_199 = arith.cmpi sge, %add3A_191, %ge3A_198 : i32
        %convert_element_type3A_200 = arith.extui %ge3A_199 : i1 to i32
        %cond3A_201 = arith.constant 0 : i32
        %cond3A_202 = arith.cmpi ne, %convert_element_type3A_200, %cond3A_201 : i32
        scf.if %cond3A_202 {
          %sub3A = arith.constant 1 : i32
          %sub3A_242 = arith.subi %add3A_191, %sub3A : i32
          %dma_wait3A_243 = arith.constant 0 : i32
          %dma_wait3A_244 = tpu.memref_slice %arg13[%sub3A_242, %dma_wait3A_243] : memref<160x125xi32, #tpu.memory_space<vmem>> -> memref<1x125xi32, #tpu.memory_space<vmem>>
          %dma_wait3A_245 = tpu.memref_squeeze %dma_wait3A_244 : memref<1x125xi32, #tpu.memory_space<vmem>> -> memref<125xi32, #tpu.memory_space<vmem>>
          %dma_wait3A_246 = arith.constant 0 : i32
          %dma_wait3A_247 = arith.constant 0 : i32
          %dma_wait3A_248 = tpu.memref_slice %arg20[%dma_wait3A_246, %dma_wait3A_247] : memref<10240x64xf32, #tpu.memory_space<vmem_shared>> -> memref<10240x64xf32, #tpu.memory_space<vmem_shared>>
          tpu.wait_indirect_dma semaphore(%arg28 : memref<!tpu.dma_semaphore, #tpu.memory_space<semaphore_mem>>) src(%arg16 : memref<125x64xf32, #tpu.memory_space<vmem>>) dst(%dma_wait3A_248 : memref<10240x64xf32, #tpu.memory_space<vmem_shared>>)
        } else {
        }
        %add3A_203 = arith.constant 4 : i32
        %add3A_204 = arith.addi %add3A_191, %add3A_203 : i32
        %lt3A_205 = arith.constant 160 : i32
        %lt3A_206 = arith.cmpi slt, %add3A_204, %lt3A_205 : i32
        %convert_element_type3A_207 = arith.extui %lt3A_206 : i1 to i32
        %cond3A_208 = arith.constant 0 : i32
        %cond3A_209 = arith.cmpi ne, %convert_element_type3A_207, %cond3A_208 : i32
        scf.if %cond3A_209 {
          %add3A_242 = arith.constant 4 : i32
          %add3A_243 = arith.addi %add3A_191, %add3A_242 : i32
          %dma_start3A_244 = arith.constant 0 : i32
          %dma_start3A_245 = tpu.memref_slice %arg12[%add3A_243, %dma_start3A_244] : memref<160x125xi32, #tpu.memory_space<vmem>> -> memref<1x125xi32, #tpu.memory_space<vmem>>
          %dma_start3A_246 = tpu.memref_squeeze %dma_start3A_245 : memref<1x125xi32, #tpu.memory_space<vmem>> -> memref<125xi32, #tpu.memory_space<vmem>>
          %dma_start3A_247 = arith.constant 0 : i32
          %dma_start3A_248 = arith.constant 0 : i32
          %dma_start3A_249 = tpu.memref_slice %arg3[%dma_start3A_247, %dma_start3A_248] : memref<10000x64xf32, #tpu.memory_space<hbm>> -> memref<10000x64xf32, #tpu.memory_space<hbm>>
          tpu.enqueue_indirect_dma source(%dma_start3A_249 : memref<10000x64xf32, #tpu.memory_space<hbm>>) target(%arg16 : memref<125x64xf32, #tpu.memory_space<vmem>>) offsets(%dma_start3A_246 : memref<125xi32, #tpu.memory_space<vmem>>) semaphore(%arg23 : memref<!tpu.dma_semaphore, #tpu.memory_space<semaphore_mem>>)
        } else {
        }
        %dma_start3A_210 = arith.constant 0 : i32
        %dma_start3A_211 = tpu.memref_slice %arg13[%add3A_191, %dma_start3A_210] : memref<160x125xi32, #tpu.memory_space<vmem>> -> memref<1x125xi32, #tpu.memory_space<vmem>>
        %dma_start3A_212 = tpu.memref_squeeze %dma_start3A_211 : memref<1x125xi32, #tpu.memory_space<vmem>> -> memref<125xi32, #tpu.memory_space<vmem>>
        %dma_start3A_213 = arith.constant 0 : i32
        %dma_start3A_214 = arith.constant 0 : i32
        %dma_start3A_215 = tpu.memref_slice %arg20[%dma_start3A_213, %dma_start3A_214] : memref<10240x64xf32, #tpu.memory_space<vmem_shared>> -> memref<10240x64xf32, #tpu.memory_space<vmem_shared>>
        tpu.enqueue_indirect_dma source(%arg17 : memref<125x64xf32, #tpu.memory_space<vmem>>) target(%dma_start3A_215 : memref<10240x64xf32, #tpu.memory_space<vmem_shared>>) offsets(%dma_start3A_212 : memref<125xi32, #tpu.memory_space<vmem>>) semaphore(%arg29 : memref<!tpu.dma_semaphore, #tpu.memory_space<semaphore_mem>>) {add = true}
        %add3A_216 = arith.constant 4 : i32
        %add3A_217 = arith.addi %mul3A_113, %add3A_216 : i32
        %dma_wait3A_218 = arith.constant 0 : i32
        %dma_wait3A_219 = tpu.memref_slice %arg12[%add3A_217, %dma_wait3A_218] : memref<160x125xi32, #tpu.memory_space<vmem>> -> memref<1x125xi32, #tpu.memory_space<vmem>>
        %dma_wait3A_220 = tpu.memref_squeeze %dma_wait3A_219 : memref<1x125xi32, #tpu.memory_space<vmem>> -> memref<125xi32, #tpu.memory_space<vmem>>
        %dma_wait3A_221 = arith.constant 0 : i32
        %dma_wait3A_222 = arith.constant 0 : i32
        %dma_wait3A_223 = tpu.memref_slice %arg3[%dma_wait3A_221, %dma_wait3A_222] : memref<10000x64xf32, #tpu.memory_space<hbm>> -> memref<10000x64xf32, #tpu.memory_space<hbm>>
        tpu.wait_indirect_dma semaphore(%arg25 : memref<!tpu.dma_semaphore, #tpu.memory_space<semaphore_mem>>) src(%dma_wait3A_223 : memref<10000x64xf32, #tpu.memory_space<hbm>>) dst(%arg18 : memref<125x64xf32, #tpu.memory_space<vmem>>)
        %ge3A_224 = arith.constant 1 : i32
        %ge3A_225 = arith.cmpi sge, %add3A_217, %ge3A_224 : i32
        %convert_element_type3A_226 = arith.extui %ge3A_225 : i1 to i32
        %cond3A_227 = arith.constant 0 : i32
        %cond3A_228 = arith.cmpi ne, %convert_element_type3A_226, %cond3A_227 : i32
        scf.if %cond3A_228 {
          %sub3A = arith.constant 1 : i32
          %sub3A_242 = arith.subi %add3A_217, %sub3A : i32
          %dma_wait3A_243 = arith.constant 0 : i32
          %dma_wait3A_244 = tpu.memref_slice %arg13[%sub3A_242, %dma_wait3A_243] : memref<160x125xi32, #tpu.memory_space<vmem>> -> memref<1x125xi32, #tpu.memory_space<vmem>>
          %dma_wait3A_245 = tpu.memref_squeeze %dma_wait3A_244 : memref<1x125xi32, #tpu.memory_space<vmem>> -> memref<125xi32, #tpu.memory_space<vmem>>
          %dma_wait3A_246 = arith.constant 0 : i32
          %dma_wait3A_247 = arith.constant 0 : i32
          %dma_wait3A_248 = tpu.memref_slice %arg20[%dma_wait3A_246, %dma_wait3A_247] : memref<10240x64xf32, #tpu.memory_space<vmem_shared>> -> memref<10240x64xf32, #tpu.memory_space<vmem_shared>>
          tpu.wait_indirect_dma semaphore(%arg29 : memref<!tpu.dma_semaphore, #tpu.memory_space<semaphore_mem>>) src(%arg17 : memref<125x64xf32, #tpu.memory_space<vmem>>) dst(%dma_wait3A_248 : memref<10240x64xf32, #tpu.memory_space<vmem_shared>>)
        } else {
        }
        %add3A_229 = arith.constant 4 : i32
        %add3A_230 = arith.addi %add3A_217, %add3A_229 : i32
        %lt3A_231 = arith.constant 160 : i32
        %lt3A_232 = arith.cmpi slt, %add3A_230, %lt3A_231 : i32
        %convert_element_type3A_233 = arith.extui %lt3A_232 : i1 to i32
        %cond3A_234 = arith.constant 0 : i32
        %cond3A_235 = arith.cmpi ne, %convert_element_type3A_233, %cond3A_234 : i32
        scf.if %cond3A_235 {
          %add3A_242 = arith.constant 4 : i32
          %add3A_243 = arith.addi %add3A_217, %add3A_242 : i32
          %dma_start3A_244 = arith.constant 0 : i32
          %dma_start3A_245 = tpu.memref_slice %arg12[%add3A_243, %dma_start3A_244] : memref<160x125xi32, #tpu.memory_space<vmem>> -> memref<1x125xi32, #tpu.memory_space<vmem>>
          %dma_start3A_246 = tpu.memref_squeeze %dma_start3A_245 : memref<1x125xi32, #tpu.memory_space<vmem>> -> memref<125xi32, #tpu.memory_space<vmem>>
          %dma_start3A_247 = arith.constant 0 : i32
          %dma_start3A_248 = arith.constant 0 : i32
          %dma_start3A_249 = tpu.memref_slice %arg3[%dma_start3A_247, %dma_start3A_248] : memref<10000x64xf32, #tpu.memory_space<hbm>> -> memref<10000x64xf32, #tpu.memory_space<hbm>>
          tpu.enqueue_indirect_dma source(%dma_start3A_249 : memref<10000x64xf32, #tpu.memory_space<hbm>>) target(%arg17 : memref<125x64xf32, #tpu.memory_space<vmem>>) offsets(%dma_start3A_246 : memref<125xi32, #tpu.memory_space<vmem>>) semaphore(%arg24 : memref<!tpu.dma_semaphore, #tpu.memory_space<semaphore_mem>>)
        } else {
        }
        %dma_start3A_236 = arith.constant 0 : i32
        %dma_start3A_237 = tpu.memref_slice %arg13[%add3A_217, %dma_start3A_236] : memref<160x125xi32, #tpu.memory_space<vmem>> -> memref<1x125xi32, #tpu.memory_space<vmem>>
        %dma_start3A_238 = tpu.memref_squeeze %dma_start3A_237 : memref<1x125xi32, #tpu.memory_space<vmem>> -> memref<125xi32, #tpu.memory_space<vmem>>
        %dma_start3A_239 = arith.constant 0 : i32
        %dma_start3A_240 = arith.constant 0 : i32
        %dma_start3A_241 = tpu.memref_slice %arg20[%dma_start3A_239, %dma_start3A_240] : memref<10240x64xf32, #tpu.memory_space<vmem_shared>> -> memref<10240x64xf32, #tpu.memory_space<vmem_shared>>
        tpu.enqueue_indirect_dma source(%arg18 : memref<125x64xf32, #tpu.memory_space<vmem>>) target(%dma_start3A_241 : memref<10240x64xf32, #tpu.memory_space<vmem_shared>>) offsets(%dma_start3A_238 : memref<125xi32, #tpu.memory_space<vmem>>) semaphore(%arg30 : memref<!tpu.dma_semaphore, #tpu.memory_space<semaphore_mem>>) {add = true}
      }
      %scan3A_99 = arith.constant 32 : i32
      %dma_wait3A_100 = arith.constant 159 : i32
      %dma_wait3A_101 = arith.constant 0 : i32
      %dma_wait3A_102 = tpu.memref_slice %arg13[%dma_wait3A_100, %dma_wait3A_101] : memref<160x125xi32, #tpu.memory_space<vmem>> -> memref<1x125xi32, #tpu.memory_space<vmem>>
      %dma_wait3A_103 = tpu.memref_squeeze %dma_wait3A_102 : memref<1x125xi32, #tpu.memory_space<vmem>> -> memref<125xi32, #tpu.memory_space<vmem>>
      %dma_wait3A_104 = arith.constant 0 : i32
      %dma_wait3A_105 = arith.constant 0 : i32
      %dma_wait3A_106 = tpu.memref_slice %arg20[%dma_wait3A_104, %dma_wait3A_105] : memref<10240x64xf32, #tpu.memory_space<vmem_shared>> -> memref<10240x64xf32, #tpu.memory_space<vmem_shared>>
      tpu.wait_indirect_dma semaphore(%arg30 : memref<!tpu.dma_semaphore, #tpu.memory_space<semaphore_mem>>) src(%arg18 : memref<125x64xf32, #tpu.memory_space<vmem>>) dst(%dma_wait3A_106 : memref<10240x64xf32, #tpu.memory_space<vmem_shared>>)
      %barrier3A_107 = arith.constant 0 : index
      tpu.barrier barrier_id(%barrier3A_107)
      "tpu.region"() ({
        %run_scoped3A_108 = tpu.sem_alloc : memref<!tpu.dma_semaphore, #tpu.memory_space<semaphore_mem>>
        %dma_start3A_109 = arith.constant 0 : i32
        %dma_start3A_110 = tpu.memref_slice %arg9[%mul3A_0, %dma_start3A_109] : memref<10240x64xf32, #tpu.memory_space<hbm>> -> memref<640x64xf32, #tpu.memory_space<hbm>>
        %dma_start3A_111 = arith.constant 0 : i32
        %dma_start3A_112 = tpu.memref_slice %arg20[%mul3A_0, %dma_start3A_111] : memref<10240x64xf32, #tpu.memory_space<vmem_shared>> -> memref<640x64xf32, #tpu.memory_space<vmem_shared>>
        tpu.enqueue_dma source(%dma_start3A_112 : memref<640x64xf32, #tpu.memory_space<vmem_shared>>) target(%dma_start3A_110 : memref<640x64xf32, #tpu.memory_space<hbm>>) target_semaphore(%run_scoped3A_108 : memref<!tpu.dma_semaphore, #tpu.memory_space<semaphore_mem>>)
        %dma_wait3A_113 = arith.constant 0 : i32
        %dma_wait3A_114 = tpu.memref_slice %arg9[%mul3A_0, %dma_wait3A_113] : memref<10240x64xf32, #tpu.memory_space<hbm>> -> memref<640x64xf32, #tpu.memory_space<hbm>>
        %dma_wait3A_115 = arith.constant 0 : i32
        %dma_wait3A_116 = tpu.memref_slice %arg20[%mul3A_0, %dma_wait3A_115] : memref<10240x64xf32, #tpu.memory_space<vmem_shared>> -> memref<640x64xf32, #tpu.memory_space<vmem_shared>>
        tpu.wait_dma2 semaphore(%run_scoped3A_108 : memref<!tpu.dma_semaphore, #tpu.memory_space<semaphore_mem>>) src(%dma_wait3A_116 : memref<640x64xf32, #tpu.memory_space<vmem_shared>>) dst(%dma_wait3A_114 : memref<640x64xf32, #tpu.memory_space<hbm>>)
        tpu.yield
      }) : () -> ()
    } else {
    }
    %eq3A_17 = arith.constant 1 : i32
    %eq3A_18 = arith.cmpi eq, %arg0, %eq3A_17 : i32
    %convert_element_type3A_19 = arith.extui %eq3A_18 : i1 to i32
    %cond3A_20 = arith.constant 0 : i32
    %cond3A_21 = arith.cmpi ne, %convert_element_type3A_19, %cond3A_20 : i32
    scf.if %cond3A_21 {
      %dma_start3A = arith.constant 0 : i32
      %dma_start3A_22 = arith.constant 0 : i32
      %dma_start3A_23 = tpu.memref_slice %arg12[%dma_start3A, %dma_start3A_22] : memref<160x125xi32, #tpu.memory_space<vmem>> -> memref<1x125xi32, #tpu.memory_space<vmem>>
      %dma_start3A_24 = tpu.memref_squeeze %dma_start3A_23 : memref<1x125xi32, #tpu.memory_space<vmem>> -> memref<125xi32, #tpu.memory_space<vmem>>
      %dma_start3A_25 = arith.constant 0 : i32
      %dma_start3A_26 = arith.constant 0 : i32
      %dma_start3A_27 = tpu.memref_slice %arg4[%dma_start3A_25, %dma_start3A_26] : memref<10000x64xf32, #tpu.memory_space<hbm>> -> memref<10000x64xf32, #tpu.memory_space<hbm>>
      tpu.enqueue_indirect_dma source(%dma_start3A_27 : memref<10000x64xf32, #tpu.memory_space<hbm>>) target(%arg14 : memref<125x64xf32, #tpu.memory_space<vmem>>) offsets(%dma_start3A_24 : memref<125xi32, #tpu.memory_space<vmem>>) semaphore(%arg21 : memref<!tpu.dma_semaphore, #tpu.memory_space<semaphore_mem>>)
      %dma_start3A_28 = arith.constant 1 : i32
      %dma_start3A_29 = arith.constant 0 : i32
      %dma_start3A_30 = tpu.memref_slice %arg12[%dma_start3A_28, %dma_start3A_29] : memref<160x125xi32, #tpu.memory_space<vmem>> -> memref<1x125xi32, #tpu.memory_space<vmem>>
      %dma_start3A_31 = tpu.memref_squeeze %dma_start3A_30 : memref<1x125xi32, #tpu.memory_space<vmem>> -> memref<125xi32, #tpu.memory_space<vmem>>
      %dma_start3A_32 = arith.constant 0 : i32
      %dma_start3A_33 = arith.constant 0 : i32
      %dma_start3A_34 = tpu.memref_slice %arg4[%dma_start3A_32, %dma_start3A_33] : memref<10000x64xf32, #tpu.memory_space<hbm>> -> memref<10000x64xf32, #tpu.memory_space<hbm>>
      tpu.enqueue_indirect_dma source(%dma_start3A_34 : memref<10000x64xf32, #tpu.memory_space<hbm>>) target(%arg15 : memref<125x64xf32, #tpu.memory_space<vmem>>) offsets(%dma_start3A_31 : memref<125xi32, #tpu.memory_space<vmem>>) semaphore(%arg22 : memref<!tpu.dma_semaphore, #tpu.memory_space<semaphore_mem>>)
      %dma_start3A_35 = arith.constant 2 : i32
      %dma_start3A_36 = arith.constant 0 : i32
      %dma_start3A_37 = tpu.memref_slice %arg12[%dma_start3A_35, %dma_start3A_36] : memref<160x125xi32, #tpu.memory_space<vmem>> -> memref<1x125xi32, #tpu.memory_space<vmem>>
      %dma_start3A_38 = tpu.memref_squeeze %dma_start3A_37 : memref<1x125xi32, #tpu.memory_space<vmem>> -> memref<125xi32, #tpu.memory_space<vmem>>
      %dma_start3A_39 = arith.constant 0 : i32
      %dma_start3A_40 = arith.constant 0 : i32
      %dma_start3A_41 = tpu.memref_slice %arg4[%dma_start3A_39, %dma_start3A_40] : memref<10000x64xf32, #tpu.memory_space<hbm>> -> memref<10000x64xf32, #tpu.memory_space<hbm>>
      tpu.enqueue_indirect_dma source(%dma_start3A_41 : memref<10000x64xf32, #tpu.memory_space<hbm>>) target(%arg16 : memref<125x64xf32, #tpu.memory_space<vmem>>) offsets(%dma_start3A_38 : memref<125xi32, #tpu.memory_space<vmem>>) semaphore(%arg23 : memref<!tpu.dma_semaphore, #tpu.memory_space<semaphore_mem>>)
      %dma_start3A_42 = arith.constant 3 : i32
      %dma_start3A_43 = arith.constant 0 : i32
      %dma_start3A_44 = tpu.memref_slice %arg12[%dma_start3A_42, %dma_start3A_43] : memref<160x125xi32, #tpu.memory_space<vmem>> -> memref<1x125xi32, #tpu.memory_space<vmem>>
      %dma_start3A_45 = tpu.memref_squeeze %dma_start3A_44 : memref<1x125xi32, #tpu.memory_space<vmem>> -> memref<125xi32, #tpu.memory_space<vmem>>
      %dma_start3A_46 = arith.constant 0 : i32
      %dma_start3A_47 = arith.constant 0 : i32
      %dma_start3A_48 = tpu.memref_slice %arg4[%dma_start3A_46, %dma_start3A_47] : memref<10000x64xf32, #tpu.memory_space<hbm>> -> memref<10000x64xf32, #tpu.memory_space<hbm>>
      tpu.enqueue_indirect_dma source(%dma_start3A_48 : memref<10000x64xf32, #tpu.memory_space<hbm>>) target(%arg17 : memref<125x64xf32, #tpu.memory_space<vmem>>) offsets(%dma_start3A_45 : memref<125xi32, #tpu.memory_space<vmem>>) semaphore(%arg24 : memref<!tpu.dma_semaphore, #tpu.memory_space<semaphore_mem>>)
      %scan3A_49 = arith.constant 0 : i32
      %scan3A_50 = arith.constant 32 : i32
      %scan3A_51 = arith.addi %scan3A_49, %scan3A_50 : i32
      %scan3A_52 = arith.constant 1 : i32
      scf.for %scan3A_108 = %scan3A_49 to %scan3A_51 step %scan3A_52  : i32 {
        %mul3A_109 = arith.constant 1 : i32
        %mul3A_110 = arith.muli %scan3A_108, %mul3A_109 : i32
        %add3A = arith.constant 0 : i32
        %add3A_111 = arith.addi %add3A, %mul3A_110 : i32
        %mul3A_112 = arith.constant 5 : i32
        %mul3A_113 = arith.muli %mul3A_112, %add3A_111 : i32
        %add3A_114 = arith.constant 0 : i32
        %add3A_115 = arith.addi %mul3A_113, %add3A_114 : i32
        %dma_wait3A_116 = arith.constant 0 : i32
        %dma_wait3A_117 = tpu.memref_slice %arg12[%add3A_115, %dma_wait3A_116] : memref<160x125xi32, #tpu.memory_space<vmem>> -> memref<1x125xi32, #tpu.memory_space<vmem>>
        %dma_wait3A_118 = tpu.memref_squeeze %dma_wait3A_117 : memref<1x125xi32, #tpu.memory_space<vmem>> -> memref<125xi32, #tpu.memory_space<vmem>>
        %dma_wait3A_119 = arith.constant 0 : i32
        %dma_wait3A_120 = arith.constant 0 : i32
        %dma_wait3A_121 = tpu.memref_slice %arg4[%dma_wait3A_119, %dma_wait3A_120] : memref<10000x64xf32, #tpu.memory_space<hbm>> -> memref<10000x64xf32, #tpu.memory_space<hbm>>
        tpu.wait_indirect_dma semaphore(%arg21 : memref<!tpu.dma_semaphore, #tpu.memory_space<semaphore_mem>>) src(%dma_wait3A_121 : memref<10000x64xf32, #tpu.memory_space<hbm>>) dst(%arg14 : memref<125x64xf32, #tpu.memory_space<vmem>>)
        %ge3A = arith.constant 1 : i32
        %ge3A_122 = arith.cmpi sge, %add3A_115, %ge3A : i32
        %convert_element_type3A_123 = arith.extui %ge3A_122 : i1 to i32
        %cond3A_124 = arith.constant 0 : i32
        %cond3A_125 = arith.cmpi ne, %convert_element_type3A_123, %cond3A_124 : i32
        scf.if %cond3A_125 {
          %sub3A = arith.constant 1 : i32
          %sub3A_242 = arith.subi %add3A_115, %sub3A : i32
          %dma_wait3A_243 = arith.constant 0 : i32
          %dma_wait3A_244 = tpu.memref_slice %arg13[%sub3A_242, %dma_wait3A_243] : memref<160x125xi32, #tpu.memory_space<vmem>> -> memref<1x125xi32, #tpu.memory_space<vmem>>
          %dma_wait3A_245 = tpu.memref_squeeze %dma_wait3A_244 : memref<1x125xi32, #tpu.memory_space<vmem>> -> memref<125xi32, #tpu.memory_space<vmem>>
          %dma_wait3A_246 = arith.constant 0 : i32
          %dma_wait3A_247 = arith.constant 0 : i32
          %dma_wait3A_248 = tpu.memref_slice %arg20[%dma_wait3A_246, %dma_wait3A_247] : memref<10240x64xf32, #tpu.memory_space<vmem_shared>> -> memref<10240x64xf32, #tpu.memory_space<vmem_shared>>
          tpu.wait_indirect_dma semaphore(%arg30 : memref<!tpu.dma_semaphore, #tpu.memory_space<semaphore_mem>>) src(%arg18 : memref<125x64xf32, #tpu.memory_space<vmem>>) dst(%dma_wait3A_248 : memref<10240x64xf32, #tpu.memory_space<vmem_shared>>)
        } else {
        }
        %add3A_126 = arith.constant 4 : i32
        %add3A_127 = arith.addi %add3A_115, %add3A_126 : i32
        %lt3A = arith.constant 160 : i32
        %lt3A_128 = arith.cmpi slt, %add3A_127, %lt3A : i32
        %convert_element_type3A_129 = arith.extui %lt3A_128 : i1 to i32
        %cond3A_130 = arith.constant 0 : i32
        %cond3A_131 = arith.cmpi ne, %convert_element_type3A_129, %cond3A_130 : i32
        scf.if %cond3A_131 {
          %add3A_242 = arith.constant 4 : i32
          %add3A_243 = arith.addi %add3A_115, %add3A_242 : i32
          %dma_start3A_244 = arith.constant 0 : i32
          %dma_start3A_245 = tpu.memref_slice %arg12[%add3A_243, %dma_start3A_244] : memref<160x125xi32, #tpu.memory_space<vmem>> -> memref<1x125xi32, #tpu.memory_space<vmem>>
          %dma_start3A_246 = tpu.memref_squeeze %dma_start3A_245 : memref<1x125xi32, #tpu.memory_space<vmem>> -> memref<125xi32, #tpu.memory_space<vmem>>
          %dma_start3A_247 = arith.constant 0 : i32
          %dma_start3A_248 = arith.constant 0 : i32
          %dma_start3A_249 = tpu.memref_slice %arg4[%dma_start3A_247, %dma_start3A_248] : memref<10000x64xf32, #tpu.memory_space<hbm>> -> memref<10000x64xf32, #tpu.memory_space<hbm>>
          tpu.enqueue_indirect_dma source(%dma_start3A_249 : memref<10000x64xf32, #tpu.memory_space<hbm>>) target(%arg18 : memref<125x64xf32, #tpu.memory_space<vmem>>) offsets(%dma_start3A_246 : memref<125xi32, #tpu.memory_space<vmem>>) semaphore(%arg25 : memref<!tpu.dma_semaphore, #tpu.memory_space<semaphore_mem>>)
        } else {
        }
        %dma_start3A_132 = arith.constant 0 : i32
        %dma_start3A_133 = tpu.memref_slice %arg13[%add3A_115, %dma_start3A_132] : memref<160x125xi32, #tpu.memory_space<vmem>> -> memref<1x125xi32, #tpu.memory_space<vmem>>
        %dma_start3A_134 = tpu.memref_squeeze %dma_start3A_133 : memref<1x125xi32, #tpu.memory_space<vmem>> -> memref<125xi32, #tpu.memory_space<vmem>>
        %dma_start3A_135 = arith.constant 0 : i32
        %dma_start3A_136 = arith.constant 0 : i32
        %dma_start3A_137 = tpu.memref_slice %arg20[%dma_start3A_135, %dma_start3A_136] : memref<10240x64xf32, #tpu.memory_space<vmem_shared>> -> memref<10240x64xf32, #tpu.memory_space<vmem_shared>>
        tpu.enqueue_indirect_dma source(%arg14 : memref<125x64xf32, #tpu.memory_space<vmem>>) target(%dma_start3A_137 : memref<10240x64xf32, #tpu.memory_space<vmem_shared>>) offsets(%dma_start3A_134 : memref<125xi32, #tpu.memory_space<vmem>>) semaphore(%arg26 : memref<!tpu.dma_semaphore, #tpu.memory_space<semaphore_mem>>) {add = true}
        %add3A_138 = arith.constant 1 : i32
        %add3A_139 = arith.addi %mul3A_113, %add3A_138 : i32
        %dma_wait3A_140 = arith.constant 0 : i32
        %dma_wait3A_141 = tpu.memref_slice %arg12[%add3A_139, %dma_wait3A_140] : memref<160x125xi32, #tpu.memory_space<vmem>> -> memref<1x125xi32, #tpu.memory_space<vmem>>
        %dma_wait3A_142 = tpu.memref_squeeze %dma_wait3A_141 : memref<1x125xi32, #tpu.memory_space<vmem>> -> memref<125xi32, #tpu.memory_space<vmem>>
        %dma_wait3A_143 = arith.constant 0 : i32
        %dma_wait3A_144 = arith.constant 0 : i32
        %dma_wait3A_145 = tpu.memref_slice %arg4[%dma_wait3A_143, %dma_wait3A_144] : memref<10000x64xf32, #tpu.memory_space<hbm>> -> memref<10000x64xf32, #tpu.memory_space<hbm>>
        tpu.wait_indirect_dma semaphore(%arg22 : memref<!tpu.dma_semaphore, #tpu.memory_space<semaphore_mem>>) src(%dma_wait3A_145 : memref<10000x64xf32, #tpu.memory_space<hbm>>) dst(%arg15 : memref<125x64xf32, #tpu.memory_space<vmem>>)
        %ge3A_146 = arith.constant 1 : i32
        %ge3A_147 = arith.cmpi sge, %add3A_139, %ge3A_146 : i32
        %convert_element_type3A_148 = arith.extui %ge3A_147 : i1 to i32
        %cond3A_149 = arith.constant 0 : i32
        %cond3A_150 = arith.cmpi ne, %convert_element_type3A_148, %cond3A_149 : i32
        scf.if %cond3A_150 {
          %sub3A = arith.constant 1 : i32
          %sub3A_242 = arith.subi %add3A_139, %sub3A : i32
          %dma_wait3A_243 = arith.constant 0 : i32
          %dma_wait3A_244 = tpu.memref_slice %arg13[%sub3A_242, %dma_wait3A_243] : memref<160x125xi32, #tpu.memory_space<vmem>> -> memref<1x125xi32, #tpu.memory_space<vmem>>
          %dma_wait3A_245 = tpu.memref_squeeze %dma_wait3A_244 : memref<1x125xi32, #tpu.memory_space<vmem>> -> memref<125xi32, #tpu.memory_space<vmem>>
          %dma_wait3A_246 = arith.constant 0 : i32
          %dma_wait3A_247 = arith.constant 0 : i32
          %dma_wait3A_248 = tpu.memref_slice %arg20[%dma_wait3A_246, %dma_wait3A_247] : memref<10240x64xf32, #tpu.memory_space<vmem_shared>> -> memref<10240x64xf32, #tpu.memory_space<vmem_shared>>
          tpu.wait_indirect_dma semaphore(%arg26 : memref<!tpu.dma_semaphore, #tpu.memory_space<semaphore_mem>>) src(%arg14 : memref<125x64xf32, #tpu.memory_space<vmem>>) dst(%dma_wait3A_248 : memref<10240x64xf32, #tpu.memory_space<vmem_shared>>)
        } else {
        }
        %add3A_151 = arith.constant 4 : i32
        %add3A_152 = arith.addi %add3A_139, %add3A_151 : i32
        %lt3A_153 = arith.constant 160 : i32
        %lt3A_154 = arith.cmpi slt, %add3A_152, %lt3A_153 : i32
        %convert_element_type3A_155 = arith.extui %lt3A_154 : i1 to i32
        %cond3A_156 = arith.constant 0 : i32
        %cond3A_157 = arith.cmpi ne, %convert_element_type3A_155, %cond3A_156 : i32
        scf.if %cond3A_157 {
          %add3A_242 = arith.constant 4 : i32
          %add3A_243 = arith.addi %add3A_139, %add3A_242 : i32
          %dma_start3A_244 = arith.constant 0 : i32
          %dma_start3A_245 = tpu.memref_slice %arg12[%add3A_243, %dma_start3A_244] : memref<160x125xi32, #tpu.memory_space<vmem>> -> memref<1x125xi32, #tpu.memory_space<vmem>>
          %dma_start3A_246 = tpu.memref_squeeze %dma_start3A_245 : memref<1x125xi32, #tpu.memory_space<vmem>> -> memref<125xi32, #tpu.memory_space<vmem>>
          %dma_start3A_247 = arith.constant 0 : i32
          %dma_start3A_248 = arith.constant 0 : i32
          %dma_start3A_249 = tpu.memref_slice %arg4[%dma_start3A_247, %dma_start3A_248] : memref<10000x64xf32, #tpu.memory_space<hbm>> -> memref<10000x64xf32, #tpu.memory_space<hbm>>
          tpu.enqueue_indirect_dma source(%dma_start3A_249 : memref<10000x64xf32, #tpu.memory_space<hbm>>) target(%arg14 : memref<125x64xf32, #tpu.memory_space<vmem>>) offsets(%dma_start3A_246 : memref<125xi32, #tpu.memory_space<vmem>>) semaphore(%arg21 : memref<!tpu.dma_semaphore, #tpu.memory_space<semaphore_mem>>)
        } else {
        }
        %dma_start3A_158 = arith.constant 0 : i32
        %dma_start3A_159 = tpu.memref_slice %arg13[%add3A_139, %dma_start3A_158] : memref<160x125xi32, #tpu.memory_space<vmem>> -> memref<1x125xi32, #tpu.memory_space<vmem>>
        %dma_start3A_160 = tpu.memref_squeeze %dma_start3A_159 : memref<1x125xi32, #tpu.memory_space<vmem>> -> memref<125xi32, #tpu.memory_space<vmem>>
        %dma_start3A_161 = arith.constant 0 : i32
        %dma_start3A_162 = arith.constant 0 : i32
        %dma_start3A_163 = tpu.memref_slice %arg20[%dma_start3A_161, %dma_start3A_162] : memref<10240x64xf32, #tpu.memory_space<vmem_shared>> -> memref<10240x64xf32, #tpu.memory_space<vmem_shared>>
        tpu.enqueue_indirect_dma source(%arg15 : memref<125x64xf32, #tpu.memory_space<vmem>>) target(%dma_start3A_163 : memref<10240x64xf32, #tpu.memory_space<vmem_shared>>) offsets(%dma_start3A_160 : memref<125xi32, #tpu.memory_space<vmem>>) semaphore(%arg27 : memref<!tpu.dma_semaphore, #tpu.memory_space<semaphore_mem>>) {add = true}
        %add3A_164 = arith.constant 2 : i32
        %add3A_165 = arith.addi %mul3A_113, %add3A_164 : i32
        %dma_wait3A_166 = arith.constant 0 : i32
        %dma_wait3A_167 = tpu.memref_slice %arg12[%add3A_165, %dma_wait3A_166] : memref<160x125xi32, #tpu.memory_space<vmem>> -> memref<1x125xi32, #tpu.memory_space<vmem>>
        %dma_wait3A_168 = tpu.memref_squeeze %dma_wait3A_167 : memref<1x125xi32, #tpu.memory_space<vmem>> -> memref<125xi32, #tpu.memory_space<vmem>>
        %dma_wait3A_169 = arith.constant 0 : i32
        %dma_wait3A_170 = arith.constant 0 : i32
        %dma_wait3A_171 = tpu.memref_slice %arg4[%dma_wait3A_169, %dma_wait3A_170] : memref<10000x64xf32, #tpu.memory_space<hbm>> -> memref<10000x64xf32, #tpu.memory_space<hbm>>
        tpu.wait_indirect_dma semaphore(%arg23 : memref<!tpu.dma_semaphore, #tpu.memory_space<semaphore_mem>>) src(%dma_wait3A_171 : memref<10000x64xf32, #tpu.memory_space<hbm>>) dst(%arg16 : memref<125x64xf32, #tpu.memory_space<vmem>>)
        %ge3A_172 = arith.constant 1 : i32
        %ge3A_173 = arith.cmpi sge, %add3A_165, %ge3A_172 : i32
        %convert_element_type3A_174 = arith.extui %ge3A_173 : i1 to i32
        %cond3A_175 = arith.constant 0 : i32
        %cond3A_176 = arith.cmpi ne, %convert_element_type3A_174, %cond3A_175 : i32
        scf.if %cond3A_176 {
          %sub3A = arith.constant 1 : i32
          %sub3A_242 = arith.subi %add3A_165, %sub3A : i32
          %dma_wait3A_243 = arith.constant 0 : i32
          %dma_wait3A_244 = tpu.memref_slice %arg13[%sub3A_242, %dma_wait3A_243] : memref<160x125xi32, #tpu.memory_space<vmem>> -> memref<1x125xi32, #tpu.memory_space<vmem>>
          %dma_wait3A_245 = tpu.memref_squeeze %dma_wait3A_244 : memref<1x125xi32, #tpu.memory_space<vmem>> -> memref<125xi32, #tpu.memory_space<vmem>>
          %dma_wait3A_246 = arith.constant 0 : i32
          %dma_wait3A_247 = arith.constant 0 : i32
          %dma_wait3A_248 = tpu.memref_slice %arg20[%dma_wait3A_246, %dma_wait3A_247] : memref<10240x64xf32, #tpu.memory_space<vmem_shared>> -> memref<10240x64xf32, #tpu.memory_space<vmem_shared>>
          tpu.wait_indirect_dma semaphore(%arg27 : memref<!tpu.dma_semaphore, #tpu.memory_space<semaphore_mem>>) src(%arg15 : memref<125x64xf32, #tpu.memory_space<vmem>>) dst(%dma_wait3A_248 : memref<10240x64xf32, #tpu.memory_space<vmem_shared>>)
        } else {
        }
        %add3A_177 = arith.constant 4 : i32
        %add3A_178 = arith.addi %add3A_165, %add3A_177 : i32
        %lt3A_179 = arith.constant 160 : i32
        %lt3A_180 = arith.cmpi slt, %add3A_178, %lt3A_179 : i32
        %convert_element_type3A_181 = arith.extui %lt3A_180 : i1 to i32
        %cond3A_182 = arith.constant 0 : i32
        %cond3A_183 = arith.cmpi ne, %convert_element_type3A_181, %cond3A_182 : i32
        scf.if %cond3A_183 {
          %add3A_242 = arith.constant 4 : i32
          %add3A_243 = arith.addi %add3A_165, %add3A_242 : i32
          %dma_start3A_244 = arith.constant 0 : i32
          %dma_start3A_245 = tpu.memref_slice %arg12[%add3A_243, %dma_start3A_244] : memref<160x125xi32, #tpu.memory_space<vmem>> -> memref<1x125xi32, #tpu.memory_space<vmem>>
          %dma_start3A_246 = tpu.memref_squeeze %dma_start3A_245 : memref<1x125xi32, #tpu.memory_space<vmem>> -> memref<125xi32, #tpu.memory_space<vmem>>
          %dma_start3A_247 = arith.constant 0 : i32
          %dma_start3A_248 = arith.constant 0 : i32
          %dma_start3A_249 = tpu.memref_slice %arg4[%dma_start3A_247, %dma_start3A_248] : memref<10000x64xf32, #tpu.memory_space<hbm>> -> memref<10000x64xf32, #tpu.memory_space<hbm>>
          tpu.enqueue_indirect_dma source(%dma_start3A_249 : memref<10000x64xf32, #tpu.memory_space<hbm>>) target(%arg15 : memref<125x64xf32, #tpu.memory_space<vmem>>) offsets(%dma_start3A_246 : memref<125xi32, #tpu.memory_space<vmem>>) semaphore(%arg22 : memref<!tpu.dma_semaphore, #tpu.memory_space<semaphore_mem>>)
        } else {
        }
        %dma_start3A_184 = arith.constant 0 : i32
        %dma_start3A_185 = tpu.memref_slice %arg13[%add3A_165, %dma_start3A_184] : memref<160x125xi32, #tpu.memory_space<vmem>> -> memref<1x125xi32, #tpu.memory_space<vmem>>
        %dma_start3A_186 = tpu.memref_squeeze %dma_start3A_185 : memref<1x125xi32, #tpu.memory_space<vmem>> -> memref<125xi32, #tpu.memory_space<vmem>>
        %dma_start3A_187 = arith.constant 0 : i32
        %dma_start3A_188 = arith.constant 0 : i32
        %dma_start3A_189 = tpu.memref_slice %arg20[%dma_start3A_187, %dma_start3A_188] : memref<10240x64xf32, #tpu.memory_space<vmem_shared>> -> memref<10240x64xf32, #tpu.memory_space<vmem_shared>>
        tpu.enqueue_indirect_dma source(%arg16 : memref<125x64xf32, #tpu.memory_space<vmem>>) target(%dma_start3A_189 : memref<10240x64xf32, #tpu.memory_space<vmem_shared>>) offsets(%dma_start3A_186 : memref<125xi32, #tpu.memory_space<vmem>>) semaphore(%arg28 : memref<!tpu.dma_semaphore, #tpu.memory_space<semaphore_mem>>) {add = true}
        %add3A_190 = arith.constant 3 : i32
        %add3A_191 = arith.addi %mul3A_113, %add3A_190 : i32
        %dma_wait3A_192 = arith.constant 0 : i32
        %dma_wait3A_193 = tpu.memref_slice %arg12[%add3A_191, %dma_wait3A_192] : memref<160x125xi32, #tpu.memory_space<vmem>> -> memref<1x125xi32, #tpu.memory_space<vmem>>
        %dma_wait3A_194 = tpu.memref_squeeze %dma_wait3A_193 : memref<1x125xi32, #tpu.memory_space<vmem>> -> memref<125xi32, #tpu.memory_space<vmem>>
        %dma_wait3A_195 = arith.constant 0 : i32
        %dma_wait3A_196 = arith.constant 0 : i32
        %dma_wait3A_197 = tpu.memref_slice %arg4[%dma_wait3A_195, %dma_wait3A_196] : memref<10000x64xf32, #tpu.memory_space<hbm>> -> memref<10000x64xf32, #tpu.memory_space<hbm>>
        tpu.wait_indirect_dma semaphore(%arg24 : memref<!tpu.dma_semaphore, #tpu.memory_space<semaphore_mem>>) src(%dma_wait3A_197 : memref<10000x64xf32, #tpu.memory_space<hbm>>) dst(%arg17 : memref<125x64xf32, #tpu.memory_space<vmem>>)
        %ge3A_198 = arith.constant 1 : i32
        %ge3A_199 = arith.cmpi sge, %add3A_191, %ge3A_198 : i32
        %convert_element_type3A_200 = arith.extui %ge3A_199 : i1 to i32
        %cond3A_201 = arith.constant 0 : i32
        %cond3A_202 = arith.cmpi ne, %convert_element_type3A_200, %cond3A_201 : i32
        scf.if %cond3A_202 {
          %sub3A = arith.constant 1 : i32
          %sub3A_242 = arith.subi %add3A_191, %sub3A : i32
          %dma_wait3A_243 = arith.constant 0 : i32
          %dma_wait3A_244 = tpu.memref_slice %arg13[%sub3A_242, %dma_wait3A_243] : memref<160x125xi32, #tpu.memory_space<vmem>> -> memref<1x125xi32, #tpu.memory_space<vmem>>
          %dma_wait3A_245 = tpu.memref_squeeze %dma_wait3A_244 : memref<1x125xi32, #tpu.memory_space<vmem>> -> memref<125xi32, #tpu.memory_space<vmem>>
          %dma_wait3A_246 = arith.constant 0 : i32
          %dma_wait3A_247 = arith.constant 0 : i32
          %dma_wait3A_248 = tpu.memref_slice %arg20[%dma_wait3A_246, %dma_wait3A_247] : memref<10240x64xf32, #tpu.memory_space<vmem_shared>> -> memref<10240x64xf32, #tpu.memory_space<vmem_shared>>
          tpu.wait_indirect_dma semaphore(%arg28 : memref<!tpu.dma_semaphore, #tpu.memory_space<semaphore_mem>>) src(%arg16 : memref<125x64xf32, #tpu.memory_space<vmem>>) dst(%dma_wait3A_248 : memref<10240x64xf32, #tpu.memory_space<vmem_shared>>)
        } else {
        }
        %add3A_203 = arith.constant 4 : i32
        %add3A_204 = arith.addi %add3A_191, %add3A_203 : i32
        %lt3A_205 = arith.constant 160 : i32
        %lt3A_206 = arith.cmpi slt, %add3A_204, %lt3A_205 : i32
        %convert_element_type3A_207 = arith.extui %lt3A_206 : i1 to i32
        %cond3A_208 = arith.constant 0 : i32
        %cond3A_209 = arith.cmpi ne, %convert_element_type3A_207, %cond3A_208 : i32
        scf.if %cond3A_209 {
          %add3A_242 = arith.constant 4 : i32
          %add3A_243 = arith.addi %add3A_191, %add3A_242 : i32
          %dma_start3A_244 = arith.constant 0 : i32
          %dma_start3A_245 = tpu.memref_slice %arg12[%add3A_243, %dma_start3A_244] : memref<160x125xi32, #tpu.memory_space<vmem>> -> memref<1x125xi32, #tpu.memory_space<vmem>>
          %dma_start3A_246 = tpu.memref_squeeze %dma_start3A_245 : memref<1x125xi32, #tpu.memory_space<vmem>> -> memref<125xi32, #tpu.memory_space<vmem>>
          %dma_start3A_247 = arith.constant 0 : i32
          %dma_start3A_248 = arith.constant 0 : i32
          %dma_start3A_249 = tpu.memref_slice %arg4[%dma_start3A_247, %dma_start3A_248] : memref<10000x64xf32, #tpu.memory_space<hbm>> -> memref<10000x64xf32, #tpu.memory_space<hbm>>
          tpu.enqueue_indirect_dma source(%dma_start3A_249 : memref<10000x64xf32, #tpu.memory_space<hbm>>) target(%arg16 : memref<125x64xf32, #tpu.memory_space<vmem>>) offsets(%dma_start3A_246 : memref<125xi32, #tpu.memory_space<vmem>>) semaphore(%arg23 : memref<!tpu.dma_semaphore, #tpu.memory_space<semaphore_mem>>)
        } else {
        }
        %dma_start3A_210 = arith.constant 0 : i32
        %dma_start3A_211 = tpu.memref_slice %arg13[%add3A_191, %dma_start3A_210] : memref<160x125xi32, #tpu.memory_space<vmem>> -> memref<1x125xi32, #tpu.memory_space<vmem>>
        %dma_start3A_212 = tpu.memref_squeeze %dma_start3A_211 : memref<1x125xi32, #tpu.memory_space<vmem>> -> memref<125xi32, #tpu.memory_space<vmem>>
        %dma_start3A_213 = arith.constant 0 : i32
        %dma_start3A_214 = arith.constant 0 : i32
        %dma_start3A_215 = tpu.memref_slice %arg20[%dma_start3A_213, %dma_start3A_214] : memref<10240x64xf32, #tpu.memory_space<vmem_shared>> -> memref<10240x64xf32, #tpu.memory_space<vmem_shared>>
        tpu.enqueue_indirect_dma source(%arg17 : memref<125x64xf32, #tpu.memory_space<vmem>>) target(%dma_start3A_215 : memref<10240x64xf32, #tpu.memory_space<vmem_shared>>) offsets(%dma_start3A_212 : memref<125xi32, #tpu.memory_space<vmem>>) semaphore(%arg29 : memref<!tpu.dma_semaphore, #tpu.memory_space<semaphore_mem>>) {add = true}
        %add3A_216 = arith.constant 4 : i32
        %add3A_217 = arith.addi %mul3A_113, %add3A_216 : i32
        %dma_wait3A_218 = arith.constant 0 : i32
        %dma_wait3A_219 = tpu.memref_slice %arg12[%add3A_217, %dma_wait3A_218] : memref<160x125xi32, #tpu.memory_space<vmem>> -> memref<1x125xi32, #tpu.memory_space<vmem>>
        %dma_wait3A_220 = tpu.memref_squeeze %dma_wait3A_219 : memref<1x125xi32, #tpu.memory_space<vmem>> -> memref<125xi32, #tpu.memory_space<vmem>>
        %dma_wait3A_221 = arith.constant 0 : i32
        %dma_wait3A_222 = arith.constant 0 : i32
        %dma_wait3A_223 = tpu.memref_slice %arg4[%dma_wait3A_221, %dma_wait3A_222] : memref<10000x64xf32, #tpu.memory_space<hbm>> -> memref<10000x64xf32, #tpu.memory_space<hbm>>
        tpu.wait_indirect_dma semaphore(%arg25 : memref<!tpu.dma_semaphore, #tpu.memory_space<semaphore_mem>>) src(%dma_wait3A_223 : memref<10000x64xf32, #tpu.memory_space<hbm>>) dst(%arg18 : memref<125x64xf32, #tpu.memory_space<vmem>>)
        %ge3A_224 = arith.constant 1 : i32
        %ge3A_225 = arith.cmpi sge, %add3A_217, %ge3A_224 : i32
        %convert_element_type3A_226 = arith.extui %ge3A_225 : i1 to i32
        %cond3A_227 = arith.constant 0 : i32
        %cond3A_228 = arith.cmpi ne, %convert_element_type3A_226, %cond3A_227 : i32
        scf.if %cond3A_228 {
          %sub3A = arith.constant 1 : i32
          %sub3A_242 = arith.subi %add3A_217, %sub3A : i32
          %dma_wait3A_243 = arith.constant 0 : i32
          %dma_wait3A_244 = tpu.memref_slice %arg13[%sub3A_242, %dma_wait3A_243] : memref<160x125xi32, #tpu.memory_space<vmem>> -> memref<1x125xi32, #tpu.memory_space<vmem>>
          %dma_wait3A_245 = tpu.memref_squeeze %dma_wait3A_244 : memref<1x125xi32, #tpu.memory_space<vmem>> -> memref<125xi32, #tpu.memory_space<vmem>>
          %dma_wait3A_246 = arith.constant 0 : i32
          %dma_wait3A_247 = arith.constant 0 : i32
          %dma_wait3A_248 = tpu.memref_slice %arg20[%dma_wait3A_246, %dma_wait3A_247] : memref<10240x64xf32, #tpu.memory_space<vmem_shared>> -> memref<10240x64xf32, #tpu.memory_space<vmem_shared>>
          tpu.wait_indirect_dma semaphore(%arg29 : memref<!tpu.dma_semaphore, #tpu.memory_space<semaphore_mem>>) src(%arg17 : memref<125x64xf32, #tpu.memory_space<vmem>>) dst(%dma_wait3A_248 : memref<10240x64xf32, #tpu.memory_space<vmem_shared>>)
        } else {
        }
        %add3A_229 = arith.constant 4 : i32
        %add3A_230 = arith.addi %add3A_217, %add3A_229 : i32
        %lt3A_231 = arith.constant 160 : i32
        %lt3A_232 = arith.cmpi slt, %add3A_230, %lt3A_231 : i32
        %convert_element_type3A_233 = arith.extui %lt3A_232 : i1 to i32
        %cond3A_234 = arith.constant 0 : i32
        %cond3A_235 = arith.cmpi ne, %convert_element_type3A_233, %cond3A_234 : i32
        scf.if %cond3A_235 {
          %add3A_242 = arith.constant 4 : i32
          %add3A_243 = arith.addi %add3A_217, %add3A_242 : i32
          %dma_start3A_244 = arith.constant 0 : i32
          %dma_start3A_245 = tpu.memref_slice %arg12[%add3A_243, %dma_start3A_244] : memref<160x125xi32, #tpu.memory_space<vmem>> -> memref<1x125xi32, #tpu.memory_space<vmem>>
          %dma_start3A_246 = tpu.memref_squeeze %dma_start3A_245 : memref<1x125xi32, #tpu.memory_space<vmem>> -> memref<125xi32, #tpu.memory_space<vmem>>
          %dma_start3A_247 = arith.constant 0 : i32
          %dma_start3A_248 = arith.constant 0 : i32
          %dma_start3A_249 = tpu.memref_slice %arg4[%dma_start3A_247, %dma_start3A_248] : memref<10000x64xf32, #tpu.memory_space<hbm>> -> memref<10000x64xf32, #tpu.memory_space<hbm>>
          tpu.enqueue_indirect_dma source(%dma_start3A_249 : memref<10000x64xf32, #tpu.memory_space<hbm>>) target(%arg17 : memref<125x64xf32, #tpu.memory_space<vmem>>) offsets(%dma_start3A_246 : memref<125xi32, #tpu.memory_space<vmem>>) semaphore(%arg24 : memref<!tpu.dma_semaphore, #tpu.memory_space<semaphore_mem>>)
        } else {
        }
        %dma_start3A_236 = arith.constant 0 : i32
        %dma_start3A_237 = tpu.memref_slice %arg13[%add3A_217, %dma_start3A_236] : memref<160x125xi32, #tpu.memory_space<vmem>> -> memref<1x125xi32, #tpu.memory_space<vmem>>
        %dma_start3A_238 = tpu.memref_squeeze %dma_start3A_237 : memref<1x125xi32, #tpu.memory_space<vmem>> -> memref<125xi32, #tpu.memory_space<vmem>>
        %dma_start3A_239 = arith.constant 0 : i32
        %dma_start3A_240 = arith.constant 0 : i32
        %dma_start3A_241 = tpu.memref_slice %arg20[%dma_start3A_239, %dma_start3A_240] : memref<10240x64xf32, #tpu.memory_space<vmem_shared>> -> memref<10240x64xf32, #tpu.memory_space<vmem_shared>>
        tpu.enqueue_indirect_dma source(%arg18 : memref<125x64xf32, #tpu.memory_space<vmem>>) target(%dma_start3A_241 : memref<10240x64xf32, #tpu.memory_space<vmem_shared>>) offsets(%dma_start3A_238 : memref<125xi32, #tpu.memory_space<vmem>>) semaphore(%arg30 : memref<!tpu.dma_semaphore, #tpu.memory_space<semaphore_mem>>) {add = true}
      }
      %scan3A_53 = arith.constant 32 : i32
      %dma_wait3A = arith.constant 159 : i32
      %dma_wait3A_54 = arith.constant 0 : i32
      %dma_wait3A_55 = tpu.memref_slice %arg13[%dma_wait3A, %dma_wait3A_54] : memref<160x125xi32, #tpu.memory_space<vmem>> -> memref<1x125xi32, #tpu.memory_space<vmem>>
      %dma_wait3A_56 = tpu.memref_squeeze %dma_wait3A_55 : memref<1x125xi32, #tpu.memory_space<vmem>> -> memref<125xi32, #tpu.memory_space<vmem>>
      %dma_wait3A_57 = arith.constant 0 : i32
      %dma_wait3A_58 = arith.constant 0 : i32
      %dma_wait3A_59 = tpu.memref_slice %arg20[%dma_wait3A_57, %dma_wait3A_58] : memref<10240x64xf32, #tpu.memory_space<vmem_shared>> -> memref<10240x64xf32, #tpu.memory_space<vmem_shared>>
      tpu.wait_indirect_dma semaphore(%arg30 : memref<!tpu.dma_semaphore, #tpu.memory_space<semaphore_mem>>) src(%arg18 : memref<125x64xf32, #tpu.memory_space<vmem>>) dst(%dma_wait3A_59 : memref<10240x64xf32, #tpu.memory_space<vmem_shared>>)
      %barrier3A_60 = arith.constant 0 : index
      tpu.barrier barrier_id(%barrier3A_60)
      "tpu.region"() ({
        %run_scoped3A_108 = tpu.sem_alloc : memref<!tpu.dma_semaphore, #tpu.memory_space<semaphore_mem>>
        %dma_start3A_109 = arith.constant 0 : i32
        %dma_start3A_110 = tpu.memref_slice %arg10[%mul3A_0, %dma_start3A_109] : memref<10240x64xf32, #tpu.memory_space<hbm>> -> memref<640x64xf32, #tpu.memory_space<hbm>>
        %dma_start3A_111 = arith.constant 0 : i32
        %dma_start3A_112 = tpu.memref_slice %arg20[%mul3A_0, %dma_start3A_111] : memref<10240x64xf32, #tpu.memory_space<vmem_shared>> -> memref<640x64xf32, #tpu.memory_space<vmem_shared>>
        tpu.enqueue_dma source(%dma_start3A_112 : memref<640x64xf32, #tpu.memory_space<vmem_shared>>) target(%dma_start3A_110 : memref<640x64xf32, #tpu.memory_space<hbm>>) target_semaphore(%run_scoped3A_108 : memref<!tpu.dma_semaphore, #tpu.memory_space<semaphore_mem>>)
        %dma_wait3A_113 = arith.constant 0 : i32
        %dma_wait3A_114 = tpu.memref_slice %arg10[%mul3A_0, %dma_wait3A_113] : memref<10240x64xf32, #tpu.memory_space<hbm>> -> memref<640x64xf32, #tpu.memory_space<hbm>>
        %dma_wait3A_115 = arith.constant 0 : i32
        %dma_wait3A_116 = tpu.memref_slice %arg20[%mul3A_0, %dma_wait3A_115] : memref<10240x64xf32, #tpu.memory_space<vmem_shared>> -> memref<640x64xf32, #tpu.memory_space<vmem_shared>>
        tpu.wait_dma2 semaphore(%run_scoped3A_108 : memref<!tpu.dma_semaphore, #tpu.memory_space<semaphore_mem>>) src(%dma_wait3A_116 : memref<640x64xf32, #tpu.memory_space<vmem_shared>>) dst(%dma_wait3A_114 : memref<640x64xf32, #tpu.memory_space<hbm>>)
        tpu.yield
      }) : () -> ()
      %scan3A_61 = arith.constant 0 : i32
      %scan3A_62 = arith.constant 10 : i32
      %scan3A_63 = arith.addi %scan3A_61, %scan3A_62 : i32
      %scan3A_64 = arith.constant 1 : i32
      scf.for %scan3A_108 = %scan3A_61 to %scan3A_63 step %scan3A_64  : i32 {
        %mul3A_109 = arith.constant 1 : i32
        %mul3A_110 = arith.muli %scan3A_108, %mul3A_109 : i32
        %add3A = arith.constant 0 : i32
        %add3A_111 = arith.addi %add3A, %mul3A_110 : i32
        %mul3A_112 = arith.constant 64 : i32
        %mul3A_113 = arith.muli %add3A_111, %mul3A_112 : i32
        %add3A_114 = arith.addi %mul3A_0, %mul3A_113 : i32
        "tpu.region"() ({
          %run_scoped3A_115 = tpu.sem_alloc : memref<!tpu.dma_semaphore, #tpu.memory_space<semaphore_mem>>
          %dma_start3A_116 = arith.constant 0 : i32
          %dma_start3A_117 = tpu.memref_slice %arg20[%add3A_114, %dma_start3A_116] : memref<10240x64xf32, #tpu.memory_space<vmem_shared>> -> memref<64x64xf32, #tpu.memory_space<vmem_shared>>
          %dma_start3A_118 = arith.constant 0 : i32
          %dma_start3A_119 = tpu.memref_slice %arg20[%add3A_114, %dma_start3A_118] : memref<10240x64xf32, #tpu.memory_space<vmem_shared>> -> memref<64x64xf32, #tpu.memory_space<vmem_shared>>
          tpu.enqueue_dma source(%arg19 : memref<64x64xf32, #tpu.memory_space<vmem>>) target(%dma_start3A_119 : memref<64x64xf32, #tpu.memory_space<vmem_shared>>) target_semaphore(%run_scoped3A_115 : memref<!tpu.dma_semaphore, #tpu.memory_space<semaphore_mem>>)
          %dma_wait3A_120 = arith.constant 0 : i32
          %dma_wait3A_121 = tpu.memref_slice %arg20[%add3A_114, %dma_wait3A_120] : memref<10240x64xf32, #tpu.memory_space<vmem_shared>> -> memref<64x64xf32, #tpu.memory_space<vmem_shared>>
          %dma_wait3A_122 = arith.constant 0 : i32
          %dma_wait3A_123 = tpu.memref_slice %arg20[%add3A_114, %dma_wait3A_122] : memref<10240x64xf32, #tpu.memory_space<vmem_shared>> -> memref<64x64xf32, #tpu.memory_space<vmem_shared>>
          tpu.wait_dma2 semaphore(%run_scoped3A_115 : memref<!tpu.dma_semaphore, #tpu.memory_space<semaphore_mem>>) src(%arg19 : memref<64x64xf32, #tpu.memory_space<vmem>>) dst(%dma_wait3A_123 : memref<64x64xf32, #tpu.memory_space<vmem_shared>>)
          tpu.yield
        }) : () -> ()
      }
      %scan3A_65 = arith.constant 10 : i32
      %barrier3A_66 = arith.constant 0 : index
      tpu.barrier barrier_id(%barrier3A_66)
      %dma_start3A_67 = arith.constant 0 : i32
      %dma_start3A_68 = arith.constant 0 : i32
      %dma_start3A_69 = tpu.memref_slice %arg12[%dma_start3A_67, %dma_start3A_68] : memref<160x125xi32, #tpu.memory_space<vmem>> -> memref<1x125xi32, #tpu.memory_space<vmem>>
      %dma_start3A_70 = tpu.memref_squeeze %dma_start3A_69 : memref<1x125xi32, #tpu.memory_space<vmem>> -> memref<125xi32, #tpu.memory_space<vmem>>
      %dma_start3A_71 = arith.constant 0 : i32
      %dma_start3A_72 = arith.constant 0 : i32
      %dma_start3A_73 = tpu.memref_slice %arg5[%dma_start3A_71, %dma_start3A_72] : memref<10000x64xf32, #tpu.memory_space<hbm>> -> memref<10000x64xf32, #tpu.memory_space<hbm>>
      tpu.enqueue_indirect_dma source(%dma_start3A_73 : memref<10000x64xf32, #tpu.memory_space<hbm>>) target(%arg14 : memref<125x64xf32, #tpu.memory_space<vmem>>) offsets(%dma_start3A_70 : memref<125xi32, #tpu.memory_space<vmem>>) semaphore(%arg21 : memref<!tpu.dma_semaphore, #tpu.memory_space<semaphore_mem>>)
      %dma_start3A_74 = arith.constant 1 : i32
      %dma_start3A_75 = arith.constant 0 : i32
      %dma_start3A_76 = tpu.memref_slice %arg12[%dma_start3A_74, %dma_start3A_75] : memref<160x125xi32, #tpu.memory_space<vmem>> -> memref<1x125xi32, #tpu.memory_space<vmem>>
      %dma_start3A_77 = tpu.memref_squeeze %dma_start3A_76 : memref<1x125xi32, #tpu.memory_space<vmem>> -> memref<125xi32, #tpu.memory_space<vmem>>
      %dma_start3A_78 = arith.constant 0 : i32
      %dma_start3A_79 = arith.constant 0 : i32
      %dma_start3A_80 = tpu.memref_slice %arg5[%dma_start3A_78, %dma_start3A_79] : memref<10000x64xf32, #tpu.memory_space<hbm>> -> memref<10000x64xf32, #tpu.memory_space<hbm>>
      tpu.enqueue_indirect_dma source(%dma_start3A_80 : memref<10000x64xf32, #tpu.memory_space<hbm>>) target(%arg15 : memref<125x64xf32, #tpu.memory_space<vmem>>) offsets(%dma_start3A_77 : memref<125xi32, #tpu.memory_space<vmem>>) semaphore(%arg22 : memref<!tpu.dma_semaphore, #tpu.memory_space<semaphore_mem>>)
      %dma_start3A_81 = arith.constant 2 : i32
      %dma_start3A_82 = arith.constant 0 : i32
      %dma_start3A_83 = tpu.memref_slice %arg12[%dma_start3A_81, %dma_start3A_82] : memref<160x125xi32, #tpu.memory_space<vmem>> -> memref<1x125xi32, #tpu.memory_space<vmem>>
      %dma_start3A_84 = tpu.memref_squeeze %dma_start3A_83 : memref<1x125xi32, #tpu.memory_space<vmem>> -> memref<125xi32, #tpu.memory_space<vmem>>
      %dma_start3A_85 = arith.constant 0 : i32
      %dma_start3A_86 = arith.constant 0 : i32
      %dma_start3A_87 = tpu.memref_slice %arg5[%dma_start3A_85, %dma_start3A_86] : memref<10000x64xf32, #tpu.memory_space<hbm>> -> memref<10000x64xf32, #tpu.memory_space<hbm>>
      tpu.enqueue_indirect_dma source(%dma_start3A_87 : memref<10000x64xf32, #tpu.memory_space<hbm>>) target(%arg16 : memref<125x64xf32, #tpu.memory_space<vmem>>) offsets(%dma_start3A_84 : memref<125xi32, #tpu.memory_space<vmem>>) semaphore(%arg23 : memref<!tpu.dma_semaphore, #tpu.memory_space<semaphore_mem>>)
      %dma_start3A_88 = arith.constant 3 : i32
      %dma_start3A_89 = arith.constant 0 : i32
      %dma_start3A_90 = tpu.memref_slice %arg12[%dma_start3A_88, %dma_start3A_89] : memref<160x125xi32, #tpu.memory_space<vmem>> -> memref<1x125xi32, #tpu.memory_space<vmem>>
      %dma_start3A_91 = tpu.memref_squeeze %dma_start3A_90 : memref<1x125xi32, #tpu.memory_space<vmem>> -> memref<125xi32, #tpu.memory_space<vmem>>
      %dma_start3A_92 = arith.constant 0 : i32
      %dma_start3A_93 = arith.constant 0 : i32
      %dma_start3A_94 = tpu.memref_slice %arg5[%dma_start3A_92, %dma_start3A_93] : memref<10000x64xf32, #tpu.memory_space<hbm>> -> memref<10000x64xf32, #tpu.memory_space<hbm>>
      tpu.enqueue_indirect_dma source(%dma_start3A_94 : memref<10000x64xf32, #tpu.memory_space<hbm>>) target(%arg17 : memref<125x64xf32, #tpu.memory_space<vmem>>) offsets(%dma_start3A_91 : memref<125xi32, #tpu.memory_space<vmem>>) semaphore(%arg24 : memref<!tpu.dma_semaphore, #tpu.memory_space<semaphore_mem>>)
      %scan3A_95 = arith.constant 0 : i32
      %scan3A_96 = arith.constant 32 : i32
      %scan3A_97 = arith.addi %scan3A_95, %scan3A_96 : i32
      %scan3A_98 = arith.constant 1 : i32
      scf.for %scan3A_108 = %scan3A_95 to %scan3A_97 step %scan3A_98  : i32 {
        %mul3A_109 = arith.constant 1 : i32
        %mul3A_110 = arith.muli %scan3A_108, %mul3A_109 : i32
        %add3A = arith.constant 0 : i32
        %add3A_111 = arith.addi %add3A, %mul3A_110 : i32
        %mul3A_112 = arith.constant 5 : i32
        %mul3A_113 = arith.muli %mul3A_112, %add3A_111 : i32
        %add3A_114 = arith.constant 0 : i32
        %add3A_115 = arith.addi %mul3A_113, %add3A_114 : i32
        %dma_wait3A_116 = arith.constant 0 : i32
        %dma_wait3A_117 = tpu.memref_slice %arg12[%add3A_115, %dma_wait3A_116] : memref<160x125xi32, #tpu.memory_space<vmem>> -> memref<1x125xi32, #tpu.memory_space<vmem>>
        %dma_wait3A_118 = tpu.memref_squeeze %dma_wait3A_117 : memref<1x125xi32, #tpu.memory_space<vmem>> -> memref<125xi32, #tpu.memory_space<vmem>>
        %dma_wait3A_119 = arith.constant 0 : i32
        %dma_wait3A_120 = arith.constant 0 : i32
        %dma_wait3A_121 = tpu.memref_slice %arg5[%dma_wait3A_119, %dma_wait3A_120] : memref<10000x64xf32, #tpu.memory_space<hbm>> -> memref<10000x64xf32, #tpu.memory_space<hbm>>
        tpu.wait_indirect_dma semaphore(%arg21 : memref<!tpu.dma_semaphore, #tpu.memory_space<semaphore_mem>>) src(%dma_wait3A_121 : memref<10000x64xf32, #tpu.memory_space<hbm>>) dst(%arg14 : memref<125x64xf32, #tpu.memory_space<vmem>>)
        %ge3A = arith.constant 1 : i32
        %ge3A_122 = arith.cmpi sge, %add3A_115, %ge3A : i32
        %convert_element_type3A_123 = arith.extui %ge3A_122 : i1 to i32
        %cond3A_124 = arith.constant 0 : i32
        %cond3A_125 = arith.cmpi ne, %convert_element_type3A_123, %cond3A_124 : i32
        scf.if %cond3A_125 {
          %sub3A = arith.constant 1 : i32
          %sub3A_242 = arith.subi %add3A_115, %sub3A : i32
          %dma_wait3A_243 = arith.constant 0 : i32
          %dma_wait3A_244 = tpu.memref_slice %arg13[%sub3A_242, %dma_wait3A_243] : memref<160x125xi32, #tpu.memory_space<vmem>> -> memref<1x125xi32, #tpu.memory_space<vmem>>
          %dma_wait3A_245 = tpu.memref_squeeze %dma_wait3A_244 : memref<1x125xi32, #tpu.memory_space<vmem>> -> memref<125xi32, #tpu.memory_space<vmem>>
          %dma_wait3A_246 = arith.constant 0 : i32
          %dma_wait3A_247 = arith.constant 0 : i32
          %dma_wait3A_248 = tpu.memref_slice %arg20[%dma_wait3A_246, %dma_wait3A_247] : memref<10240x64xf32, #tpu.memory_space<vmem_shared>> -> memref<10240x64xf32, #tpu.memory_space<vmem_shared>>
          tpu.wait_indirect_dma semaphore(%arg30 : memref<!tpu.dma_semaphore, #tpu.memory_space<semaphore_mem>>) src(%arg18 : memref<125x64xf32, #tpu.memory_space<vmem>>) dst(%dma_wait3A_248 : memref<10240x64xf32, #tpu.memory_space<vmem_shared>>)
        } else {
        }
        %add3A_126 = arith.constant 4 : i32
        %add3A_127 = arith.addi %add3A_115, %add3A_126 : i32
        %lt3A = arith.constant 160 : i32
        %lt3A_128 = arith.cmpi slt, %add3A_127, %lt3A : i32
        %convert_element_type3A_129 = arith.extui %lt3A_128 : i1 to i32
        %cond3A_130 = arith.constant 0 : i32
        %cond3A_131 = arith.cmpi ne, %convert_element_type3A_129, %cond3A_130 : i32
        scf.if %cond3A_131 {
          %add3A_242 = arith.constant 4 : i32
          %add3A_243 = arith.addi %add3A_115, %add3A_242 : i32
          %dma_start3A_244 = arith.constant 0 : i32
          %dma_start3A_245 = tpu.memref_slice %arg12[%add3A_243, %dma_start3A_244] : memref<160x125xi32, #tpu.memory_space<vmem>> -> memref<1x125xi32, #tpu.memory_space<vmem>>
          %dma_start3A_246 = tpu.memref_squeeze %dma_start3A_245 : memref<1x125xi32, #tpu.memory_space<vmem>> -> memref<125xi32, #tpu.memory_space<vmem>>
          %dma_start3A_247 = arith.constant 0 : i32
          %dma_start3A_248 = arith.constant 0 : i32
          %dma_start3A_249 = tpu.memref_slice %arg5[%dma_start3A_247, %dma_start3A_248] : memref<10000x64xf32, #tpu.memory_space<hbm>> -> memref<10000x64xf32, #tpu.memory_space<hbm>>
          tpu.enqueue_indirect_dma source(%dma_start3A_249 : memref<10000x64xf32, #tpu.memory_space<hbm>>) target(%arg18 : memref<125x64xf32, #tpu.memory_space<vmem>>) offsets(%dma_start3A_246 : memref<125xi32, #tpu.memory_space<vmem>>) semaphore(%arg25 : memref<!tpu.dma_semaphore, #tpu.memory_space<semaphore_mem>>)
        } else {
        }
        %dma_start3A_132 = arith.constant 0 : i32
        %dma_start3A_133 = tpu.memref_slice %arg13[%add3A_115, %dma_start3A_132] : memref<160x125xi32, #tpu.memory_space<vmem>> -> memref<1x125xi32, #tpu.memory_space<vmem>>
        %dma_start3A_134 = tpu.memref_squeeze %dma_start3A_133 : memref<1x125xi32, #tpu.memory_space<vmem>> -> memref<125xi32, #tpu.memory_space<vmem>>
        %dma_start3A_135 = arith.constant 0 : i32
        %dma_start3A_136 = arith.constant 0 : i32
        %dma_start3A_137 = tpu.memref_slice %arg20[%dma_start3A_135, %dma_start3A_136] : memref<10240x64xf32, #tpu.memory_space<vmem_shared>> -> memref<10240x64xf32, #tpu.memory_space<vmem_shared>>
        tpu.enqueue_indirect_dma source(%arg14 : memref<125x64xf32, #tpu.memory_space<vmem>>) target(%dma_start3A_137 : memref<10240x64xf32, #tpu.memory_space<vmem_shared>>) offsets(%dma_start3A_134 : memref<125xi32, #tpu.memory_space<vmem>>) semaphore(%arg26 : memref<!tpu.dma_semaphore, #tpu.memory_space<semaphore_mem>>) {add = true}
        %add3A_138 = arith.constant 1 : i32
        %add3A_139 = arith.addi %mul3A_113, %add3A_138 : i32
        %dma_wait3A_140 = arith.constant 0 : i32
        %dma_wait3A_141 = tpu.memref_slice %arg12[%add3A_139, %dma_wait3A_140] : memref<160x125xi32, #tpu.memory_space<vmem>> -> memref<1x125xi32, #tpu.memory_space<vmem>>
        %dma_wait3A_142 = tpu.memref_squeeze %dma_wait3A_141 : memref<1x125xi32, #tpu.memory_space<vmem>> -> memref<125xi32, #tpu.memory_space<vmem>>
        %dma_wait3A_143 = arith.constant 0 : i32
        %dma_wait3A_144 = arith.constant 0 : i32
        %dma_wait3A_145 = tpu.memref_slice %arg5[%dma_wait3A_143, %dma_wait3A_144] : memref<10000x64xf32, #tpu.memory_space<hbm>> -> memref<10000x64xf32, #tpu.memory_space<hbm>>
        tpu.wait_indirect_dma semaphore(%arg22 : memref<!tpu.dma_semaphore, #tpu.memory_space<semaphore_mem>>) src(%dma_wait3A_145 : memref<10000x64xf32, #tpu.memory_space<hbm>>) dst(%arg15 : memref<125x64xf32, #tpu.memory_space<vmem>>)
        %ge3A_146 = arith.constant 1 : i32
        %ge3A_147 = arith.cmpi sge, %add3A_139, %ge3A_146 : i32
        %convert_element_type3A_148 = arith.extui %ge3A_147 : i1 to i32
        %cond3A_149 = arith.constant 0 : i32
        %cond3A_150 = arith.cmpi ne, %convert_element_type3A_148, %cond3A_149 : i32
        scf.if %cond3A_150 {
          %sub3A = arith.constant 1 : i32
          %sub3A_242 = arith.subi %add3A_139, %sub3A : i32
          %dma_wait3A_243 = arith.constant 0 : i32
          %dma_wait3A_244 = tpu.memref_slice %arg13[%sub3A_242, %dma_wait3A_243] : memref<160x125xi32, #tpu.memory_space<vmem>> -> memref<1x125xi32, #tpu.memory_space<vmem>>
          %dma_wait3A_245 = tpu.memref_squeeze %dma_wait3A_244 : memref<1x125xi32, #tpu.memory_space<vmem>> -> memref<125xi32, #tpu.memory_space<vmem>>
          %dma_wait3A_246 = arith.constant 0 : i32
          %dma_wait3A_247 = arith.constant 0 : i32
          %dma_wait3A_248 = tpu.memref_slice %arg20[%dma_wait3A_246, %dma_wait3A_247] : memref<10240x64xf32, #tpu.memory_space<vmem_shared>> -> memref<10240x64xf32, #tpu.memory_space<vmem_shared>>
          tpu.wait_indirect_dma semaphore(%arg26 : memref<!tpu.dma_semaphore, #tpu.memory_space<semaphore_mem>>) src(%arg14 : memref<125x64xf32, #tpu.memory_space<vmem>>) dst(%dma_wait3A_248 : memref<10240x64xf32, #tpu.memory_space<vmem_shared>>)
        } else {
        }
        %add3A_151 = arith.constant 4 : i32
        %add3A_152 = arith.addi %add3A_139, %add3A_151 : i32
        %lt3A_153 = arith.constant 160 : i32
        %lt3A_154 = arith.cmpi slt, %add3A_152, %lt3A_153 : i32
        %convert_element_type3A_155 = arith.extui %lt3A_154 : i1 to i32
        %cond3A_156 = arith.constant 0 : i32
        %cond3A_157 = arith.cmpi ne, %convert_element_type3A_155, %cond3A_156 : i32
        scf.if %cond3A_157 {
          %add3A_242 = arith.constant 4 : i32
          %add3A_243 = arith.addi %add3A_139, %add3A_242 : i32
          %dma_start3A_244 = arith.constant 0 : i32
          %dma_start3A_245 = tpu.memref_slice %arg12[%add3A_243, %dma_start3A_244] : memref<160x125xi32, #tpu.memory_space<vmem>> -> memref<1x125xi32, #tpu.memory_space<vmem>>
          %dma_start3A_246 = tpu.memref_squeeze %dma_start3A_245 : memref<1x125xi32, #tpu.memory_space<vmem>> -> memref<125xi32, #tpu.memory_space<vmem>>
          %dma_start3A_247 = arith.constant 0 : i32
          %dma_start3A_248 = arith.constant 0 : i32
          %dma_start3A_249 = tpu.memref_slice %arg5[%dma_start3A_247, %dma_start3A_248] : memref<10000x64xf32, #tpu.memory_space<hbm>> -> memref<10000x64xf32, #tpu.memory_space<hbm>>
          tpu.enqueue_indirect_dma source(%dma_start3A_249 : memref<10000x64xf32, #tpu.memory_space<hbm>>) target(%arg14 : memref<125x64xf32, #tpu.memory_space<vmem>>) offsets(%dma_start3A_246 : memref<125xi32, #tpu.memory_space<vmem>>) semaphore(%arg21 : memref<!tpu.dma_semaphore, #tpu.memory_space<semaphore_mem>>)
        } else {
        }
        %dma_start3A_158 = arith.constant 0 : i32
        %dma_start3A_159 = tpu.memref_slice %arg13[%add3A_139, %dma_start3A_158] : memref<160x125xi32, #tpu.memory_space<vmem>> -> memref<1x125xi32, #tpu.memory_space<vmem>>
        %dma_start3A_160 = tpu.memref_squeeze %dma_start3A_159 : memref<1x125xi32, #tpu.memory_space<vmem>> -> memref<125xi32, #tpu.memory_space<vmem>>
        %dma_start3A_161 = arith.constant 0 : i32
        %dma_start3A_162 = arith.constant 0 : i32
        %dma_start3A_163 = tpu.memref_slice %arg20[%dma_start3A_161, %dma_start3A_162] : memref<10240x64xf32, #tpu.memory_space<vmem_shared>> -> memref<10240x64xf32, #tpu.memory_space<vmem_shared>>
        tpu.enqueue_indirect_dma source(%arg15 : memref<125x64xf32, #tpu.memory_space<vmem>>) target(%dma_start3A_163 : memref<10240x64xf32, #tpu.memory_space<vmem_shared>>) offsets(%dma_start3A_160 : memref<125xi32, #tpu.memory_space<vmem>>) semaphore(%arg27 : memref<!tpu.dma_semaphore, #tpu.memory_space<semaphore_mem>>) {add = true}
        %add3A_164 = arith.constant 2 : i32
        %add3A_165 = arith.addi %mul3A_113, %add3A_164 : i32
        %dma_wait3A_166 = arith.constant 0 : i32
        %dma_wait3A_167 = tpu.memref_slice %arg12[%add3A_165, %dma_wait3A_166] : memref<160x125xi32, #tpu.memory_space<vmem>> -> memref<1x125xi32, #tpu.memory_space<vmem>>
        %dma_wait3A_168 = tpu.memref_squeeze %dma_wait3A_167 : memref<1x125xi32, #tpu.memory_space<vmem>> -> memref<125xi32, #tpu.memory_space<vmem>>
        %dma_wait3A_169 = arith.constant 0 : i32
        %dma_wait3A_170 = arith.constant 0 : i32
        %dma_wait3A_171 = tpu.memref_slice %arg5[%dma_wait3A_169, %dma_wait3A_170] : memref<10000x64xf32, #tpu.memory_space<hbm>> -> memref<10000x64xf32, #tpu.memory_space<hbm>>
        tpu.wait_indirect_dma semaphore(%arg23 : memref<!tpu.dma_semaphore, #tpu.memory_space<semaphore_mem>>) src(%dma_wait3A_171 : memref<10000x64xf32, #tpu.memory_space<hbm>>) dst(%arg16 : memref<125x64xf32, #tpu.memory_space<vmem>>)
        %ge3A_172 = arith.constant 1 : i32
        %ge3A_173 = arith.cmpi sge, %add3A_165, %ge3A_172 : i32
        %convert_element_type3A_174 = arith.extui %ge3A_173 : i1 to i32
        %cond3A_175 = arith.constant 0 : i32
        %cond3A_176 = arith.cmpi ne, %convert_element_type3A_174, %cond3A_175 : i32
        scf.if %cond3A_176 {
          %sub3A = arith.constant 1 : i32
          %sub3A_242 = arith.subi %add3A_165, %sub3A : i32
          %dma_wait3A_243 = arith.constant 0 : i32
          %dma_wait3A_244 = tpu.memref_slice %arg13[%sub3A_242, %dma_wait3A_243] : memref<160x125xi32, #tpu.memory_space<vmem>> -> memref<1x125xi32, #tpu.memory_space<vmem>>
          %dma_wait3A_245 = tpu.memref_squeeze %dma_wait3A_244 : memref<1x125xi32, #tpu.memory_space<vmem>> -> memref<125xi32, #tpu.memory_space<vmem>>
          %dma_wait3A_246 = arith.constant 0 : i32
          %dma_wait3A_247 = arith.constant 0 : i32
          %dma_wait3A_248 = tpu.memref_slice %arg20[%dma_wait3A_246, %dma_wait3A_247] : memref<10240x64xf32, #tpu.memory_space<vmem_shared>> -> memref<10240x64xf32, #tpu.memory_space<vmem_shared>>
          tpu.wait_indirect_dma semaphore(%arg27 : memref<!tpu.dma_semaphore, #tpu.memory_space<semaphore_mem>>) src(%arg15 : memref<125x64xf32, #tpu.memory_space<vmem>>) dst(%dma_wait3A_248 : memref<10240x64xf32, #tpu.memory_space<vmem_shared>>)
        } else {
        }
        %add3A_177 = arith.constant 4 : i32
        %add3A_178 = arith.addi %add3A_165, %add3A_177 : i32
        %lt3A_179 = arith.constant 160 : i32
        %lt3A_180 = arith.cmpi slt, %add3A_178, %lt3A_179 : i32
        %convert_element_type3A_181 = arith.extui %lt3A_180 : i1 to i32
        %cond3A_182 = arith.constant 0 : i32
        %cond3A_183 = arith.cmpi ne, %convert_element_type3A_181, %cond3A_182 : i32
        scf.if %cond3A_183 {
          %add3A_242 = arith.constant 4 : i32
          %add3A_243 = arith.addi %add3A_165, %add3A_242 : i32
          %dma_start3A_244 = arith.constant 0 : i32
          %dma_start3A_245 = tpu.memref_slice %arg12[%add3A_243, %dma_start3A_244] : memref<160x125xi32, #tpu.memory_space<vmem>> -> memref<1x125xi32, #tpu.memory_space<vmem>>
          %dma_start3A_246 = tpu.memref_squeeze %dma_start3A_245 : memref<1x125xi32, #tpu.memory_space<vmem>> -> memref<125xi32, #tpu.memory_space<vmem>>
          %dma_start3A_247 = arith.constant 0 : i32
          %dma_start3A_248 = arith.constant 0 : i32
          %dma_start3A_249 = tpu.memref_slice %arg5[%dma_start3A_247, %dma_start3A_248] : memref<10000x64xf32, #tpu.memory_space<hbm>> -> memref<10000x64xf32, #tpu.memory_space<hbm>>
          tpu.enqueue_indirect_dma source(%dma_start3A_249 : memref<10000x64xf32, #tpu.memory_space<hbm>>) target(%arg15 : memref<125x64xf32, #tpu.memory_space<vmem>>) offsets(%dma_start3A_246 : memref<125xi32, #tpu.memory_space<vmem>>) semaphore(%arg22 : memref<!tpu.dma_semaphore, #tpu.memory_space<semaphore_mem>>)
        } else {
        }
        %dma_start3A_184 = arith.constant 0 : i32
        %dma_start3A_185 = tpu.memref_slice %arg13[%add3A_165, %dma_start3A_184] : memref<160x125xi32, #tpu.memory_space<vmem>> -> memref<1x125xi32, #tpu.memory_space<vmem>>
        %dma_start3A_186 = tpu.memref_squeeze %dma_start3A_185 : memref<1x125xi32, #tpu.memory_space<vmem>> -> memref<125xi32, #tpu.memory_space<vmem>>
        %dma_start3A_187 = arith.constant 0 : i32
        %dma_start3A_188 = arith.constant 0 : i32
        %dma_start3A_189 = tpu.memref_slice %arg20[%dma_start3A_187, %dma_start3A_188] : memref<10240x64xf32, #tpu.memory_space<vmem_shared>> -> memref<10240x64xf32, #tpu.memory_space<vmem_shared>>
        tpu.enqueue_indirect_dma source(%arg16 : memref<125x64xf32, #tpu.memory_space<vmem>>) target(%dma_start3A_189 : memref<10240x64xf32, #tpu.memory_space<vmem_shared>>) offsets(%dma_start3A_186 : memref<125xi32, #tpu.memory_space<vmem>>) semaphore(%arg28 : memref<!tpu.dma_semaphore, #tpu.memory_space<semaphore_mem>>) {add = true}
        %add3A_190 = arith.constant 3 : i32
        %add3A_191 = arith.addi %mul3A_113, %add3A_190 : i32
        %dma_wait3A_192 = arith.constant 0 : i32
        %dma_wait3A_193 = tpu.memref_slice %arg12[%add3A_191, %dma_wait3A_192] : memref<160x125xi32, #tpu.memory_space<vmem>> -> memref<1x125xi32, #tpu.memory_space<vmem>>
        %dma_wait3A_194 = tpu.memref_squeeze %dma_wait3A_193 : memref<1x125xi32, #tpu.memory_space<vmem>> -> memref<125xi32, #tpu.memory_space<vmem>>
        %dma_wait3A_195 = arith.constant 0 : i32
        %dma_wait3A_196 = arith.constant 0 : i32
        %dma_wait3A_197 = tpu.memref_slice %arg5[%dma_wait3A_195, %dma_wait3A_196] : memref<10000x64xf32, #tpu.memory_space<hbm>> -> memref<10000x64xf32, #tpu.memory_space<hbm>>
        tpu.wait_indirect_dma semaphore(%arg24 : memref<!tpu.dma_semaphore, #tpu.memory_space<semaphore_mem>>) src(%dma_wait3A_197 : memref<10000x64xf32, #tpu.memory_space<hbm>>) dst(%arg17 : memref<125x64xf32, #tpu.memory_space<vmem>>)
        %ge3A_198 = arith.constant 1 : i32
        %ge3A_199 = arith.cmpi sge, %add3A_191, %ge3A_198 : i32
        %convert_element_type3A_200 = arith.extui %ge3A_199 : i1 to i32
        %cond3A_201 = arith.constant 0 : i32
        %cond3A_202 = arith.cmpi ne, %convert_element_type3A_200, %cond3A_201 : i32
        scf.if %cond3A_202 {
          %sub3A = arith.constant 1 : i32
          %sub3A_242 = arith.subi %add3A_191, %sub3A : i32
          %dma_wait3A_243 = arith.constant 0 : i32
          %dma_wait3A_244 = tpu.memref_slice %arg13[%sub3A_242, %dma_wait3A_243] : memref<160x125xi32, #tpu.memory_space<vmem>> -> memref<1x125xi32, #tpu.memory_space<vmem>>
          %dma_wait3A_245 = tpu.memref_squeeze %dma_wait3A_244 : memref<1x125xi32, #tpu.memory_space<vmem>> -> memref<125xi32, #tpu.memory_space<vmem>>
          %dma_wait3A_246 = arith.constant 0 : i32
          %dma_wait3A_247 = arith.constant 0 : i32
          %dma_wait3A_248 = tpu.memref_slice %arg20[%dma_wait3A_246, %dma_wait3A_247] : memref<10240x64xf32, #tpu.memory_space<vmem_shared>> -> memref<10240x64xf32, #tpu.memory_space<vmem_shared>>
          tpu.wait_indirect_dma semaphore(%arg28 : memref<!tpu.dma_semaphore, #tpu.memory_space<semaphore_mem>>) src(%arg16 : memref<125x64xf32, #tpu.memory_space<vmem>>) dst(%dma_wait3A_248 : memref<10240x64xf32, #tpu.memory_space<vmem_shared>>)
        } else {
        }
        %add3A_203 = arith.constant 4 : i32
        %add3A_204 = arith.addi %add3A_191, %add3A_203 : i32
        %lt3A_205 = arith.constant 160 : i32
        %lt3A_206 = arith.cmpi slt, %add3A_204, %lt3A_205 : i32
        %convert_element_type3A_207 = arith.extui %lt3A_206 : i1 to i32
        %cond3A_208 = arith.constant 0 : i32
        %cond3A_209 = arith.cmpi ne, %convert_element_type3A_207, %cond3A_208 : i32
        scf.if %cond3A_209 {
          %add3A_242 = arith.constant 4 : i32
          %add3A_243 = arith.addi %add3A_191, %add3A_242 : i32
          %dma_start3A_244 = arith.constant 0 : i32
          %dma_start3A_245 = tpu.memref_slice %arg12[%add3A_243, %dma_start3A_244] : memref<160x125xi32, #tpu.memory_space<vmem>> -> memref<1x125xi32, #tpu.memory_space<vmem>>
          %dma_start3A_246 = tpu.memref_squeeze %dma_start3A_245 : memref<1x125xi32, #tpu.memory_space<vmem>> -> memref<125xi32, #tpu.memory_space<vmem>>
          %dma_start3A_247 = arith.constant 0 : i32
          %dma_start3A_248 = arith.constant 0 : i32
          %dma_start3A_249 = tpu.memref_slice %arg5[%dma_start3A_247, %dma_start3A_248] : memref<10000x64xf32, #tpu.memory_space<hbm>> -> memref<10000x64xf32, #tpu.memory_space<hbm>>
          tpu.enqueue_indirect_dma source(%dma_start3A_249 : memref<10000x64xf32, #tpu.memory_space<hbm>>) target(%arg16 : memref<125x64xf32, #tpu.memory_space<vmem>>) offsets(%dma_start3A_246 : memref<125xi32, #tpu.memory_space<vmem>>) semaphore(%arg23 : memref<!tpu.dma_semaphore, #tpu.memory_space<semaphore_mem>>)
        } else {
        }
        %dma_start3A_210 = arith.constant 0 : i32
        %dma_start3A_211 = tpu.memref_slice %arg13[%add3A_191, %dma_start3A_210] : memref<160x125xi32, #tpu.memory_space<vmem>> -> memref<1x125xi32, #tpu.memory_space<vmem>>
        %dma_start3A_212 = tpu.memref_squeeze %dma_start3A_211 : memref<1x125xi32, #tpu.memory_space<vmem>> -> memref<125xi32, #tpu.memory_space<vmem>>
        %dma_start3A_213 = arith.constant 0 : i32
        %dma_start3A_214 = arith.constant 0 : i32
        %dma_start3A_215 = tpu.memref_slice %arg20[%dma_start3A_213, %dma_start3A_214] : memref<10240x64xf32, #tpu.memory_space<vmem_shared>> -> memref<10240x64xf32, #tpu.memory_space<vmem_shared>>
        tpu.enqueue_indirect_dma source(%arg17 : memref<125x64xf32, #tpu.memory_space<vmem>>) target(%dma_start3A_215 : memref<10240x64xf32, #tpu.memory_space<vmem_shared>>) offsets(%dma_start3A_212 : memref<125xi32, #tpu.memory_space<vmem>>) semaphore(%arg29 : memref<!tpu.dma_semaphore, #tpu.memory_space<semaphore_mem>>) {add = true}
        %add3A_216 = arith.constant 4 : i32
        %add3A_217 = arith.addi %mul3A_113, %add3A_216 : i32
        %dma_wait3A_218 = arith.constant 0 : i32
        %dma_wait3A_219 = tpu.memref_slice %arg12[%add3A_217, %dma_wait3A_218] : memref<160x125xi32, #tpu.memory_space<vmem>> -> memref<1x125xi32, #tpu.memory_space<vmem>>
        %dma_wait3A_220 = tpu.memref_squeeze %dma_wait3A_219 : memref<1x125xi32, #tpu.memory_space<vmem>> -> memref<125xi32, #tpu.memory_space<vmem>>
        %dma_wait3A_221 = arith.constant 0 : i32
        %dma_wait3A_222 = arith.constant 0 : i32
        %dma_wait3A_223 = tpu.memref_slice %arg5[%dma_wait3A_221, %dma_wait3A_222] : memref<10000x64xf32, #tpu.memory_space<hbm>> -> memref<10000x64xf32, #tpu.memory_space<hbm>>
        tpu.wait_indirect_dma semaphore(%arg25 : memref<!tpu.dma_semaphore, #tpu.memory_space<semaphore_mem>>) src(%dma_wait3A_223 : memref<10000x64xf32, #tpu.memory_space<hbm>>) dst(%arg18 : memref<125x64xf32, #tpu.memory_space<vmem>>)
        %ge3A_224 = arith.constant 1 : i32
        %ge3A_225 = arith.cmpi sge, %add3A_217, %ge3A_224 : i32
        %convert_element_type3A_226 = arith.extui %ge3A_225 : i1 to i32
        %cond3A_227 = arith.constant 0 : i32
        %cond3A_228 = arith.cmpi ne, %convert_element_type3A_226, %cond3A_227 : i32
        scf.if %cond3A_228 {
          %sub3A = arith.constant 1 : i32
          %sub3A_242 = arith.subi %add3A_217, %sub3A : i32
          %dma_wait3A_243 = arith.constant 0 : i32
          %dma_wait3A_244 = tpu.memref_slice %arg13[%sub3A_242, %dma_wait3A_243] : memref<160x125xi32, #tpu.memory_space<vmem>> -> memref<1x125xi32, #tpu.memory_space<vmem>>
          %dma_wait3A_245 = tpu.memref_squeeze %dma_wait3A_244 : memref<1x125xi32, #tpu.memory_space<vmem>> -> memref<125xi32, #tpu.memory_space<vmem>>
          %dma_wait3A_246 = arith.constant 0 : i32
          %dma_wait3A_247 = arith.constant 0 : i32
          %dma_wait3A_248 = tpu.memref_slice %arg20[%dma_wait3A_246, %dma_wait3A_247] : memref<10240x64xf32, #tpu.memory_space<vmem_shared>> -> memref<10240x64xf32, #tpu.memory_space<vmem_shared>>
          tpu.wait_indirect_dma semaphore(%arg29 : memref<!tpu.dma_semaphore, #tpu.memory_space<semaphore_mem>>) src(%arg17 : memref<125x64xf32, #tpu.memory_space<vmem>>) dst(%dma_wait3A_248 : memref<10240x64xf32, #tpu.memory_space<vmem_shared>>)
        } else {
        }
        %add3A_229 = arith.constant 4 : i32
        %add3A_230 = arith.addi %add3A_217, %add3A_229 : i32
        %lt3A_231 = arith.constant 160 : i32
        %lt3A_232 = arith.cmpi slt, %add3A_230, %lt3A_231 : i32
        %convert_element_type3A_233 = arith.extui %lt3A_232 : i1 to i32
        %cond3A_234 = arith.constant 0 : i32
        %cond3A_235 = arith.cmpi ne, %convert_element_type3A_233, %cond3A_234 : i32
        scf.if %cond3A_235 {
          %add3A_242 = arith.constant 4 : i32
          %add3A_243 = arith.addi %add3A_217, %add3A_242 : i32
          %dma_start3A_244 = arith.constant 0 : i32
          %dma_start3A_245 = tpu.memref_slice %arg12[%add3A_243, %dma_start3A_244] : memref<160x125xi32, #tpu.memory_space<vmem>> -> memref<1x125xi32, #tpu.memory_space<vmem>>
          %dma_start3A_246 = tpu.memref_squeeze %dma_start3A_245 : memref<1x125xi32, #tpu.memory_space<vmem>> -> memref<125xi32, #tpu.memory_space<vmem>>
          %dma_start3A_247 = arith.constant 0 : i32
          %dma_start3A_248 = arith.constant 0 : i32
          %dma_start3A_249 = tpu.memref_slice %arg5[%dma_start3A_247, %dma_start3A_248] : memref<10000x64xf32, #tpu.memory_space<hbm>> -> memref<10000x64xf32, #tpu.memory_space<hbm>>
          tpu.enqueue_indirect_dma source(%dma_start3A_249 : memref<10000x64xf32, #tpu.memory_space<hbm>>) target(%arg17 : memref<125x64xf32, #tpu.memory_space<vmem>>) offsets(%dma_start3A_246 : memref<125xi32, #tpu.memory_space<vmem>>) semaphore(%arg24 : memref<!tpu.dma_semaphore, #tpu.memory_space<semaphore_mem>>)
        } else {
        }
        %dma_start3A_236 = arith.constant 0 : i32
        %dma_start3A_237 = tpu.memref_slice %arg13[%add3A_217, %dma_start3A_236] : memref<160x125xi32, #tpu.memory_space<vmem>> -> memref<1x125xi32, #tpu.memory_space<vmem>>
        %dma_start3A_238 = tpu.memref_squeeze %dma_start3A_237 : memref<1x125xi32, #tpu.memory_space<vmem>> -> memref<125xi32, #tpu.memory_space<vmem>>
        %dma_start3A_239 = arith.constant 0 : i32
        %dma_start3A_240 = arith.constant 0 : i32
        %dma_start3A_241 = tpu.memref_slice %arg20[%dma_start3A_239, %dma_start3A_240] : memref<10240x64xf32, #tpu.memory_space<vmem_shared>> -> memref<10240x64xf32, #tpu.memory_space<vmem_shared>>
        tpu.enqueue_indirect_dma source(%arg18 : memref<125x64xf32, #tpu.memory_space<vmem>>) target(%dma_start3A_241 : memref<10240x64xf32, #tpu.memory_space<vmem_shared>>) offsets(%dma_start3A_238 : memref<125xi32, #tpu.memory_space<vmem>>) semaphore(%arg30 : memref<!tpu.dma_semaphore, #tpu.memory_space<semaphore_mem>>) {add = true}
      }
      %scan3A_99 = arith.constant 32 : i32
      %dma_wait3A_100 = arith.constant 159 : i32
      %dma_wait3A_101 = arith.constant 0 : i32
      %dma_wait3A_102 = tpu.memref_slice %arg13[%dma_wait3A_100, %dma_wait3A_101] : memref<160x125xi32, #tpu.memory_space<vmem>> -> memref<1x125xi32, #tpu.memory_space<vmem>>
      %dma_wait3A_103 = tpu.memref_squeeze %dma_wait3A_102 : memref<1x125xi32, #tpu.memory_space<vmem>> -> memref<125xi32, #tpu.memory_space<vmem>>
      %dma_wait3A_104 = arith.constant 0 : i32
      %dma_wait3A_105 = arith.constant 0 : i32
      %dma_wait3A_106 = tpu.memref_slice %arg20[%dma_wait3A_104, %dma_wait3A_105] : memref<10240x64xf32, #tpu.memory_space<vmem_shared>> -> memref<10240x64xf32, #tpu.memory_space<vmem_shared>>
      tpu.wait_indirect_dma semaphore(%arg30 : memref<!tpu.dma_semaphore, #tpu.memory_space<semaphore_mem>>) src(%arg18 : memref<125x64xf32, #tpu.memory_space<vmem>>) dst(%dma_wait3A_106 : memref<10240x64xf32, #tpu.memory_space<vmem_shared>>)
      %barrier3A_107 = arith.constant 0 : index
      tpu.barrier barrier_id(%barrier3A_107)
      "tpu.region"() ({
        %run_scoped3A_108 = tpu.sem_alloc : memref<!tpu.dma_semaphore, #tpu.memory_space<semaphore_mem>>
        %dma_start3A_109 = arith.constant 0 : i32
        %dma_start3A_110 = tpu.memref_slice %arg11[%mul3A_0, %dma_start3A_109] : memref<10240x64xf32, #tpu.memory_space<hbm>> -> memref<640x64xf32, #tpu.memory_space<hbm>>
        %dma_start3A_111 = arith.constant 0 : i32
        %dma_start3A_112 = tpu.memref_slice %arg20[%mul3A_0, %dma_start3A_111] : memref<10240x64xf32, #tpu.memory_space<vmem_shared>> -> memref<640x64xf32, #tpu.memory_space<vmem_shared>>
        tpu.enqueue_dma source(%dma_start3A_112 : memref<640x64xf32, #tpu.memory_space<vmem_shared>>) target(%dma_start3A_110 : memref<640x64xf32, #tpu.memory_space<hbm>>) target_semaphore(%run_scoped3A_108 : memref<!tpu.dma_semaphore, #tpu.memory_space<semaphore_mem>>)
        %dma_wait3A_113 = arith.constant 0 : i32
        %dma_wait3A_114 = tpu.memref_slice %arg11[%mul3A_0, %dma_wait3A_113] : memref<10240x64xf32, #tpu.memory_space<hbm>> -> memref<640x64xf32, #tpu.memory_space<hbm>>
        %dma_wait3A_115 = arith.constant 0 : i32
        %dma_wait3A_116 = tpu.memref_slice %arg20[%mul3A_0, %dma_wait3A_115] : memref<10240x64xf32, #tpu.memory_space<vmem_shared>> -> memref<640x64xf32, #tpu.memory_space<vmem_shared>>
        tpu.wait_dma2 semaphore(%run_scoped3A_108 : memref<!tpu.dma_semaphore, #tpu.memory_space<semaphore_mem>>) src(%dma_wait3A_116 : memref<640x64xf32, #tpu.memory_space<vmem_shared>>) dst(%dma_wait3A_114 : memref<640x64xf32, #tpu.memory_space<hbm>>)
        tpu.yield
      }) : () -> ()
    } else {
    }
    return
  }
}

#map = affine_map<(d0, d1) -> (0, 0)>
#map1 = affine_map<(d0, d1) -> (0, 0, 0)>
module attributes {stable_mosaic.version = 14 : i64} {
  func.func @k(%arg0: i32, %arg1: i32, %arg2: memref<10240x64xf32, #tpu.memory_space<hbm>>, %arg3: memref<2x2560x125xi32, #tpu.memory_space<hbm>>, %arg4: memref<10240x64xf32, #tpu.memory_space<hbm>>, %arg5: memref<10240x64xf32, #tpu.memory_space<hbm>>, %arg6: memref<80x125xi32, #tpu.memory_space<vmem>>, %arg7: memref<80x125xi32, #tpu.memory_space<vmem>>, %arg8: memref<125x64xf32, #tpu.memory_space<vmem>>, %arg9: memref<125x64xf32, #tpu.memory_space<vmem>>, %arg10: memref<125x64xf32, #tpu.memory_space<vmem>>, %arg11: memref<125x64xf32, #tpu.memory_space<vmem>>, %arg12: memref<125x64xf32, #tpu.memory_space<vmem>>, %arg13: memref<64x64xf32, #tpu.memory_space<vmem>>, %arg14: memref<10240x64xf32, #tpu.memory_space<vmem_shared>>, %arg15: memref<!tpu.dma_semaphore, #tpu.memory_space<semaphore_mem>>, %arg16: memref<!tpu.dma_semaphore, #tpu.memory_space<semaphore_mem>>, %arg17: memref<!tpu.dma_semaphore, #tpu.memory_space<semaphore_mem>>, %arg18: memref<!tpu.dma_semaphore, #tpu.memory_space<semaphore_mem>>, %arg19: memref<!tpu.dma_semaphore, #tpu.memory_space<semaphore_mem>>, %arg20: memref<!tpu.dma_semaphore, #tpu.memory_space<semaphore_mem>>, %arg21: memref<!tpu.dma_semaphore, #tpu.memory_space<semaphore_mem>>, %arg22: memref<!tpu.dma_semaphore, #tpu.memory_space<semaphore_mem>>, %arg23: memref<!tpu.dma_semaphore, #tpu.memory_space<semaphore_mem>>, %arg24: memref<!tpu.dma_semaphore, #tpu.memory_space<semaphore_mem>>) attributes {dimension_semantics = [#tpu.dimension_semantics<core_parallel>, #tpu.dimension_semantics<subcore_parallel>], iteration_bounds = array<i64: 2, 16>, scalar_prefetch = 0 : i64, scratch_operands = 19 : i64, tpu.core_type = #tpu.core_type<sc_vector_subcore>, window_params = [{transform_indices = #map}, {transform_indices = #map1}, {transform_indices = #map}, {transform_indices = #map}]} {
    %mul3A = arith.constant 640 : i32
    %mul3A_0 = arith.muli %arg1, %mul3A : i32
    %scan3A = arith.constant 0 : i32
    %scan3A_1 = arith.constant 64 : i32
    %scan3A_2 = arith.addi %scan3A, %scan3A_1 : i32
    %scan3A_3 = arith.constant 1 : i32
    scf.for %scan3A_61 = %scan3A to %scan3A_2 step %scan3A_3  : i32 {
      %mul3A_62 = arith.constant 1 : i32
      %mul3A_63 = arith.muli %scan3A_61, %mul3A_62 : i32
      %add3A_64 = arith.constant 0 : i32
      %add3A_65 = arith.addi %add3A_64, %mul3A_63 : i32
      %scan3A_66 = arith.constant 0 : i32
      %scan3A_67 = arith.constant 4 : i32
      %scan3A_68 = arith.addi %scan3A_66, %scan3A_67 : i32
      %scan3A_69 = arith.constant 1 : i32
      scf.for %scan3A_71 = %scan3A_66 to %scan3A_68 step %scan3A_69  : i32 {
        %mul3A_72 = arith.constant 16 : i32
        %mul3A_73 = arith.muli %scan3A_71, %mul3A_72 : i32
        %add3A_74 = arith.constant 0 : i32
        %add3A_75 = arith.addi %add3A_74, %mul3A_73 : i32
        %broadcast_in_dim3A = arith.constant 0.000000e+00 : f32
        %broadcast_in_dim3A_76 = vector.broadcast %broadcast_in_dim3A : f32 to vector<16xf32>
        %swap3A = arith.index_cast %add3A_65 : i32 to index
        %swap3A_77 = arith.index_cast %add3A_75 : i32 to index
        %swap3A_78 = tpu.vector_load %arg13[%swap3A, %swap3A_77] {strides = array<i32>} : memref<64x64xf32, #tpu.memory_space<vmem>>, vector<1x16xf32>,
        %swap3A_79 = vector.shape_cast %swap3A_78 : vector<1x16xf32> to vector<16xf32>
        %swap3A_80 = vector.shape_cast %broadcast_in_dim3A_76 : vector<16xf32> to vector<1x16xf32>
        tpu.vector_store %arg13[%swap3A, %swap3A_77], %swap3A_80 {strides = array<i32>} : memref<64x64xf32, #tpu.memory_space<vmem>>, vector<1x16xf32>,
      }
      %scan3A_70 = arith.constant 4 : i32
    }
    %scan3A_4 = arith.constant 64 : i32
    %scan3A_5 = arith.constant 0 : i32
    %scan3A_6 = arith.constant 10 : i32
    %scan3A_7 = arith.addi %scan3A_5, %scan3A_6 : i32
    %scan3A_8 = arith.constant 1 : i32
    scf.for %scan3A_61 = %scan3A_5 to %scan3A_7 step %scan3A_8  : i32 {
      %mul3A_62 = arith.constant 1 : i32
      %mul3A_63 = arith.muli %scan3A_61, %mul3A_62 : i32
      %add3A_64 = arith.constant 0 : i32
      %add3A_65 = arith.addi %add3A_64, %mul3A_63 : i32
      %mul3A_66 = arith.constant 64 : i32
      %mul3A_67 = arith.muli %add3A_65, %mul3A_66 : i32
      %add3A_68 = arith.addi %mul3A_0, %mul3A_67 : i32
      "tpu.region"() ({
        %run_scoped3A_69 = tpu.sem_alloc : memref<!tpu.dma_semaphore, #tpu.memory_space<semaphore_mem>>
        %dma_start3A_70 = arith.constant 0 : i32
        %dma_start3A_71 = tpu.memref_slice %arg14[%add3A_68, %dma_start3A_70] : memref<10240x64xf32, #tpu.memory_space<vmem_shared>> -> memref<64x64xf32, #tpu.memory_space<vmem_shared>>
        %dma_start3A_72 = arith.constant 0 : i32
        %dma_start3A_73 = tpu.memref_slice %arg14[%add3A_68, %dma_start3A_72] : memref<10240x64xf32, #tpu.memory_space<vmem_shared>> -> memref<64x64xf32, #tpu.memory_space<vmem_shared>>
        tpu.enqueue_dma source(%arg13 : memref<64x64xf32, #tpu.memory_space<vmem>>) target(%dma_start3A_73 : memref<64x64xf32, #tpu.memory_space<vmem_shared>>) target_semaphore(%run_scoped3A_69 : memref<!tpu.dma_semaphore, #tpu.memory_space<semaphore_mem>>)
        %dma_wait3A_74 = arith.constant 0 : i32
        %dma_wait3A_75 = tpu.memref_slice %arg14[%add3A_68, %dma_wait3A_74] : memref<10240x64xf32, #tpu.memory_space<vmem_shared>> -> memref<64x64xf32, #tpu.memory_space<vmem_shared>>
        %dma_wait3A_76 = arith.constant 0 : i32
        %dma_wait3A_77 = tpu.memref_slice %arg14[%add3A_68, %dma_wait3A_76] : memref<10240x64xf32, #tpu.memory_space<vmem_shared>> -> memref<64x64xf32, #tpu.memory_space<vmem_shared>>
        tpu.wait_dma2 semaphore(%run_scoped3A_69 : memref<!tpu.dma_semaphore, #tpu.memory_space<semaphore_mem>>) src(%arg13 : memref<64x64xf32, #tpu.memory_space<vmem>>) dst(%dma_wait3A_77 : memref<64x64xf32, #tpu.memory_space<vmem_shared>>)
        tpu.yield
      }) : () -> ()
    }
    %scan3A_9 = arith.constant 10 : i32
    %barrier3A = arith.constant 0 : index
    tpu.barrier barrier_id(%barrier3A)
    %mul3A_10 = arith.constant 1280 : i32
    %mul3A_11 = arith.muli %arg0, %mul3A_10 : i32
    %mul3A_12 = arith.constant 80 : i32
    %mul3A_13 = arith.muli %arg1, %mul3A_12 : i32
    %add3A = arith.addi %mul3A_11, %mul3A_13 : i32
    %run_scoped3A = arith.constant 1 : i32
    "tpu.region"() ({
      %run_scoped3A_61 = tpu.sem_alloc : memref<!tpu.dma_semaphore, #tpu.memory_space<semaphore_mem>>
      %dma_start3A_62 = arith.constant 0 : i32
      %dma_start3A_63 = tpu.memref_slice %arg3[%run_scoped3A, %add3A, %dma_start3A_62] : memref<2x2560x125xi32, #tpu.memory_space<hbm>> -> memref<1x80x125xi32, #tpu.memory_space<hbm>>
      %dma_start3A_64 = tpu.memref_squeeze %dma_start3A_63 : memref<1x80x125xi32, #tpu.memory_space<hbm>> -> memref<80x125xi32, #tpu.memory_space<hbm>>
      %dma_start3A_65 = arith.constant 0 : i32
      %dma_start3A_66 = tpu.memref_slice %arg3[%run_scoped3A, %add3A, %dma_start3A_65] : memref<2x2560x125xi32, #tpu.memory_space<hbm>> -> memref<1x80x125xi32, #tpu.memory_space<hbm>>
      %dma_start3A_67 = tpu.memref_squeeze %dma_start3A_66 : memref<1x80x125xi32, #tpu.memory_space<hbm>> -> memref<80x125xi32, #tpu.memory_space<hbm>>
      tpu.enqueue_dma source(%dma_start3A_67 : memref<80x125xi32, #tpu.memory_space<hbm>>) target(%arg6 : memref<80x125xi32, #tpu.memory_space<vmem>>) target_semaphore(%run_scoped3A_61 : memref<!tpu.dma_semaphore, #tpu.memory_space<semaphore_mem>>)
      %dma_wait3A_68 = arith.constant 0 : i32
      %dma_wait3A_69 = tpu.memref_slice %arg3[%run_scoped3A, %add3A, %dma_wait3A_68] : memref<2x2560x125xi32, #tpu.memory_space<hbm>> -> memref<1x80x125xi32, #tpu.memory_space<hbm>>
      %dma_wait3A_70 = tpu.memref_squeeze %dma_wait3A_69 : memref<1x80x125xi32, #tpu.memory_space<hbm>> -> memref<80x125xi32, #tpu.memory_space<hbm>>
      %dma_wait3A_71 = arith.constant 0 : i32
      %dma_wait3A_72 = tpu.memref_slice %arg3[%run_scoped3A, %add3A, %dma_wait3A_71] : memref<2x2560x125xi32, #tpu.memory_space<hbm>> -> memref<1x80x125xi32, #tpu.memory_space<hbm>>
      %dma_wait3A_73 = tpu.memref_squeeze %dma_wait3A_72 : memref<1x80x125xi32, #tpu.memory_space<hbm>> -> memref<80x125xi32, #tpu.memory_space<hbm>>
      tpu.wait_dma2 semaphore(%run_scoped3A_61 : memref<!tpu.dma_semaphore, #tpu.memory_space<semaphore_mem>>) src(%dma_wait3A_73 : memref<80x125xi32, #tpu.memory_space<hbm>>) dst(%arg6 : memref<80x125xi32, #tpu.memory_space<vmem>>)
      tpu.yield
    }) : () -> ()
    %run_scoped3A_14 = arith.constant 0 : i32
    "tpu.region"() ({
      %run_scoped3A_61 = tpu.sem_alloc : memref<!tpu.dma_semaphore, #tpu.memory_space<semaphore_mem>>
      %dma_start3A_62 = arith.constant 0 : i32
      %dma_start3A_63 = tpu.memref_slice %arg3[%run_scoped3A_14, %add3A, %dma_start3A_62] : memref<2x2560x125xi32, #tpu.memory_space<hbm>> -> memref<1x80x125xi32, #tpu.memory_space<hbm>>
      %dma_start3A_64 = tpu.memref_squeeze %dma_start3A_63 : memref<1x80x125xi32, #tpu.memory_space<hbm>> -> memref<80x125xi32, #tpu.memory_space<hbm>>
      %dma_start3A_65 = arith.constant 0 : i32
      %dma_start3A_66 = tpu.memref_slice %arg3[%run_scoped3A_14, %add3A, %dma_start3A_65] : memref<2x2560x125xi32, #tpu.memory_space<hbm>> -> memref<1x80x125xi32, #tpu.memory_space<hbm>>
      %dma_start3A_67 = tpu.memref_squeeze %dma_start3A_66 : memref<1x80x125xi32, #tpu.memory_space<hbm>> -> memref<80x125xi32, #tpu.memory_space<hbm>>
      tpu.enqueue_dma source(%dma_start3A_67 : memref<80x125xi32, #tpu.memory_space<hbm>>) target(%arg7 : memref<80x125xi32, #tpu.memory_space<vmem>>) target_semaphore(%run_scoped3A_61 : memref<!tpu.dma_semaphore, #tpu.memory_space<semaphore_mem>>)
      %dma_wait3A_68 = arith.constant 0 : i32
      %dma_wait3A_69 = tpu.memref_slice %arg3[%run_scoped3A_14, %add3A, %dma_wait3A_68] : memref<2x2560x125xi32, #tpu.memory_space<hbm>> -> memref<1x80x125xi32, #tpu.memory_space<hbm>>
      %dma_wait3A_70 = tpu.memref_squeeze %dma_wait3A_69 : memref<1x80x125xi32, #tpu.memory_space<hbm>> -> memref<80x125xi32, #tpu.memory_space<hbm>>
      %dma_wait3A_71 = arith.constant 0 : i32
      %dma_wait3A_72 = tpu.memref_slice %arg3[%run_scoped3A_14, %add3A, %dma_wait3A_71] : memref<2x2560x125xi32, #tpu.memory_space<hbm>> -> memref<1x80x125xi32, #tpu.memory_space<hbm>>
      %dma_wait3A_73 = tpu.memref_squeeze %dma_wait3A_72 : memref<1x80x125xi32, #tpu.memory_space<hbm>> -> memref<80x125xi32, #tpu.memory_space<hbm>>
      tpu.wait_dma2 semaphore(%run_scoped3A_61 : memref<!tpu.dma_semaphore, #tpu.memory_space<semaphore_mem>>) src(%dma_wait3A_73 : memref<80x125xi32, #tpu.memory_space<hbm>>) dst(%arg7 : memref<80x125xi32, #tpu.memory_space<vmem>>)
      tpu.yield
    }) : () -> ()
    %dma_start3A = arith.constant 0 : i32
    %dma_start3A_15 = arith.constant 0 : i32
    %dma_start3A_16 = tpu.memref_slice %arg6[%dma_start3A, %dma_start3A_15] : memref<80x125xi32, #tpu.memory_space<vmem>> -> memref<1x125xi32, #tpu.memory_space<vmem>>
    %dma_start3A_17 = tpu.memref_squeeze %dma_start3A_16 : memref<1x125xi32, #tpu.memory_space<vmem>> -> memref<125xi32, #tpu.memory_space<vmem>>
    %dma_start3A_18 = arith.constant 0 : i32
    %dma_start3A_19 = arith.constant 0 : i32
    %dma_start3A_20 = tpu.memref_slice %arg2[%dma_start3A_18, %dma_start3A_19] : memref<10240x64xf32, #tpu.memory_space<hbm>> -> memref<10240x64xf32, #tpu.memory_space<hbm>>
    tpu.enqueue_indirect_dma source(%dma_start3A_20 : memref<10240x64xf32, #tpu.memory_space<hbm>>) target(%arg8 : memref<125x64xf32, #tpu.memory_space<vmem>>) offsets(%dma_start3A_17 : memref<125xi32, #tpu.memory_space<vmem>>) semaphore(%arg15 : memref<!tpu.dma_semaphore, #tpu.memory_space<semaphore_mem>>)
    %dma_start3A_21 = arith.constant 1 : i32
    %dma_start3A_22 = arith.constant 0 : i32
    %dma_start3A_23 = tpu.memref_slice %arg6[%dma_start3A_21, %dma_start3A_22] : memref<80x125xi32, #tpu.memory_space<vmem>> -> memref<1x125xi32, #tpu.memory_space<vmem>>
    %dma_start3A_24 = tpu.memref_squeeze %dma_start3A_23 : memref<1x125xi32, #tpu.memory_space<vmem>> -> memref<125xi32, #tpu.memory_space<vmem>>
    %dma_start3A_25 = arith.constant 0 : i32
    %dma_start3A_26 = arith.constant 0 : i32
    %dma_start3A_27 = tpu.memref_slice %arg2[%dma_start3A_25, %dma_start3A_26] : memref<10240x64xf32, #tpu.memory_space<hbm>> -> memref<10240x64xf32, #tpu.memory_space<hbm>>
    tpu.enqueue_indirect_dma source(%dma_start3A_27 : memref<10240x64xf32, #tpu.memory_space<hbm>>) target(%arg9 : memref<125x64xf32, #tpu.memory_space<vmem>>) offsets(%dma_start3A_24 : memref<125xi32, #tpu.memory_space<vmem>>) semaphore(%arg16 : memref<!tpu.dma_semaphore, #tpu.memory_space<semaphore_mem>>)
    %dma_start3A_28 = arith.constant 2 : i32
    %dma_start3A_29 = arith.constant 0 : i32
    %dma_start3A_30 = tpu.memref_slice %arg6[%dma_start3A_28, %dma_start3A_29] : memref<80x125xi32, #tpu.memory_space<vmem>> -> memref<1x125xi32, #tpu.memory_space<vmem>>
    %dma_start3A_31 = tpu.memref_squeeze %dma_start3A_30 : memref<1x125xi32, #tpu.memory_space<vmem>> -> memref<125xi32, #tpu.memory_space<vmem>>
    %dma_start3A_32 = arith.constant 0 : i32
    %dma_start3A_33 = arith.constant 0 : i32
    %dma_start3A_34 = tpu.memref_slice %arg2[%dma_start3A_32, %dma_start3A_33] : memref<10240x64xf32, #tpu.memory_space<hbm>> -> memref<10240x64xf32, #tpu.memory_space<hbm>>
    tpu.enqueue_indirect_dma source(%dma_start3A_34 : memref<10240x64xf32, #tpu.memory_space<hbm>>) target(%arg10 : memref<125x64xf32, #tpu.memory_space<vmem>>) offsets(%dma_start3A_31 : memref<125xi32, #tpu.memory_space<vmem>>) semaphore(%arg17 : memref<!tpu.dma_semaphore, #tpu.memory_space<semaphore_mem>>)
    %dma_start3A_35 = arith.constant 3 : i32
    %dma_start3A_36 = arith.constant 0 : i32
    %dma_start3A_37 = tpu.memref_slice %arg6[%dma_start3A_35, %dma_start3A_36] : memref<80x125xi32, #tpu.memory_space<vmem>> -> memref<1x125xi32, #tpu.memory_space<vmem>>
    %dma_start3A_38 = tpu.memref_squeeze %dma_start3A_37 : memref<1x125xi32, #tpu.memory_space<vmem>> -> memref<125xi32, #tpu.memory_space<vmem>>
    %dma_start3A_39 = arith.constant 0 : i32
    %dma_start3A_40 = arith.constant 0 : i32
    %dma_start3A_41 = tpu.memref_slice %arg2[%dma_start3A_39, %dma_start3A_40] : memref<10240x64xf32, #tpu.memory_space<hbm>> -> memref<10240x64xf32, #tpu.memory_space<hbm>>
    tpu.enqueue_indirect_dma source(%dma_start3A_41 : memref<10240x64xf32, #tpu.memory_space<hbm>>) target(%arg11 : memref<125x64xf32, #tpu.memory_space<vmem>>) offsets(%dma_start3A_38 : memref<125xi32, #tpu.memory_space<vmem>>) semaphore(%arg18 : memref<!tpu.dma_semaphore, #tpu.memory_space<semaphore_mem>>)
    %scan3A_42 = arith.constant 0 : i32
    %scan3A_43 = arith.constant 16 : i32
    %scan3A_44 = arith.addi %scan3A_42, %scan3A_43 : i32
    %scan3A_45 = arith.constant 1 : i32
    scf.for %scan3A_61 = %scan3A_42 to %scan3A_44 step %scan3A_45  : i32 {
      %mul3A_62 = arith.constant 1 : i32
      %mul3A_63 = arith.muli %scan3A_61, %mul3A_62 : i32
      %add3A_64 = arith.constant 0 : i32
      %add3A_65 = arith.addi %add3A_64, %mul3A_63 : i32
      %mul3A_66 = arith.constant 5 : i32
      %mul3A_67 = arith.muli %mul3A_66, %add3A_65 : i32
      %add3A_68 = arith.constant 0 : i32
      %add3A_69 = arith.addi %mul3A_67, %add3A_68 : i32
      %dma_wait3A_70 = arith.constant 0 : i32
      %dma_wait3A_71 = tpu.memref_slice %arg6[%add3A_69, %dma_wait3A_70] : memref<80x125xi32, #tpu.memory_space<vmem>> -> memref<1x125xi32, #tpu.memory_space<vmem>>
      %dma_wait3A_72 = tpu.memref_squeeze %dma_wait3A_71 : memref<1x125xi32, #tpu.memory_space<vmem>> -> memref<125xi32, #tpu.memory_space<vmem>>
      %dma_wait3A_73 = arith.constant 0 : i32
      %dma_wait3A_74 = arith.constant 0 : i32
      %dma_wait3A_75 = tpu.memref_slice %arg2[%dma_wait3A_73, %dma_wait3A_74] : memref<10240x64xf32, #tpu.memory_space<hbm>> -> memref<10240x64xf32, #tpu.memory_space<hbm>>
      tpu.wait_indirect_dma semaphore(%arg15 : memref<!tpu.dma_semaphore, #tpu.memory_space<semaphore_mem>>) src(%dma_wait3A_75 : memref<10240x64xf32, #tpu.memory_space<hbm>>) dst(%arg8 : memref<125x64xf32, #tpu.memory_space<vmem>>)
      %ge3A = arith.constant 1 : i32
      %ge3A_76 = arith.cmpi sge, %add3A_69, %ge3A : i32
      %convert_element_type3A_77 = arith.extui %ge3A_76 : i1 to i32
      %cond3A_78 = arith.constant 0 : i32
      %cond3A_79 = arith.cmpi ne, %convert_element_type3A_77, %cond3A_78 : i32
      scf.if %cond3A_79 {
        %sub3A = arith.constant 1 : i32
        %sub3A_196 = arith.subi %add3A_69, %sub3A : i32
        %dma_wait3A_197 = arith.constant 0 : i32
        %dma_wait3A_198 = tpu.memref_slice %arg7[%sub3A_196, %dma_wait3A_197] : memref<80x125xi32, #tpu.memory_space<vmem>> -> memref<1x125xi32, #tpu.memory_space<vmem>>
        %dma_wait3A_199 = tpu.memref_squeeze %dma_wait3A_198 : memref<1x125xi32, #tpu.memory_space<vmem>> -> memref<125xi32, #tpu.memory_space<vmem>>
        %dma_wait3A_200 = arith.constant 0 : i32
        %dma_wait3A_201 = arith.constant 0 : i32
        %dma_wait3A_202 = tpu.memref_slice %arg14[%dma_wait3A_200, %dma_wait3A_201] : memref<10240x64xf32, #tpu.memory_space<vmem_shared>> -> memref<10240x64xf32, #tpu.memory_space<vmem_shared>>
        tpu.wait_indirect_dma semaphore(%arg24 : memref<!tpu.dma_semaphore, #tpu.memory_space<semaphore_mem>>) src(%arg12 : memref<125x64xf32, #tpu.memory_space<vmem>>) dst(%dma_wait3A_202 : memref<10240x64xf32, #tpu.memory_space<vmem_shared>>)
      } else {
      }
      %add3A_80 = arith.constant 4 : i32
      %add3A_81 = arith.addi %add3A_69, %add3A_80 : i32
      %lt3A = arith.constant 80 : i32
      %lt3A_82 = arith.cmpi slt, %add3A_81, %lt3A : i32
      %convert_element_type3A_83 = arith.extui %lt3A_82 : i1 to i32
      %cond3A_84 = arith.constant 0 : i32
      %cond3A_85 = arith.cmpi ne, %convert_element_type3A_83, %cond3A_84 : i32
      scf.if %cond3A_85 {
        %add3A_196 = arith.constant 4 : i32
        %add3A_197 = arith.addi %add3A_69, %add3A_196 : i32
        %dma_start3A_198 = arith.constant 0 : i32
        %dma_start3A_199 = tpu.memref_slice %arg6[%add3A_197, %dma_start3A_198] : memref<80x125xi32, #tpu.memory_space<vmem>> -> memref<1x125xi32, #tpu.memory_space<vmem>>
        %dma_start3A_200 = tpu.memref_squeeze %dma_start3A_199 : memref<1x125xi32, #tpu.memory_space<vmem>> -> memref<125xi32, #tpu.memory_space<vmem>>
        %dma_start3A_201 = arith.constant 0 : i32
        %dma_start3A_202 = arith.constant 0 : i32
        %dma_start3A_203 = tpu.memref_slice %arg2[%dma_start3A_201, %dma_start3A_202] : memref<10240x64xf32, #tpu.memory_space<hbm>> -> memref<10240x64xf32, #tpu.memory_space<hbm>>
        tpu.enqueue_indirect_dma source(%dma_start3A_203 : memref<10240x64xf32, #tpu.memory_space<hbm>>) target(%arg12 : memref<125x64xf32, #tpu.memory_space<vmem>>) offsets(%dma_start3A_200 : memref<125xi32, #tpu.memory_space<vmem>>) semaphore(%arg19 : memref<!tpu.dma_semaphore, #tpu.memory_space<semaphore_mem>>)
      } else {
      }
      %dma_start3A_86 = arith.constant 0 : i32
      %dma_start3A_87 = tpu.memref_slice %arg7[%add3A_69, %dma_start3A_86] : memref<80x125xi32, #tpu.memory_space<vmem>> -> memref<1x125xi32, #tpu.memory_space<vmem>>
      %dma_start3A_88 = tpu.memref_squeeze %dma_start3A_87 : memref<1x125xi32, #tpu.memory_space<vmem>> -> memref<125xi32, #tpu.memory_space<vmem>>
      %dma_start3A_89 = arith.constant 0 : i32
      %dma_start3A_90 = arith.constant 0 : i32
      %dma_start3A_91 = tpu.memref_slice %arg14[%dma_start3A_89, %dma_start3A_90] : memref<10240x64xf32, #tpu.memory_space<vmem_shared>> -> memref<10240x64xf32, #tpu.memory_space<vmem_shared>>
      tpu.enqueue_indirect_dma source(%arg8 : memref<125x64xf32, #tpu.memory_space<vmem>>) target(%dma_start3A_91 : memref<10240x64xf32, #tpu.memory_space<vmem_shared>>) offsets(%dma_start3A_88 : memref<125xi32, #tpu.memory_space<vmem>>) semaphore(%arg20 : memref<!tpu.dma_semaphore, #tpu.memory_space<semaphore_mem>>) {add = true}
      %add3A_92 = arith.constant 1 : i32
      %add3A_93 = arith.addi %mul3A_67, %add3A_92 : i32
      %dma_wait3A_94 = arith.constant 0 : i32
      %dma_wait3A_95 = tpu.memref_slice %arg6[%add3A_93, %dma_wait3A_94] : memref<80x125xi32, #tpu.memory_space<vmem>> -> memref<1x125xi32, #tpu.memory_space<vmem>>
      %dma_wait3A_96 = tpu.memref_squeeze %dma_wait3A_95 : memref<1x125xi32, #tpu.memory_space<vmem>> -> memref<125xi32, #tpu.memory_space<vmem>>
      %dma_wait3A_97 = arith.constant 0 : i32
      %dma_wait3A_98 = arith.constant 0 : i32
      %dma_wait3A_99 = tpu.memref_slice %arg2[%dma_wait3A_97, %dma_wait3A_98] : memref<10240x64xf32, #tpu.memory_space<hbm>> -> memref<10240x64xf32, #tpu.memory_space<hbm>>
      tpu.wait_indirect_dma semaphore(%arg16 : memref<!tpu.dma_semaphore, #tpu.memory_space<semaphore_mem>>) src(%dma_wait3A_99 : memref<10240x64xf32, #tpu.memory_space<hbm>>) dst(%arg9 : memref<125x64xf32, #tpu.memory_space<vmem>>)
      %ge3A_100 = arith.constant 1 : i32
      %ge3A_101 = arith.cmpi sge, %add3A_93, %ge3A_100 : i32
      %convert_element_type3A_102 = arith.extui %ge3A_101 : i1 to i32
      %cond3A_103 = arith.constant 0 : i32
      %cond3A_104 = arith.cmpi ne, %convert_element_type3A_102, %cond3A_103 : i32
      scf.if %cond3A_104 {
        %sub3A = arith.constant 1 : i32
        %sub3A_196 = arith.subi %add3A_93, %sub3A : i32
        %dma_wait3A_197 = arith.constant 0 : i32
        %dma_wait3A_198 = tpu.memref_slice %arg7[%sub3A_196, %dma_wait3A_197] : memref<80x125xi32, #tpu.memory_space<vmem>> -> memref<1x125xi32, #tpu.memory_space<vmem>>
        %dma_wait3A_199 = tpu.memref_squeeze %dma_wait3A_198 : memref<1x125xi32, #tpu.memory_space<vmem>> -> memref<125xi32, #tpu.memory_space<vmem>>
        %dma_wait3A_200 = arith.constant 0 : i32
        %dma_wait3A_201 = arith.constant 0 : i32
        %dma_wait3A_202 = tpu.memref_slice %arg14[%dma_wait3A_200, %dma_wait3A_201] : memref<10240x64xf32, #tpu.memory_space<vmem_shared>> -> memref<10240x64xf32, #tpu.memory_space<vmem_shared>>
        tpu.wait_indirect_dma semaphore(%arg20 : memref<!tpu.dma_semaphore, #tpu.memory_space<semaphore_mem>>) src(%arg8 : memref<125x64xf32, #tpu.memory_space<vmem>>) dst(%dma_wait3A_202 : memref<10240x64xf32, #tpu.memory_space<vmem_shared>>)
      } else {
      }
      %add3A_105 = arith.constant 4 : i32
      %add3A_106 = arith.addi %add3A_93, %add3A_105 : i32
      %lt3A_107 = arith.constant 80 : i32
      %lt3A_108 = arith.cmpi slt, %add3A_106, %lt3A_107 : i32
      %convert_element_type3A_109 = arith.extui %lt3A_108 : i1 to i32
      %cond3A_110 = arith.constant 0 : i32
      %cond3A_111 = arith.cmpi ne, %convert_element_type3A_109, %cond3A_110 : i32
      scf.if %cond3A_111 {
        %add3A_196 = arith.constant 4 : i32
        %add3A_197 = arith.addi %add3A_93, %add3A_196 : i32
        %dma_start3A_198 = arith.constant 0 : i32
        %dma_start3A_199 = tpu.memref_slice %arg6[%add3A_197, %dma_start3A_198] : memref<80x125xi32, #tpu.memory_space<vmem>> -> memref<1x125xi32, #tpu.memory_space<vmem>>
        %dma_start3A_200 = tpu.memref_squeeze %dma_start3A_199 : memref<1x125xi32, #tpu.memory_space<vmem>> -> memref<125xi32, #tpu.memory_space<vmem>>
        %dma_start3A_201 = arith.constant 0 : i32
        %dma_start3A_202 = arith.constant 0 : i32
        %dma_start3A_203 = tpu.memref_slice %arg2[%dma_start3A_201, %dma_start3A_202] : memref<10240x64xf32, #tpu.memory_space<hbm>> -> memref<10240x64xf32, #tpu.memory_space<hbm>>
        tpu.enqueue_indirect_dma source(%dma_start3A_203 : memref<10240x64xf32, #tpu.memory_space<hbm>>) target(%arg8 : memref<125x64xf32, #tpu.memory_space<vmem>>) offsets(%dma_start3A_200 : memref<125xi32, #tpu.memory_space<vmem>>) semaphore(%arg15 : memref<!tpu.dma_semaphore, #tpu.memory_space<semaphore_mem>>)
      } else {
      }
      %dma_start3A_112 = arith.constant 0 : i32
      %dma_start3A_113 = tpu.memref_slice %arg7[%add3A_93, %dma_start3A_112] : memref<80x125xi32, #tpu.memory_space<vmem>> -> memref<1x125xi32, #tpu.memory_space<vmem>>
      %dma_start3A_114 = tpu.memref_squeeze %dma_start3A_113 : memref<1x125xi32, #tpu.memory_space<vmem>> -> memref<125xi32, #tpu.memory_space<vmem>>
      %dma_start3A_115 = arith.constant 0 : i32
      %dma_start3A_116 = arith.constant 0 : i32
      %dma_start3A_117 = tpu.memref_slice %arg14[%dma_start3A_115, %dma_start3A_116] : memref<10240x64xf32, #tpu.memory_space<vmem_shared>> -> memref<10240x64xf32, #tpu.memory_space<vmem_shared>>
      tpu.enqueue_indirect_dma source(%arg9 : memref<125x64xf32, #tpu.memory_space<vmem>>) target(%dma_start3A_117 : memref<10240x64xf32, #tpu.memory_space<vmem_shared>>) offsets(%dma_start3A_114 : memref<125xi32, #tpu.memory_space<vmem>>) semaphore(%arg21 : memref<!tpu.dma_semaphore, #tpu.memory_space<semaphore_mem>>) {add = true}
      %add3A_118 = arith.constant 2 : i32
      %add3A_119 = arith.addi %mul3A_67, %add3A_118 : i32
      %dma_wait3A_120 = arith.constant 0 : i32
      %dma_wait3A_121 = tpu.memref_slice %arg6[%add3A_119, %dma_wait3A_120] : memref<80x125xi32, #tpu.memory_space<vmem>> -> memref<1x125xi32, #tpu.memory_space<vmem>>
      %dma_wait3A_122 = tpu.memref_squeeze %dma_wait3A_121 : memref<1x125xi32, #tpu.memory_space<vmem>> -> memref<125xi32, #tpu.memory_space<vmem>>
      %dma_wait3A_123 = arith.constant 0 : i32
      %dma_wait3A_124 = arith.constant 0 : i32
      %dma_wait3A_125 = tpu.memref_slice %arg2[%dma_wait3A_123, %dma_wait3A_124] : memref<10240x64xf32, #tpu.memory_space<hbm>> -> memref<10240x64xf32, #tpu.memory_space<hbm>>
      tpu.wait_indirect_dma semaphore(%arg17 : memref<!tpu.dma_semaphore, #tpu.memory_space<semaphore_mem>>) src(%dma_wait3A_125 : memref<10240x64xf32, #tpu.memory_space<hbm>>) dst(%arg10 : memref<125x64xf32, #tpu.memory_space<vmem>>)
      %ge3A_126 = arith.constant 1 : i32
      %ge3A_127 = arith.cmpi sge, %add3A_119, %ge3A_126 : i32
      %convert_element_type3A_128 = arith.extui %ge3A_127 : i1 to i32
      %cond3A_129 = arith.constant 0 : i32
      %cond3A_130 = arith.cmpi ne, %convert_element_type3A_128, %cond3A_129 : i32
      scf.if %cond3A_130 {
        %sub3A = arith.constant 1 : i32
        %sub3A_196 = arith.subi %add3A_119, %sub3A : i32
        %dma_wait3A_197 = arith.constant 0 : i32
        %dma_wait3A_198 = tpu.memref_slice %arg7[%sub3A_196, %dma_wait3A_197] : memref<80x125xi32, #tpu.memory_space<vmem>> -> memref<1x125xi32, #tpu.memory_space<vmem>>
        %dma_wait3A_199 = tpu.memref_squeeze %dma_wait3A_198 : memref<1x125xi32, #tpu.memory_space<vmem>> -> memref<125xi32, #tpu.memory_space<vmem>>
        %dma_wait3A_200 = arith.constant 0 : i32
        %dma_wait3A_201 = arith.constant 0 : i32
        %dma_wait3A_202 = tpu.memref_slice %arg14[%dma_wait3A_200, %dma_wait3A_201] : memref<10240x64xf32, #tpu.memory_space<vmem_shared>> -> memref<10240x64xf32, #tpu.memory_space<vmem_shared>>
        tpu.wait_indirect_dma semaphore(%arg21 : memref<!tpu.dma_semaphore, #tpu.memory_space<semaphore_mem>>) src(%arg9 : memref<125x64xf32, #tpu.memory_space<vmem>>) dst(%dma_wait3A_202 : memref<10240x64xf32, #tpu.memory_space<vmem_shared>>)
      } else {
      }
      %add3A_131 = arith.constant 4 : i32
      %add3A_132 = arith.addi %add3A_119, %add3A_131 : i32
      %lt3A_133 = arith.constant 80 : i32
      %lt3A_134 = arith.cmpi slt, %add3A_132, %lt3A_133 : i32
      %convert_element_type3A_135 = arith.extui %lt3A_134 : i1 to i32
      %cond3A_136 = arith.constant 0 : i32
      %cond3A_137 = arith.cmpi ne, %convert_element_type3A_135, %cond3A_136 : i32
      scf.if %cond3A_137 {
        %add3A_196 = arith.constant 4 : i32
        %add3A_197 = arith.addi %add3A_119, %add3A_196 : i32
        %dma_start3A_198 = arith.constant 0 : i32
        %dma_start3A_199 = tpu.memref_slice %arg6[%add3A_197, %dma_start3A_198] : memref<80x125xi32, #tpu.memory_space<vmem>> -> memref<1x125xi32, #tpu.memory_space<vmem>>
        %dma_start3A_200 = tpu.memref_squeeze %dma_start3A_199 : memref<1x125xi32, #tpu.memory_space<vmem>> -> memref<125xi32, #tpu.memory_space<vmem>>
        %dma_start3A_201 = arith.constant 0 : i32
        %dma_start3A_202 = arith.constant 0 : i32
        %dma_start3A_203 = tpu.memref_slice %arg2[%dma_start3A_201, %dma_start3A_202] : memref<10240x64xf32, #tpu.memory_space<hbm>> -> memref<10240x64xf32, #tpu.memory_space<hbm>>
        tpu.enqueue_indirect_dma source(%dma_start3A_203 : memref<10240x64xf32, #tpu.memory_space<hbm>>) target(%arg9 : memref<125x64xf32, #tpu.memory_space<vmem>>) offsets(%dma_start3A_200 : memref<125xi32, #tpu.memory_space<vmem>>) semaphore(%arg16 : memref<!tpu.dma_semaphore, #tpu.memory_space<semaphore_mem>>)
      } else {
      }
      %dma_start3A_138 = arith.constant 0 : i32
      %dma_start3A_139 = tpu.memref_slice %arg7[%add3A_119, %dma_start3A_138] : memref<80x125xi32, #tpu.memory_space<vmem>> -> memref<1x125xi32, #tpu.memory_space<vmem>>
      %dma_start3A_140 = tpu.memref_squeeze %dma_start3A_139 : memref<1x125xi32, #tpu.memory_space<vmem>> -> memref<125xi32, #tpu.memory_space<vmem>>
      %dma_start3A_141 = arith.constant 0 : i32
      %dma_start3A_142 = arith.constant 0 : i32
      %dma_start3A_143 = tpu.memref_slice %arg14[%dma_start3A_141, %dma_start3A_142] : memref<10240x64xf32, #tpu.memory_space<vmem_shared>> -> memref<10240x64xf32, #tpu.memory_space<vmem_shared>>
      tpu.enqueue_indirect_dma source(%arg10 : memref<125x64xf32, #tpu.memory_space<vmem>>) target(%dma_start3A_143 : memref<10240x64xf32, #tpu.memory_space<vmem_shared>>) offsets(%dma_start3A_140 : memref<125xi32, #tpu.memory_space<vmem>>) semaphore(%arg22 : memref<!tpu.dma_semaphore, #tpu.memory_space<semaphore_mem>>) {add = true}
      %add3A_144 = arith.constant 3 : i32
      %add3A_145 = arith.addi %mul3A_67, %add3A_144 : i32
      %dma_wait3A_146 = arith.constant 0 : i32
      %dma_wait3A_147 = tpu.memref_slice %arg6[%add3A_145, %dma_wait3A_146] : memref<80x125xi32, #tpu.memory_space<vmem>> -> memref<1x125xi32, #tpu.memory_space<vmem>>
      %dma_wait3A_148 = tpu.memref_squeeze %dma_wait3A_147 : memref<1x125xi32, #tpu.memory_space<vmem>> -> memref<125xi32, #tpu.memory_space<vmem>>
      %dma_wait3A_149 = arith.constant 0 : i32
      %dma_wait3A_150 = arith.constant 0 : i32
      %dma_wait3A_151 = tpu.memref_slice %arg2[%dma_wait3A_149, %dma_wait3A_150] : memref<10240x64xf32, #tpu.memory_space<hbm>> -> memref<10240x64xf32, #tpu.memory_space<hbm>>
      tpu.wait_indirect_dma semaphore(%arg18 : memref<!tpu.dma_semaphore, #tpu.memory_space<semaphore_mem>>) src(%dma_wait3A_151 : memref<10240x64xf32, #tpu.memory_space<hbm>>) dst(%arg11 : memref<125x64xf32, #tpu.memory_space<vmem>>)
      %ge3A_152 = arith.constant 1 : i32
      %ge3A_153 = arith.cmpi sge, %add3A_145, %ge3A_152 : i32
      %convert_element_type3A_154 = arith.extui %ge3A_153 : i1 to i32
      %cond3A_155 = arith.constant 0 : i32
      %cond3A_156 = arith.cmpi ne, %convert_element_type3A_154, %cond3A_155 : i32
      scf.if %cond3A_156 {
        %sub3A = arith.constant 1 : i32
        %sub3A_196 = arith.subi %add3A_145, %sub3A : i32
        %dma_wait3A_197 = arith.constant 0 : i32
        %dma_wait3A_198 = tpu.memref_slice %arg7[%sub3A_196, %dma_wait3A_197] : memref<80x125xi32, #tpu.memory_space<vmem>> -> memref<1x125xi32, #tpu.memory_space<vmem>>
        %dma_wait3A_199 = tpu.memref_squeeze %dma_wait3A_198 : memref<1x125xi32, #tpu.memory_space<vmem>> -> memref<125xi32, #tpu.memory_space<vmem>>
        %dma_wait3A_200 = arith.constant 0 : i32
        %dma_wait3A_201 = arith.constant 0 : i32
        %dma_wait3A_202 = tpu.memref_slice %arg14[%dma_wait3A_200, %dma_wait3A_201] : memref<10240x64xf32, #tpu.memory_space<vmem_shared>> -> memref<10240x64xf32, #tpu.memory_space<vmem_shared>>
        tpu.wait_indirect_dma semaphore(%arg22 : memref<!tpu.dma_semaphore, #tpu.memory_space<semaphore_mem>>) src(%arg10 : memref<125x64xf32, #tpu.memory_space<vmem>>) dst(%dma_wait3A_202 : memref<10240x64xf32, #tpu.memory_space<vmem_shared>>)
      } else {
      }
      %add3A_157 = arith.constant 4 : i32
      %add3A_158 = arith.addi %add3A_145, %add3A_157 : i32
      %lt3A_159 = arith.constant 80 : i32
      %lt3A_160 = arith.cmpi slt, %add3A_158, %lt3A_159 : i32
      %convert_element_type3A_161 = arith.extui %lt3A_160 : i1 to i32
      %cond3A_162 = arith.constant 0 : i32
      %cond3A_163 = arith.cmpi ne, %convert_element_type3A_161, %cond3A_162 : i32
      scf.if %cond3A_163 {
        %add3A_196 = arith.constant 4 : i32
        %add3A_197 = arith.addi %add3A_145, %add3A_196 : i32
        %dma_start3A_198 = arith.constant 0 : i32
        %dma_start3A_199 = tpu.memref_slice %arg6[%add3A_197, %dma_start3A_198] : memref<80x125xi32, #tpu.memory_space<vmem>> -> memref<1x125xi32, #tpu.memory_space<vmem>>
        %dma_start3A_200 = tpu.memref_squeeze %dma_start3A_199 : memref<1x125xi32, #tpu.memory_space<vmem>> -> memref<125xi32, #tpu.memory_space<vmem>>
        %dma_start3A_201 = arith.constant 0 : i32
        %dma_start3A_202 = arith.constant 0 : i32
        %dma_start3A_203 = tpu.memref_slice %arg2[%dma_start3A_201, %dma_start3A_202] : memref<10240x64xf32, #tpu.memory_space<hbm>> -> memref<10240x64xf32, #tpu.memory_space<hbm>>
        tpu.enqueue_indirect_dma source(%dma_start3A_203 : memref<10240x64xf32, #tpu.memory_space<hbm>>) target(%arg10 : memref<125x64xf32, #tpu.memory_space<vmem>>) offsets(%dma_start3A_200 : memref<125xi32, #tpu.memory_space<vmem>>) semaphore(%arg17 : memref<!tpu.dma_semaphore, #tpu.memory_space<semaphore_mem>>)
      } else {
      }
      %dma_start3A_164 = arith.constant 0 : i32
      %dma_start3A_165 = tpu.memref_slice %arg7[%add3A_145, %dma_start3A_164] : memref<80x125xi32, #tpu.memory_space<vmem>> -> memref<1x125xi32, #tpu.memory_space<vmem>>
      %dma_start3A_166 = tpu.memref_squeeze %dma_start3A_165 : memref<1x125xi32, #tpu.memory_space<vmem>> -> memref<125xi32, #tpu.memory_space<vmem>>
      %dma_start3A_167 = arith.constant 0 : i32
      %dma_start3A_168 = arith.constant 0 : i32
      %dma_start3A_169 = tpu.memref_slice %arg14[%dma_start3A_167, %dma_start3A_168] : memref<10240x64xf32, #tpu.memory_space<vmem_shared>> -> memref<10240x64xf32, #tpu.memory_space<vmem_shared>>
      tpu.enqueue_indirect_dma source(%arg11 : memref<125x64xf32, #tpu.memory_space<vmem>>) target(%dma_start3A_169 : memref<10240x64xf32, #tpu.memory_space<vmem_shared>>) offsets(%dma_start3A_166 : memref<125xi32, #tpu.memory_space<vmem>>) semaphore(%arg23 : memref<!tpu.dma_semaphore, #tpu.memory_space<semaphore_mem>>) {add = true}
      %add3A_170 = arith.constant 4 : i32
      %add3A_171 = arith.addi %mul3A_67, %add3A_170 : i32
      %dma_wait3A_172 = arith.constant 0 : i32
      %dma_wait3A_173 = tpu.memref_slice %arg6[%add3A_171, %dma_wait3A_172] : memref<80x125xi32, #tpu.memory_space<vmem>> -> memref<1x125xi32, #tpu.memory_space<vmem>>
      %dma_wait3A_174 = tpu.memref_squeeze %dma_wait3A_173 : memref<1x125xi32, #tpu.memory_space<vmem>> -> memref<125xi32, #tpu.memory_space<vmem>>
      %dma_wait3A_175 = arith.constant 0 : i32
      %dma_wait3A_176 = arith.constant 0 : i32
      %dma_wait3A_177 = tpu.memref_slice %arg2[%dma_wait3A_175, %dma_wait3A_176] : memref<10240x64xf32, #tpu.memory_space<hbm>> -> memref<10240x64xf32, #tpu.memory_space<hbm>>
      tpu.wait_indirect_dma semaphore(%arg19 : memref<!tpu.dma_semaphore, #tpu.memory_space<semaphore_mem>>) src(%dma_wait3A_177 : memref<10240x64xf32, #tpu.memory_space<hbm>>) dst(%arg12 : memref<125x64xf32, #tpu.memory_space<vmem>>)
      %ge3A_178 = arith.constant 1 : i32
      %ge3A_179 = arith.cmpi sge, %add3A_171, %ge3A_178 : i32
      %convert_element_type3A_180 = arith.extui %ge3A_179 : i1 to i32
      %cond3A_181 = arith.constant 0 : i32
      %cond3A_182 = arith.cmpi ne, %convert_element_type3A_180, %cond3A_181 : i32
      scf.if %cond3A_182 {
        %sub3A = arith.constant 1 : i32
        %sub3A_196 = arith.subi %add3A_171, %sub3A : i32
        %dma_wait3A_197 = arith.constant 0 : i32
        %dma_wait3A_198 = tpu.memref_slice %arg7[%sub3A_196, %dma_wait3A_197] : memref<80x125xi32, #tpu.memory_space<vmem>> -> memref<1x125xi32, #tpu.memory_space<vmem>>
        %dma_wait3A_199 = tpu.memref_squeeze %dma_wait3A_198 : memref<1x125xi32, #tpu.memory_space<vmem>> -> memref<125xi32, #tpu.memory_space<vmem>>
        %dma_wait3A_200 = arith.constant 0 : i32
        %dma_wait3A_201 = arith.constant 0 : i32
        %dma_wait3A_202 = tpu.memref_slice %arg14[%dma_wait3A_200, %dma_wait3A_201] : memref<10240x64xf32, #tpu.memory_space<vmem_shared>> -> memref<10240x64xf32, #tpu.memory_space<vmem_shared>>
        tpu.wait_indirect_dma semaphore(%arg23 : memref<!tpu.dma_semaphore, #tpu.memory_space<semaphore_mem>>) src(%arg11 : memref<125x64xf32, #tpu.memory_space<vmem>>) dst(%dma_wait3A_202 : memref<10240x64xf32, #tpu.memory_space<vmem_shared>>)
      } else {
      }
      %add3A_183 = arith.constant 4 : i32
      %add3A_184 = arith.addi %add3A_171, %add3A_183 : i32
      %lt3A_185 = arith.constant 80 : i32
      %lt3A_186 = arith.cmpi slt, %add3A_184, %lt3A_185 : i32
      %convert_element_type3A_187 = arith.extui %lt3A_186 : i1 to i32
      %cond3A_188 = arith.constant 0 : i32
      %cond3A_189 = arith.cmpi ne, %convert_element_type3A_187, %cond3A_188 : i32
      scf.if %cond3A_189 {
        %add3A_196 = arith.constant 4 : i32
        %add3A_197 = arith.addi %add3A_171, %add3A_196 : i32
        %dma_start3A_198 = arith.constant 0 : i32
        %dma_start3A_199 = tpu.memref_slice %arg6[%add3A_197, %dma_start3A_198] : memref<80x125xi32, #tpu.memory_space<vmem>> -> memref<1x125xi32, #tpu.memory_space<vmem>>
        %dma_start3A_200 = tpu.memref_squeeze %dma_start3A_199 : memref<1x125xi32, #tpu.memory_space<vmem>> -> memref<125xi32, #tpu.memory_space<vmem>>
        %dma_start3A_201 = arith.constant 0 : i32
        %dma_start3A_202 = arith.constant 0 : i32
        %dma_start3A_203 = tpu.memref_slice %arg2[%dma_start3A_201, %dma_start3A_202] : memref<10240x64xf32, #tpu.memory_space<hbm>> -> memref<10240x64xf32, #tpu.memory_space<hbm>>
        tpu.enqueue_indirect_dma source(%dma_start3A_203 : memref<10240x64xf32, #tpu.memory_space<hbm>>) target(%arg11 : memref<125x64xf32, #tpu.memory_space<vmem>>) offsets(%dma_start3A_200 : memref<125xi32, #tpu.memory_space<vmem>>) semaphore(%arg18 : memref<!tpu.dma_semaphore, #tpu.memory_space<semaphore_mem>>)
      } else {
      }
      %dma_start3A_190 = arith.constant 0 : i32
      %dma_start3A_191 = tpu.memref_slice %arg7[%add3A_171, %dma_start3A_190] : memref<80x125xi32, #tpu.memory_space<vmem>> -> memref<1x125xi32, #tpu.memory_space<vmem>>
      %dma_start3A_192 = tpu.memref_squeeze %dma_start3A_191 : memref<1x125xi32, #tpu.memory_space<vmem>> -> memref<125xi32, #tpu.memory_space<vmem>>
      %dma_start3A_193 = arith.constant 0 : i32
      %dma_start3A_194 = arith.constant 0 : i32
      %dma_start3A_195 = tpu.memref_slice %arg14[%dma_start3A_193, %dma_start3A_194] : memref<10240x64xf32, #tpu.memory_space<vmem_shared>> -> memref<10240x64xf32, #tpu.memory_space<vmem_shared>>
      tpu.enqueue_indirect_dma source(%arg12 : memref<125x64xf32, #tpu.memory_space<vmem>>) target(%dma_start3A_195 : memref<10240x64xf32, #tpu.memory_space<vmem_shared>>) offsets(%dma_start3A_192 : memref<125xi32, #tpu.memory_space<vmem>>) semaphore(%arg24 : memref<!tpu.dma_semaphore, #tpu.memory_space<semaphore_mem>>) {add = true}
    }
    %scan3A_46 = arith.constant 16 : i32
    %dma_wait3A = arith.constant 79 : i32
    %dma_wait3A_47 = arith.constant 0 : i32
    %dma_wait3A_48 = tpu.memref_slice %arg7[%dma_wait3A, %dma_wait3A_47] : memref<80x125xi32, #tpu.memory_space<vmem>> -> memref<1x125xi32, #tpu.memory_space<vmem>>
    %dma_wait3A_49 = tpu.memref_squeeze %dma_wait3A_48 : memref<1x125xi32, #tpu.memory_space<vmem>> -> memref<125xi32, #tpu.memory_space<vmem>>
    %dma_wait3A_50 = arith.constant 0 : i32
    %dma_wait3A_51 = arith.constant 0 : i32
    %dma_wait3A_52 = tpu.memref_slice %arg14[%dma_wait3A_50, %dma_wait3A_51] : memref<10240x64xf32, #tpu.memory_space<vmem_shared>> -> memref<10240x64xf32, #tpu.memory_space<vmem_shared>>
    tpu.wait_indirect_dma semaphore(%arg24 : memref<!tpu.dma_semaphore, #tpu.memory_space<semaphore_mem>>) src(%arg12 : memref<125x64xf32, #tpu.memory_space<vmem>>) dst(%dma_wait3A_52 : memref<10240x64xf32, #tpu.memory_space<vmem_shared>>)
    %barrier3A_53 = arith.constant 0 : index
    tpu.barrier barrier_id(%barrier3A_53)
    %eq3A = arith.constant 0 : i32
    %eq3A_54 = arith.cmpi eq, %arg0, %eq3A : i32
    %convert_element_type3A = arith.extui %eq3A_54 : i1 to i32
    %cond3A = arith.constant 0 : i32
    %cond3A_55 = arith.cmpi ne, %convert_element_type3A, %cond3A : i32
    scf.if %cond3A_55 {
      "tpu.region"() ({
        %run_scoped3A_61 = tpu.sem_alloc : memref<!tpu.dma_semaphore, #tpu.memory_space<semaphore_mem>>
        %dma_start3A_62 = arith.constant 0 : i32
        %dma_start3A_63 = tpu.memref_slice %arg4[%mul3A_0, %dma_start3A_62] : memref<10240x64xf32, #tpu.memory_space<hbm>> -> memref<640x64xf32, #tpu.memory_space<hbm>>
        %dma_start3A_64 = arith.constant 0 : i32
        %dma_start3A_65 = tpu.memref_slice %arg14[%mul3A_0, %dma_start3A_64] : memref<10240x64xf32, #tpu.memory_space<vmem_shared>> -> memref<640x64xf32, #tpu.memory_space<vmem_shared>>
        tpu.enqueue_dma source(%dma_start3A_65 : memref<640x64xf32, #tpu.memory_space<vmem_shared>>) target(%dma_start3A_63 : memref<640x64xf32, #tpu.memory_space<hbm>>) target_semaphore(%run_scoped3A_61 : memref<!tpu.dma_semaphore, #tpu.memory_space<semaphore_mem>>)
        %dma_wait3A_66 = arith.constant 0 : i32
        %dma_wait3A_67 = tpu.memref_slice %arg4[%mul3A_0, %dma_wait3A_66] : memref<10240x64xf32, #tpu.memory_space<hbm>> -> memref<640x64xf32, #tpu.memory_space<hbm>>
        %dma_wait3A_68 = arith.constant 0 : i32
        %dma_wait3A_69 = tpu.memref_slice %arg14[%mul3A_0, %dma_wait3A_68] : memref<10240x64xf32, #tpu.memory_space<vmem_shared>> -> memref<640x64xf32, #tpu.memory_space<vmem_shared>>
        tpu.wait_dma2 semaphore(%run_scoped3A_61 : memref<!tpu.dma_semaphore, #tpu.memory_space<semaphore_mem>>) src(%dma_wait3A_69 : memref<640x64xf32, #tpu.memory_space<vmem_shared>>) dst(%dma_wait3A_67 : memref<640x64xf32, #tpu.memory_space<hbm>>)
        tpu.yield
      }) : () -> ()
    } else {
    }
    %eq3A_56 = arith.constant 1 : i32
    %eq3A_57 = arith.cmpi eq, %arg0, %eq3A_56 : i32
    %convert_element_type3A_58 = arith.extui %eq3A_57 : i1 to i32
    %cond3A_59 = arith.constant 0 : i32
    %cond3A_60 = arith.cmpi ne, %convert_element_type3A_58, %cond3A_59 : i32
    scf.if %cond3A_60 {
      "tpu.region"() ({
        %run_scoped3A_61 = tpu.sem_alloc : memref<!tpu.dma_semaphore, #tpu.memory_space<semaphore_mem>>
        %dma_start3A_62 = arith.constant 0 : i32
        %dma_start3A_63 = tpu.memref_slice %arg5[%mul3A_0, %dma_start3A_62] : memref<10240x64xf32, #tpu.memory_space<hbm>> -> memref<640x64xf32, #tpu.memory_space<hbm>>
        %dma_start3A_64 = arith.constant 0 : i32
        %dma_start3A_65 = tpu.memref_slice %arg14[%mul3A_0, %dma_start3A_64] : memref<10240x64xf32, #tpu.memory_space<vmem_shared>> -> memref<640x64xf32, #tpu.memory_space<vmem_shared>>
        tpu.enqueue_dma source(%dma_start3A_65 : memref<640x64xf32, #tpu.memory_space<vmem_shared>>) target(%dma_start3A_63 : memref<640x64xf32, #tpu.memory_space<hbm>>) target_semaphore(%run_scoped3A_61 : memref<!tpu.dma_semaphore, #tpu.memory_space<semaphore_mem>>)
        %dma_wait3A_66 = arith.constant 0 : i32
        %dma_wait3A_67 = tpu.memref_slice %arg5[%mul3A_0, %dma_wait3A_66] : memref<10240x64xf32, #tpu.memory_space<hbm>> -> memref<640x64xf32, #tpu.memory_space<hbm>>
        %dma_wait3A_68 = arith.constant 0 : i32
        %dma_wait3A_69 = tpu.memref_slice %arg14[%mul3A_0, %dma_wait3A_68] : memref<10240x64xf32, #tpu.memory_space<vmem_shared>> -> memref<640x64xf32, #tpu.memory_space<vmem_shared>>
        tpu.wait_dma2 semaphore(%run_scoped3A_61 : memref<!tpu.dma_semaphore, #tpu.memory_space<semaphore_mem>>) src(%dma_wait3A_69 : memref<640x64xf32, #tpu.memory_space<vmem_shared>>) dst(%dma_wait3A_67 : memref<640x64xf32, #tpu.memory_space<hbm>>)
        tpu.yield
      }) : () -> ()
    } else {
    }
    return
  }
}

module attributes {stable_mosaic.version = 14 : i64} {
  func.func @body(%arg0: i32, %arg1: memref<1000x128xf32, #tpu.memory_space<vmem>>, %arg2: memref<128x64xf32, #tpu.memory_space<vmem>>, %arg3: memref<128x64xf32, #tpu.memory_space<vmem>>, %arg4: memref<128x64xf32, #tpu.memory_space<vmem>>, %arg5: memref<128x64xf32, #tpu.memory_space<vmem>>, %arg6: memref<1000x64xf32, #tpu.memory_space<vmem>>, %arg7: memref<1000x64xf32, #tpu.memory_space<vmem>>, %arg8: memref<1000x64xf32, #tpu.memory_space<vmem>>, %arg9: memref<1000x64xf32, #tpu.memory_space<vmem>>) attributes {dimension_semantics = [#tpu.dimension_semantics<arbitrary>], iteration_bounds = array<i64: 10>, scalar_prefetch = 0 : i64, scratch_operands = 0 : i64, tpu.core_type = #tpu.core_type<tc>, window_params = [{transform_indices = @transform_0, window_bounds = array<i64: 1000, 128>}, {pipeline_mode = #tpu.pipeline_mode<synchronous>, transform_indices = @transform_1, window_bounds = array<i64: 128, 64>}, {pipeline_mode = #tpu.pipeline_mode<synchronous>, transform_indices = @transform_2, window_bounds = array<i64: 128, 64>}, {pipeline_mode = #tpu.pipeline_mode<synchronous>, transform_indices = @transform_3, window_bounds = array<i64: 128, 64>}, {pipeline_mode = #tpu.pipeline_mode<synchronous>, transform_indices = @transform_4, window_bounds = array<i64: 128, 64>}, {transform_indices = @transform_5, window_bounds = array<i64: 1000, 64>}, {transform_indices = @transform_6, window_bounds = array<i64: 1000, 64>}, {transform_indices = @transform_7, window_bounds = array<i64: 1000, 64>}, {transform_indices = @transform_8, window_bounds = array<i64: 1000, 64>}]} {
    %get3A = arith.constant 0 : index
    %get3A_0 = arith.constant 0 : index
    %get3A_1 = vector.load %arg1[%get3A, %get3A_0] : memref<1000x128xf32, #tpu.memory_space<vmem>>, vector<1000x128xf32>
    %get3A_2 = arith.constant 0 : index
    %get3A_3 = arith.constant 0 : index
    %get3A_4 = vector.load %arg2[%get3A_2, %get3A_3] : memref<128x64xf32, #tpu.memory_space<vmem>>, vector<128x64xf32>
    %dot_general3A = arith.constant dense<0.000000e+00> : vector<1000x64xf32>
    %dot_general3A_5 = tpu.matmul %get3A_1, %get3A_4, %dot_general3A {dimension_numbers = #tpu.dot_dimension_numbers<[1], [0], [0], [1], [0, 0, 1, 1], [], []>, transpose_lhs_hint = false} : vector<1000x128xf32>, vector<128x64xf32>, vector<1000x64xf32> -> vector<1000x64xf32>
    %swap3A = arith.constant 0 : index
    %swap3A_6 = arith.constant 0 : index
    %swap3A_7 = vector.load %arg6[%swap3A, %swap3A_6] : memref<1000x64xf32, #tpu.memory_space<vmem>>, vector<1000x64xf32>
    tpu.vector_store %arg6[%swap3A, %swap3A_6], %dot_general3A_5 {strides = array<i32>} : memref<1000x64xf32, #tpu.memory_space<vmem>>, vector<1000x64xf32>,
    %get3A_8 = arith.constant 0 : index
    %get3A_9 = arith.constant 0 : index
    %get3A_10 = vector.load %arg3[%get3A_8, %get3A_9] : memref<128x64xf32, #tpu.memory_space<vmem>>, vector<128x64xf32>
    %dot_general3A_11 = arith.constant dense<0.000000e+00> : vector<1000x64xf32>
    %dot_general3A_12 = tpu.matmul %get3A_1, %get3A_10, %dot_general3A_11 {dimension_numbers = #tpu.dot_dimension_numbers<[1], [0], [0], [1], [0, 0, 1, 1], [], []>, transpose_lhs_hint = false} : vector<1000x128xf32>, vector<128x64xf32>, vector<1000x64xf32> -> vector<1000x64xf32>
    %swap3A_13 = arith.constant 0 : index
    %swap3A_14 = arith.constant 0 : index
    %swap3A_15 = vector.load %arg7[%swap3A_13, %swap3A_14] : memref<1000x64xf32, #tpu.memory_space<vmem>>, vector<1000x64xf32>
    tpu.vector_store %arg7[%swap3A_13, %swap3A_14], %dot_general3A_12 {strides = array<i32>} : memref<1000x64xf32, #tpu.memory_space<vmem>>, vector<1000x64xf32>,
    %get3A_16 = arith.constant 0 : index
    %get3A_17 = arith.constant 0 : index
    %get3A_18 = vector.load %arg4[%get3A_16, %get3A_17] : memref<128x64xf32, #tpu.memory_space<vmem>>, vector<128x64xf32>
    %dot_general3A_19 = arith.constant dense<0.000000e+00> : vector<1000x64xf32>
    %dot_general3A_20 = tpu.matmul %get3A_1, %get3A_18, %dot_general3A_19 {dimension_numbers = #tpu.dot_dimension_numbers<[1], [0], [0], [1], [0, 0, 1, 1], [], []>, transpose_lhs_hint = false} : vector<1000x128xf32>, vector<128x64xf32>, vector<1000x64xf32> -> vector<1000x64xf32>
    %swap3A_21 = arith.constant 0 : index
    %swap3A_22 = arith.constant 0 : index
    %swap3A_23 = vector.load %arg8[%swap3A_21, %swap3A_22] : memref<1000x64xf32, #tpu.memory_space<vmem>>, vector<1000x64xf32>
    tpu.vector_store %arg8[%swap3A_21, %swap3A_22], %dot_general3A_20 {strides = array<i32>} : memref<1000x64xf32, #tpu.memory_space<vmem>>, vector<1000x64xf32>,
    %get3A_24 = arith.constant 0 : index
    %get3A_25 = arith.constant 0 : index
    %get3A_26 = vector.load %arg5[%get3A_24, %get3A_25] : memref<128x64xf32, #tpu.memory_space<vmem>>, vector<128x64xf32>
    %dot_general3A_27 = arith.constant dense<0.000000e+00> : vector<1000x64xf32>
    %dot_general3A_28 = tpu.matmul %get3A_1, %get3A_26, %dot_general3A_27 {dimension_numbers = #tpu.dot_dimension_numbers<[1], [0], [0], [1], [0, 0, 1, 1], [], []>, transpose_lhs_hint = false} : vector<1000x128xf32>, vector<128x64xf32>, vector<1000x64xf32> -> vector<1000x64xf32>
    %swap3A_29 = arith.constant 0 : index
    %swap3A_30 = arith.constant 0 : index
    %swap3A_31 = vector.load %arg9[%swap3A_29, %swap3A_30] : memref<1000x64xf32, #tpu.memory_space<vmem>>, vector<1000x64xf32>
    tpu.vector_store %arg9[%swap3A_29, %swap3A_30], %dot_general3A_28 {strides = array<i32>} : memref<1000x64xf32, #tpu.memory_space<vmem>>, vector<1000x64xf32>,
    return
  }
  func.func @transform_0(%arg0: i32) -> (i32, i32) {
    %c0_i32 = arith.constant 0 : i32
    %c0_i32_0 = arith.constant 0 : i32
    return %arg0, %c0_i32 : i32, i32
  }
  func.func @transform_1(%arg0: i32) -> (i32, i32) {
    %c0_i32 = arith.constant 0 : i32
    %c0_i32_0 = arith.constant 0 : i32
    %c0_i32_1 = arith.constant 0 : i32
    return %c0_i32, %c0_i32_0 : i32, i32
  }
  func.func @transform_2(%arg0: i32) -> (i32, i32) {
    %c0_i32 = arith.constant 0 : i32
    %c0_i32_0 = arith.constant 0 : i32
    %c0_i32_1 = arith.constant 0 : i32
    return %c0_i32, %c0_i32_0 : i32, i32
  }
  func.func @transform_3(%arg0: i32) -> (i32, i32) {
    %c0_i32 = arith.constant 0 : i32
    %c0_i32_0 = arith.constant 0 : i32
    %c0_i32_1 = arith.constant 0 : i32
    return %c0_i32, %c0_i32_0 : i32, i32
  }
  func.func @transform_4(%arg0: i32) -> (i32, i32) {
    %c0_i32 = arith.constant 0 : i32
    %c0_i32_0 = arith.constant 0 : i32
    %c0_i32_1 = arith.constant 0 : i32
    return %c0_i32, %c0_i32_0 : i32, i32
  }
  func.func @transform_5(%arg0: i32) -> (i32, i32) {
    %c0_i32 = arith.constant 0 : i32
    %c0_i32_0 = arith.constant 0 : i32
    return %arg0, %c0_i32 : i32, i32
  }
  func.func @transform_6(%arg0: i32) -> (i32, i32) {
    %c0_i32 = arith.constant 0 : i32
    %c0_i32_0 = arith.constant 0 : i32
    return %arg0, %c0_i32 : i32, i32
  }
  func.func @transform_7(%arg0: i32) -> (i32, i32) {
    %c0_i32 = arith.constant 0 : i32
    %c0_i32_0 = arith.constant 0 : i32
    return %arg0, %c0_i32 : i32, i32
  }
  func.func @transform_8(%arg0: i32) -> (i32, i32) {
    %c0_i32 = arith.constant 0 : i32
    %c0_i32_0 = arith.constant 0 : i32
    return %arg0, %c0_i32 : i32, i32
  }
}

module attributes {stable_mosaic.version = 14 : i64} {
  func.func @body(%arg0: i32, %arg1: memref<1024x64xf32, #tpu.memory_space<vmem>>, %arg2: memref<1024x64xf32, #tpu.memory_space<vmem>>, %arg3: memref<1024x64xf32, #tpu.memory_space<vmem>>, %arg4: memref<1024x64xf32, #tpu.memory_space<vmem>>, %arg5: memref<1024x16xf32, #tpu.memory_space<vmem>>, %arg6: memref<1024x16xf32, #tpu.memory_space<vmem>>, %arg7: memref<256x64xf32, #tpu.memory_space<vmem>>, %arg8: memref<1024x64xf32, #tpu.memory_space<vmem>>) attributes {dimension_semantics = [#tpu.dimension_semantics<arbitrary>], iteration_bounds = array<i64: 10>, scalar_prefetch = 0 : i64, scratch_operands = 0 : i64, tpu.core_type = #tpu.core_type<tc>, window_params = [{transform_indices = @transform_0, window_bounds = array<i64: 1024, 64>}, {transform_indices = @transform_1, window_bounds = array<i64: 1024, 64>}, {transform_indices = @transform_2, window_bounds = array<i64: 1024, 64>}, {transform_indices = @transform_3, window_bounds = array<i64: 1024, 64>}, {transform_indices = @transform_4, window_bounds = array<i64: 1024, 16>}, {transform_indices = @transform_5, window_bounds = array<i64: 1024, 16>}, {pipeline_mode = #tpu.pipeline_mode<synchronous>, transform_indices = @transform_6, window_bounds = array<i64: 256, 64>}, {transform_indices = @transform_7, window_bounds = array<i64: 1024, 64>}]} {
    %get3A = arith.constant 0 : index
    %get3A_0 = arith.constant 0 : index
    %get3A_1 = vector.load %arg5[%get3A, %get3A_0] : memref<1024x16xf32, #tpu.memory_space<vmem>>, vector<1024x1xf32>
    %get3A_2 = arith.constant 0 : index
    %get3A_3 = arith.constant 0 : index
    %get3A_4 = vector.load %arg6[%get3A_2, %get3A_3] : memref<1024x16xf32, #tpu.memory_space<vmem>>, vector<1024x1xf32>
    %add3A = arith.addf %get3A_1, %get3A_4 : vector<1024x1xf32>
    %max3A = arith.constant 1.000000e+00 : f32
    %max3A_5 = vector.broadcast %max3A : f32 to vector<1024x1xf32>
    %max3A_6 = arith.maximumf %add3A, %max3A_5 : vector<1024x1xf32>
    %get3A_7 = arith.constant 0 : index
    %get3A_8 = arith.constant 0 : index
    %get3A_9 = vector.load %arg1[%get3A_7, %get3A_8] : memref<1024x64xf32, #tpu.memory_space<vmem>>, vector<1024x64xf32>
    %div3A = vector.broadcast %max3A_6 : vector<1024x1xf32> to vector<1024x64xf32>
    %div3A_10 = arith.divf %get3A_9, %div3A : vector<1024x64xf32>
    %gt3A = arith.constant 0.000000e+00 : f32
    %gt3A_11 = vector.broadcast %gt3A : f32 to vector<1024x64xf32>
    %gt3A_12 = arith.cmpf ogt, %div3A_10, %gt3A_11 : vector<1024x64xf32>
    %exp3A = math.exp %div3A_10 : vector<1024x64xf32>
    %sub3A = arith.constant 1.000000e+00 : f32
    %sub3A_13 = vector.broadcast %sub3A : f32 to vector<1024x64xf32>
    %sub3A_14 = arith.subf %exp3A, %sub3A_13 : vector<1024x64xf32>
    %select_n3A = arith.select %gt3A_12, %div3A_10, %sub3A_14 : vector<1024x64xi1>, vector<1024x64xf32>
    %get3A_15 = arith.constant 0 : index
    %get3A_16 = arith.constant 0 : index
    %get3A_17 = vector.load %arg7[%get3A_15, %get3A_16] : memref<256x64xf32, #tpu.memory_space<vmem>>, vector<64x64xf32>
    %dot_general3A = arith.constant dense<0.000000e+00> : vector<1024x64xf32>
    %dot_general3A_18 = tpu.matmul %select_n3A, %get3A_17, %dot_general3A {dimension_numbers = #tpu.dot_dimension_numbers<[1], [0], [0], [1], [0, 0, 1, 1], [], []>, transpose_lhs_hint = false} : vector<1024x64xf32>, vector<64x64xf32>, vector<1024x64xf32> -> vector<1024x64xf32>
    %get3A_19 = arith.constant 0 : index
    %get3A_20 = arith.constant 0 : index
    %get3A_21 = vector.load %arg2[%get3A_19, %get3A_20] : memref<1024x64xf32, #tpu.memory_space<vmem>>, vector<1024x64xf32>
    %div3A_22 = vector.broadcast %max3A_6 : vector<1024x1xf32> to vector<1024x64xf32>
    %div3A_23 = arith.divf %get3A_21, %div3A_22 : vector<1024x64xf32>
    %gt3A_24 = arith.constant 0.000000e+00 : f32
    %gt3A_25 = vector.broadcast %gt3A_24 : f32 to vector<1024x64xf32>
    %gt3A_26 = arith.cmpf ogt, %div3A_23, %gt3A_25 : vector<1024x64xf32>
    %exp3A_27 = math.exp %div3A_23 : vector<1024x64xf32>
    %sub3A_28 = arith.constant 1.000000e+00 : f32
    %sub3A_29 = vector.broadcast %sub3A_28 : f32 to vector<1024x64xf32>
    %sub3A_30 = arith.subf %exp3A_27, %sub3A_29 : vector<1024x64xf32>
    %select_n3A_31 = arith.select %gt3A_26, %div3A_23, %sub3A_30 : vector<1024x64xi1>, vector<1024x64xf32>
    %get3A_32 = arith.constant 64 : index
    %get3A_33 = arith.constant 0 : index
    %get3A_34 = vector.load %arg7[%get3A_32, %get3A_33] : memref<256x64xf32, #tpu.memory_space<vmem>>, vector<64x64xf32>
    %dot_general3A_35 = arith.constant dense<0.000000e+00> : vector<1024x64xf32>
    %dot_general3A_36 = tpu.matmul %select_n3A_31, %get3A_34, %dot_general3A_35 {dimension_numbers = #tpu.dot_dimension_numbers<[1], [0], [0], [1], [0, 0, 1, 1], [], []>, transpose_lhs_hint = false} : vector<1024x64xf32>, vector<64x64xf32>, vector<1024x64xf32> -> vector<1024x64xf32>
    %add3A_37 = arith.addf %dot_general3A_18, %dot_general3A_36 : vector<1024x64xf32>
    %get3A_38 = arith.constant 0 : index
    %get3A_39 = arith.constant 0 : index
    %get3A_40 = vector.load %arg3[%get3A_38, %get3A_39] : memref<1024x64xf32, #tpu.memory_space<vmem>>, vector<1024x64xf32>
    %div3A_41 = vector.broadcast %max3A_6 : vector<1024x1xf32> to vector<1024x64xf32>
    %div3A_42 = arith.divf %get3A_40, %div3A_41 : vector<1024x64xf32>
    %gt3A_43 = arith.constant 0.000000e+00 : f32
    %gt3A_44 = vector.broadcast %gt3A_43 : f32 to vector<1024x64xf32>
    %gt3A_45 = arith.cmpf ogt, %div3A_42, %gt3A_44 : vector<1024x64xf32>
    %exp3A_46 = math.exp %div3A_42 : vector<1024x64xf32>
    %sub3A_47 = arith.constant 1.000000e+00 : f32
    %sub3A_48 = vector.broadcast %sub3A_47 : f32 to vector<1024x64xf32>
    %sub3A_49 = arith.subf %exp3A_46, %sub3A_48 : vector<1024x64xf32>
    %select_n3A_50 = arith.select %gt3A_45, %div3A_42, %sub3A_49 : vector<1024x64xi1>, vector<1024x64xf32>
    %get3A_51 = arith.constant 128 : index
    %get3A_52 = arith.constant 0 : index
    %get3A_53 = vector.load %arg7[%get3A_51, %get3A_52] : memref<256x64xf32, #tpu.memory_space<vmem>>, vector<64x64xf32>
    %dot_general3A_54 = arith.constant dense<0.000000e+00> : vector<1024x64xf32>
    %dot_general3A_55 = tpu.matmul %select_n3A_50, %get3A_53, %dot_general3A_54 {dimension_numbers = #tpu.dot_dimension_numbers<[1], [0], [0], [1], [0, 0, 1, 1], [], []>, transpose_lhs_hint = false} : vector<1024x64xf32>, vector<64x64xf32>, vector<1024x64xf32> -> vector<1024x64xf32>
    %add3A_56 = arith.addf %add3A_37, %dot_general3A_55 : vector<1024x64xf32>
    %get3A_57 = arith.constant 0 : index
    %get3A_58 = arith.constant 0 : index
    %get3A_59 = vector.load %arg4[%get3A_57, %get3A_58] : memref<1024x64xf32, #tpu.memory_space<vmem>>, vector<1024x64xf32>
    %div3A_60 = vector.broadcast %max3A_6 : vector<1024x1xf32> to vector<1024x64xf32>
    %div3A_61 = arith.divf %get3A_59, %div3A_60 : vector<1024x64xf32>
    %gt3A_62 = arith.constant 0.000000e+00 : f32
    %gt3A_63 = vector.broadcast %gt3A_62 : f32 to vector<1024x64xf32>
    %gt3A_64 = arith.cmpf ogt, %div3A_61, %gt3A_63 : vector<1024x64xf32>
    %exp3A_65 = math.exp %div3A_61 : vector<1024x64xf32>
    %sub3A_66 = arith.constant 1.000000e+00 : f32
    %sub3A_67 = vector.broadcast %sub3A_66 : f32 to vector<1024x64xf32>
    %sub3A_68 = arith.subf %exp3A_65, %sub3A_67 : vector<1024x64xf32>
    %select_n3A_69 = arith.select %gt3A_64, %div3A_61, %sub3A_68 : vector<1024x64xi1>, vector<1024x64xf32>
    %get3A_70 = arith.constant 192 : index
    %get3A_71 = arith.constant 0 : index
    %get3A_72 = vector.load %arg7[%get3A_70, %get3A_71] : memref<256x64xf32, #tpu.memory_space<vmem>>, vector<64x64xf32>
    %dot_general3A_73 = arith.constant dense<0.000000e+00> : vector<1024x64xf32>
    %dot_general3A_74 = tpu.matmul %select_n3A_69, %get3A_72, %dot_general3A_73 {dimension_numbers = #tpu.dot_dimension_numbers<[1], [0], [0], [1], [0, 0, 1, 1], [], []>, transpose_lhs_hint = false} : vector<1024x64xf32>, vector<64x64xf32>, vector<1024x64xf32> -> vector<1024x64xf32>
    %add3A_75 = arith.addf %add3A_56, %dot_general3A_74 : vector<1024x64xf32>
    %swap3A = arith.constant 0 : index
    %swap3A_76 = arith.constant 0 : index
    %swap3A_77 = vector.load %arg8[%swap3A, %swap3A_76] : memref<1024x64xf32, #tpu.memory_space<vmem>>, vector<1024x64xf32>
    tpu.vector_store %arg8[%swap3A, %swap3A_76], %add3A_75 {strides = array<i32>} : memref<1024x64xf32, #tpu.memory_space<vmem>>, vector<1024x64xf32>,
    return
  }
  func.func @transform_0(%arg0: i32) -> (i32, i32) {
    %c0_i32 = arith.constant 0 : i32
    %c0_i32_0 = arith.constant 0 : i32
    return %arg0, %c0_i32 : i32, i32
  }
  func.func @transform_1(%arg0: i32) -> (i32, i32) {
    %c0_i32 = arith.constant 0 : i32
    %c0_i32_0 = arith.constant 0 : i32
    return %arg0, %c0_i32 : i32, i32
  }
  func.func @transform_2(%arg0: i32) -> (i32, i32) {
    %c0_i32 = arith.constant 0 : i32
    %c0_i32_0 = arith.constant 0 : i32
    return %arg0, %c0_i32 : i32, i32
  }
  func.func @transform_3(%arg0: i32) -> (i32, i32) {
    %c0_i32 = arith.constant 0 : i32
    %c0_i32_0 = arith.constant 0 : i32
    return %arg0, %c0_i32 : i32, i32
  }
  func.func @transform_4(%arg0: i32) -> (i32, i32) {
    %c0_i32 = arith.constant 0 : i32
    %c0_i32_0 = arith.constant 0 : i32
    return %arg0, %c0_i32 : i32, i32
  }
  func.func @transform_5(%arg0: i32) -> (i32, i32) {
    %c0_i32 = arith.constant 0 : i32
    %c0_i32_0 = arith.constant 0 : i32
    return %arg0, %c0_i32 : i32, i32
  }
  func.func @transform_6(%arg0: i32) -> (i32, i32) {
    %c0_i32 = arith.constant 0 : i32
    %c0_i32_0 = arith.constant 0 : i32
    %c0_i32_1 = arith.constant 0 : i32
    return %c0_i32, %c0_i32_0 : i32, i32
  }
  func.func @transform_7(%arg0: i32) -> (i32, i32) {
    %c0_i32 = arith.constant 0 : i32
    %c0_i32_0 = arith.constant 0 : i32
    return %arg0, %c0_i32 : i32, i32
  }
}

module attributes {stable_mosaic.version = 14 : i64} {
  func.func @body(%arg0: i32, %arg1: memref<1000x64xf32, #tpu.memory_space<vmem>>, %arg2: memref<1000x64xf32, #tpu.memory_space<vmem>>, %arg3: memref<1000x16xf32, #tpu.memory_space<vmem>>, %arg4: memref<1000x16xf32, #tpu.memory_space<vmem>>, %arg5: memref<1000x64xf32, #tpu.memory_space<vmem>>) attributes {dimension_semantics = [#tpu.dimension_semantics<arbitrary>], iteration_bounds = array<i64: 10>, scalar_prefetch = 0 : i64, scratch_operands = 0 : i64, tpu.core_type = #tpu.core_type<tc>, window_params = [{transform_indices = @transform_0, window_bounds = array<i64: 1000, 64>}, {transform_indices = @transform_1, window_bounds = array<i64: 1000, 64>}, {transform_indices = @transform_2, window_bounds = array<i64: 1000, 16>}, {transform_indices = @transform_3, window_bounds = array<i64: 1000, 16>}, {transform_indices = @transform_4, window_bounds = array<i64: 1000, 64>}]} {
    %get3A = arith.constant 0 : index
    %get3A_0 = arith.constant 0 : index
    %get3A_1 = vector.load %arg3[%get3A, %get3A_0] : memref<1000x16xf32, #tpu.memory_space<vmem>>, vector<1000x1xf32>
    %get3A_2 = arith.constant 0 : index
    %get3A_3 = arith.constant 0 : index
    %get3A_4 = vector.load %arg4[%get3A_2, %get3A_3] : memref<1000x16xf32, #tpu.memory_space<vmem>>, vector<1000x1xf32>
    %add3A = arith.addf %get3A_1, %get3A_4 : vector<1000x1xf32>
    %max3A = arith.constant 1.000000e+00 : f32
    %max3A_5 = vector.broadcast %max3A : f32 to vector<1000x1xf32>
    %max3A_6 = arith.maximumf %add3A, %max3A_5 : vector<1000x1xf32>
    %get3A_7 = arith.constant 0 : index
    %get3A_8 = arith.constant 0 : index
    %get3A_9 = vector.load %arg1[%get3A_7, %get3A_8] : memref<1000x64xf32, #tpu.memory_space<vmem>>, vector<1000x64xf32>
    %get3A_10 = arith.constant 0 : index
    %get3A_11 = arith.constant 0 : index
    %get3A_12 = vector.load %arg2[%get3A_10, %get3A_11] : memref<1000x64xf32, #tpu.memory_space<vmem>>, vector<1000x64xf32>
    %add3A_13 = arith.addf %get3A_9, %get3A_12 : vector<1000x64xf32>
    %div3A = vector.broadcast %max3A_6 : vector<1000x1xf32> to vector<1000x64xf32>
    %div3A_14 = arith.divf %add3A_13, %div3A : vector<1000x64xf32>
    %swap3A = arith.constant 0 : index
    %swap3A_15 = arith.constant 0 : index
    %swap3A_16 = vector.load %arg5[%swap3A, %swap3A_15] : memref<1000x64xf32, #tpu.memory_space<vmem>>, vector<1000x64xf32>
    tpu.vector_store %arg5[%swap3A, %swap3A_15], %div3A_14 {strides = array<i32>} : memref<1000x64xf32, #tpu.memory_space<vmem>>, vector<1000x64xf32>,
    return
  }
  func.func @transform_0(%arg0: i32) -> (i32, i32) {
    %c0_i32 = arith.constant 0 : i32
    %c0_i32_0 = arith.constant 0 : i32
    return %arg0, %c0_i32 : i32, i32
  }
  func.func @transform_1(%arg0: i32) -> (i32, i32) {
    %c0_i32 = arith.constant 0 : i32
    %c0_i32_0 = arith.constant 0 : i32
    return %arg0, %c0_i32 : i32, i32
  }
  func.func @transform_2(%arg0: i32) -> (i32, i32) {
    %c0_i32 = arith.constant 0 : i32
    %c0_i32_0 = arith.constant 0 : i32
    return %arg0, %c0_i32 : i32, i32
  }
  func.func @transform_3(%arg0: i32) -> (i32, i32) {
    %c0_i32 = arith.constant 0 : i32
    %c0_i32_0 = arith.constant 0 : i32
    return %arg0, %c0_i32 : i32, i32
  }
  func.func @transform_4(%arg0: i32) -> (i32, i32) {
    %c0_i32 = arith.constant 0 : i32
    %c0_i32_0 = arith.constant 0 : i32
    return %arg0, %c0_i32 : i32, i32
  }
}

</mosaic_0001>

<sc_bundles>
// kernel: kernel.11.cloned.1.call-start
scs
__scs_entry_jumppad:
0x0: {  	(pc) =	sbr.rel $0x88, $3  }
0x1: {  	(tag) =	ssettag $0x0;
	lr =	simm.s32 $0x1  }
0x2: {  	[smem:$0x3F9A] =	sst lr;
	_ =	strace $0xD0000000  }
0x3: {  	_ = 	snop  }
0x4: {  	_ = 	snop  }
0x5: {  	_ = 	snop  }
0x6: {  	_ = 	snop  }
0x7: {  	_ = 	snop  }
__scs_overlays_trampoline_lowered:
0x8: {  	[smem:$0x3FA9] =	sst s0  }
0x9: {  	[smem:$0x3FAA] =	sst s1  }
0xa: {  	[smem:$0x3FAB] =	sst s2  }
0xb: {  	[smem:$0x3FAC] =	sst s3  }
0xc: {  	[smem:$0x3FAD] =	sst s4  }
0xd: {  	[smem:$0x3FAE] =	sst s5  }
0xe: {  	[smem:$0x3FAF] =	sst s6  }
0xf: {  	[smem:$0x3FB0] =	sst s7  }
0x10: {  	[smem:$0x3FB1] =	sst s8  }
0x11: {  	[smem:$0x3FB2] =	sst s9;
	s0 =	simm.s32 @!p0 $0x0  }
0x12: {  	s1 =	sld [smem:$0x3F98];
	s0 =	simm.s32 @p0 $0x1  }
0x13: {  	[smem:$0x3FB3] =	sst s0;
	s0 =	simm.s32 @!p1 $0x0  }
0x14: {  	s2 =	sld [smem:$0x3F97];
	s0 =	simm.s32 @p1 $0x1  }
0x15: {  	[smem:$0x3FB4] =	sst s0;
	s0 =	simm.s32 @!p2 $0x0  }
0x16: {  	s3 =	sld [smem:$0x3FDB];
	s0 =	simm.s32 @p2 $0x1  }
0x17: {  	s4 =	simm.s32 $0x1BF5;
	[smem:$0x3FB6] =	sst s0  }
0x18: {  	s0 =	sld [smem:$0x3F99];
	_ =	swait.ge [sflag:s4], $0x0  }
0x19: {  	s7 =	sld [smem:$0x3F9A]  }
0x1a: {  	s8 =	sadd.s32 $0xFFFFE003, lr  }
0x1b: {  	s9 =	sadd.s32 $0xFFFFFEF7, lr;
	s5 =	simm.s32 $0xFFFFFFFF;
	p2 =	slt.u32 s8, $0xFFFFF086  }
0x1c: {  	p1 =	slt.u32 s9, $0xF7A;
	s5 =	simm.s32 @!p2 $0x0  }
0x1d: {  	s5 =	simm.s32 @p1 $0x1;
	p0 =	seq.s32 s7, s2  }
0x1e: {  	s7 =	smul.u32 @!p0 $0xF7A, s2;
	p2 =	seq.s32 @!p0 s5, $0x0  }
0x1f: {  	s9 =	smul.u32 $0xF7A, s1;
	s8 =	simm.s32 @!p0 $0x1BF5;
	p2 =	por !p2, p0  }
0x20: {  	[sflag:s8] =	ssyncset.s32 @!p0 $0xFFFFF086;
	s6 =	sadd.s32 @!p0 s3, s7;
	s7 =	simm.s32 @!p0 $0x108  }
0x21: {  	s3 =	sadd.s32 s3, s9;
	s6 =	sadd.s32 @!p0 $0x88, s6;
	s7 =	simm.s32 @p2 $0x1082  }
0x22: {  	[simem:s7], [sflag:s8] =	dma.local @!p0 [hbm:s6], $0xF7A  }
0x23: {  	s9 =	sor.u32 $0xD0000000, s2;
	s6 =	simm.s32 $0x108;
	_ =	swait.ge @!p0 [sflag:s8], $0x0  }
0x24: {  	s3 =	sadd.s32 $0x88, s3;
	s6 =	simm.s32 @!p1 $0x1082;
	[sflag:s4] =	ssyncset.s32 $0xFFFFF086  }
0x25: {  	[simem:s6], [sflag:s4] =	dma.local [hbm:s3], $0xF7A  }
0x26: {  	[smem:$0x3F9A] =	sst s1;
	(tag) =	ssettag s2;
	_ =	strace s9  }
0x27: {  	s1 =	sld [smem:$0x3FAA]  }
0x28: {  	s2 =	sld [smem:$0x3FAB]  }
0x29: {  	s4 =	sld [smem:$0x3FAD]  }
0x2a: {  	p0 =	seq.s32 s5, $0x0;
	s5 =	sld [smem:$0x3FAE]  }
0x2b: {  	s6 =	sld [smem:$0x3FAF]  }
0x2c: {  	s7 =	sld [smem:$0x3FB0]  }
0x2d: {  	s3 =	simm.s32 $0x108;
	s8 =	sld [smem:$0x3FB1]  }
0x2e: {  	s3 =	simm.s32 @!p0 $0x1082;
	s9 =	sld [smem:$0x3FB2]  }
0x2f: {  	lr =	sadd.s32 s0, s3;
	s0 =	sld [smem:$0x3FA9]  }
0x30: {  	s3 =	sld [smem:$0x3FAC]  }
0x31: {  	[smem:$0x3FB5] =	sst s10  }
0x32: {  	s10 =	sld [smem:$0x3FB3];
	_ =	sdelay $0x3  }
0x33: {  	p0 =	seq.s32 s10, $0x1;
	s10 =	sld [smem:$0x3FB5];
	_ =	sdelay $0x3  }
0x34: {  	[smem:$0x3FB5] =	sst s10  }
0x35: {  	s10 =	sld [smem:$0x3FB4];
	_ =	sdelay $0x3  }
0x36: {  	p1 =	seq.s32 s10, $0x1;
	s10 =	sld [smem:$0x3FB5];
	_ =	sdelay $0x3  }
0x37: {  	[smem:$0x3FB5] =	sst s10  }
0x38: {  	s10 =	sld [smem:$0x3FB6]  }
0x39: {  	_ = 	snop;
	(pc) =	sbr.ind lr, $3  }
0x3a: {  	_ = 	snop  }
0x3b: {  	_ = 	snop  }
0x3c: {  	p2 =	seq.s32 s10, $0x1;
	s10 =	sld [smem:$0x3FB5]  }
0x3d: {  	_ =	shalt  }
0x3e: {  	_ =	shalt  }
0x3f: {  	_ =	shalt  }
0x40: {  	_ =	shalt  }
0x41: {  	_ =	shalt  }
0x42: {  	_ =	shalt  }
0x43: {  	_ =	shalt  }
0x44: {  	_ =	shalt  }
0x45: {  	_ =	shalt  }
0x46: {  	_ =	shalt  }
0x47: {  	_ =	shalt  }
0x48: {  	_ =	shalt  }
0x49: {  	_ =	shalt  }
0x4a: {  	_ =	shalt  }
0x4b: {  	_ =	shalt  }
0x4c: {  	_ =	shalt  }
0x4d: {  	_ =	shalt  }
0x4e: {  	_ =	shalt  }
0x4f: {  	_ =	shalt  }
0x50: {  	_ =	shalt  }
0x51: {  	_ =	shalt  }
0x52: {  	_ =	shalt  }
0x53: {  	_ =	shalt  }
0x54: {  	_ =	shalt  }
0x55: {  	_ =	shalt  }
0x56: {  	_ =	shalt  }
0x57: {  	_ =	shalt  }
0x58: {  	_ =	shalt  }
0x59: {  	_ =	shalt  }
0x5a: {  	_ =	shalt  }
0x5b: {  	_ =	shalt  }
0x5c: {  	_ =	shalt  }
0x5d: {  	_ =	shalt  }
0x5e: {  	_ =	shalt  }
0x5f: {  	_ =	shalt  }
0x60: {  	_ =	shalt  }
0x61: {  	_ =	shalt  }
0x62: {  	_ =	shalt  }
0x63: {  	_ =	shalt  }
0x64: {  	_ =	shalt  }
0x65: {  	_ =	shalt  }
0x66: {  	_ =	shalt  }
0x67: {  	_ =	shalt  }
0x68: {  	_ =	shalt  }
0x69: {  	_ =	shalt  }
0x6a: {  	_ =	shalt  }
0x6b: {  	_ =	shalt  }
0x6c: {  	_ =	shalt  }
0x6d: {  	_ =	shalt  }
0x6e: {  	_ =	shalt  }
0x6f: {  	_ =	shalt  }
0x70: {  	_ =	shalt  }
0x71: {  	_ =	shalt  }
0x72: {  	_ =	shalt  }
0x73: {  	_ =	shalt  }
0x74: {  	_ =	shalt  }
0x75: {  	_ =	shalt  }
0x76: {  	_ =	shalt  }
0x77: {  	_ =	shalt  }
0x78: {  	_ =	shalt  }
0x79: {  	_ =	shalt  }
0x7a: {  	_ =	shalt  }
0x7b: {  	_ =	shalt  }
0x7c: {  	_ =	shalt  }
0x7d: {  	_ =	shalt  }
0x7e: {  	_ =	shalt  }
0x7f: {  	_ =	shalt  }
0x80: {  	_ =	shalt  }
0x81: {  	_ =	shalt  }
0x82: {  	_ =	shalt  }
0x83: {  	_ =	shalt  }
0x84: {  	_ =	shalt  }
0x85: {  	_ =	shalt  }
0x86: {  	_ =	shalt  }
0x87: {  	_ =	shalt  }
.Lfunc_end0:
.L_simem_size_0:
called_computation.1_lowered:
.L_overlay_start_0:
0x88: {  	s2 =	sld [smem:$0x3FD9]  }
0x89: {  	s3 =	sld [smem:$0x3FFE];
	_ =	sdelay $0x1  }
0x8a: {  	s1 =	srdreg.scid  }
0x8b: {  	s0 =	sand.u32 $0x1, s1  }
0x8c: {  	s17 =	sshll.u32 s0, $0xA;
	s2 =	sadd.s32 s3, s2  }
0x8d: {  	s2 =	sadd.s32 s2, s17  }
0x8e: {  	[smem:$0x3FC1] =	sst s2  }
0x8f: {  	_ = 	snop  }
0x90: {  	s2 =	sld [smem:$0x3FD0];
	(tm) =	ssettm $0x1  }
0x91: {  	s18 =	sld [smem:$0x3FFB];
	_ =	sdelay $0x3  }
0x92: {  	_ =	strace s18  }
0x93: {  	s3 =	sld [smem:$0x3FFC];
	_ =	sdelay $0x3  }
0x94: {  	_ =	strace s3  }
0x95: {  	s3 =	sld [smem:$0x3FFD];
	_ =	sdelay $0x3  }
0x96: {  	_ =	strace s3  }
0x97: {  	_ =	strace $0x8FFFFFFF  }
0x98: {  	s19 =	sld [smem:$0x3FDB];
	_ =	sdelay $0x1  }
0x99: {  	s4 =	simm.s32 $_scs_section_size  }
0x9a: {  	s5 =	simm.s32 $_size__tile_overlayer_lowered;
	s6 =	simm.s32 $_tile_overlayer_lowered  }
0x9b: {  	s22 =	simm.s32 $0x1BFF;
	s21 =	sshll.u32 s6, $0x1;
	s3 =	sadd.s32 s4, s19  }
0x9c: {  	s7 =	simm.s32 $0x0;
	s20 =	sshll.u32 s5, $0x1;
	s5 =	sadd.s32 s21, s3  }
0x9d: {  	[timem:s7], [sflag:s22] =	dma.local [hbm:s5], s20  }
0x9e: {  	_ =	swait.ge [sflag:s22], s20  }
0x9f: {  	s4 =	ssub.s32 $0x0, s20;
	[sflag:s22] =	ssyncset.done $0x0  }
0xa0: {  	[sflag:s22] =	ssyncadd.s32 s4;
	_ =	sdelay $0x1  }
0xa1: {  	s23 =	simm.s32 $0x1B8B  }
0xa2: {  	_ =	swait.ge [sflag:s23], $0x1  }
0xa3: {  	[sflag:s23] =	ssyncset.done $0x0  }
0xa4: {  	s25 =	simm.s32 $0x1B8E;
	s24 =	sld [smem:$0x3FFE];
	[sflag:s23] =	ssyncadd.s32 $0xFFFFFFFF  }
0xa5: {  	s26 =	simm.s32 $execute0_lowered;
	[smem:$0x3FD2] =	sst s25  }
0xa6: {  	s5 =	sshll.u32 s26, $0x1;
	_ =	strace $0x80000049;
	[dreg:$0x1] =	wrdreg $0xFFFFFFFF  }
0xa7: {  	s28 =	simm.s32 $_size_execute0_lowered;
	s3 =	sadd.s32 s3, s5;
	[dreg:$0x0] =	wrdreg $0x0  }
0xa8: {  	s5 =	sshll.u32 s28, $0x1;
	[dreg:$0x2] =	wrdreg s3  }
0xa9: {  	[dreg:$0x3] =	wrdreg s5  }
0xaa: {  	[dreg:$0x4] =	wrdreg $0xC0  }
0xab: {  	_ =	task [dreg:s7], $0x5FFFF  }
0xac: {  	[dreg:$0x1] =	wrdreg $0xFFFFFFFF  }
0xad: {  	[dreg:$0x0] =	wrdreg $0x60  }
0xae: {  	[dreg:$0x2] =	wrdreg s2  }
0xaf: {  	[dreg:$0x3] =	wrdreg s24  }
0xb0: {  	[dreg:$0x4] =	wrdreg $0x14C400  }
0xb1: {  	[dreg:$0x5] =	wrdreg $0x9  }
0xb2: {  	_ =	task.clear_ibuf [dreg:s7], $0x6FFFF;
	_ =	strace $0x90000049  }
0xb3: {  	s29 =	simm.s32 $0x9;
	_ =	strace $0x8000004B  }
0xb4: {  	_ =	swait.ge [sflag:s29], $0x1  }
0xb5: {  	[sflag:s29] =	ssyncadd.s32 $0xFFFFFFFF  }
0xb6: {  	_ =	strace $0x9000004B  }
0xb7: {  	_ =	sfence  }
0xb8: {  	s30 =	sld [smem:$0x0];
	_ =	sdelay $0x2  }
0xb9: {  	s31 =	sshll.u32 s1, $0xD;
	s1 =	sshrl.u32 s1, $0x2  }
0xba: {  	s3 =	sand.u32 $0x4000, s31;
	s1 =	sadd.s32 s1, s30  }
0xbb: {  	s0 =	sor.u32 s3, s0;
	s1 =	sshll.u32 s1, $0x11  }
0xbc: {  	s0 =	sor.u32 s1, s0  }
0xbd: {  	s0 =	sadd.s32 $0x8F2B, s0  }
0xbe: {  	[sflag:s0] =	ssyncadd.remote.s32 $0x1  }
0xbf: {  	_ =	sfence.sel $0xFFFF  }
0xc0: {  	[dreg:$0x0] =	wrdreg $0xFFFFFFFF;
	(pc) =	sbr.abs _section_cstart, $3  }
0xc1: {  	[dreg:$0x1] =	wrdreg $0xFFFFFFFF  }
0xc2: {  	_ =	task.clear_ibuf [dreg:s7], $0x2FFFF;
	_ =	strace $0x9FFFFFFF  }
0xc3: {  	(tm) =	ssettm $0x7FFFFFFF  }
tec
execute0_lowered:
.L_overlay_start_1:
0x0: {  	(tag) =	ssettag $0x1  }
0x1: {  	s1 =	rddreg [dreg:$0x0]  }
0x2: {  	s0 =	rddreg [dreg:$0x1]  }
0x3: {  	s3 =	rddreg [dreg:$0x2];
	s9 =	stileid.u32  }
0x4: {  	s2 =	simm.s32 $0x0;
	s8 =	srdreg.scid;
	s24 =	smul.u32 $0x5000, s9  }
0x5: {  	[smem:$0x7FF] =	sst s2;
	s5 =	sadd.s32 $0x21800, s0;
	s4 =	smul.u32 $0xA000, s9  }
0x6: {  	s6 =	sadd.s32 $0x35200, s0;
	s9 =	smul.u32 $0x28000, s9;
	s10 =	sadd.s32 $0x5C600, s0  }
0x7: {  	s7 =	sadd.s32 $0x48C00, s0;
	_ =	strace $0x8000004A;
	[dreg:$0x4] =	wrdreg s10  }
0x8: {  	s2 =	sshrl.u32 s24, $0x3;
	s11 =	sshrl.u32 s4, $0x3;
	s9 =	sshrl.u32 s9, $0x2  }
0x9: {  	s16 =	sadd.s32 s4, s3;
	s2 =	sadd.s32 s2, s0;
	[dreg:$0x5] =	wrdreg s11  }
0xa: {  	s12 =	sadd.s32 s11, s0;
	s0 =	sadd.s32 $0x98600, s0;
	[dreg:$0xb] =	wrdreg s16  }
0xb: {  	s28 =	simm.s32 $0x13C40;
	s9 =	sadd.s32 s9, s3;
	[dreg:$0x6] =	wrdreg s0  }
0xc: {  	s8 =	sand.u32 $0x1, s8;
	s14 =	sadd.s32 $0xD800, s2;
	[dreg:$0x7] =	wrdreg s9  }
0xd: {  	s25 =	ssub.s32 $0x2, s8;
	s2 =	sadd.s32 $0x3800, s2;
	[dreg:$0x8] =	wrdreg s14  }
0xe: {  	s26 =	sshrl.u32 s25, $0x1;
	s15 =	sadd.s32 $0x70600, s12;
	[dreg:$0x9] =	wrdreg s2  }
0xf: {  	s13 =	ssub.s32 s25, s26;
	s17 =	sadd.s32 $0x84600, s12;
	[dreg:$0xa] =	wrdreg s15  }
0x10: {  	s29 =	simm.s32 $0xB;
	s0 =	smax.u32 s13, $0x1;
	[dreg:$0xc] =	wrdreg s17  }
0x11: {  	s31 =	simm.s32 $0x7D;
	s18 =	sadd.s32 $0x1000, s9;
	[dreg:$0xd] =	wrdreg s0  }
0x12: {  	s30 =	simm.s32 $0x8;
	s19 =	sadd.s32 $0x2000, s9;
	[dreg:$0xe] =	wrdreg s18  }
0x13: {  	p0 =	seq.s32 s8, $0x1;
	s20 =	sadd.s32 $0x3000, s9;
	[dreg:$0xf] =	wrdreg s19  }
0x14: {  	s8 =	simm.s32 $0x2;
	s21 =	sadd.s32 $0x4000, s9;
	[dreg:$0x10] =	wrdreg s20  }
0x15: {  	s10 =	simm.s32 $0x6;
	s22 =	sadd.s32 $0x5000, s9;
	[dreg:$0x11] =	wrdreg s21  }
0x16: {  	s4 =	simm.s32 $0xFDC0;
	s23 =	sadd.s32 $0x6000, s9;
	[dreg:$0x12] =	wrdreg s22  }
0x17: {  	s16 =	simm.s32 $0xDE80;
	s24 =	sadd.s32 $0x7000, s9;
	[dreg:$0x13] =	wrdreg s23  }
0x18: {  	s25 =	sadd.s32 $0x8000, s9;
	s26 =	sadd.s32 $0x9000, s9;
	[dreg:$0x14] =	wrdreg s24  }
.Ltmp0:
0x19: {  	s12 =	simm.s32 $0x1;
	[dreg:$0x15] =	wrdreg s25;
	(pc) =	sbr.rel .LBB2_1-.Ltmp0, $4  }
0x1a: {  	s13 =	simm.s32 $0x3;
	s9 =	simm.s32 $0x4;
	[dreg:$0x16] =	wrdreg s26  }
0x1b: {  	s26 =	simm.s32 $0x5000;
	s0 =	simm.s32 $0xA000;
	s14 =	simm.s32 $0xBF40  }
0x1c: {  	s17 =	simm.s32 $0x11D00;
	s2 =	simm.s32 $0x7;
	s15 =	simm.s32 $0x5  }
0x1d: {  	v0 =	vimm.f32 $0.0e+00;
	s18 =	simm.s32 $0x9;
	s19 =	simm.s32 $0xA;
	s20 =	simm.s32 $0x0  }
.LBB2_17:
0x1e: {  	s25 =	sadd.s32 $0xA00, s24;
	s23 =	sadd.s32 $0x1200, s24;
	s22 =	rddreg [dreg:$0x4]  }
.LBB2_18:
0x1f: {  	s11 =	sshra.s32 s25, $0x2  }
0x20: {  	s11 =	sadd.s32 $0x5180, s11  }
0x21: {  	[spmem:s3] =	stream.indirect.scatter.add.f32 [tilespmem:s4], [sflag:$0x9], $0x40, s11, s31, $0xb8;
	[tilespmem:$0x1EC40] =	vst v63  }
0x22: {  	_ =	swait.ge [sflag:s15], $0x1F40  }
0x23: {  	[sflag:s15] =	ssyncset.done $0x0  }
0x24: {  	[sflag:s15] =	ssyncadd.s32 $0xFFFFE0C0  }
0x25: {  	_ =	swait.ge [sflag:s18], $0x1F40  }
0x26: {  	s23 =	sshra.s32 s23, $0x2;
	[sflag:s18] =	ssyncset.done $0x0  }
0x27: {  	s11 =	sadd.s32 $0x5000, s23;
	[sflag:s18] =	ssyncadd.s32 $0xFFFFE0C0  }
0x28: {  	[spmem:s3] =	stream.indirect.scatter.add.f32 [tilespmem:s17], [sflag:$0xA], $0x40, s11, s31, $0xb8;
	[tilespmem:$0x1EC40] =	vst v63  }
0x29: {  	_ =	swait.ge [sflag:s19], $0x1F40  }
0x2a: {  	[sflag:s19] =	ssyncset.done $0x0  }
0x2b: {  	[sflag:s19] =	ssyncadd.s32 $0xFFFFE0C0  }
0x2c: {  	s24 =	rddreg [dreg:$0x5];
	[bflag:$0x0] =	sbarrier.arrive $0xFFFF  }
0x2d: {  	s25 =	rddreg [dreg:$0xb]  }
0x2e: {  	s11 =	sadd.s32 s22, s24;
	s22 =	sshrl.u32 s25, $0x3  }
0x2f: {  	[hbm:s11], [sflag:s21] =	dma.local [spmem:s22], $0x1400  }
0x30: {  	_ =	swait.ge [sflag:s29], $0x1400  }
0x31: {  	s20 =	sadd.s32 $0x1, s20;
	s26 =	rddreg [dreg:$0xd]  }
0x32: {  	p1 =	sne.s32 s20, s26  }
.Ltmp1:
0x33: {  	_ = 	snop;
	(pc) =	sbr.rel @!p1 .LBB2_19-.Ltmp1, $3  }
0x34: {  	_ =	sdelay $0x1  }
0x35: {  	[sflag:s29] =	ssyncset.done $0x0  }
0x36: {  	[sflag:s29] =	ssyncadd.s32 $0xFFFFEC00;
	s26 =	simm.s32 $0x5000  }
.LBB2_1:
0x37: {  	s22 =	simm.s32 $0x100;
	s21 =	simm.s32 $0x0  }
.LBB2_2:
0x38: {  	p1 =	sne.s32 s22, $0x3F00;
	[tilespmem:s21+$0x13C70] =	vst v0;
	s23 =	smov.u32 s22;
	s22 =	sadd.s32 $0x100, s22  }
.Ltmp2:
0x39: {  	[tilespmem:s21+$0x13C60] =	vst v0;
	(pc) =	sbr.rel @p1 .LBB2_2-.Ltmp2, $3  }
0x3a: {  	[tilespmem:s21+$0x13C40] =	vst v0  }
0x3b: {  	[tilespmem:s21+$0x13C50] =	vst v0;
	_ =	sdelay $0x1  }
0x3c: {  	s21 =	sshra.s32 s23, $0x2  }
0x3d: {  	[tilespmem:s21+$0x13C70] =	vst v0  }
0x3e: {  	[tilespmem:s21+$0x13C60] =	vst v0  }
0x3f: {  	[tilespmem:s21+$0x13C40] =	vst v0  }
0x40: {  	[tilespmem:s21+$0x13C50] =	vst v0;
	s11 =	rddreg [dreg:$0x7]  }
0x41: {  	[spmem:s11] =	stream.linear.scatter [tilespmem:s28], [sflag:$0xB], $0x1000, $0x38;
	[tilespmem:$0x1EC40] =	vst v63  }
0x42: {  	_ =	swait.ge [sflag:s29], $0x1000  }
0x43: {  	[sflag:s29] =	ssyncset.done $0x0  }
0x44: {  	s24 =	rddreg [dreg:$0xe];
	[sflag:s29] =	ssyncadd.s32 $0xFFFFF000  }
0x45: {  	[spmem:s24] =	stream.linear.scatter [tilespmem:s28], [sflag:$0xB], $0x1000, $0x38;
	[tilespmem:$0x1EC40] =	vst v63  }
0x46: {  	_ =	swait.ge [sflag:s29], $0x1000  }
0x47: {  	[sflag:s29] =	ssyncset.done $0x0  }
0x48: {  	s25 =	rddreg [dreg:$0xf];
	[sflag:s29] =	ssyncadd.s32 $0xFFFFF000  }
0x49: {  	[spmem:s25] =	stream.linear.scatter [tilespmem:s28], [sflag:$0xB], $0x1000, $0x38;
	[tilespmem:$0x1EC40] =	vst v63  }
0x4a: {  	_ =	swait.ge [sflag:s29], $0x1000  }
0x4b: {  	[sflag:s29] =	ssyncset.done $0x0  }
0x4c: {  	s21 =	rddreg [dreg:$0x10];
	[sflag:s29] =	ssyncadd.s32 $0xFFFFF000  }
0x4d: {  	[spmem:s21] =	stream.linear.scatter [tilespmem:s28], [sflag:$0xB], $0x1000, $0x38;
	[tilespmem:$0x1EC40] =	vst v63  }
0x4e: {  	_ =	swait.ge [sflag:s29], $0x1000  }
0x4f: {  	[sflag:s29] =	ssyncset.done $0x0  }
0x50: {  	s22 =	rddreg [dreg:$0x11];
	[sflag:s29] =	ssyncadd.s32 $0xFFFFF000  }
0x51: {  	[spmem:s22] =	stream.linear.scatter [tilespmem:s28], [sflag:$0xB], $0x1000, $0x38;
	[tilespmem:$0x1EC40] =	vst v63  }
0x52: {  	_ =	swait.ge [sflag:s29], $0x1000  }
0x53: {  	[sflag:s29] =	ssyncset.done $0x0  }
0x54: {  	s23 =	rddreg [dreg:$0x12];
	[sflag:s29] =	ssyncadd.s32 $0xFFFFF000  }
0x55: {  	[spmem:s23] =	stream.linear.scatter [tilespmem:s28], [sflag:$0xB], $0x1000, $0x38;
	[tilespmem:$0x1EC40] =	vst v63  }
0x56: {  	_ =	swait.ge [sflag:s29], $0x1000  }
0x57: {  	[sflag:s29] =	ssyncset.done $0x0  }
0x58: {  	s24 =	rddreg [dreg:$0x13];
	[sflag:s29] =	ssyncadd.s32 $0xFFFFF000  }
0x59: {  	[spmem:s24] =	stream.linear.scatter [tilespmem:s28], [sflag:$0xB], $0x1000, $0x38;
	[tilespmem:$0x1EC40] =	vst v63  }
0x5a: {  	_ =	swait.ge [sflag:s29], $0x1000  }
0x5b: {  	[sflag:s29] =	ssyncset.done $0x0  }
0x5c: {  	s25 =	rddreg [dreg:$0x14];
	[sflag:s29] =	ssyncadd.s32 $0xFFFFF000  }
0x5d: {  	[spmem:s25] =	stream.linear.scatter [tilespmem:s28], [sflag:$0xB], $0x1000, $0x38;
	[tilespmem:$0x1EC40] =	vst v63  }
0x5e: {  	_ =	swait.ge [sflag:s29], $0x1000  }
0x5f: {  	[sflag:s29] =	ssyncset.done $0x0  }
0x60: {  	s21 =	rddreg [dreg:$0x15];
	[sflag:s29] =	ssyncadd.s32 $0xFFFFF000  }
0x61: {  	[spmem:s21] =	stream.linear.scatter [tilespmem:s28], [sflag:$0xB], $0x1000, $0x38;
	[tilespmem:$0x1EC40] =	vst v63  }
0x62: {  	_ =	swait.ge [sflag:s29], $0x1000  }
0x63: {  	[sflag:s29] =	ssyncset.done $0x0  }
0x64: {  	s22 =	rddreg [dreg:$0x16];
	[sflag:s29] =	ssyncadd.s32 $0xFFFFF000  }
0x65: {  	[spmem:s22] =	stream.linear.scatter [tilespmem:s28], [sflag:$0xB], $0x1000, $0x38;
	[tilespmem:$0x1EC40] =	vst v63  }
0x66: {  	_ =	swait.ge [sflag:s29], $0x1000  }
0x67: {  	[sflag:s29] =	ssyncset.done $0x0  }
0x68: {  	[sflag:s29] =	ssyncadd.s32 $0xFFFFF000  }
0x69: {  	[bflag:$0x0] =	sbarrier.arrive $0xFFFF  }
0x6a: {  	s23 =	simm.s32 $0x0;
	s24 =	rddreg [dreg:$0x8]  }
0x6b: {  	[tilespmem:s23], [sflag:$0xB] =	stream.linear.gather [hbm4b:s24+s23], $0x5000, $0x38;
	[tilespmem:$0x1EC40] =	vst v63  }
0x6c: {  	_ =	swait.ge [sflag:s29], $0x5000  }
0x6d: {  	[sflag:s29] =	ssyncset.done $0x0  }
.Ltmp3:
0x6e: {  	s25 =	rddreg [dreg:$0x9];
	[sflag:s29] =	ssyncadd.s32 $0xFFFFB000;
	(pc) =	sbr.rel @!p0 .LBB2_4-.Ltmp3, $4  }
0x6f: {  	[tilespmem:s26], [sflag:$0xB] =	stream.linear.gather [hbm4b:s25+s23], $0x5000, $0x38;
	[tilespmem:$0x1EC40] =	vst v63  }
0x70: {  	_ =	swait.ge [sflag:s29], $0x5000  }
0x71: {  	[sflag:s29] =	ssyncset.done $0x0  }
0x72: {  	s21 =	simm.s32 $0x0;
	[sflag:s29] =	ssyncadd.s32 $0xFFFFB000  }
0x73: {  	[tilespmem:s0], [sflag:$0x1] =	stream.indirect.gather [hbm4b:s6+s31], $0x40, s21, s31, $0xb8;
	[tilespmem:$0x1EC40] =	vst v63  }
0x74: {  	s11 =	simm.s32 $0x80  }
0x75: {  	[tilespmem:s14], [sflag:$0x2] =	stream.indirect.gather [hbm4b:s6+s31], $0x40, s11, s31, $0xb8;
	[tilespmem:$0x1EC40] =	vst v63  }
0x76: {  	s23 =	simm.s32 $0x100  }
0x77: {  	[tilespmem:s16], [sflag:$0x3] =	stream.indirect.gather [hbm4b:s6+s31], $0x40, s23, s31, $0xb8;
	[tilespmem:$0x1EC40] =	vst v63  }
0x78: {  	s24 =	simm.s32 $0x180  }
0x79: {  	[tilespmem:s4], [sflag:$0x4] =	stream.indirect.gather [hbm4b:s6+s31], $0x40, s24, s31, $0xb8;
	[tilespmem:$0x1EC40] =	vst v63  }
0x7a: {  	_ =	swait.ge [sflag:s12], $0x1F40  }
0x7b: {  	[sflag:s12] =	ssyncset.done $0x0  }
0x7c: {  	s25 =	simm.s32 $0x200;
	[sflag:s12] =	ssyncadd.s32 $0xFFFFE0C0  }
0x7d: {  	[tilespmem:s17], [sflag:$0x5] =	stream.indirect.gather [hbm4b:s6+s31], $0x40, s25, s31, $0xb8;
	[tilespmem:$0x1EC40] =	vst v63  }
0x7e: {  	_ = 	snop  }
0x7f: {  	[spmem:s3] =	stream.indirect.scatter.add.f32 [tilespmem:s0], [sflag:$0x6], $0x40, s26, s31, $0xb8;
	[tilespmem:$0x1EC40] =	vst v63  }
0x80: {  	_ =	swait.ge [sflag:s8], $0x1F40  }
0x81: {  	[sflag:s8] =	ssyncset.done $0x0  }
0x82: {  	[sflag:s8] =	ssyncadd.s32 $0xFFFFE0C0  }
0x83: {  	_ =	swait.ge [sflag:s10], $0x1F40  }
0x84: {  	[sflag:s10] =	ssyncset.done $0x0  }
0x85: {  	s22 =	simm.s32 $0x280;
	[sflag:s10] =	ssyncadd.s32 $0xFFFFE0C0  }
0x86: {  	[tilespmem:s0], [sflag:$0x1] =	stream.indirect.gather [hbm4b:s6+s31], $0x40, s22, s31, $0xb8;
	[tilespmem:$0x1EC40] =	vst v63  }
0x87: {  	s23 =	simm.s32 $0x5080  }
0x88: {  	[spmem:s3] =	stream.indirect.scatter.add.f32 [tilespmem:s14], [sflag:$0x7], $0x40, s23, s31, $0xb8;
	[tilespmem:$0x1EC40] =	vst v63  }
0x89: {  	_ =	swait.ge [sflag:s13], $0x1F40  }
0x8a: {  	[sflag:s13] =	ssyncset.done $0x0  }
0x8b: {  	[sflag:s13] =	ssyncadd.s32 $0xFFFFE0C0  }
0x8c: {  	_ =	swait.ge [sflag:s2], $0x1F40  }
0x8d: {  	[sflag:s2] =	ssyncset.done $0x0  }
0x8e: {  	s24 =	simm.s32 $0x300;
	[sflag:s2] =	ssyncadd.s32 $0xFFFFE0C0  }
0x8f: {  	[tilespmem:s14], [sflag:$0x2] =	stream.indirect.gather [hbm4b:s6+s31], $0x40, s24, s31, $0xb8;
	[tilespmem:$0x1EC40] =	vst v63  }
0x90: {  	s25 =	simm.s32 $0x5100  }
0x91: {  	[spmem:s3] =	stream.indirect.scatter.add.f32 [tilespmem:s16], [sflag:$0x8], $0x40, s25, s31, $0xb8;
	[tilespmem:$0x1EC40] =	vst v63  }
0x92: {  	_ =	swait.ge [sflag:s9], $0x1F40  }
0x93: {  	[sflag:s9] =	ssyncset.done $0x0  }
0x94: {  	[sflag:s9] =	ssyncadd.s32 $0xFFFFE0C0  }
0x95: {  	_ =	swait.ge [sflag:s30], $0x1F40  }
0x96: {  	[sflag:s30] =	ssyncset.done $0x0  }
0x97: {  	s22 =	simm.s32 $0x380;
	[sflag:s30] =	ssyncadd.s32 $0xFFFFE0C0  }
0x98: {  	[tilespmem:s16], [sflag:$0x3] =	stream.indirect.gather [hbm4b:s6+s31], $0x40, s22, s31, $0xb8;
	[tilespmem:$0x1EC40] =	vst v63  }
0x99: {  	s23 =	simm.s32 $0x5180  }
0x9a: {  	[spmem:s3] =	stream.indirect.scatter.add.f32 [tilespmem:s4], [sflag:$0x9], $0x40, s23, s31, $0xb8;
	[tilespmem:$0x1EC40] =	vst v63  }
0x9b: {  	_ =	swait.ge [sflag:s15], $0x1F40  }
0x9c: {  	[sflag:s15] =	ssyncset.done $0x0  }
0x9d: {  	[sflag:s15] =	ssyncadd.s32 $0xFFFFE0C0  }
0x9e: {  	_ =	swait.ge [sflag:s18], $0x1F40  }
0x9f: {  	[sflag:s18] =	ssyncset.done $0x0  }
0xa0: {  	s24 =	simm.s32 $0x400;
	[sflag:s18] =	ssyncadd.s32 $0xFFFFE0C0  }
0xa1: {  	[tilespmem:s4], [sflag:$0x4] =	stream.indirect.gather [hbm4b:s6+s31], $0x40, s24, s31, $0xb8;
	[tilespmem:$0x1EC40] =	vst v63  }
0xa2: {  	s25 =	simm.s32 $0x5200  }
0xa3: {  	[spmem:s3] =	stream.indirect.scatter.add.f32 [tilespmem:s17], [sflag:$0xA], $0x40, s25, s31, $0xb8;
	[tilespmem:$0x1EC40] =	vst v63  }
.LBB2_11:
0xa4: {  	_ =	swait.ge [sflag:s12], $0x1F40  }
0xa5: {  	[sflag:s12] =	ssyncset.done $0x0  }
0xa6: {  	[sflag:s12] =	ssyncadd.s32 $0xFFFFE0C0  }
0xa7: {  	_ =	swait.ge [sflag:s19], $0x1F40  }
0xa8: {  	s22 =	sshra.s32 s21, $0x2;
	[sflag:s19] =	ssyncset.done $0x0  }
0xa9: {  	s11 =	sadd.s32 $0x480, s22;
	[sflag:s19] =	ssyncadd.s32 $0xFFFFE0C0  }
0xaa: {  	[tilespmem:s17], [sflag:$0x5] =	stream.indirect.gather [hbm4b:s6+s31], $0x40, s11, s31, $0xb8;
	[tilespmem:$0x1EC40] =	vst v63  }
0xab: {  	s24 =	sadd.s32 $0x5280, s22  }
0xac: {  	[spmem:s3] =	stream.indirect.scatter.add.f32 [tilespmem:s0], [sflag:$0x6], $0x40, s24, s31, $0xb8;
	[tilespmem:$0x1EC40] =	vst v63  }
0xad: {  	_ =	swait.ge [sflag:s8], $0x1F40  }
0xae: {  	[sflag:s8] =	ssyncset.done $0x0  }
0xaf: {  	[sflag:s8] =	ssyncadd.s32 $0xFFFFE0C0  }
0xb0: {  	p1 =	seq.s32 s21, $0x12C00;
	_ =	swait.ge [sflag:s10], $0x1F40  }
0xb1: {  	s23 =	simm.s32 @p1 $0x7D;
	s11 =	sshra.s32 @p1 s21, $0x2;
	[sflag:s10] =	ssyncset.done $0x0  }
0xb2: {  	s11 =	sadd.s32 @p1 $0x5300, s11;
	s24 =	simm.s32 @p1 $0xBF40;
	[sflag:s10] =	ssyncadd.s32 $0xFFFFE0C0  }
0xb3: {  	[spmem:s3] =	stream.indirect.scatter.add.f32 @p1 [tilespmem:s24], [sflag:$0x7], $0x40, s11, s23, $0xb8;
	[tilespmem:$0x1EC40] =	vst v63  }
0xb4: {  	s11 =	simm.s32 @p1 $0x3  }
0xb5: {  	_ =	swait.ge @p1 [sflag:s11], $0x1F40  }
0xb6: {  	[sflag:s11] =	ssyncset.done @p1 $0x0  }
0xb7: {  	[sflag:s11] =	ssyncadd.s32 @p1 $0xFFFFE0C0;
	s11 =	simm.s32 @p1 $0x7  }
0xb8: {  	_ =	swait.ge @p1 [sflag:s11], $0x1F40  }
0xb9: {  	[sflag:s11] =	ssyncset.done @p1 $0x0  }
0xba: {  	[sflag:s11] =	ssyncadd.s32 @p1 $0xFFFFE0C0;
	s11 =	sshra.s32 @!p1 s21, $0x2  }
0xbb: {  	s25 =	simm.s32 @!p1 $0xA000;
	s24 =	simm.s32 @!p1 $0x7D;
	s23 =	sadd.s32 @!p1 $0x500, s11  }
0xbc: {  	[tilespmem:s25], [sflag:$0x1] =	stream.indirect.gather @!p1 [hbm4b:s6+s24], $0x40, s23, s24, $0xb8;
	[tilespmem:$0x1EC40] =	vst v63  }
0xbd: {  	s23 =	sadd.s32 @!p1 $0x5300, s11;
	s25 =	simm.s32 @!p1 $0xBF40  }
0xbe: {  	[spmem:s3] =	stream.indirect.scatter.add.f32 @!p1 [tilespmem:s25], [sflag:$0x7], $0x40, s23, s24, $0xb8;
	[tilespmem:$0x1EC40] =	vst v63  }
0xbf: {  	s23 =	simm.s32 @!p1 $0x3  }
0xc0: {  	_ =	swait.ge @!p1 [sflag:s23], $0x1F40  }
0xc1: {  	[sflag:s23] =	ssyncset.done @!p1 $0x0  }
0xc2: {  	[sflag:s23] =	ssyncadd.s32 @!p1 $0xFFFFE0C0;
	s23 =	simm.s32 @!p1 $0x7  }
0xc3: {  	_ =	swait.ge @!p1 [sflag:s23], $0x1F40  }
0xc4: {  	[sflag:s23] =	ssyncset.done @!p1 $0x0  }
0xc5: {  	s11 =	sadd.s32 @!p1 $0x580, s11;
	[sflag:s23] =	ssyncadd.s32 @!p1 $0xFFFFE0C0  }
0xc6: {  	[tilespmem:s25], [sflag:$0x2] =	stream.indirect.gather @!p1 [hbm4b:s6+s24], $0x40, s11, s24, $0xb8;
	[tilespmem:$0x1EC40] =	vst v63  }
0xc7: {  	s25 =	sadd.s32 $0x5380, s22  }
0xc8: {  	[spmem:s3] =	stream.indirect.scatter.add.f32 [tilespmem:s16], [sflag:$0x8], $0x40, s25, s31, $0xb8;
	[tilespmem:$0x1EC40] =	vst v63  }
0xc9: {  	_ =	swait.ge [sflag:s9], $0x1F40  }
.Ltmp4:
0xca: {  	[sflag:s9] =	ssyncset.done $0x0;
	(pc) =	sbr.rel @p1 .LBB2_13-.Ltmp4, $4  }
0xcb: {  	[sflag:s9] =	ssyncadd.s32 $0xFFFFE0C0  }
0xcc: {  	_ =	swait.ge [sflag:s30], $0x1F40  }
0xcd: {  	[sflag:s30] =	ssyncset.done $0x0  }
0xce: {  	s23 =	sadd.s32 $0x5400, s22;
	[sflag:s30] =	ssyncadd.s32 $0xFFFFE0C0  }
0xcf: {  	s11 =	sadd.s32 $0x600, s22  }
0xd0: {  	[tilespmem:s16], [sflag:$0x3] =	stream.indirect.gather [hbm4b:s6+s31], $0x40, s11, s31, $0xb8;
	[tilespmem:$0x1EC40] =	vst v63  }
0xd1: {  	_ = 	snop  }
0xd2: {  	[spmem:s3] =	stream.indirect.scatter.add.f32 [tilespmem:s4], [sflag:$0x9], $0x40, s23, s31, $0xb8;
	[tilespmem:$0x1EC40] =	vst v63  }
0xd3: {  	_ =	swait.ge [sflag:s15], $0x1F40  }
0xd4: {  	[sflag:s15] =	ssyncset.done $0x0  }
0xd5: {  	[sflag:s15] =	ssyncadd.s32 $0xFFFFE0C0  }
0xd6: {  	_ =	swait.ge [sflag:s18], $0x1F40  }
.Ltmp5:
0xd7: {  	[sflag:s18] =	ssyncset.done $0x0;
	(pc) =	sbr.rel .LBB2_11-.Ltmp5, $4  }
0xd8: {  	s24 =	sadd.s32 $0x680, s22;
	[sflag:s18] =	ssyncadd.s32 $0xFFFFE0C0  }
0xd9: {  	[tilespmem:s4], [sflag:$0x4] =	stream.indirect.gather [hbm4b:s6+s31], $0x40, s24, s31, $0xb8;
	[tilespmem:$0x1EC40] =	vst v63  }
0xda: {  	s25 =	sadd.s32 $0x5480, s22;
	s21 =	sadd.s32 $0xA00, s21  }
0xdb: {  	[spmem:s3] =	stream.indirect.scatter.add.f32 [tilespmem:s17], [sflag:$0xA], $0x40, s25, s31, $0xb8;
	[tilespmem:$0x1EC40] =	vst v63  }
.LBB2_4:
0xdc: {  	[tilespmem:s0], [sflag:$0x1] =	stream.indirect.gather [hbm4b:s1+s31], $0x40, s21, s31, $0xb8;
	[tilespmem:$0x1EC40] =	vst v63  }
0xdd: {  	s11 =	simm.s32 $0x80  }
0xde: {  	[tilespmem:s14], [sflag:$0x2] =	stream.indirect.gather [hbm4b:s1+s31], $0x40, s11, s31, $0xb8;
	[tilespmem:$0x1EC40] =	vst v63  }
0xdf: {  	s25 =	simm.s32 $0x100  }
0xe0: {  	[tilespmem:s16], [sflag:$0x3] =	stream.indirect.gather [hbm4b:s1+s31], $0x40, s25, s31, $0xb8;
	[tilespmem:$0x1EC40] =	vst v63  }
0xe1: {  	s22 =	simm.s32 $0x180  }
0xe2: {  	[tilespmem:s4], [sflag:$0x4] =	stream.indirect.gather [hbm4b:s1+s31], $0x40, s22, s31, $0xb8;
	[tilespmem:$0x1EC40] =	vst v63  }
0xe3: {  	_ =	swait.ge [sflag:s12], $0x1F40  }
0xe4: {  	[sflag:s12] =	ssyncset.done $0x0  }
0xe5: {  	s23 =	simm.s32 $0x200;
	[sflag:s12] =	ssyncadd.s32 $0xFFFFE0C0  }
0xe6: {  	[tilespmem:s17], [sflag:$0x5] =	stream.indirect.gather [hbm4b:s1+s31], $0x40, s23, s31, $0xb8;
	[tilespmem:$0x1EC40] =	vst v63  }
0xe7: {  	_ = 	snop  }
0xe8: {  	[spmem:s3] =	stream.indirect.scatter.add.f32 [tilespmem:s0], [sflag:$0x6], $0x40, s26, s31, $0xb8;
	[tilespmem:$0x1EC40] =	vst v63  }
0xe9: {  	_ =	swait.ge [sflag:s8], $0x1F40  }
0xea: {  	[sflag:s8] =	ssyncset.done $0x0  }
0xeb: {  	[sflag:s8] =	ssyncadd.s32 $0xFFFFE0C0  }
0xec: {  	_ =	swait.ge [sflag:s10], $0x1F40  }
0xed: {  	[sflag:s10] =	ssyncset.done $0x0  }
0xee: {  	s24 =	simm.s32 $0x280;
	[sflag:s10] =	ssyncadd.s32 $0xFFFFE0C0  }
0xef: {  	[tilespmem:s0], [sflag:$0x1] =	stream.indirect.gather [hbm4b:s1+s31], $0x40, s24, s31, $0xb8;
	[tilespmem:$0x1EC40] =	vst v63  }
0xf0: {  	s25 =	simm.s32 $0x5080  }
0xf1: {  	[spmem:s3] =	stream.indirect.scatter.add.f32 [tilespmem:s14], [sflag:$0x7], $0x40, s25, s31, $0xb8;
	[tilespmem:$0x1EC40] =	vst v63  }
0xf2: {  	_ =	swait.ge [sflag:s13], $0x1F40  }
0xf3: {  	[sflag:s13] =	ssyncset.done $0x0  }
0xf4: {  	[sflag:s13] =	ssyncadd.s32 $0xFFFFE0C0  }
0xf5: {  	_ =	swait.ge [sflag:s2], $0x1F40  }
0xf6: {  	[sflag:s2] =	ssyncset.done $0x0  }
0xf7: {  	s26 =	simm.s32 $0x300;
	[sflag:s2] =	ssyncadd.s32 $0xFFFFE0C0  }
0xf8: {  	[tilespmem:s14], [sflag:$0x2] =	stream.indirect.gather [hbm4b:s1+s31], $0x40, s26, s31, $0xb8;
	[tilespmem:$0x1EC40] =	vst v63  }
0xf9: {  	s22 =	simm.s32 $0x5100  }
0xfa: {  	[spmem:s3] =	stream.indirect.scatter.add.f32 [tilespmem:s16], [sflag:$0x8], $0x40, s22, s31, $0xb8;
	[tilespmem:$0x1EC40] =	vst v63  }
0xfb: {  	_ =	swait.ge [sflag:s9], $0x1F40  }
0xfc: {  	[sflag:s9] =	ssyncset.done $0x0  }
0xfd: {  	[sflag:s9] =	ssyncadd.s32 $0xFFFFE0C0  }
0xfe: {  	_ =	swait.ge [sflag:s30], $0x1F40  }
0xff: {  	[sflag:s30] =	ssyncset.done $0x0  }
0x100: {  	s23 =	simm.s32 $0x380;
	[sflag:s30] =	ssyncadd.s32 $0xFFFFE0C0  }
0x101: {  	[tilespmem:s16], [sflag:$0x3] =	stream.indirect.gather [hbm4b:s1+s31], $0x40, s23, s31, $0xb8;
	[tilespmem:$0x1EC40] =	vst v63  }
0x102: {  	s24 =	simm.s32 $0x5180  }
0x103: {  	[spmem:s3] =	stream.indirect.scatter.add.f32 [tilespmem:s4], [sflag:$0x9], $0x40, s24, s31, $0xb8;
	[tilespmem:$0x1EC40] =	vst v63  }
0x104: {  	_ =	swait.ge [sflag:s15], $0x1F40  }
0x105: {  	[sflag:s15] =	ssyncset.done $0x0  }
0x106: {  	[sflag:s15] =	ssyncadd.s32 $0xFFFFE0C0  }
0x107: {  	_ =	swait.ge [sflag:s18], $0x1F40  }
0x108: {  	[sflag:s18] =	ssyncset.done $0x0  }
0x109: {  	s25 =	simm.s32 $0x400;
	[sflag:s18] =	ssyncadd.s32 $0xFFFFE0C0  }
0x10a: {  	[tilespmem:s4], [sflag:$0x4] =	stream.indirect.gather [hbm4b:s1+s31], $0x40, s25, s31, $0xb8;
	[tilespmem:$0x1EC40] =	vst v63  }
0x10b: {  	s26 =	simm.s32 $0x5200  }
0x10c: {  	[spmem:s3] =	stream.indirect.scatter.add.f32 [tilespmem:s17], [sflag:$0xA], $0x40, s26, s31, $0xb8;
	[tilespmem:$0x1EC40] =	vst v63  }
.LBB2_5:
0x10d: {  	_ =	swait.ge [sflag:s12], $0x1F40  }
0x10e: {  	[sflag:s12] =	ssyncset.done $0x0  }
0x10f: {  	[sflag:s12] =	ssyncadd.s32 $0xFFFFE0C0  }
0x110: {  	_ =	swait.ge [sflag:s19], $0x1F40  }
0x111: {  	s22 =	sshra.s32 s21, $0x2;
	[sflag:s19] =	ssyncset.done $0x0  }
0x112: {  	s23 =	sadd.s32 $0x480, s22;
	[sflag:s19] =	ssyncadd.s32 $0xFFFFE0C0  }
0x113: {  	[tilespmem:s17], [sflag:$0x5] =	stream.indirect.gather [hbm4b:s1+s31], $0x40, s23, s31, $0xb8;
	[tilespmem:$0x1EC40] =	vst v63  }
0x114: {  	s25 =	sadd.s32 $0x5280, s22  }
0x115: {  	[spmem:s3] =	stream.indirect.scatter.add.f32 [tilespmem:s0], [sflag:$0x6], $0x40, s25, s31, $0xb8;
	[tilespmem:$0x1EC40] =	vst v63  }
0x116: {  	_ =	swait.ge [sflag:s8], $0x1F40  }
0x117: {  	[sflag:s8] =	ssyncset.done $0x0  }
0x118: {  	[sflag:s8] =	ssyncadd.s32 $0xFFFFE0C0  }
0x119: {  	p1 =	seq.s32 s21, $0x12C00;
	_ =	swait.ge [sflag:s10], $0x1F40  }
0x11a: {  	s24 =	simm.s32 @p1 $0x7D;
	s23 =	sshra.s32 @p1 s21, $0x2;
	[sflag:s10] =	ssyncset.done $0x0  }
0x11b: {  	s23 =	sadd.s32 @p1 $0x5300, s23;
	s25 =	simm.s32 @p1 $0xBF40;
	[sflag:s10] =	ssyncadd.s32 $0xFFFFE0C0  }
0x11c: {  	[spmem:s3] =	stream.indirect.scatter.add.f32 @p1 [tilespmem:s25], [sflag:$0x7], $0x40, s23, s24, $0xb8;
	[tilespmem:$0x1EC40] =	vst v63  }
0x11d: {  	s23 =	simm.s32 @p1 $0x3  }
0x11e: {  	_ =	swait.ge @p1 [sflag:s23], $0x1F40  }
0x11f: {  	[sflag:s23] =	ssyncset.done @p1 $0x0  }
0x120: {  	[sflag:s23] =	ssyncadd.s32 @p1 $0xFFFFE0C0;
	s23 =	simm.s32 @p1 $0x7  }
0x121: {  	_ =	swait.ge @p1 [sflag:s23], $0x1F40  }
0x122: {  	[sflag:s23] =	ssyncset.done @p1 $0x0  }
0x123: {  	[sflag:s23] =	ssyncadd.s32 @p1 $0xFFFFE0C0;
	s23 =	sshra.s32 @!p1 s21, $0x2  }
0x124: {  	s26 =	simm.s32 @!p1 $0xA000;
	s25 =	simm.s32 @!p1 $0x7D;
	s24 =	sadd.s32 @!p1 $0x500, s23  }
0x125: {  	[tilespmem:s26], [sflag:$0x1] =	stream.indirect.gather @!p1 [hbm4b:s1+s25], $0x40, s24, s25, $0xb8;
	[tilespmem:$0x1EC40] =	vst v63  }
0x126: {  	s24 =	sadd.s32 @!p1 $0x5300, s23;
	s26 =	simm.s32 @!p1 $0xBF40  }
0x127: {  	[spmem:s3] =	stream.indirect.scatter.add.f32 @!p1 [tilespmem:s26], [sflag:$0x7], $0x40, s24, s25, $0xb8;
	[tilespmem:$0x1EC40] =	vst v63  }
0x128: {  	s24 =	simm.s32 @!p1 $0x3  }
0x129: {  	_ =	swait.ge @!p1 [sflag:s24], $0x1F40  }
0x12a: {  	[sflag:s24] =	ssyncset.done @!p1 $0x0  }
0x12b: {  	[sflag:s24] =	ssyncadd.s32 @!p1 $0xFFFFE0C0;
	s24 =	simm.s32 @!p1 $0x7  }
0x12c: {  	_ =	swait.ge @!p1 [sflag:s24], $0x1F40  }
0x12d: {  	[sflag:s24] =	ssyncset.done @!p1 $0x0  }
0x12e: {  	s23 =	sadd.s32 @!p1 $0x580, s23;
	[sflag:s24] =	ssyncadd.s32 @!p1 $0xFFFFE0C0  }
0x12f: {  	[tilespmem:s26], [sflag:$0x2] =	stream.indirect.gather @!p1 [hbm4b:s1+s25], $0x40, s23, s25, $0xb8;
	[tilespmem:$0x1EC40] =	vst v63  }
0x130: {  	s26 =	sadd.s32 $0x5380, s22  }
0x131: {  	[spmem:s3] =	stream.indirect.scatter.add.f32 [tilespmem:s16], [sflag:$0x8], $0x40, s26, s31, $0xb8;
	[tilespmem:$0x1EC40] =	vst v63  }
0x132: {  	_ =	swait.ge [sflag:s9], $0x1F40  }
.Ltmp6:
0x133: {  	[sflag:s9] =	ssyncset.done $0x0;
	(pc) =	sbr.rel @p1 .LBB2_7-.Ltmp6, $4  }
0x134: {  	[sflag:s9] =	ssyncadd.s32 $0xFFFFE0C0  }
0x135: {  	_ =	swait.ge [sflag:s30], $0x1F40  }
0x136: {  	[sflag:s30] =	ssyncset.done $0x0  }
0x137: {  	s23 =	sadd.s32 $0x5400, s22;
	[sflag:s30] =	ssyncadd.s32 $0xFFFFE0C0  }
0x138: {  	s24 =	sadd.s32 $0x600, s22  }
0x139: {  	[tilespmem:s16], [sflag:$0x3] =	stream.indirect.gather [hbm4b:s1+s31], $0x40, s24, s31, $0xb8;
	[tilespmem:$0x1EC40] =	vst v63  }
0x13a: {  	_ = 	snop  }
0x13b: {  	[spmem:s3] =	stream.indirect.scatter.add.f32 [tilespmem:s4], [sflag:$0x9], $0x40, s23, s31, $0xb8;
	[tilespmem:$0x1EC40] =	vst v63  }
0x13c: {  	_ =	swait.ge [sflag:s15], $0x1F40  }
0x13d: {  	[sflag:s15] =	ssyncset.done $0x0  }
0x13e: {  	[sflag:s15] =	ssyncadd.s32 $0xFFFFE0C0  }
0x13f: {  	_ =	swait.ge [sflag:s18], $0x1F40  }
.Ltmp7:
0x140: {  	[sflag:s18] =	ssyncset.done $0x0;
	(pc) =	sbr.rel .LBB2_5-.Ltmp7, $4  }
0x141: {  	s25 =	sadd.s32 $0x680, s22;
	[sflag:s18] =	ssyncadd.s32 $0xFFFFE0C0  }
0x142: {  	[tilespmem:s4], [sflag:$0x4] =	stream.indirect.gather [hbm4b:s1+s31], $0x40, s25, s31, $0xb8;
	[tilespmem:$0x1EC40] =	vst v63  }
0x143: {  	s26 =	sadd.s32 $0x5480, s22;
	s21 =	sadd.s32 $0xA00, s21  }
0x144: {  	[spmem:s3] =	stream.indirect.scatter.add.f32 [tilespmem:s17], [sflag:$0xA], $0x40, s26, s31, $0xb8;
	[tilespmem:$0x1EC40] =	vst v63  }
.LBB2_13:
0x145: {  	[spmem:s3] =	stream.indirect.scatter.add.f32 [tilespmem:s4], [sflag:$0x9], $0x40, s23, s31, $0xb8;
	[tilespmem:$0x1EC40] =	vst v63  }
0x146: {  	_ =	swait.ge [sflag:s15], $0x1F40  }
0x147: {  	[sflag:s15] =	ssyncset.done $0x0  }
0x148: {  	[sflag:s15] =	ssyncadd.s32 $0xFFFFE0C0  }
0x149: {  	_ =	swait.ge [sflag:s18], $0x1F40  }
0x14a: {  	[sflag:s18] =	ssyncset.done $0x0  }
0x14b: {  	s11 =	sadd.s32 $0x5480, s22;
	[sflag:s18] =	ssyncadd.s32 $0xFFFFE0C0  }
0x14c: {  	[spmem:s3] =	stream.indirect.scatter.add.f32 [tilespmem:s17], [sflag:$0xA], $0x40, s11, s31, $0xb8;
	[tilespmem:$0x1EC40] =	vst v63  }
0x14d: {  	_ =	swait.ge [sflag:s19], $0x1F40  }
0x14e: {  	[sflag:s19] =	ssyncset.done $0x0  }
0x14f: {  	[sflag:s19] =	ssyncadd.s32 $0xFFFFE0C0  }
0x150: {  	s23 =	stileid.u32;
	[bflag:$0x0] =	sbarrier.arrive $0xFFFF  }
0x151: {  	s11 =	sshll.u32 s23, $0x6;
	s24 =	rddreg [dreg:$0xb]  }
0x152: {  	s21 =	sor.u32 $0x1C0B, s11;
	s25 =	rddreg [dreg:$0xc];
	s11 =	sshrl.u32 s24, $0x3  }
0x153: {  	[hbm:s25], [sflag:s21] =	dma.local [spmem:s11], $0x1400  }
0x154: {  	_ =	swait.ge [sflag:s29], $0x1400  }
0x155: {  	[sflag:s29] =	ssyncset.done $0x0  }
0x156: {  	s23 =	rddreg [dreg:$0x7];
	[sflag:s29] =	ssyncadd.s32 $0xFFFFEC00  }
0x157: {  	[spmem:s23] =	stream.linear.scatter [tilespmem:s28], [sflag:$0xB], $0x1000, $0x38;
	[tilespmem:$0x1EC40] =	vst v63  }
0x158: {  	_ =	swait.ge [sflag:s29], $0x1000  }
0x159: {  	[sflag:s29] =	ssyncset.done $0x0  }
0x15a: {  	s24 =	rddreg [dreg:$0xe];
	[sflag:s29] =	ssyncadd.s32 $0xFFFFF000  }
0x15b: {  	[spmem:s24] =	stream.linear.scatter [tilespmem:s28], [sflag:$0xB], $0x1000, $0x38;
	[tilespmem:$0x1EC40] =	vst v63  }
0x15c: {  	_ =	swait.ge [sflag:s29], $0x1000  }
0x15d: {  	[sflag:s29] =	ssyncset.done $0x0  }
0x15e: {  	s25 =	rddreg [dreg:$0xf];
	[sflag:s29] =	ssyncadd.s32 $0xFFFFF000  }
0x15f: {  	[spmem:s25] =	stream.linear.scatter [tilespmem:s28], [sflag:$0xB], $0x1000, $0x38;
	[tilespmem:$0x1EC40] =	vst v63  }
0x160: {  	_ =	swait.ge [sflag:s29], $0x1000  }
0x161: {  	[sflag:s29] =	ssyncset.done $0x0  }
0x162: {  	s22 =	rddreg [dreg:$0x10];
	[sflag:s29] =	ssyncadd.s32 $0xFFFFF000  }
0x163: {  	[spmem:s22] =	stream.linear.scatter [tilespmem:s28], [sflag:$0xB], $0x1000, $0x38;
	[tilespmem:$0x1EC40] =	vst v63  }
0x164: {  	_ =	swait.ge [sflag:s29], $0x1000  }
0x165: {  	[sflag:s29] =	ssyncset.done $0x0  }
0x166: {  	s23 =	rddreg [dreg:$0x11];
	[sflag:s29] =	ssyncadd.s32 $0xFFFFF000  }
0x167: {  	[spmem:s23] =	stream.linear.scatter [tilespmem:s28], [sflag:$0xB], $0x1000, $0x38;
	[tilespmem:$0x1EC40] =	vst v63  }
0x168: {  	_ =	swait.ge [sflag:s29], $0x1000  }
0x169: {  	[sflag:s29] =	ssyncset.done $0x0  }
0x16a: {  	s24 =	rddreg [dreg:$0x12];
	[sflag:s29] =	ssyncadd.s32 $0xFFFFF000  }
0x16b: {  	[spmem:s24] =	stream.linear.scatter [tilespmem:s28], [sflag:$0xB], $0x1000, $0x38;
	[tilespmem:$0x1EC40] =	vst v63  }
0x16c: {  	_ =	swait.ge [sflag:s29], $0x1000  }
0x16d: {  	[sflag:s29] =	ssyncset.done $0x0  }
0x16e: {  	s25 =	rddreg [dreg:$0x13];
	[sflag:s29] =	ssyncadd.s32 $0xFFFFF000  }
0x16f: {  	[spmem:s25] =	stream.linear.scatter [tilespmem:s28], [sflag:$0xB], $0x1000, $0x38;
	[tilespmem:$0x1EC40] =	vst v63  }
0x170: {  	_ =	swait.ge [sflag:s29], $0x1000  }
0x171: {  	[sflag:s29] =	ssyncset.done $0x0  }
0x172: {  	s22 =	rddreg [dreg:$0x14];
	[sflag:s29] =	ssyncadd.s32 $0xFFFFF000  }
0x173: {  	[spmem:s22] =	stream.linear.scatter [tilespmem:s28], [sflag:$0xB], $0x1000, $0x38;
	[tilespmem:$0x1EC40] =	vst v63  }
0x174: {  	_ =	swait.ge [sflag:s29], $0x1000  }
0x175: {  	[sflag:s29] =	ssyncset.done $0x0  }
0x176: {  	s23 =	rddreg [dreg:$0x15];
	[sflag:s29] =	ssyncadd.s32 $0xFFFFF000  }
0x177: {  	[spmem:s23] =	stream.linear.scatter [tilespmem:s28], [sflag:$0xB], $0x1000, $0x38;
	[tilespmem:$0x1EC40] =	vst v63  }
0x178: {  	_ =	swait.ge [sflag:s29], $0x1000  }
0x179: {  	[sflag:s29] =	ssyncset.done $0x0  }
0x17a: {  	s24 =	rddreg [dreg:$0x16];
	[sflag:s29] =	ssyncadd.s32 $0xFFFFF000  }
0x17b: {  	[spmem:s24] =	stream.linear.scatter [tilespmem:s28], [sflag:$0xB], $0x1000, $0x38;
	[tilespmem:$0x1EC40] =	vst v63  }
0x17c: {  	_ =	swait.ge [sflag:s29], $0x1000  }
0x17d: {  	[sflag:s29] =	ssyncset.done $0x0  }
0x17e: {  	[sflag:s29] =	ssyncadd.s32 $0xFFFFF000  }
0x17f: {  	s22 =	simm.s32 $0x0;
	[bflag:$0x0] =	sbarrier.arrive $0xFFFF  }
0x180: {  	[tilespmem:s0], [sflag:$0x1] =	stream.indirect.gather [hbm4b:s7+s31], $0x40, s22, s31, $0xb8;
	[tilespmem:$0x1EC40] =	vst v63  }
0x181: {  	s25 =	simm.s32 $0x80  }
0x182: {  	[tilespmem:s14], [sflag:$0x2] =	stream.indirect.gather [hbm4b:s7+s31], $0x40, s25, s31, $0xb8;
	[tilespmem:$0x1EC40] =	vst v63  }
0x183: {  	s23 =	simm.s32 $0x100  }
0x184: {  	[tilespmem:s16], [sflag:$0x3] =	stream.indirect.gather [hbm4b:s7+s31], $0x40, s23, s31, $0xb8;
	[tilespmem:$0x1EC40] =	vst v63  }
0x185: {  	s24 =	simm.s32 $0x180  }
0x186: {  	[tilespmem:s4], [sflag:$0x4] =	stream.indirect.gather [hbm4b:s7+s31], $0x40, s24, s31, $0xb8;
	[tilespmem:$0x1EC40] =	vst v63  }
0x187: {  	_ =	swait.ge [sflag:s12], $0x1F40  }
0x188: {  	[sflag:s12] =	ssyncset.done $0x0  }
0x189: {  	s25 =	simm.s32 $0x200;
	[sflag:s12] =	ssyncadd.s32 $0xFFFFE0C0  }
0x18a: {  	[tilespmem:s17], [sflag:$0x5] =	stream.indirect.gather [hbm4b:s7+s31], $0x40, s25, s31, $0xb8;
	[tilespmem:$0x1EC40] =	vst v63  }
0x18b: {  	_ = 	snop  }
0x18c: {  	[spmem:s3] =	stream.indirect.scatter.add.f32 [tilespmem:s0], [sflag:$0x6], $0x40, s26, s31, $0xb8;
	[tilespmem:$0x1EC40] =	vst v63  }
0x18d: {  	_ =	swait.ge [sflag:s8], $0x1F40  }
0x18e: {  	[sflag:s8] =	ssyncset.done $0x0  }
0x18f: {  	[sflag:s8] =	ssyncadd.s32 $0xFFFFE0C0  }
0x190: {  	_ =	swait.ge [sflag:s10], $0x1F40  }
0x191: {  	[sflag:s10] =	ssyncset.done $0x0  }
0x192: {  	s23 =	simm.s32 $0x280;
	[sflag:s10] =	ssyncadd.s32 $0xFFFFE0C0  }
0x193: {  	[tilespmem:s0], [sflag:$0x1] =	stream.indirect.gather [hbm4b:s7+s31], $0x40, s23, s31, $0xb8;
	[tilespmem:$0x1EC40] =	vst v63  }
0x194: {  	s24 =	simm.s32 $0x5080  }
0x195: {  	[spmem:s3] =	stream.indirect.scatter.add.f32 [tilespmem:s14], [sflag:$0x7], $0x40, s24, s31, $0xb8;
	[tilespmem:$0x1EC40] =	vst v63  }
0x196: {  	_ =	swait.ge [sflag:s13], $0x1F40  }
0x197: {  	[sflag:s13] =	ssyncset.done $0x0  }
0x198: {  	[sflag:s13] =	ssyncadd.s32 $0xFFFFE0C0  }
0x199: {  	_ =	swait.ge [sflag:s2], $0x1F40  }
0x19a: {  	[sflag:s2] =	ssyncset.done $0x0  }
0x19b: {  	s25 =	simm.s32 $0x300;
	[sflag:s2] =	ssyncadd.s32 $0xFFFFE0C0  }
0x19c: {  	[tilespmem:s14], [sflag:$0x2] =	stream.indirect.gather [hbm4b:s7+s31], $0x40, s25, s31, $0xb8;
	[tilespmem:$0x1EC40] =	vst v63  }
0x19d: {  	s26 =	simm.s32 $0x5100  }
0x19e: {  	[spmem:s3] =	stream.indirect.scatter.add.f32 [tilespmem:s16], [sflag:$0x8], $0x40, s26, s31, $0xb8;
	[tilespmem:$0x1EC40] =	vst v63  }
0x19f: {  	_ =	swait.ge [sflag:s9], $0x1F40  }
0x1a0: {  	[sflag:s9] =	ssyncset.done $0x0  }
0x1a1: {  	[sflag:s9] =	ssyncadd.s32 $0xFFFFE0C0  }
0x1a2: {  	_ =	swait.ge [sflag:s30], $0x1F40  }
0x1a3: {  	[sflag:s30] =	ssyncset.done $0x0  }
0x1a4: {  	s23 =	simm.s32 $0x380;
	[sflag:s30] =	ssyncadd.s32 $0xFFFFE0C0  }
0x1a5: {  	[tilespmem:s16], [sflag:$0x3] =	stream.indirect.gather [hbm4b:s7+s31], $0x40, s23, s31, $0xb8;
	[tilespmem:$0x1EC40] =	vst v63  }
0x1a6: {  	s24 =	simm.s32 $0x5180  }
0x1a7: {  	[spmem:s3] =	stream.indirect.scatter.add.f32 [tilespmem:s4], [sflag:$0x9], $0x40, s24, s31, $0xb8;
	[tilespmem:$0x1EC40] =	vst v63  }
0x1a8: {  	_ =	swait.ge [sflag:s15], $0x1F40  }
0x1a9: {  	[sflag:s15] =	ssyncset.done $0x0  }
0x1aa: {  	[sflag:s15] =	ssyncadd.s32 $0xFFFFE0C0  }
0x1ab: {  	_ =	swait.ge [sflag:s18], $0x1F40  }
0x1ac: {  	[sflag:s18] =	ssyncset.done $0x0  }
0x1ad: {  	s25 =	simm.s32 $0x400;
	[sflag:s18] =	ssyncadd.s32 $0xFFFFE0C0  }
0x1ae: {  	[tilespmem:s4], [sflag:$0x4] =	stream.indirect.gather [hbm4b:s7+s31], $0x40, s25, s31, $0xb8;
	[tilespmem:$0x1EC40] =	vst v63  }
0x1af: {  	s26 =	simm.s32 $0x5200  }
0x1b0: {  	[spmem:s3] =	stream.indirect.scatter.add.f32 [tilespmem:s17], [sflag:$0xA], $0x40, s26, s31, $0xb8;
	[tilespmem:$0x1EC40] =	vst v63  }
.LBB2_14:
0x1b1: {  	_ =	swait.ge [sflag:s12], $0x1F40  }
0x1b2: {  	[sflag:s12] =	ssyncset.done $0x0  }
0x1b3: {  	[sflag:s12] =	ssyncadd.s32 $0xFFFFE0C0  }
0x1b4: {  	_ =	swait.ge [sflag:s19], $0x1F40  }
0x1b5: {  	s23 =	sshra.s32 s22, $0x2;
	[sflag:s19] =	ssyncset.done $0x0  }
0x1b6: {  	s11 =	sadd.s32 $0x480, s23;
	[sflag:s19] =	ssyncadd.s32 $0xFFFFE0C0  }
0x1b7: {  	[tilespmem:s17], [sflag:$0x5] =	stream.indirect.gather [hbm4b:s7+s31], $0x40, s11, s31, $0xb8;
	[tilespmem:$0x1EC40] =	vst v63  }
0x1b8: {  	s25 =	sadd.s32 $0x5280, s23  }
0x1b9: {  	[spmem:s3] =	stream.indirect.scatter.add.f32 [tilespmem:s0], [sflag:$0x6], $0x40, s25, s31, $0xb8;
	[tilespmem:$0x1EC40] =	vst v63  }
0x1ba: {  	_ =	swait.ge [sflag:s8], $0x1F40  }
0x1bb: {  	[sflag:s8] =	ssyncset.done $0x0  }
0x1bc: {  	[sflag:s8] =	ssyncadd.s32 $0xFFFFE0C0  }
0x1bd: {  	p1 =	seq.s32 s22, $0x12C00;
	_ =	swait.ge [sflag:s10], $0x1F40  }
0x1be: {  	s24 =	simm.s32 @p1 $0x7D;
	s11 =	sshra.s32 @p1 s22, $0x2;
	[sflag:s10] =	ssyncset.done $0x0  }
0x1bf: {  	s11 =	sadd.s32 @p1 $0x5300, s11;
	s25 =	simm.s32 @p1 $0xBF40;
	[sflag:s10] =	ssyncadd.s32 $0xFFFFE0C0  }
0x1c0: {  	[spmem:s3] =	stream.indirect.scatter.add.f32 @p1 [tilespmem:s25], [sflag:$0x7], $0x40, s11, s24, $0xb8;
	[tilespmem:$0x1EC40] =	vst v63  }
0x1c1: {  	s11 =	simm.s32 @p1 $0x3  }
0x1c2: {  	_ =	swait.ge @p1 [sflag:s11], $0x1F40  }
0x1c3: {  	[sflag:s11] =	ssyncset.done @p1 $0x0  }
0x1c4: {  	[sflag:s11] =	ssyncadd.s32 @p1 $0xFFFFE0C0;
	s11 =	simm.s32 @p1 $0x7  }
0x1c5: {  	_ =	swait.ge @p1 [sflag:s11], $0x1F40  }
0x1c6: {  	[sflag:s11] =	ssyncset.done @p1 $0x0  }
0x1c7: {  	[sflag:s11] =	ssyncadd.s32 @p1 $0xFFFFE0C0;
	s11 =	sshra.s32 @!p1 s22, $0x2  }
0x1c8: {  	s26 =	simm.s32 @!p1 $0xA000;
	s25 =	simm.s32 @!p1 $0x7D;
	s24 =	sadd.s32 @!p1 $0x500, s11  }
0x1c9: {  	[tilespmem:s26], [sflag:$0x1] =	stream.indirect.gather @!p1 [hbm4b:s7+s25], $0x40, s24, s25, $0xb8;
	[tilespmem:$0x1EC40] =	vst v63  }
0x1ca: {  	s24 =	sadd.s32 @!p1 $0x5300, s11;
	s26 =	simm.s32 @!p1 $0xBF40  }
0x1cb: {  	[spmem:s3] =	stream.indirect.scatter.add.f32 @!p1 [tilespmem:s26], [sflag:$0x7], $0x40, s24, s25, $0xb8;
	[tilespmem:$0x1EC40] =	vst v63  }
0x1cc: {  	s24 =	simm.s32 @!p1 $0x3  }
0x1cd: {  	_ =	swait.ge @!p1 [sflag:s24], $0x1F40  }
0x1ce: {  	[sflag:s24] =	ssyncset.done @!p1 $0x0  }
0x1cf: {  	[sflag:s24] =	ssyncadd.s32 @!p1 $0xFFFFE0C0;
	s24 =	simm.s32 @!p1 $0x7  }
0x1d0: {  	_ =	swait.ge @!p1 [sflag:s24], $0x1F40  }
0x1d1: {  	[sflag:s24] =	ssyncset.done @!p1 $0x0  }
0x1d2: {  	s11 =	sadd.s32 @!p1 $0x580, s11;
	[sflag:s24] =	ssyncadd.s32 @!p1 $0xFFFFE0C0  }
0x1d3: {  	[tilespmem:s26], [sflag:$0x2] =	stream.indirect.gather @!p1 [hbm4b:s7+s25], $0x40, s11, s25, $0xb8;
	[tilespmem:$0x1EC40] =	vst v63  }
0x1d4: {  	s26 =	sadd.s32 $0x5380, s23  }
0x1d5: {  	[spmem:s3] =	stream.indirect.scatter.add.f32 [tilespmem:s16], [sflag:$0x8], $0x40, s26, s31, $0xb8;
	[tilespmem:$0x1EC40] =	vst v63  }
0x1d6: {  	_ =	swait.ge [sflag:s9], $0x1F40  }
.Ltmp8:
0x1d7: {  	[sflag:s9] =	ssyncset.done $0x0;
	(pc) =	sbr.rel @p1 .LBB2_16-.Ltmp8, $4  }
0x1d8: {  	[sflag:s9] =	ssyncadd.s32 $0xFFFFE0C0  }
0x1d9: {  	_ =	swait.ge [sflag:s30], $0x1F40  }
0x1da: {  	[sflag:s30] =	ssyncset.done $0x0  }
0x1db: {  	s24 =	sadd.s32 $0xA00, s22;
	[sflag:s30] =	ssyncadd.s32 $0xFFFFE0C0  }
0x1dc: {  	s11 =	sadd.s32 $0x600, s23  }
0x1dd: {  	[tilespmem:s16], [sflag:$0x3] =	stream.indirect.gather [hbm4b:s7+s31], $0x40, s11, s31, $0xb8;
	[tilespmem:$0x1EC40] =	vst v63  }
0x1de: {  	s22 =	sadd.s32 $0x5400, s23  }
0x1df: {  	[spmem:s3] =	stream.indirect.scatter.add.f32 [tilespmem:s4], [sflag:$0x9], $0x40, s22, s31, $0xb8;
	[tilespmem:$0x1EC40] =	vst v63  }
0x1e0: {  	_ =	swait.ge [sflag:s15], $0x1F40  }
0x1e1: {  	[sflag:s15] =	ssyncset.done $0x0  }
0x1e2: {  	[sflag:s15] =	ssyncadd.s32 $0xFFFFE0C0  }
0x1e3: {  	_ =	swait.ge [sflag:s18], $0x1F40  }
.Ltmp9:
0x1e4: {  	[sflag:s18] =	ssyncset.done $0x0;
	(pc) =	sbr.rel .LBB2_14-.Ltmp9, $4  }
0x1e5: {  	s25 =	sadd.s32 $0x680, s23;
	[sflag:s18] =	ssyncadd.s32 $0xFFFFE0C0  }
0x1e6: {  	[tilespmem:s4], [sflag:$0x4] =	stream.indirect.gather [hbm4b:s7+s31], $0x40, s25, s31, $0xb8;
	[tilespmem:$0x1EC40] =	vst v63  }
0x1e7: {  	s26 =	sadd.s32 $0x5480, s23;
	s22 =	smov.u32 s24  }
0x1e8: {  	[spmem:s3] =	stream.indirect.scatter.add.f32 [tilespmem:s17], [sflag:$0xA], $0x40, s26, s31, $0xb8;
	[tilespmem:$0x1EC40] =	vst v63  }
.LBB2_7:
0x1e9: {  	[spmem:s3] =	stream.indirect.scatter.add.f32 [tilespmem:s4], [sflag:$0x9], $0x40, s23, s31, $0xb8;
	[tilespmem:$0x1EC40] =	vst v63  }
0x1ea: {  	_ =	swait.ge [sflag:s15], $0x1F40  }
0x1eb: {  	[sflag:s15] =	ssyncset.done $0x0  }
0x1ec: {  	[sflag:s15] =	ssyncadd.s32 $0xFFFFE0C0  }
0x1ed: {  	_ =	swait.ge [sflag:s18], $0x1F40  }
0x1ee: {  	[sflag:s18] =	ssyncset.done $0x0  }
0x1ef: {  	s21 =	sadd.s32 $0x5480, s22;
	[sflag:s18] =	ssyncadd.s32 $0xFFFFE0C0  }
0x1f0: {  	[spmem:s3] =	stream.indirect.scatter.add.f32 [tilespmem:s17], [sflag:$0xA], $0x40, s21, s31, $0xb8;
	[tilespmem:$0x1EC40] =	vst v63  }
0x1f1: {  	_ =	swait.ge [sflag:s19], $0x1F40  }
0x1f2: {  	[sflag:s19] =	ssyncset.done $0x0  }
0x1f3: {  	[sflag:s19] =	ssyncadd.s32 $0xFFFFE0C0  }
0x1f4: {  	s11 =	stileid.u32;
	[bflag:$0x0] =	sbarrier.arrive $0xFFFF  }
0x1f5: {  	s22 =	sshll.u32 s11, $0x6;
	s23 =	rddreg [dreg:$0xb]  }
0x1f6: {  	s21 =	sor.u32 $0x1C0B, s22;
	s25 =	rddreg [dreg:$0xa];
	s24 =	sshrl.u32 s23, $0x3  }
0x1f7: {  	[hbm:s25], [sflag:s21] =	dma.local [spmem:s24], $0x1400  }
0x1f8: {  	_ =	swait.ge [sflag:s29], $0x1400  }
0x1f9: {  	[sflag:s29] =	ssyncset.done $0x0  }
0x1fa: {  	s26 =	rddreg [dreg:$0x7];
	[sflag:s29] =	ssyncadd.s32 $0xFFFFEC00  }
0x1fb: {  	[spmem:s26] =	stream.linear.scatter [tilespmem:s28], [sflag:$0xB], $0x1000, $0x38;
	[tilespmem:$0x1EC40] =	vst v63  }
0x1fc: {  	_ =	swait.ge [sflag:s29], $0x1000  }
0x1fd: {  	[sflag:s29] =	ssyncset.done $0x0  }
0x1fe: {  	s22 =	rddreg [dreg:$0xe];
	[sflag:s29] =	ssyncadd.s32 $0xFFFFF000  }
0x1ff: {  	[spmem:s22] =	stream.linear.scatter [tilespmem:s28], [sflag:$0xB], $0x1000, $0x38;
	[tilespmem:$0x1EC40] =	vst v63  }
0x200: {  	_ =	swait.ge [sflag:s29], $0x1000  }
0x201: {  	[sflag:s29] =	ssyncset.done $0x0  }
0x202: {  	s23 =	rddreg [dreg:$0xf];
	[sflag:s29] =	ssyncadd.s32 $0xFFFFF000  }
0x203: {  	[spmem:s23] =	stream.linear.scatter [tilespmem:s28], [sflag:$0xB], $0x1000, $0x38;
	[tilespmem:$0x1EC40] =	vst v63  }
0x204: {  	_ =	swait.ge [sflag:s29], $0x1000  }
0x205: {  	[sflag:s29] =	ssyncset.done $0x0  }
0x206: {  	s24 =	rddreg [dreg:$0x10];
	[sflag:s29] =	ssyncadd.s32 $0xFFFFF000  }
0x207: {  	[spmem:s24] =	stream.linear.scatter [tilespmem:s28], [sflag:$0xB], $0x1000, $0x38;
	[tilespmem:$0x1EC40] =	vst v63  }
0x208: {  	_ =	swait.ge [sflag:s29], $0x1000  }
0x209: {  	[sflag:s29] =	ssyncset.done $0x0  }
0x20a: {  	s25 =	rddreg [dreg:$0x11];
	[sflag:s29] =	ssyncadd.s32 $0xFFFFF000  }
0x20b: {  	[spmem:s25] =	stream.linear.scatter [tilespmem:s28], [sflag:$0xB], $0x1000, $0x38;
	[tilespmem:$0x1EC40] =	vst v63  }
0x20c: {  	_ =	swait.ge [sflag:s29], $0x1000  }
0x20d: {  	[sflag:s29] =	ssyncset.done $0x0  }
0x20e: {  	s26 =	rddreg [dreg:$0x12];
	[sflag:s29] =	ssyncadd.s32 $0xFFFFF000  }
0x20f: {  	[spmem:s26] =	stream.linear.scatter [tilespmem:s28], [sflag:$0xB], $0x1000, $0x38;
	[tilespmem:$0x1EC40] =	vst v63  }
0x210: {  	_ =	swait.ge [sflag:s29], $0x1000  }
0x211: {  	[sflag:s29] =	ssyncset.done $0x0  }
0x212: {  	s22 =	rddreg [dreg:$0x13];
	[sflag:s29] =	ssyncadd.s32 $0xFFFFF000  }
0x213: {  	[spmem:s22] =	stream.linear.scatter [tilespmem:s28], [sflag:$0xB], $0x1000, $0x38;
	[tilespmem:$0x1EC40] =	vst v63  }
0x214: {  	_ =	swait.ge [sflag:s29], $0x1000  }
0x215: {  	[sflag:s29] =	ssyncset.done $0x0  }
0x216: {  	s23 =	rddreg [dreg:$0x14];
	[sflag:s29] =	ssyncadd.s32 $0xFFFFF000  }
0x217: {  	[spmem:s23] =	stream.linear.scatter [tilespmem:s28], [sflag:$0xB], $0x1000, $0x38;
	[tilespmem:$0x1EC40] =	vst v63  }
0x218: {  	_ =	swait.ge [sflag:s29], $0x1000  }
0x219: {  	[sflag:s29] =	ssyncset.done $0x0  }
0x21a: {  	s24 =	rddreg [dreg:$0x15];
	[sflag:s29] =	ssyncadd.s32 $0xFFFFF000  }
0x21b: {  	[spmem:s24] =	stream.linear.scatter [tilespmem:s28], [sflag:$0xB], $0x1000, $0x38;
	[tilespmem:$0x1EC40] =	vst v63  }
0x21c: {  	_ =	swait.ge [sflag:s29], $0x1000  }
0x21d: {  	[sflag:s29] =	ssyncset.done $0x0  }
0x21e: {  	s25 =	rddreg [dreg:$0x16];
	[sflag:s29] =	ssyncadd.s32 $0xFFFFF000  }
0x21f: {  	[spmem:s25] =	stream.linear.scatter [tilespmem:s28], [sflag:$0xB], $0x1000, $0x38;
	[tilespmem:$0x1EC40] =	vst v63  }
0x220: {  	_ =	swait.ge [sflag:s29], $0x1000  }
0x221: {  	[sflag:s29] =	ssyncset.done $0x0  }
0x222: {  	[sflag:s29] =	ssyncadd.s32 $0xFFFFF000  }
0x223: {  	s24 =	simm.s32 $0x0;
	[bflag:$0x0] =	sbarrier.arrive $0xFFFF  }
0x224: {  	[tilespmem:s0], [sflag:$0x1] =	stream.indirect.gather [hbm4b:s5+s31], $0x40, s24, s31, $0xb8;
	[tilespmem:$0x1EC40] =	vst v63  }
0x225: {  	s26 =	simm.s32 $0x80  }
0x226: {  	[tilespmem:s14], [sflag:$0x2] =	stream.indirect.gather [hbm4b:s5+s31], $0x40, s26, s31, $0xb8;
	[tilespmem:$0x1EC40] =	vst v63  }
0x227: {  	s22 =	simm.s32 $0x100  }
0x228: {  	[tilespmem:s16], [sflag:$0x3] =	stream.indirect.gather [hbm4b:s5+s31], $0x40, s22, s31, $0xb8;
	[tilespmem:$0x1EC40] =	vst v63  }
0x229: {  	s23 =	simm.s32 $0x180  }
0x22a: {  	[tilespmem:s4], [sflag:$0x4] =	stream.indirect.gather [hbm4b:s5+s31], $0x40, s23, s31, $0xb8;
	[tilespmem:$0x1EC40] =	vst v63  }
0x22b: {  	_ =	swait.ge [sflag:s12], $0x1F40  }
0x22c: {  	[sflag:s12] =	ssyncset.done $0x0  }
0x22d: {  	s25 =	simm.s32 $0x200;
	[sflag:s12] =	ssyncadd.s32 $0xFFFFE0C0  }
0x22e: {  	[tilespmem:s17], [sflag:$0x5] =	stream.indirect.gather [hbm4b:s5+s31], $0x40, s25, s31, $0xb8;
	[tilespmem:$0x1EC40] =	vst v63  }
0x22f: {  	s26 =	simm.s32 $0x5000  }
0x230: {  	[spmem:s3] =	stream.indirect.scatter.add.f32 [tilespmem:s0], [sflag:$0x6], $0x40, s26, s31, $0xb8;
	[tilespmem:$0x1EC40] =	vst v63  }
0x231: {  	_ =	swait.ge [sflag:s8], $0x1F40  }
0x232: {  	[sflag:s8] =	ssyncset.done $0x0  }
0x233: {  	[sflag:s8] =	ssyncadd.s32 $0xFFFFE0C0  }
0x234: {  	_ =	swait.ge [sflag:s10], $0x1F40  }
0x235: {  	[sflag:s10] =	ssyncset.done $0x0  }
0x236: {  	s22 =	simm.s32 $0x280;
	[sflag:s10] =	ssyncadd.s32 $0xFFFFE0C0  }
0x237: {  	[tilespmem:s0], [sflag:$0x1] =	stream.indirect.gather [hbm4b:s5+s31], $0x40, s22, s31, $0xb8;
	[tilespmem:$0x1EC40] =	vst v63  }
0x238: {  	s23 =	simm.s32 $0x5080  }
0x239: {  	[spmem:s3] =	stream.indirect.scatter.add.f32 [tilespmem:s14], [sflag:$0x7], $0x40, s23, s31, $0xb8;
	[tilespmem:$0x1EC40] =	vst v63  }
0x23a: {  	_ =	swait.ge [sflag:s13], $0x1F40  }
0x23b: {  	[sflag:s13] =	ssyncset.done $0x0  }
0x23c: {  	[sflag:s13] =	ssyncadd.s32 $0xFFFFE0C0  }
0x23d: {  	_ =	swait.ge [sflag:s2], $0x1F40  }
0x23e: {  	[sflag:s2] =	ssyncset.done $0x0  }
0x23f: {  	s25 =	simm.s32 $0x300;
	[sflag:s2] =	ssyncadd.s32 $0xFFFFE0C0  }
0x240: {  	[tilespmem:s14], [sflag:$0x2] =	stream.indirect.gather [hbm4b:s5+s31], $0x40, s25, s31, $0xb8;
	[tilespmem:$0x1EC40] =	vst v63  }
0x241: {  	s26 =	simm.s32 $0x5100  }
0x242: {  	[spmem:s3] =	stream.indirect.scatter.add.f32 [tilespmem:s16], [sflag:$0x8], $0x40, s26, s31, $0xb8;
	[tilespmem:$0x1EC40] =	vst v63  }
0x243: {  	_ =	swait.ge [sflag:s9], $0x1F40  }
0x244: {  	[sflag:s9] =	ssyncset.done $0x0  }
0x245: {  	[sflag:s9] =	ssyncadd.s32 $0xFFFFE0C0  }
0x246: {  	_ =	swait.ge [sflag:s30], $0x1F40  }
0x247: {  	[sflag:s30] =	ssyncset.done $0x0  }
0x248: {  	s22 =	simm.s32 $0x380;
	[sflag:s30] =	ssyncadd.s32 $0xFFFFE0C0  }
0x249: {  	[tilespmem:s16], [sflag:$0x3] =	stream.indirect.gather [hbm4b:s5+s31], $0x40, s22, s31, $0xb8;
	[tilespmem:$0x1EC40] =	vst v63  }
0x24a: {  	s23 =	simm.s32 $0x5180  }
0x24b: {  	[spmem:s3] =	stream.indirect.scatter.add.f32 [tilespmem:s4], [sflag:$0x9], $0x40, s23, s31, $0xb8;
	[tilespmem:$0x1EC40] =	vst v63  }
0x24c: {  	_ =	swait.ge [sflag:s15], $0x1F40  }
0x24d: {  	[sflag:s15] =	ssyncset.done $0x0  }
0x24e: {  	[sflag:s15] =	ssyncadd.s32 $0xFFFFE0C0  }
0x24f: {  	_ =	swait.ge [sflag:s18], $0x1F40  }
0x250: {  	[sflag:s18] =	ssyncset.done $0x0  }
0x251: {  	s25 =	simm.s32 $0x400;
	[sflag:s18] =	ssyncadd.s32 $0xFFFFE0C0  }
0x252: {  	[tilespmem:s4], [sflag:$0x4] =	stream.indirect.gather [hbm4b:s5+s31], $0x40, s25, s31, $0xb8;
	[tilespmem:$0x1EC40] =	vst v63  }
0x253: {  	s26 =	simm.s32 $0x5200  }
0x254: {  	[spmem:s3] =	stream.indirect.scatter.add.f32 [tilespmem:s17], [sflag:$0xA], $0x40, s26, s31, $0xb8;
	[tilespmem:$0x1EC40] =	vst v63  }
.LBB2_8:
0x255: {  	_ =	swait.ge [sflag:s12], $0x1F40  }
0x256: {  	[sflag:s12] =	ssyncset.done $0x0  }
0x257: {  	[sflag:s12] =	ssyncadd.s32 $0xFFFFE0C0  }
0x258: {  	_ =	swait.ge [sflag:s19], $0x1F40  }
0x259: {  	s23 =	sshra.s32 s24, $0x2;
	[sflag:s19] =	ssyncset.done $0x0  }
0x25a: {  	s22 =	sadd.s32 $0x480, s23;
	[sflag:s19] =	ssyncadd.s32 $0xFFFFE0C0  }
0x25b: {  	[tilespmem:s17], [sflag:$0x5] =	stream.indirect.gather [hbm4b:s5+s31], $0x40, s22, s31, $0xb8;
	[tilespmem:$0x1EC40] =	vst v63  }
0x25c: {  	s25 =	sadd.s32 $0x5280, s23  }
0x25d: {  	[spmem:s3] =	stream.indirect.scatter.add.f32 [tilespmem:s0], [sflag:$0x6], $0x40, s25, s31, $0xb8;
	[tilespmem:$0x1EC40] =	vst v63  }
0x25e: {  	_ =	swait.ge [sflag:s8], $0x1F40  }
0x25f: {  	[sflag:s8] =	ssyncset.done $0x0  }
0x260: {  	[sflag:s8] =	ssyncadd.s32 $0xFFFFE0C0  }
0x261: {  	p1 =	seq.s32 s24, $0x12C00;
	_ =	swait.ge [sflag:s10], $0x1F40  }
0x262: {  	s26 =	simm.s32 @p1 $0xBF40;
	s22 =	sshra.s32 @p1 s24, $0x2;
	[sflag:s10] =	ssyncset.done $0x0  }
0x263: {  	s22 =	sadd.s32 @p1 $0x5300, s22;
	s25 =	simm.s32 @p1 $0x7D;
	[sflag:s10] =	ssyncadd.s32 $0xFFFFE0C0  }
0x264: {  	[spmem:s3] =	stream.indirect.scatter.add.f32 @p1 [tilespmem:s26], [sflag:$0x7], $0x40, s22, s25, $0xb8;
	[tilespmem:$0x1EC40] =	vst v63  }
0x265: {  	s22 =	simm.s32 @p1 $0x3  }
0x266: {  	_ =	swait.ge @p1 [sflag:s22], $0x1F40  }
0x267: {  	[sflag:s22] =	ssyncset.done @p1 $0x0  }
0x268: {  	[sflag:s22] =	ssyncadd.s32 @p1 $0xFFFFE0C0;
	s22 =	simm.s32 @p1 $0x7  }
0x269: {  	_ =	swait.ge @p1 [sflag:s22], $0x1F40  }
0x26a: {  	[sflag:s22] =	ssyncset.done @p1 $0x0  }
0x26b: {  	[sflag:s22] =	ssyncadd.s32 @p1 $0xFFFFE0C0;
	s22 =	sshra.s32 @!p1 s24, $0x2  }
0x26c: {  	s11 =	simm.s32 @!p1 $0xA000;
	s26 =	simm.s32 @!p1 $0x7D;
	s25 =	sadd.s32 @!p1 $0x500, s22  }
0x26d: {  	[tilespmem:s11], [sflag:$0x1] =	stream.indirect.gather @!p1 [hbm4b:s5+s26], $0x40, s25, s26, $0xb8;
	[tilespmem:$0x1EC40] =	vst v63  }
0x26e: {  	s11 =	sadd.s32 @!p1 $0x5300, s22;
	s25 =	simm.s32 @!p1 $0xBF40  }
0x26f: {  	[spmem:s3] =	stream.indirect.scatter.add.f32 @!p1 [tilespmem:s25], [sflag:$0x7], $0x40, s11, s26, $0xb8;
	[tilespmem:$0x1EC40] =	vst v63  }
0x270: {  	s11 =	simm.s32 @!p1 $0x3  }
0x271: {  	_ =	swait.ge @!p1 [sflag:s11], $0x1F40  }
0x272: {  	[sflag:s11] =	ssyncset.done @!p1 $0x0  }
0x273: {  	[sflag:s11] =	ssyncadd.s32 @!p1 $0xFFFFE0C0;
	s11 =	simm.s32 @!p1 $0x7  }
0x274: {  	_ =	swait.ge @!p1 [sflag:s11], $0x1F40  }
0x275: {  	[sflag:s11] =	ssyncset.done @!p1 $0x0  }
0x276: {  	[sflag:s11] =	ssyncadd.s32 @!p1 $0xFFFFE0C0;
	s11 =	sadd.s32 @!p1 $0x580, s22  }
0x277: {  	[tilespmem:s25], [sflag:$0x2] =	stream.indirect.gather @!p1 [hbm4b:s5+s26], $0x40, s11, s26, $0xb8;
	[tilespmem:$0x1EC40] =	vst v63  }
0x278: {  	s26 =	sadd.s32 $0x5380, s23  }
0x279: {  	[spmem:s3] =	stream.indirect.scatter.add.f32 [tilespmem:s16], [sflag:$0x8], $0x40, s26, s31, $0xb8;
	[tilespmem:$0x1EC40] =	vst v63  }
0x27a: {  	_ =	swait.ge [sflag:s9], $0x1F40  }
.Ltmp10:
0x27b: {  	[sflag:s9] =	ssyncset.done $0x0;
	(pc) =	sbr.rel @p1 .LBB2_17-.Ltmp10, $4  }
0x27c: {  	[sflag:s9] =	ssyncadd.s32 $0xFFFFE0C0  }
0x27d: {  	_ =	swait.ge [sflag:s30], $0x1F40  }
0x27e: {  	[sflag:s30] =	ssyncset.done $0x0  }
0x27f: {  	s22 =	sadd.s32 $0xA00, s24;
	[sflag:s30] =	ssyncadd.s32 $0xFFFFE0C0  }
0x280: {  	s11 =	sadd.s32 $0x600, s23  }
0x281: {  	[tilespmem:s16], [sflag:$0x3] =	stream.indirect.gather [hbm4b:s5+s31], $0x40, s11, s31, $0xb8;
	[tilespmem:$0x1EC40] =	vst v63  }
0x282: {  	s24 =	sadd.s32 $0x5400, s23  }
0x283: {  	[spmem:s3] =	stream.indirect.scatter.add.f32 [tilespmem:s4], [sflag:$0x9], $0x40, s24, s31, $0xb8;
	[tilespmem:$0x1EC40] =	vst v63  }
0x284: {  	_ =	swait.ge [sflag:s15], $0x1F40  }
0x285: {  	[sflag:s15] =	ssyncset.done $0x0  }
0x286: {  	[sflag:s15] =	ssyncadd.s32 $0xFFFFE0C0  }
0x287: {  	_ =	swait.ge [sflag:s18], $0x1F40  }
.Ltmp11:
0x288: {  	[sflag:s18] =	ssyncset.done $0x0;
	(pc) =	sbr.rel .LBB2_8-.Ltmp11, $4  }
0x289: {  	s25 =	sadd.s32 $0x680, s23;
	[sflag:s18] =	ssyncadd.s32 $0xFFFFE0C0  }
0x28a: {  	[tilespmem:s4], [sflag:$0x4] =	stream.indirect.gather [hbm4b:s5+s31], $0x40, s25, s31, $0xb8;
	[tilespmem:$0x1EC40] =	vst v63  }
0x28b: {  	s26 =	sadd.s32 $0x5480, s23;
	s24 =	smov.u32 s22  }
0x28c: {  	[spmem:s3] =	stream.indirect.scatter.add.f32 [tilespmem:s17], [sflag:$0xA], $0x40, s26, s31, $0xb8;
	[tilespmem:$0x1EC40] =	vst v63  }
.LBB2_16:
.Ltmp12:
0x28d: {  	(pc) =	sbr.rel .LBB2_18-.Ltmp12, $2  }
0x28e: {  	_ =	sdelay $0x2  }
0x28f: {  	s25 =	sadd.s32 $0xA00, s22;
	s23 =	sadd.s32 $0x1200, s22;
	s22 =	rddreg [dreg:$0x6]  }
.LBB2_19:
0x290: {  	_ =	sfence.sel $0x180000  }
0x291: {  	[bflag:$0x0] =	sbarrier.arrive $0xFFFF  }
0x292: {  	_ =	strace $0x9000004A  }
0x293: {  	s0 =	stileid.u32;
	[bflag:$0x2] =	sbarrier.arrive $0xFFFF  }
0x294: {  	p0 =	sne.s32 s0, $0x0;
	s0 =	rddreg [dreg:$0x3]  }
0x295: {  	s0 =	sadd.s32 @!p0 $0x100000, s0  }
0x296: {  	[sflag:s0] =	ssyncadd.tile.s32 @!p0 $0x1;
	_ =	shalt  }
.Lfunc_end2:
_tile_overlayer_lowered:
.L_overlay_start_2:
0x297: {  	(tag) =	ssettag $0x2  }
0x298: {  	s0 =	rddreg [dreg:$0x0];
	s2 =	stileid.u32  }
0x299: {  	s1 =	rddreg [dreg:$0x1];
	p0 =	sne.s32 s2, $0x0  }
0x29a: {  	s3 =	rddreg [dreg:$0x2];
	[bflag:$0x3] =	sbarrier.arrive $0xFFFF;
	s2 =	simm.s32 @!p0 $0x1C0B  }
0x29b: {  	[timem:s3], [sflag:s2] =	dma.local @!p0 [hbm:s0], s1  }
0x29c: {  	s0 =	simm.s32 @!p0 $0xB  }
0x29d: {  	_ =	swait.ge @!p0 [sflag:s0], s1  }
0x29e: {  	s1 =	ssub.s32 @!p0 $0x0, s1;
	[sflag:s0] =	ssyncset.done @!p0 $0x0  }
0x29f: {  	[sflag:s0] =	ssyncadd.s32 @!p0 s1  }
0x2a0: {  	[bflag:$0x3] =	sbarrier.arrive $0xFFFF  }
0x2a1: {  	_ =	shalt  }

// kernel: kernel.14.cloned.1.call-start
scs
__scs_entry_jumppad:
0x0: {  	(pc) =	sbr.rel $0x88, $3  }
0x1: {  	(tag) =	ssettag $0x0;
	lr =	simm.s32 $0x1  }
0x2: {  	[smem:$0x3F9A] =	sst lr;
	_ =	strace $0xD0000000  }
0x3: {  	_ = 	snop  }
0x4: {  	_ = 	snop  }
0x5: {  	_ = 	snop  }
0x6: {  	_ = 	snop  }
0x7: {  	_ = 	snop  }
__scs_overlays_trampoline_lowered:
0x8: {  	[smem:$0x3FA9] =	sst s0  }
0x9: {  	[smem:$0x3FAA] =	sst s1  }
0xa: {  	[smem:$0x3FAB] =	sst s2  }
0xb: {  	[smem:$0x3FAC] =	sst s3  }
0xc: {  	[smem:$0x3FAD] =	sst s4  }
0xd: {  	[smem:$0x3FAE] =	sst s5  }
0xe: {  	[smem:$0x3FAF] =	sst s6  }
0xf: {  	[smem:$0x3FB0] =	sst s7  }
0x10: {  	[smem:$0x3FB1] =	sst s8  }
0x11: {  	[smem:$0x3FB2] =	sst s9;
	s0 =	simm.s32 @!p0 $0x0  }
0x12: {  	s1 =	sld [smem:$0x3F98];
	s0 =	simm.s32 @p0 $0x1  }
0x13: {  	[smem:$0x3FB3] =	sst s0;
	s0 =	simm.s32 @!p1 $0x0  }
0x14: {  	s2 =	sld [smem:$0x3F97];
	s0 =	simm.s32 @p1 $0x1  }
0x15: {  	[smem:$0x3FB4] =	sst s0;
	s0 =	simm.s32 @!p2 $0x0  }
0x16: {  	s3 =	sld [smem:$0x3FDB];
	s0 =	simm.s32 @p2 $0x1  }
0x17: {  	s4 =	simm.s32 $0x1BF5;
	[smem:$0x3FB6] =	sst s0  }
0x18: {  	s0 =	sld [smem:$0x3F99];
	_ =	swait.ge [sflag:s4], $0x0  }
0x19: {  	s7 =	sld [smem:$0x3F9A]  }
0x1a: {  	s8 =	sadd.s32 $0xFFFFE003, lr  }
0x1b: {  	s9 =	sadd.s32 $0xFFFFFEF7, lr;
	s5 =	simm.s32 $0xFFFFFFFF;
	p2 =	slt.u32 s8, $0xFFFFF086  }
0x1c: {  	p1 =	slt.u32 s9, $0xF7A;
	s5 =	simm.s32 @!p2 $0x0  }
0x1d: {  	s5 =	simm.s32 @p1 $0x1;
	p0 =	seq.s32 s7, s2  }
0x1e: {  	s7 =	smul.u32 @!p0 $0xF7A, s2;
	p2 =	seq.s32 @!p0 s5, $0x0  }
0x1f: {  	s9 =	smul.u32 $0xF7A, s1;
	s8 =	simm.s32 @!p0 $0x1BF5;
	p2 =	por !p2, p0  }
0x20: {  	[sflag:s8] =	ssyncset.s32 @!p0 $0xFFFFF086;
	s6 =	sadd.s32 @!p0 s3, s7;
	s7 =	simm.s32 @!p0 $0x108  }
0x21: {  	s3 =	sadd.s32 s3, s9;
	s6 =	sadd.s32 @!p0 $0x88, s6;
	s7 =	simm.s32 @p2 $0x1082  }
0x22: {  	[simem:s7], [sflag:s8] =	dma.local @!p0 [hbm:s6], $0xF7A  }
0x23: {  	s9 =	sor.u32 $0xD0000000, s2;
	s6 =	simm.s32 $0x108;
	_ =	swait.ge @!p0 [sflag:s8], $0x0  }
0x24: {  	s3 =	sadd.s32 $0x88, s3;
	s6 =	simm.s32 @!p1 $0x1082;
	[sflag:s4] =	ssyncset.s32 $0xFFFFF086  }
0x25: {  	[simem:s6], [sflag:s4] =	dma.local [hbm:s3], $0xF7A  }
0x26: {  	[smem:$0x3F9A] =	sst s1;
	(tag) =	ssettag s2;
	_ =	strace s9  }
0x27: {  	s1 =	sld [smem:$0x3FAA]  }
0x28: {  	s2 =	sld [smem:$0x3FAB]  }
0x29: {  	s4 =	sld [smem:$0x3FAD]  }
0x2a: {  	p0 =	seq.s32 s5, $0x0;
	s5 =	sld [smem:$0x3FAE]  }
0x2b: {  	s6 =	sld [smem:$0x3FAF]  }
0x2c: {  	s7 =	sld [smem:$0x3FB0]  }
0x2d: {  	s3 =	simm.s32 $0x108;
	s8 =	sld [smem:$0x3FB1]  }
0x2e: {  	s3 =	simm.s32 @!p0 $0x1082;
	s9 =	sld [smem:$0x3FB2]  }
0x2f: {  	lr =	sadd.s32 s0, s3;
	s0 =	sld [smem:$0x3FA9]  }
0x30: {  	s3 =	sld [smem:$0x3FAC]  }
0x31: {  	[smem:$0x3FB5] =	sst s10  }
0x32: {  	s10 =	sld [smem:$0x3FB3];
	_ =	sdelay $0x3  }
0x33: {  	p0 =	seq.s32 s10, $0x1;
	s10 =	sld [smem:$0x3FB5];
	_ =	sdelay $0x3  }
0x34: {  	[smem:$0x3FB5] =	sst s10  }
0x35: {  	s10 =	sld [smem:$0x3FB4];
	_ =	sdelay $0x3  }
0x36: {  	p1 =	seq.s32 s10, $0x1;
	s10 =	sld [smem:$0x3FB5];
	_ =	sdelay $0x3  }
0x37: {  	[smem:$0x3FB5] =	sst s10  }
0x38: {  	s10 =	sld [smem:$0x3FB6]  }
0x39: {  	_ = 	snop;
	(pc) =	sbr.ind lr, $3  }
0x3a: {  	_ = 	snop  }
0x3b: {  	_ = 	snop  }
0x3c: {  	p2 =	seq.s32 s10, $0x1;
	s10 =	sld [smem:$0x3FB5]  }
0x3d: {  	_ =	shalt  }
0x3e: {  	_ =	shalt  }
0x3f: {  	_ =	shalt  }
0x40: {  	_ =	shalt  }
0x41: {  	_ =	shalt  }
0x42: {  	_ =	shalt  }
0x43: {  	_ =	shalt  }
0x44: {  	_ =	shalt  }
0x45: {  	_ =	shalt  }
0x46: {  	_ =	shalt  }
0x47: {  	_ =	shalt  }
0x48: {  	_ =	shalt  }
0x49: {  	_ =	shalt  }
0x4a: {  	_ =	shalt  }
0x4b: {  	_ =	shalt  }
0x4c: {  	_ =	shalt  }
0x4d: {  	_ =	shalt  }
0x4e: {  	_ =	shalt  }
0x4f: {  	_ =	shalt  }
0x50: {  	_ =	shalt  }
0x51: {  	_ =	shalt  }
0x52: {  	_ =	shalt  }
0x53: {  	_ =	shalt  }
0x54: {  	_ =	shalt  }
0x55: {  	_ =	shalt  }
0x56: {  	_ =	shalt  }
0x57: {  	_ =	shalt  }
0x58: {  	_ =	shalt  }
0x59: {  	_ =	shalt  }
0x5a: {  	_ =	shalt  }
0x5b: {  	_ =	shalt  }
0x5c: {  	_ =	shalt  }
0x5d: {  	_ =	shalt  }
0x5e: {  	_ =	shalt  }
0x5f: {  	_ =	shalt  }
0x60: {  	_ =	shalt  }
0x61: {  	_ =	shalt  }
0x62: {  	_ =	shalt  }
0x63: {  	_ =	shalt  }
0x64: {  	_ =	shalt  }
0x65: {  	_ =	shalt  }
0x66: {  	_ =	shalt  }
0x67: {  	_ =	shalt  }
0x68: {  	_ =	shalt  }
0x69: {  	_ =	shalt  }
0x6a: {  	_ =	shalt  }
0x6b: {  	_ =	shalt  }
0x6c: {  	_ =	shalt  }
0x6d: {  	_ =	shalt  }
0x6e: {  	_ =	shalt  }
0x6f: {  	_ =	shalt  }
0x70: {  	_ =	shalt  }
0x71: {  	_ =	shalt  }
0x72: {  	_ =	shalt  }
0x73: {  	_ =	shalt  }
0x74: {  	_ =	shalt  }
0x75: {  	_ =	shalt  }
0x76: {  	_ =	shalt  }
0x77: {  	_ =	shalt  }
0x78: {  	_ =	shalt  }
0x79: {  	_ =	shalt  }
0x7a: {  	_ =	shalt  }
0x7b: {  	_ =	shalt  }
0x7c: {  	_ =	shalt  }
0x7d: {  	_ =	shalt  }
0x7e: {  	_ =	shalt  }
0x7f: {  	_ =	shalt  }
0x80: {  	_ =	shalt  }
0x81: {  	_ =	shalt  }
0x82: {  	_ =	shalt  }
0x83: {  	_ =	shalt  }
0x84: {  	_ =	shalt  }
0x85: {  	_ =	shalt  }
0x86: {  	_ =	shalt  }
0x87: {  	_ =	shalt  }
.Lfunc_end0:
.L_simem_size_0:
called_computation.2_lowered:
.L_overlay_start_0:
0x88: {  	s2 =	sld [smem:$0x3FD9]  }
0x89: {  	s3 =	sld [smem:$0x3FFE];
	_ =	sdelay $0x1  }
0x8a: {  	s1 =	srdreg.scid  }
0x8b: {  	s0 =	sand.u32 $0x1, s1  }
0x8c: {  	s16 =	sshll.u32 s0, $0xA;
	s2 =	sadd.s32 s3, s2  }
0x8d: {  	s2 =	sadd.s32 s2, s16  }
0x8e: {  	[smem:$0x3FC1] =	sst s2  }
0x8f: {  	_ = 	snop  }
0x90: {  	(tm) =	ssettm $0x1  }
0x91: {  	s17 =	sld [smem:$0x3FFB];
	_ =	sdelay $0x3  }
0x92: {  	_ =	strace s17  }
0x93: {  	s2 =	sld [smem:$0x3FFC];
	_ =	sdelay $0x3  }
0x94: {  	_ =	strace s2  }
0x95: {  	s2 =	sld [smem:$0x3FFD];
	_ =	sdelay $0x3  }
0x96: {  	_ =	strace s2  }
0x97: {  	_ =	strace $0x8FFFFFFF  }
0x98: {  	s18 =	sld [smem:$0x3FDB];
	_ =	sdelay $0x1  }
0x99: {  	s19 =	simm.s32 $_scs_section_size  }
0x9a: {  	s4 =	simm.s32 $_size__tile_overlayer_lowered;
	s5 =	simm.s32 $_tile_overlayer_lowered  }
0x9b: {  	s22 =	simm.s32 $0x1BFF;
	s21 =	sshll.u32 s5, $0x1;
	s2 =	sadd.s32 s19, s18  }
0x9c: {  	s6 =	simm.s32 $0x0;
	s20 =	sshll.u32 s4, $0x1;
	s4 =	sadd.s32 s21, s2  }
0x9d: {  	[timem:s6], [sflag:s22] =	dma.local [hbm:s4], s20  }
0x9e: {  	_ =	swait.ge [sflag:s22], s20  }
0x9f: {  	s3 =	ssub.s32 $0x0, s20;
	[sflag:s22] =	ssyncset.done $0x0  }
0xa0: {  	[sflag:s22] =	ssyncadd.s32 s3;
	_ =	sdelay $0x1  }
0xa1: {  	s23 =	simm.s32 $0x1B8B  }
0xa2: {  	_ =	swait.ge [sflag:s23], $0x1  }
0xa3: {  	[sflag:s23] =	ssyncset.done $0x0  }
0xa4: {  	s25 =	simm.s32 $0x1B8E;
	s24 =	sld [smem:$0x3FFE];
	[sflag:s23] =	ssyncadd.s32 $0xFFFFFFFF  }
0xa5: {  	s26 =	simm.s32 $execute0_lowered;
	[smem:$0x3FD2] =	sst s25  }
0xa6: {  	s4 =	sshll.u32 s26, $0x1;
	_ =	strace $0x8000004C;
	[dreg:$0x1] =	wrdreg $0xFFFFFFFF  }
0xa7: {  	s28 =	simm.s32 $_size_execute0_lowered;
	s2 =	sadd.s32 s2, s4;
	[dreg:$0x0] =	wrdreg $0x0  }
0xa8: {  	s4 =	sshll.u32 s28, $0x1;
	[dreg:$0x2] =	wrdreg s2  }
0xa9: {  	[dreg:$0x3] =	wrdreg s4  }
0xaa: {  	[dreg:$0x4] =	wrdreg $0xC0  }
0xab: {  	_ =	task [dreg:s6], $0x5FFFF  }
0xac: {  	[dreg:$0x1] =	wrdreg $0xFFFFFFFF  }
0xad: {  	[dreg:$0x0] =	wrdreg $0x60  }
0xae: {  	[dreg:$0x2] =	wrdreg s24  }
0xaf: {  	[dreg:$0x3] =	wrdreg $0xFC400  }
0xb0: {  	[dreg:$0x4] =	wrdreg $0x9  }
0xb1: {  	_ =	task.clear_ibuf [dreg:s6], $0x5FFFF;
	_ =	strace $0x9000004C  }
0xb2: {  	s29 =	simm.s32 $0x9;
	_ =	strace $0x8000004E  }
0xb3: {  	_ =	swait.ge [sflag:s29], $0x1  }
0xb4: {  	[sflag:s29] =	ssyncadd.s32 $0xFFFFFFFF  }
0xb5: {  	_ =	strace $0x9000004E  }
0xb6: {  	_ =	sfence  }
0xb7: {  	s30 =	sld [smem:$0x0];
	_ =	sdelay $0x2  }
0xb8: {  	s31 =	sshll.u32 s1, $0xD;
	s1 =	sshrl.u32 s1, $0x2  }
0xb9: {  	s3 =	sand.u32 $0x4000, s31;
	s1 =	sadd.s32 s1, s30  }
0xba: {  	s0 =	sor.u32 s3, s0;
	s1 =	sshll.u32 s1, $0x11  }
0xbb: {  	s0 =	sor.u32 s1, s0  }
0xbc: {  	s0 =	sadd.s32 $0x8F2B, s0  }
0xbd: {  	[sflag:s0] =	ssyncadd.remote.s32 $0x1  }
0xbe: {  	_ =	sfence.sel $0xFFFF  }
0xbf: {  	[dreg:$0x0] =	wrdreg $0xFFFFFFFF;
	(pc) =	sbr.abs _section_cstart, $3  }
0xc0: {  	[dreg:$0x1] =	wrdreg $0xFFFFFFFF  }
0xc1: {  	_ =	task.clear_ibuf [dreg:s6], $0x2FFFF;
	_ =	strace $0x9FFFFFFF  }
0xc2: {  	(tm) =	ssettm $0x7FFFFFFF  }
0xc3: {  	_ =	shalt  }
tec
execute0_lowered:
.L_overlay_start_1:
0x0: {  	(tag) =	ssettag $0x1  }
0x1: {  	s0 =	rddreg [dreg:$0x0];
	s1 =	srdreg.scid  }
0x2: {  	s2 =	rddreg [dreg:$0x1];
	s9 =	stileid.u32  }
0x3: {  	s3 =	simm.s32 $0x0;
	s1 =	sand.u32 $0x1, s1;
	s5 =	smul.u32 $0x50, s9  }
0x4: {  	s29 =	simm.s32 $0x8E80;
	s31 =	simm.s32 $0xADC0;
	s4 =	smul.u32 $0x500, s1  }
0x5: {  	s28 =	simm.s32 $0x2;
	s30 =	simm.s32 $0x6;
	s7 =	ssub.s32 $0x2, s1  }
0x6: {  	[smem:$0x7FF] =	sst s3;
	s14 =	sshrl.u32 s7, $0x1;
	s5 =	sadd.s32 s5, s4  }
0x7: {  	s6 =	smul.u32 $0x28000, s9;
	s7 =	ssub.s32 s7, s14;
	s5 =	sshll.u32 s5, $0x4  }
0x8: {  	_ =	strace $0x8000004D;
	s7 =	smax.u32 s7, $0x1;
	s8 =	sadd.s32 s5, s0  }
0x9: {  	s6 =	sshrl.u32 s6, $0x2;
	[dreg:$0x5] =	wrdreg s7;
	s16 =	sadd.s32 $0xD800, s8  }
0xa: {  	s5 =	sadd.s32 s6, s2;
	s8 =	sadd.s32 $0x3800, s8;
	[dreg:$0x3] =	wrdreg s16  }
0xb: {  	s10 =	simm.s32 $0x9;
	s18 =	sadd.s32 $0x1000, s5;
	[dreg:$0x4] =	wrdreg s8  }
0xc: {  	s11 =	simm.s32 $0xA;
	s19 =	sadd.s32 $0x2000, s5;
	[dreg:$0x6] =	wrdreg s18  }
0xd: {  	s15 =	smul.u32 $0xA000, s9;
	s20 =	sadd.s32 $0x3000, s5;
	[dreg:$0x7] =	wrdreg s19  }
0xe: {  	s9 =	simm.s32 $0x5;
	s21 =	sadd.s32 $0x4000, s5;
	[dreg:$0x8] =	wrdreg s20  }
0xf: {  	p0 =	seq.s32 s1, $0x1;
	s22 =	sadd.s32 $0x5000, s5;
	[dreg:$0x9] =	wrdreg s21  }
0x10: {  	s1 =	simm.s32 $0x3;
	s23 =	sadd.s32 $0x6000, s5;
	[dreg:$0xa] =	wrdreg s22  }
0x11: {  	s17 =	sshrl.u32 s15, $0x3;
	s24 =	sadd.s32 $0x7000, s5;
	[dreg:$0xb] =	wrdreg s23  }
0x12: {  	s4 =	sadd.s32 $0x17800, s0;
	s25 =	sadd.s32 $0x8000, s5;
	[dreg:$0xc] =	wrdreg s24  }
0x13: {  	s7 =	simm.s32 $0x2B800;
	s26 =	sadd.s32 $0x9000, s5;
	[dreg:$0xd] =	wrdreg s25  }
0x14: {  	s6 =	sadd.s32 s15, s2;
	s7 =	simm.s32 @!p0 $0x3F800;
	[dreg:$0xe] =	wrdreg s26  }
.Ltmp0:
0x15: {  	s0 =	sadd.s32 s7, s0;
	s19 =	simm.s32 $0xEC40;
	(pc) =	sbr.rel .LBB2_1-.Ltmp0, $4  }
0x16: {  	s20 =	simm.s32 $0xB;
	s21 =	simm.s32 $0x2800;
	s22 =	simm.s32 $0x7D  }
0x17: {  	s23 =	simm.s32 $0x5000;
	s25 =	sshrl.u32 s6, $0x3;
	s26 =	simm.s32 $0x6F40  }
0x18: {  	s24 =	simm.s32 $0xCD00;
	s6 =	simm.s32 $0x7;
	s7 =	simm.s32 $0x4  }
0x19: {  	v0 =	vimm.f32 $0.0e+00;
	s8 =	simm.s32 $0x8;
	s18 =	sadd.s32 s0, s17;
	s0 =	simm.s32 $0x1  }
.LBB2_6:
0x1a: {  	[spmem:s2] =	stream.indirect.scatter.add.f32 [tilespmem:s31], [sflag:$0x9], $0x40, s14, s22, $0xb8;
	[tilespmem:$0x19C40] =	vst v63  }
0x1b: {  	_ =	swait.ge [sflag:s9], $0x1F40  }
0x1c: {  	[sflag:s9] =	ssyncset.done $0x0  }
0x1d: {  	[sflag:s9] =	ssyncadd.s32 $0xFFFFE0C0  }
0x1e: {  	_ =	swait.ge [sflag:s10], $0x1F40  }
0x1f: {  	[sflag:s10] =	ssyncset.done $0x0  }
0x20: {  	s12 =	sadd.s32 $0x2C80, s13;
	[sflag:s10] =	ssyncadd.s32 $0xFFFFE0C0  }
0x21: {  	[spmem:s2] =	stream.indirect.scatter.add.f32 [tilespmem:s24], [sflag:$0xA], $0x40, s12, s22, $0xb8;
	[tilespmem:$0x19C40] =	vst v63  }
0x22: {  	_ =	swait.ge [sflag:s11], $0x1F40  }
0x23: {  	s16 =	stileid.u32;
	[sflag:s11] =	ssyncset.done $0x0  }
0x24: {  	s12 =	sshll.u32 s16, $0x6;
	[sflag:s11] =	ssyncadd.s32 $0xFFFFE0C0  }
0x25: {  	s12 =	sor.u32 $0x1C0B, s12;
	[bflag:$0x0] =	sbarrier.arrive $0xFFFF  }
0x26: {  	[hbm:s18], [sflag:s12] =	dma.local [spmem:s25], $0x1400  }
0x27: {  	_ =	swait.ge [sflag:s20], $0x1400  }
0x28: {  	s3 =	sadd.s32 $0x1, s3;
	s17 =	rddreg [dreg:$0x5]  }
0x29: {  	p0 =	sne.s32 s3, s17  }
.Ltmp1:
0x2a: {  	_ = 	snop;
	(pc) =	sbr.rel @!p0 .LBB2_7-.Ltmp1, $3  }
0x2b: {  	_ =	sdelay $0x1  }
0x2c: {  	[sflag:s20] =	ssyncset.done $0x0  }
0x2d: {  	[sflag:s20] =	ssyncadd.s32 $0xFFFFEC00  }
.LBB2_1:
0x2e: {  	s13 =	simm.s32 $0x100;
	s12 =	simm.s32 $0x0  }
.LBB2_2:
0x2f: {  	p0 =	sne.s32 s13, $0x3F00;
	[tilespmem:s12+$0xEC70] =	vst v0;
	s14 =	smov.u32 s13;
	s13 =	sadd.s32 $0x100, s13  }
.Ltmp2:
0x30: {  	[tilespmem:s12+$0xEC60] =	vst v0;
	(pc) =	sbr.rel @p0 .LBB2_2-.Ltmp2, $3  }
0x31: {  	[tilespmem:s12+$0xEC40] =	vst v0  }
0x32: {  	[tilespmem:s12+$0xEC50] =	vst v0;
	_ =	sdelay $0x1  }
0x33: {  	s12 =	sshra.s32 s14, $0x2  }
0x34: {  	[tilespmem:s12+$0xEC70] =	vst v0  }
0x35: {  	[tilespmem:s12+$0xEC60] =	vst v0  }
0x36: {  	[tilespmem:s12+$0xEC40] =	vst v0  }
0x37: {  	[tilespmem:s12+$0xEC50] =	vst v0  }
0x38: {  	[spmem:s5] =	stream.linear.scatter [tilespmem:s19], [sflag:$0xB], $0x1000, $0x38;
	[tilespmem:$0x19C40] =	vst v63  }
0x39: {  	_ =	swait.ge [sflag:s20], $0x1000  }
0x3a: {  	[sflag:s20] =	ssyncset.done $0x0  }
0x3b: {  	s13 =	rddreg [dreg:$0x6];
	[sflag:s20] =	ssyncadd.s32 $0xFFFFF000  }
0x3c: {  	[spmem:s13] =	stream.linear.scatter [tilespmem:s19], [sflag:$0xB], $0x1000, $0x38;
	[tilespmem:$0x19C40] =	vst v63  }
0x3d: {  	_ =	swait.ge [sflag:s20], $0x1000  }
0x3e: {  	[sflag:s20] =	ssyncset.done $0x0  }
0x3f: {  	s14 =	rddreg [dreg:$0x7];
	[sflag:s20] =	ssyncadd.s32 $0xFFFFF000  }
0x40: {  	[spmem:s14] =	stream.linear.scatter [tilespmem:s19], [sflag:$0xB], $0x1000, $0x38;
	[tilespmem:$0x19C40] =	vst v63  }
0x41: {  	_ =	swait.ge [sflag:s20], $0x1000  }
0x42: {  	[sflag:s20] =	ssyncset.done $0x0  }
0x43: {  	s15 =	rddreg [dreg:$0x8];
	[sflag:s20] =	ssyncadd.s32 $0xFFFFF000  }
0x44: {  	[spmem:s15] =	stream.linear.scatter [tilespmem:s19], [sflag:$0xB], $0x1000, $0x38;
	[tilespmem:$0x19C40] =	vst v63  }
0x45: {  	_ =	swait.ge [sflag:s20], $0x1000  }
0x46: {  	[sflag:s20] =	ssyncset.done $0x0  }
0x47: {  	s16 =	rddreg [dreg:$0x9];
	[sflag:s20] =	ssyncadd.s32 $0xFFFFF000  }
0x48: {  	[spmem:s16] =	stream.linear.scatter [tilespmem:s19], [sflag:$0xB], $0x1000, $0x38;
	[tilespmem:$0x19C40] =	vst v63  }
0x49: {  	_ =	swait.ge [sflag:s20], $0x1000  }
0x4a: {  	[sflag:s20] =	ssyncset.done $0x0  }
0x4b: {  	s17 =	rddreg [dreg:$0xa];
	[sflag:s20] =	ssyncadd.s32 $0xFFFFF000  }
0x4c: {  	[spmem:s17] =	stream.linear.scatter [tilespmem:s19], [sflag:$0xB], $0x1000, $0x38;
	[tilespmem:$0x19C40] =	vst v63  }
0x4d: {  	_ =	swait.ge [sflag:s20], $0x1000  }
0x4e: {  	[sflag:s20] =	ssyncset.done $0x0  }
0x4f: {  	s13 =	rddreg [dreg:$0xb];
	[sflag:s20] =	ssyncadd.s32 $0xFFFFF000  }
0x50: {  	[spmem:s13] =	stream.linear.scatter [tilespmem:s19], [sflag:$0xB], $0x1000, $0x38;
	[tilespmem:$0x19C40] =	vst v63  }
0x51: {  	_ =	swait.ge [sflag:s20], $0x1000  }
0x52: {  	[sflag:s20] =	ssyncset.done $0x0  }
0x53: {  	s14 =	rddreg [dreg:$0xc];
	[sflag:s20] =	ssyncadd.s32 $0xFFFFF000  }
0x54: {  	[spmem:s14] =	stream.linear.scatter [tilespmem:s19], [sflag:$0xB], $0x1000, $0x38;
	[tilespmem:$0x19C40] =	vst v63  }
0x55: {  	_ =	swait.ge [sflag:s20], $0x1000  }
0x56: {  	[sflag:s20] =	ssyncset.done $0x0  }
0x57: {  	s15 =	rddreg [dreg:$0xd];
	[sflag:s20] =	ssyncadd.s32 $0xFFFFF000  }
0x58: {  	[spmem:s15] =	stream.linear.scatter [tilespmem:s19], [sflag:$0xB], $0x1000, $0x38;
	[tilespmem:$0x19C40] =	vst v63  }
0x59: {  	_ =	swait.ge [sflag:s20], $0x1000  }
0x5a: {  	[sflag:s20] =	ssyncset.done $0x0  }
0x5b: {  	s16 =	rddreg [dreg:$0xe];
	[sflag:s20] =	ssyncadd.s32 $0xFFFFF000  }
0x5c: {  	[spmem:s16] =	stream.linear.scatter [tilespmem:s19], [sflag:$0xB], $0x1000, $0x38;
	[tilespmem:$0x19C40] =	vst v63  }
0x5d: {  	_ =	swait.ge [sflag:s20], $0x1000  }
0x5e: {  	[sflag:s20] =	ssyncset.done $0x0  }
0x5f: {  	[sflag:s20] =	ssyncadd.s32 $0xFFFFF000  }
0x60: {  	[bflag:$0x0] =	sbarrier.arrive $0xFFFF  }
0x61: {  	s12 =	simm.s32 $0x0;
	s13 =	rddreg [dreg:$0x3]  }
0x62: {  	[tilespmem:s12], [sflag:$0xB] =	stream.linear.gather [hbm4b:s13+s12], $0x2800, $0x38;
	[tilespmem:$0x19C40] =	vst v63  }
0x63: {  	_ =	swait.ge [sflag:s20], $0x2800  }
0x64: {  	[sflag:s20] =	ssyncset.done $0x0  }
0x65: {  	s17 =	rddreg [dreg:$0x4];
	[sflag:s20] =	ssyncadd.s32 $0xFFFFD800  }
0x66: {  	[tilespmem:s21], [sflag:$0xB] =	stream.linear.gather [hbm4b:s17+s12], $0x2800, $0x38;
	[tilespmem:$0x19C40] =	vst v63  }
0x67: {  	_ =	swait.ge [sflag:s20], $0x2800  }
0x68: {  	[sflag:s20] =	ssyncset.done $0x0  }
0x69: {  	[sflag:s20] =	ssyncadd.s32 $0xFFFFD800  }
0x6a: {  	[tilespmem:s23], [sflag:$0x1] =	stream.indirect.gather [hbm4b:s4+s22], $0x40, s12, s22, $0xb8;
	[tilespmem:$0x19C40] =	vst v63  }
0x6b: {  	s14 =	simm.s32 $0x80  }
0x6c: {  	[tilespmem:s26], [sflag:$0x2] =	stream.indirect.gather [hbm4b:s4+s22], $0x40, s14, s22, $0xb8;
	[tilespmem:$0x19C40] =	vst v63  }
0x6d: {  	s15 =	simm.s32 $0x100  }
0x6e: {  	[tilespmem:s29], [sflag:$0x3] =	stream.indirect.gather [hbm4b:s4+s22], $0x40, s15, s22, $0xb8;
	[tilespmem:$0x19C40] =	vst v63  }
0x6f: {  	s16 =	simm.s32 $0x180  }
0x70: {  	[tilespmem:s31], [sflag:$0x4] =	stream.indirect.gather [hbm4b:s4+s22], $0x40, s16, s22, $0xb8;
	[tilespmem:$0x19C40] =	vst v63  }
0x71: {  	_ =	swait.ge [sflag:s0], $0x1F40  }
0x72: {  	[sflag:s0] =	ssyncset.done $0x0  }
0x73: {  	s17 =	simm.s32 $0x200;
	[sflag:s0] =	ssyncadd.s32 $0xFFFFE0C0  }
0x74: {  	[tilespmem:s24], [sflag:$0x5] =	stream.indirect.gather [hbm4b:s4+s22], $0x40, s17, s22, $0xb8;
	[tilespmem:$0x19C40] =	vst v63  }
0x75: {  	_ = 	snop  }
0x76: {  	[spmem:s2] =	stream.indirect.scatter.add.f32 [tilespmem:s23], [sflag:$0x6], $0x40, s21, s22, $0xb8;
	[tilespmem:$0x19C40] =	vst v63  }
0x77: {  	_ =	swait.ge [sflag:s28], $0x1F40  }
0x78: {  	[sflag:s28] =	ssyncset.done $0x0  }
0x79: {  	[sflag:s28] =	ssyncadd.s32 $0xFFFFE0C0  }
0x7a: {  	_ =	swait.ge [sflag:s30], $0x1F40  }
0x7b: {  	[sflag:s30] =	ssyncset.done $0x0  }
0x7c: {  	s14 =	simm.s32 $0x280;
	[sflag:s30] =	ssyncadd.s32 $0xFFFFE0C0  }
0x7d: {  	[tilespmem:s23], [sflag:$0x1] =	stream.indirect.gather [hbm4b:s4+s22], $0x40, s14, s22, $0xb8;
	[tilespmem:$0x19C40] =	vst v63  }
0x7e: {  	s15 =	simm.s32 $0x2880  }
0x7f: {  	[spmem:s2] =	stream.indirect.scatter.add.f32 [tilespmem:s26], [sflag:$0x7], $0x40, s15, s22, $0xb8;
	[tilespmem:$0x19C40] =	vst v63  }
0x80: {  	_ =	swait.ge [sflag:s1], $0x1F40  }
0x81: {  	[sflag:s1] =	ssyncset.done $0x0  }
0x82: {  	[sflag:s1] =	ssyncadd.s32 $0xFFFFE0C0  }
0x83: {  	_ =	swait.ge [sflag:s6], $0x1F40  }
0x84: {  	[sflag:s6] =	ssyncset.done $0x0  }
0x85: {  	s16 =	simm.s32 $0x300;
	[sflag:s6] =	ssyncadd.s32 $0xFFFFE0C0  }
0x86: {  	[tilespmem:s26], [sflag:$0x2] =	stream.indirect.gather [hbm4b:s4+s22], $0x40, s16, s22, $0xb8;
	[tilespmem:$0x19C40] =	vst v63  }
0x87: {  	s17 =	simm.s32 $0x2900  }
0x88: {  	[spmem:s2] =	stream.indirect.scatter.add.f32 [tilespmem:s29], [sflag:$0x8], $0x40, s17, s22, $0xb8;
	[tilespmem:$0x19C40] =	vst v63  }
0x89: {  	_ =	swait.ge [sflag:s7], $0x1F40  }
0x8a: {  	[sflag:s7] =	ssyncset.done $0x0  }
0x8b: {  	[sflag:s7] =	ssyncadd.s32 $0xFFFFE0C0  }
0x8c: {  	_ =	swait.ge [sflag:s8], $0x1F40  }
0x8d: {  	[sflag:s8] =	ssyncset.done $0x0  }
0x8e: {  	s14 =	simm.s32 $0x380;
	[sflag:s8] =	ssyncadd.s32 $0xFFFFE0C0  }
0x8f: {  	[tilespmem:s29], [sflag:$0x3] =	stream.indirect.gather [hbm4b:s4+s22], $0x40, s14, s22, $0xb8;
	[tilespmem:$0x19C40] =	vst v63  }
0x90: {  	s15 =	simm.s32 $0x2980  }
0x91: {  	[spmem:s2] =	stream.indirect.scatter.add.f32 [tilespmem:s31], [sflag:$0x9], $0x40, s15, s22, $0xb8;
	[tilespmem:$0x19C40] =	vst v63  }
0x92: {  	_ =	swait.ge [sflag:s9], $0x1F40  }
0x93: {  	[sflag:s9] =	ssyncset.done $0x0  }
0x94: {  	[sflag:s9] =	ssyncadd.s32 $0xFFFFE0C0  }
0x95: {  	_ =	swait.ge [sflag:s10], $0x1F40  }
0x96: {  	[sflag:s10] =	ssyncset.done $0x0  }
0x97: {  	s16 =	simm.s32 $0x400;
	[sflag:s10] =	ssyncadd.s32 $0xFFFFE0C0  }
0x98: {  	[tilespmem:s31], [sflag:$0x4] =	stream.indirect.gather [hbm4b:s4+s22], $0x40, s16, s22, $0xb8;
	[tilespmem:$0x19C40] =	vst v63  }
0x99: {  	s17 =	simm.s32 $0x2A00  }
0x9a: {  	[spmem:s2] =	stream.indirect.scatter.add.f32 [tilespmem:s24], [sflag:$0xA], $0x40, s17, s22, $0xb8;
	[tilespmem:$0x19C40] =	vst v63  }
.LBB2_4:
0x9b: {  	_ =	swait.ge [sflag:s0], $0x1F40  }
0x9c: {  	[sflag:s0] =	ssyncset.done $0x0  }
0x9d: {  	[sflag:s0] =	ssyncadd.s32 $0xFFFFE0C0  }
0x9e: {  	_ =	swait.ge [sflag:s11], $0x1F40  }
0x9f: {  	s13 =	sshra.s32 s12, $0x2;
	[sflag:s11] =	ssyncset.done $0x0  }
0xa0: {  	s14 =	sadd.s32 $0x480, s13;
	[sflag:s11] =	ssyncadd.s32 $0xFFFFE0C0  }
0xa1: {  	[tilespmem:s24], [sflag:$0x5] =	stream.indirect.gather [hbm4b:s4+s22], $0x40, s14, s22, $0xb8;
	[tilespmem:$0x19C40] =	vst v63  }
0xa2: {  	s16 =	sadd.s32 $0x2A80, s13  }
0xa3: {  	[spmem:s2] =	stream.indirect.scatter.add.f32 [tilespmem:s23], [sflag:$0x6], $0x40, s16, s22, $0xb8;
	[tilespmem:$0x19C40] =	vst v63  }
0xa4: {  	_ =	swait.ge [sflag:s28], $0x1F40  }
0xa5: {  	[sflag:s28] =	ssyncset.done $0x0  }
0xa6: {  	[sflag:s28] =	ssyncadd.s32 $0xFFFFE0C0  }
0xa7: {  	p0 =	seq.s32 s12, $0x8C00;
	_ =	swait.ge [sflag:s30], $0x1F40  }
0xa8: {  	s15 =	simm.s32 @p0 $0x7D;
	s14 =	sshra.s32 @p0 s12, $0x2;
	[sflag:s30] =	ssyncset.done $0x0  }
0xa9: {  	s14 =	sadd.s32 @p0 $0x2B00, s14;
	s16 =	simm.s32 @p0 $0x6F40;
	[sflag:s30] =	ssyncadd.s32 $0xFFFFE0C0  }
0xaa: {  	[spmem:s2] =	stream.indirect.scatter.add.f32 @p0 [tilespmem:s16], [sflag:$0x7], $0x40, s14, s15, $0xb8;
	[tilespmem:$0x19C40] =	vst v63  }
0xab: {  	s14 =	simm.s32 @p0 $0x3  }
0xac: {  	_ =	swait.ge @p0 [sflag:s14], $0x1F40  }
0xad: {  	[sflag:s14] =	ssyncset.done @p0 $0x0  }
0xae: {  	[sflag:s14] =	ssyncadd.s32 @p0 $0xFFFFE0C0;
	s14 =	simm.s32 @p0 $0x7  }
0xaf: {  	_ =	swait.ge @p0 [sflag:s14], $0x1F40  }
0xb0: {  	[sflag:s14] =	ssyncset.done @p0 $0x0  }
0xb1: {  	[sflag:s14] =	ssyncadd.s32 @p0 $0xFFFFE0C0;
	s14 =	sshra.s32 @!p0 s12, $0x2  }
0xb2: {  	s17 =	simm.s32 @!p0 $0x5000;
	s16 =	simm.s32 @!p0 $0x7D;
	s15 =	sadd.s32 @!p0 $0x500, s14  }
0xb3: {  	[tilespmem:s17], [sflag:$0x1] =	stream.indirect.gather @!p0 [hbm4b:s4+s16], $0x40, s15, s16, $0xb8;
	[tilespmem:$0x19C40] =	vst v63  }
0xb4: {  	s15 =	sadd.s32 @!p0 $0x2B00, s14;
	s17 =	simm.s32 @!p0 $0x6F40  }
0xb5: {  	[spmem:s2] =	stream.indirect.scatter.add.f32 @!p0 [tilespmem:s17], [sflag:$0x7], $0x40, s15, s16, $0xb8;
	[tilespmem:$0x19C40] =	vst v63  }
0xb6: {  	s15 =	simm.s32 @!p0 $0x3  }
0xb7: {  	_ =	swait.ge @!p0 [sflag:s15], $0x1F40  }
0xb8: {  	[sflag:s15] =	ssyncset.done @!p0 $0x0  }
0xb9: {  	[sflag:s15] =	ssyncadd.s32 @!p0 $0xFFFFE0C0;
	s15 =	simm.s32 @!p0 $0x7  }
0xba: {  	_ =	swait.ge @!p0 [sflag:s15], $0x1F40  }
0xbb: {  	[sflag:s15] =	ssyncset.done @!p0 $0x0  }
0xbc: {  	s14 =	sadd.s32 @!p0 $0x580, s14;
	[sflag:s15] =	ssyncadd.s32 @!p0 $0xFFFFE0C0  }
0xbd: {  	[tilespmem:s17], [sflag:$0x2] =	stream.indirect.gather @!p0 [hbm4b:s4+s16], $0x40, s14, s16, $0xb8;
	[tilespmem:$0x19C40] =	vst v63  }
0xbe: {  	s17 =	sadd.s32 $0x2B80, s13  }
0xbf: {  	[spmem:s2] =	stream.indirect.scatter.add.f32 [tilespmem:s29], [sflag:$0x8], $0x40, s17, s22, $0xb8;
	[tilespmem:$0x19C40] =	vst v63  }
0xc0: {  	_ =	swait.ge [sflag:s7], $0x1F40  }
.Ltmp3:
0xc1: {  	[sflag:s7] =	ssyncset.done $0x0;
	(pc) =	sbr.rel @p0 .LBB2_6-.Ltmp3, $4  }
0xc2: {  	[sflag:s7] =	ssyncadd.s32 $0xFFFFE0C0  }
0xc3: {  	_ =	swait.ge [sflag:s8], $0x1F40  }
0xc4: {  	[sflag:s8] =	ssyncset.done $0x0  }
0xc5: {  	s14 =	sadd.s32 $0x2C00, s13;
	[sflag:s8] =	ssyncadd.s32 $0xFFFFE0C0  }
0xc6: {  	s15 =	sadd.s32 $0x600, s13  }
0xc7: {  	[tilespmem:s29], [sflag:$0x3] =	stream.indirect.gather [hbm4b:s4+s22], $0x40, s15, s22, $0xb8;
	[tilespmem:$0x19C40] =	vst v63  }
0xc8: {  	_ = 	snop  }
0xc9: {  	[spmem:s2] =	stream.indirect.scatter.add.f32 [tilespmem:s31], [sflag:$0x9], $0x40, s14, s22, $0xb8;
	[tilespmem:$0x19C40] =	vst v63  }
0xca: {  	_ =	swait.ge [sflag:s9], $0x1F40  }
0xcb: {  	[sflag:s9] =	ssyncset.done $0x0  }
0xcc: {  	[sflag:s9] =	ssyncadd.s32 $0xFFFFE0C0  }
0xcd: {  	_ =	swait.ge [sflag:s10], $0x1F40  }
.Ltmp4:
0xce: {  	[sflag:s10] =	ssyncset.done $0x0;
	(pc) =	sbr.rel .LBB2_4-.Ltmp4, $4  }
0xcf: {  	s16 =	sadd.s32 $0x680, s13;
	[sflag:s10] =	ssyncadd.s32 $0xFFFFE0C0  }
0xd0: {  	[tilespmem:s31], [sflag:$0x4] =	stream.indirect.gather [hbm4b:s4+s22], $0x40, s16, s22, $0xb8;
	[tilespmem:$0x19C40] =	vst v63  }
0xd1: {  	s17 =	sadd.s32 $0x2C80, s13;
	s12 =	sadd.s32 $0xA00, s12  }
0xd2: {  	[spmem:s2] =	stream.indirect.scatter.add.f32 [tilespmem:s24], [sflag:$0xA], $0x40, s17, s22, $0xb8;
	[tilespmem:$0x19C40] =	vst v63  }
.LBB2_7:
0xd3: {  	_ =	sfence.sel $0x180000  }
0xd4: {  	[bflag:$0x0] =	sbarrier.arrive $0xFFFF  }
0xd5: {  	_ =	strace $0x9000004D  }
0xd6: {  	s0 =	stileid.u32;
	[bflag:$0x2] =	sbarrier.arrive $0xFFFF  }
0xd7: {  	p0 =	sne.s32 s0, $0x0;
	s0 =	rddreg [dreg:$0x2]  }
0xd8: {  	s0 =	sadd.s32 @!p0 $0x100000, s0  }
0xd9: {  	[sflag:s0] =	ssyncadd.tile.s32 @!p0 $0x1;
	_ =	shalt  }
.Lfunc_end2:
_tile_overlayer_lowered:
.L_overlay_start_2:
0xda: {  	(tag) =	ssettag $0x2  }
0xdb: {  	s0 =	rddreg [dreg:$0x0];
	s2 =	stileid.u32  }
0xdc: {  	s1 =	rddreg [dreg:$0x1];
	p0 =	sne.s32 s2, $0x0  }
0xdd: {  	s3 =	rddreg [dreg:$0x2];
	[bflag:$0x3] =	sbarrier.arrive $0xFFFF;
	s2 =	simm.s32 @!p0 $0x1C0B  }
0xde: {  	[timem:s3], [sflag:s2] =	dma.local @!p0 [hbm:s0], s1  }
0xdf: {  	s0 =	simm.s32 @!p0 $0xB  }
0xe0: {  	_ =	swait.ge @!p0 [sflag:s0], s1  }
0xe1: {  	s1 =	ssub.s32 @!p0 $0x0, s1;
	[sflag:s0] =	ssyncset.done @!p0 $0x0  }
0xe2: {  	[sflag:s0] =	ssyncadd.s32 @!p0 s1  }
0xe3: {  	[bflag:$0x3] =	sbarrier.arrive $0xFFFF  }
0xe4: {  	_ =	shalt  }

// kernel: kernel.8.cloned.1.call-start
scs
__scs_entry_jumppad:
0x0: {  	(pc) =	sbr.rel $0x88, $3  }
0x1: {  	(tag) =	ssettag $0x0;
	lr =	simm.s32 $0x1  }
0x2: {  	[smem:$0x3F9A] =	sst lr;
	_ =	strace $0xD0000000  }
0x3: {  	_ = 	snop  }
0x4: {  	_ = 	snop  }
0x5: {  	_ = 	snop  }
0x6: {  	_ = 	snop  }
0x7: {  	_ = 	snop  }
__scs_overlays_trampoline_lowered:
0x8: {  	[smem:$0x3FA9] =	sst s0  }
0x9: {  	[smem:$0x3FAA] =	sst s1  }
0xa: {  	[smem:$0x3FAB] =	sst s2  }
0xb: {  	[smem:$0x3FAC] =	sst s3  }
0xc: {  	[smem:$0x3FAD] =	sst s4  }
0xd: {  	[smem:$0x3FAE] =	sst s5  }
0xe: {  	[smem:$0x3FAF] =	sst s6  }
0xf: {  	[smem:$0x3FB0] =	sst s7  }
0x10: {  	[smem:$0x3FB1] =	sst s8  }
0x11: {  	[smem:$0x3FB2] =	sst s9;
	s0 =	simm.s32 @!p0 $0x0  }
0x12: {  	s1 =	sld [smem:$0x3F98];
	s0 =	simm.s32 @p0 $0x1  }
0x13: {  	[smem:$0x3FB3] =	sst s0;
	s0 =	simm.s32 @!p1 $0x0  }
0x14: {  	s2 =	sld [smem:$0x3F97];
	s0 =	simm.s32 @p1 $0x1  }
0x15: {  	[smem:$0x3FB4] =	sst s0;
	s0 =	simm.s32 @!p2 $0x0  }
0x16: {  	s3 =	sld [smem:$0x3FDB];
	s0 =	simm.s32 @p2 $0x1  }
0x17: {  	s4 =	simm.s32 $0x1BF5;
	[smem:$0x3FB6] =	sst s0  }
0x18: {  	s0 =	sld [smem:$0x3F99];
	_ =	swait.ge [sflag:s4], $0x0  }
0x19: {  	s7 =	sld [smem:$0x3F9A]  }
0x1a: {  	s8 =	sadd.s32 $0xFFFFE003, lr  }
0x1b: {  	s9 =	sadd.s32 $0xFFFFFEF7, lr;
	s5 =	simm.s32 $0xFFFFFFFF;
	p2 =	slt.u32 s8, $0xFFFFF086  }
0x1c: {  	p1 =	slt.u32 s9, $0xF7A;
	s5 =	simm.s32 @!p2 $0x0  }
0x1d: {  	s5 =	simm.s32 @p1 $0x1;
	p0 =	seq.s32 s7, s2  }
0x1e: {  	s7 =	smul.u32 @!p0 $0xF7A, s2;
	p2 =	seq.s32 @!p0 s5, $0x0  }
0x1f: {  	s9 =	smul.u32 $0xF7A, s1;
	s8 =	simm.s32 @!p0 $0x1BF5;
	p2 =	por !p2, p0  }
0x20: {  	[sflag:s8] =	ssyncset.s32 @!p0 $0xFFFFF086;
	s6 =	sadd.s32 @!p0 s3, s7;
	s7 =	simm.s32 @!p0 $0x108  }
0x21: {  	s3 =	sadd.s32 s3, s9;
	s6 =	sadd.s32 @!p0 $0x88, s6;
	s7 =	simm.s32 @p2 $0x1082  }
0x22: {  	[simem:s7], [sflag:s8] =	dma.local @!p0 [hbm:s6], $0xF7A  }
0x23: {  	s9 =	sor.u32 $0xD0000000, s2;
	s6 =	simm.s32 $0x108;
	_ =	swait.ge @!p0 [sflag:s8], $0x0  }
0x24: {  	s3 =	sadd.s32 $0x88, s3;
	s6 =	simm.s32 @!p1 $0x1082;
	[sflag:s4] =	ssyncset.s32 $0xFFFFF086  }
0x25: {  	[simem:s6], [sflag:s4] =	dma.local [hbm:s3], $0xF7A  }
0x26: {  	[smem:$0x3F9A] =	sst s1;
	(tag) =	ssettag s2;
	_ =	strace s9  }
0x27: {  	s1 =	sld [smem:$0x3FAA]  }
0x28: {  	s2 =	sld [smem:$0x3FAB]  }
0x29: {  	s4 =	sld [smem:$0x3FAD]  }
0x2a: {  	p0 =	seq.s32 s5, $0x0;
	s5 =	sld [smem:$0x3FAE]  }
0x2b: {  	s6 =	sld [smem:$0x3FAF]  }
0x2c: {  	s7 =	sld [smem:$0x3FB0]  }
0x2d: {  	s3 =	simm.s32 $0x108;
	s8 =	sld [smem:$0x3FB1]  }
0x2e: {  	s3 =	simm.s32 @!p0 $0x1082;
	s9 =	sld [smem:$0x3FB2]  }
0x2f: {  	lr =	sadd.s32 s0, s3;
	s0 =	sld [smem:$0x3FA9]  }
0x30: {  	s3 =	sld [smem:$0x3FAC]  }
0x31: {  	[smem:$0x3FB5] =	sst s10  }
0x32: {  	s10 =	sld [smem:$0x3FB3];
	_ =	sdelay $0x3  }
0x33: {  	p0 =	seq.s32 s10, $0x1;
	s10 =	sld [smem:$0x3FB5];
	_ =	sdelay $0x3  }
0x34: {  	[smem:$0x3FB5] =	sst s10  }
0x35: {  	s10 =	sld [smem:$0x3FB4];
	_ =	sdelay $0x3  }
0x36: {  	p1 =	seq.s32 s10, $0x1;
	s10 =	sld [smem:$0x3FB5];
	_ =	sdelay $0x3  }
0x37: {  	[smem:$0x3FB5] =	sst s10  }
0x38: {  	s10 =	sld [smem:$0x3FB6]  }
0x39: {  	_ = 	snop;
	(pc) =	sbr.ind lr, $3  }
0x3a: {  	_ = 	snop  }
0x3b: {  	_ = 	snop  }
0x3c: {  	p2 =	seq.s32 s10, $0x1;
	s10 =	sld [smem:$0x3FB5]  }
0x3d: {  	_ =	shalt  }
0x3e: {  	_ =	shalt  }
0x3f: {  	_ =	shalt  }
0x40: {  	_ =	shalt  }
0x41: {  	_ =	shalt  }
0x42: {  	_ =	shalt  }
0x43: {  	_ =	shalt  }
0x44: {  	_ =	shalt  }
0x45: {  	_ =	shalt  }
0x46: {  	_ =	shalt  }
0x47: {  	_ =	shalt  }
0x48: {  	_ =	shalt  }
0x49: {  	_ =	shalt  }
0x4a: {  	_ =	shalt  }
0x4b: {  	_ =	shalt  }
0x4c: {  	_ =	shalt  }
0x4d: {  	_ =	shalt  }
0x4e: {  	_ =	shalt  }
0x4f: {  	_ =	shalt  }
0x50: {  	_ =	shalt  }
0x51: {  	_ =	shalt  }
0x52: {  	_ =	shalt  }
0x53: {  	_ =	shalt  }
0x54: {  	_ =	shalt  }
0x55: {  	_ =	shalt  }
0x56: {  	_ =	shalt  }
0x57: {  	_ =	shalt  }
0x58: {  	_ =	shalt  }
0x59: {  	_ =	shalt  }
0x5a: {  	_ =	shalt  }
0x5b: {  	_ =	shalt  }
0x5c: {  	_ =	shalt  }
0x5d: {  	_ =	shalt  }
0x5e: {  	_ =	shalt  }
0x5f: {  	_ =	shalt  }
0x60: {  	_ =	shalt  }
0x61: {  	_ =	shalt  }
0x62: {  	_ =	shalt  }
0x63: {  	_ =	shalt  }
0x64: {  	_ =	shalt  }
0x65: {  	_ =	shalt  }
0x66: {  	_ =	shalt  }
0x67: {  	_ =	shalt  }
0x68: {  	_ =	shalt  }
0x69: {  	_ =	shalt  }
0x6a: {  	_ =	shalt  }
0x6b: {  	_ =	shalt  }
0x6c: {  	_ =	shalt  }
0x6d: {  	_ =	shalt  }
0x6e: {  	_ =	shalt  }
0x6f: {  	_ =	shalt  }
0x70: {  	_ =	shalt  }
0x71: {  	_ =	shalt  }
0x72: {  	_ =	shalt  }
0x73: {  	_ =	shalt  }
0x74: {  	_ =	shalt  }
0x75: {  	_ =	shalt  }
0x76: {  	_ =	shalt  }
0x77: {  	_ =	shalt  }
0x78: {  	_ =	shalt  }
0x79: {  	_ =	shalt  }
0x7a: {  	_ =	shalt  }
0x7b: {  	_ =	shalt  }
0x7c: {  	_ =	shalt  }
0x7d: {  	_ =	shalt  }
0x7e: {  	_ =	shalt  }
0x7f: {  	_ =	shalt  }
0x80: {  	_ =	shalt  }
0x81: {  	_ =	shalt  }
0x82: {  	_ =	shalt  }
0x83: {  	_ =	shalt  }
0x84: {  	_ =	shalt  }
0x85: {  	_ =	shalt  }
0x86: {  	_ =	shalt  }
0x87: {  	_ =	shalt  }
.Lfunc_end0:
.L_simem_size_0:
called_computation_lowered:
.L_overlay_start_0:
0x88: {  	s2 =	sld [smem:$0x3FD9]  }
0x89: {  	s3 =	sld [smem:$0x3FFE];
	_ =	sdelay $0x1  }
0x8a: {  	s1 =	srdreg.scid  }
0x8b: {  	s0 =	sand.u32 $0x1, s1  }
0x8c: {  	s16 =	sshll.u32 s0, $0xA;
	s2 =	sadd.s32 s3, s2  }
0x8d: {  	s2 =	sadd.s32 s2, s16  }
0x8e: {  	[smem:$0x3FC1] =	sst s2  }
0x8f: {  	_ = 	snop  }
0x90: {  	(tm) =	ssettm $0x1  }
0x91: {  	s17 =	sld [smem:$0x3FFB];
	_ =	sdelay $0x3  }
0x92: {  	_ =	strace s17  }
0x93: {  	s2 =	sld [smem:$0x3FFC];
	_ =	sdelay $0x3  }
0x94: {  	_ =	strace s2  }
0x95: {  	s2 =	sld [smem:$0x3FFD];
	_ =	sdelay $0x3  }
0x96: {  	_ =	strace s2  }
0x97: {  	_ =	strace $0x8FFFFFFF  }
0x98: {  	s18 =	sld [smem:$0x3FDB];
	_ =	sdelay $0x1  }
0x99: {  	s19 =	simm.s32 $_scs_section_size  }
0x9a: {  	s4 =	simm.s32 $_size__tile_overlayer_lowered;
	s5 =	simm.s32 $_tile_overlayer_lowered  }
0x9b: {  	s22 =	simm.s32 $0x1BFF;
	s21 =	sshll.u32 s5, $0x1;
	s2 =	sadd.s32 s19, s18  }
0x9c: {  	s6 =	simm.s32 $0x0;
	s20 =	sshll.u32 s4, $0x1;
	s4 =	sadd.s32 s21, s2  }
0x9d: {  	[timem:s6], [sflag:s22] =	dma.local [hbm:s4], s20  }
0x9e: {  	_ =	swait.ge [sflag:s22], s20  }
0x9f: {  	s3 =	ssub.s32 $0x0, s20;
	[sflag:s22] =	ssyncset.done $0x0  }
0xa0: {  	[sflag:s22] =	ssyncadd.s32 s3;
	_ =	sdelay $0x1  }
0xa1: {  	s23 =	simm.s32 $0x1B8B  }
0xa2: {  	_ =	swait.ge [sflag:s23], $0x1  }
0xa3: {  	[sflag:s23] =	ssyncset.done $0x0  }
0xa4: {  	s25 =	simm.s32 $0x1B8E;
	s24 =	sld [smem:$0x3FFE];
	[sflag:s23] =	ssyncadd.s32 $0xFFFFFFFF  }
0xa5: {  	s26 =	simm.s32 $execute0_lowered;
	[smem:$0x3FD2] =	sst s25  }
0xa6: {  	s4 =	sshll.u32 s26, $0x1;
	_ =	strace $0x80000046;
	[dreg:$0x1] =	wrdreg $0xFFFFFFFF  }
0xa7: {  	s28 =	simm.s32 $_size_execute0_lowered;
	s2 =	sadd.s32 s2, s4;
	[dreg:$0x0] =	wrdreg $0x0  }
0xa8: {  	s4 =	sshll.u32 s28, $0x1;
	[dreg:$0x2] =	wrdreg s2  }
0xa9: {  	[dreg:$0x3] =	wrdreg s4  }
0xaa: {  	[dreg:$0x4] =	wrdreg $0xC0  }
0xab: {  	_ =	task [dreg:s6], $0x5FFFF  }
0xac: {  	[dreg:$0x1] =	wrdreg $0xFFFFFFFF  }
0xad: {  	[dreg:$0x0] =	wrdreg $0x60  }
0xae: {  	[dreg:$0x2] =	wrdreg s24  }
0xaf: {  	[dreg:$0x3] =	wrdreg $0x33D00  }
0xb0: {  	[dreg:$0x4] =	wrdreg $0x9  }
0xb1: {  	_ =	task.clear_ibuf [dreg:s6], $0x5FFFF;
	_ =	strace $0x90000046  }
0xb2: {  	s29 =	simm.s32 $0x9;
	_ =	strace $0x80000048  }
0xb3: {  	_ =	swait.ge [sflag:s29], $0x1  }
0xb4: {  	[sflag:s29] =	ssyncadd.s32 $0xFFFFFFFF  }
0xb5: {  	_ =	strace $0x90000048  }
0xb6: {  	_ =	sfence  }
0xb7: {  	s30 =	sld [smem:$0x0];
	_ =	sdelay $0x2  }
0xb8: {  	s31 =	sshll.u32 s1, $0xD;
	s1 =	sshrl.u32 s1, $0x2  }
0xb9: {  	s3 =	sand.u32 $0x4000, s31;
	s1 =	sadd.s32 s1, s30  }
0xba: {  	s0 =	sor.u32 s3, s0;
	s1 =	sshll.u32 s1, $0x11  }
0xbb: {  	s0 =	sor.u32 s1, s0  }
0xbc: {  	s0 =	sadd.s32 $0x8F2B, s0  }
0xbd: {  	[sflag:s0] =	ssyncadd.remote.s32 $0x1  }
0xbe: {  	_ =	sfence.sel $0xFFFF  }
0xbf: {  	[dreg:$0x0] =	wrdreg $0xFFFFFFFF;
	(pc) =	sbr.abs _section_cstart, $3  }
0xc0: {  	[dreg:$0x1] =	wrdreg $0xFFFFFFFF  }
0xc1: {  	_ =	task.clear_ibuf [dreg:s6], $0x2FFFF;
	_ =	strace $0x9FFFFFFF  }
0xc2: {  	(tm) =	ssettm $0x7FFFFFFF  }
0xc3: {  	_ =	shalt  }
tec
execute0_lowered:
.L_overlay_start_1:
0x0: {  	(tag) =	ssettag $0x1  }
0x1: {  	s15 =	rddreg [dreg:$0x0]  }
0x2: {  	s0 =	srdreg.scid;
	s2 =	rddreg [dreg:$0x1]  }
0x3: {  	s1 =	rddreg [dreg:$0x2];
	s3 =	simm.s32 $0x0;
	s17 =	simm.s32 $0x17800  }
0x4: {  	s18 =	simm.s32 $0x2800;
	s19 =	simm.s32 $0x7D;
	s6 =	sand.u32 $0x1, s0  }
0x5: {  	s20 =	simm.s32 $0x2C00;
	s0 =	stileid.u32;
	s4 =	smul.u32 $0x5000, s6  }
0x6: {  	s21 =	simm.s32 $0x1;
	[smem:$0x7FF] =	sst s3;
	s5 =	smul.u32 $0x500, s0  }
0x7: {  	s23 =	simm.s32 $0x0;
	s31 =	smul.u32 $0xA000, s0;
	_ =	strace $0x80000047  }
0x8: {  	s7 =	ssub.s32 $0x2, s6;
	s9 =	smul.u32 $0x2800, s0;
	p0 =	seq.s32 s6, $0x1  }
0x9: {  	s8 =	sshrl.u32 s7, $0x1;
	s17 =	simm.s32 @!p0 $0x1C800;
	s4 =	sadd.s32 s5, s4  }
0xa: {  	s5 =	sshrl.u32 s31, $0x2;
	s7 =	ssub.s32 s7, s8;
	s16 =	sshrl.u32 s9, $0x3  }
0xb: {  	s22 =	sadd.s32 s9, s2;
	s17 =	sadd.s32 s17, s15;
	s4 =	sadd.s32 s4, s15  }
0xc: {  	s5 =	sadd.s32 s5, s2;
	s6 =	smax.u32 s7, $0x1;
	s16 =	sadd.s32 s17, s16  }
0xd: {  	s17 =	simm.s32 $0x2;
	s22 =	sshrl.u32 s22, $0x3;
	s4 =	sadd.s32 $0x3800, s4  }
0xe: {  	s7 =	sadd.s32 $0x400, s5;
	s8 =	sadd.s32 $0x800, s5;
	s9 =	sadd.s32 $0xC00, s5  }
0xf: {  	s10 =	sadd.s32 $0x1000, s5;
	s11 =	sadd.s32 $0x1400, s5;
	s12 =	sadd.s32 $0x1800, s5  }
0x10: {  	v0 =	vimm.f32 $0.0e+00;
	v1 =	vimm.f32 $1.000000000e+00;
	s13 =	sadd.s32 $0x1C00, s5;
	s14 =	sadd.s32 $0x2000, s5;
	s15 =	sadd.s32 $0x2400, s5  }
.LBB2_1:
0x11: {  	[tilespmem:s3], [sflag:$0x2] =	stream.linear.gather [hbm4b:s4+s3], $0x2800, $0x38;
	[tilespmem:$0x5BD0] =	vst v63  }
0x12: {  	_ =	swait.ge [sflag:s17], $0x2800  }
0x13: {  	[sflag:s17] =	ssyncset.done $0x0  }
0x14: {  	s24 =	simm.s32 $0x40;
	s25 =	simm.s32 $0x0;
	[sflag:s17] =	ssyncadd.s32 $0xFFFFD800  }
.LBB2_2:
0x15: {  	p0 =	sne.s32 s24, $0xFC0;
	[tilespmem:s25+$0x2800] =	vst v0;
	s25 =	smov.u32 s24;
	s24 =	sadd.s32 $0x40, s24  }
.Ltmp0:
0x16: {  	(pc) =	sbr.rel @p0 .LBB2_2-.Ltmp0, $2  }
0x17: {  	_ =	sdelay $0x2  }
0x18: {  	s25 =	sshra.s32 s25, $0x2  }
0x19: {  	[tilespmem:s25+$0x2800] =	vst v0  }
0x1a: {  	[spmem:s5] =	stream.linear.scatter [tilespmem:s18], [sflag:$0x2], $0x400, $0x38;
	[tilespmem:$0x5BD0] =	vst v63  }
0x1b: {  	_ =	swait.ge [sflag:s17], $0x400  }
0x1c: {  	[sflag:s17] =	ssyncset.done $0x0  }
0x1d: {  	[sflag:s17] =	ssyncadd.s32 $0xFFFFFC00  }
0x1e: {  	[spmem:s7] =	stream.linear.scatter [tilespmem:s18], [sflag:$0x2], $0x400, $0x38;
	[tilespmem:$0x5BD0] =	vst v63  }
0x1f: {  	_ =	swait.ge [sflag:s17], $0x400  }
0x20: {  	[sflag:s17] =	ssyncset.done $0x0  }
0x21: {  	[sflag:s17] =	ssyncadd.s32 $0xFFFFFC00  }
0x22: {  	[spmem:s8] =	stream.linear.scatter [tilespmem:s18], [sflag:$0x2], $0x400, $0x38;
	[tilespmem:$0x5BD0] =	vst v63  }
0x23: {  	_ =	swait.ge [sflag:s17], $0x400  }
0x24: {  	[sflag:s17] =	ssyncset.done $0x0  }
0x25: {  	[sflag:s17] =	ssyncadd.s32 $0xFFFFFC00  }
0x26: {  	[spmem:s9] =	stream.linear.scatter [tilespmem:s18], [sflag:$0x2], $0x400, $0x38;
	[tilespmem:$0x5BD0] =	vst v63  }
0x27: {  	_ =	swait.ge [sflag:s17], $0x400  }
0x28: {  	[sflag:s17] =	ssyncset.done $0x0  }
0x29: {  	[sflag:s17] =	ssyncadd.s32 $0xFFFFFC00  }
0x2a: {  	[spmem:s10] =	stream.linear.scatter [tilespmem:s18], [sflag:$0x2], $0x400, $0x38;
	[tilespmem:$0x5BD0] =	vst v63  }
0x2b: {  	_ =	swait.ge [sflag:s17], $0x400  }
0x2c: {  	[sflag:s17] =	ssyncset.done $0x0  }
0x2d: {  	[sflag:s17] =	ssyncadd.s32 $0xFFFFFC00  }
0x2e: {  	[spmem:s11] =	stream.linear.scatter [tilespmem:s18], [sflag:$0x2], $0x400, $0x38;
	[tilespmem:$0x5BD0] =	vst v63  }
0x2f: {  	_ =	swait.ge [sflag:s17], $0x400  }
0x30: {  	[sflag:s17] =	ssyncset.done $0x0  }
0x31: {  	[sflag:s17] =	ssyncadd.s32 $0xFFFFFC00  }
0x32: {  	[spmem:s12] =	stream.linear.scatter [tilespmem:s18], [sflag:$0x2], $0x400, $0x38;
	[tilespmem:$0x5BD0] =	vst v63  }
0x33: {  	_ =	swait.ge [sflag:s17], $0x400  }
0x34: {  	[sflag:s17] =	ssyncset.done $0x0  }
0x35: {  	[sflag:s17] =	ssyncadd.s32 $0xFFFFFC00  }
0x36: {  	[spmem:s13] =	stream.linear.scatter [tilespmem:s18], [sflag:$0x2], $0x400, $0x38;
	[tilespmem:$0x5BD0] =	vst v63  }
0x37: {  	_ =	swait.ge [sflag:s17], $0x400  }
0x38: {  	[sflag:s17] =	ssyncset.done $0x0  }
0x39: {  	[sflag:s17] =	ssyncadd.s32 $0xFFFFFC00  }
0x3a: {  	[spmem:s14] =	stream.linear.scatter [tilespmem:s18], [sflag:$0x2], $0x400, $0x38;
	[tilespmem:$0x5BD0] =	vst v63  }
0x3b: {  	_ =	swait.ge [sflag:s17], $0x400  }
0x3c: {  	[sflag:s17] =	ssyncset.done $0x0  }
0x3d: {  	[sflag:s17] =	ssyncadd.s32 $0xFFFFFC00  }
0x3e: {  	[spmem:s15] =	stream.linear.scatter [tilespmem:s18], [sflag:$0x2], $0x400, $0x38;
	[tilespmem:$0x5BD0] =	vst v63  }
0x3f: {  	_ =	swait.ge [sflag:s17], $0x400  }
0x40: {  	[sflag:s17] =	ssyncset.done $0x0  }
0x41: {  	s24 =	simm.s32 $0x40;
	s25 =	simm.s32 $0x0;
	[sflag:s17] =	ssyncadd.s32 $0xFFFFFC00  }
.LBB2_4:
0x42: {  	p0 =	sne.s32 s24, $0x1F00;
	[tilespmem:s25+$0x2C00] =	vst v1;
	s25 =	smov.u32 s24;
	s24 =	sadd.s32 $0x40, s24  }
.Ltmp1:
0x43: {  	(pc) =	sbr.rel @p0 .LBB2_4-.Ltmp1, $2  }
0x44: {  	_ =	sdelay $0x2  }
0x45: {  	s25 =	sshra.s32 s25, $0x2  }
0x46: {  	[tilespmem:s25+$0x2C00] =	vst v1  }
0x47: {  	s24 =	simm.s32 $0x0;
	[bflag:$0x0] =	sbarrier.arrive $0xFFFF  }
0x48: {  	[spmem:s2] =	stream.indirect.scatter.add.f32 [tilespmem:s20], [sflag:$0x1], $0x10, s24, s19, $0xb8;
	[tilespmem:$0x5BD0] =	vst v63  }
0x49: {  	s31 =	simm.s32 $0x80  }
0x4a: {  	[spmem:s2] =	stream.indirect.scatter.add.f32 [tilespmem:s20], [sflag:$0x1], $0x10, s31, s19, $0xb8;
	[tilespmem:$0x5BD0] =	vst v63  }
0x4b: {  	s25 =	simm.s32 $0x100  }
0x4c: {  	[spmem:s2] =	stream.indirect.scatter.add.f32 [tilespmem:s20], [sflag:$0x1], $0x10, s25, s19, $0xb8;
	[tilespmem:$0x5BD0] =	vst v63  }
0x4d: {  	s26 =	simm.s32 $0x180  }
0x4e: {  	[spmem:s2] =	stream.indirect.scatter.add.f32 [tilespmem:s20], [sflag:$0x1], $0x10, s26, s19, $0xb8;
	[tilespmem:$0x5BD0] =	vst v63  }
0x4f: {  	s28 =	simm.s32 $0x200  }
0x50: {  	[spmem:s2] =	stream.indirect.scatter.add.f32 [tilespmem:s20], [sflag:$0x1], $0x10, s28, s19, $0xb8;
	[tilespmem:$0x5BD0] =	vst v63  }
0x51: {  	s29 =	simm.s32 $0x280  }
0x52: {  	[spmem:s2] =	stream.indirect.scatter.add.f32 [tilespmem:s20], [sflag:$0x1], $0x10, s29, s19, $0xb8;
	[tilespmem:$0x5BD0] =	vst v63  }
0x53: {  	s30 =	simm.s32 $0x300  }
0x54: {  	[spmem:s2] =	stream.indirect.scatter.add.f32 [tilespmem:s20], [sflag:$0x1], $0x10, s30, s19, $0xb8;
	[tilespmem:$0x5BD0] =	vst v63  }
0x55: {  	s31 =	simm.s32 $0x380  }
0x56: {  	[spmem:s2] =	stream.indirect.scatter.add.f32 [tilespmem:s20], [sflag:$0x1], $0x10, s31, s19, $0xb8;
	[tilespmem:$0x5BD0] =	vst v63  }
0x57: {  	_ =	swait.ge [sflag:s21], $0x7D0  }
0x58: {  	[sflag:s21] =	ssyncset.done $0x0  }
0x59: {  	[sflag:s21] =	ssyncadd.s32 $0xFFFFF830  }
0x5a: {  	_ =	swait.ge [sflag:s21], $0x7D0  }
0x5b: {  	[sflag:s21] =	ssyncset.done $0x0  }
0x5c: {  	[sflag:s21] =	ssyncadd.s32 $0xFFFFF830  }
0x5d: {  	_ =	swait.ge [sflag:s21], $0x7D0  }
0x5e: {  	[sflag:s21] =	ssyncset.done $0x0  }
0x5f: {  	[sflag:s21] =	ssyncadd.s32 $0xFFFFF830  }
0x60: {  	_ =	swait.ge [sflag:s21], $0x7D0  }
0x61: {  	[sflag:s21] =	ssyncset.done $0x0  }
0x62: {  	[sflag:s21] =	ssyncadd.s32 $0xFFFFF830  }
0x63: {  	_ =	swait.ge [sflag:s21], $0x7D0  }
0x64: {  	[sflag:s21] =	ssyncset.done $0x0  }
0x65: {  	[sflag:s21] =	ssyncadd.s32 $0xFFFFF830  }
0x66: {  	_ =	swait.ge [sflag:s21], $0x7D0  }
0x67: {  	[sflag:s21] =	ssyncset.done $0x0  }
0x68: {  	[sflag:s21] =	ssyncadd.s32 $0xFFFFF830  }
0x69: {  	_ =	swait.ge [sflag:s21], $0x7D0  }
0x6a: {  	[sflag:s21] =	ssyncset.done $0x0  }
0x6b: {  	[sflag:s21] =	ssyncadd.s32 $0xFFFFF830  }
0x6c: {  	_ =	swait.ge [sflag:s21], $0x7D0  }
0x6d: {  	s24 =	simm.s32 $0x1000;
	s26 =	simm.s32 $0x2000;
	[sflag:s21] =	ssyncset.done $0x0  }
.LBB2_6:
0x6e: {  	s28 =	sshra.s32 s24, $0x2  }
0x6f: {  	[sflag:s21] =	ssyncadd.s32 $0xFFFFF830;
	s24 =	smov.u32 s26;
	s25 =	sadd.s32 $0x1000, s26  }
0x70: {  	[spmem:s2] =	stream.indirect.scatter.add.f32 [tilespmem:s20], [sflag:$0x1], $0x10, s28, s19, $0xb8;
	[tilespmem:$0x5BD0] =	vst v63  }
0x71: {  	p0 =	sne.s32 s26, $0x9000;
	s26 =	sadd.s32 $0x80, s28  }
0x72: {  	[spmem:s2] =	stream.indirect.scatter.add.f32 [tilespmem:s20], [sflag:$0x1], $0x10, s26, s19, $0xb8;
	[tilespmem:$0x5BD0] =	vst v63  }
0x73: {  	s26 =	sadd.s32 $0x100, s28  }
0x74: {  	[spmem:s2] =	stream.indirect.scatter.add.f32 [tilespmem:s20], [sflag:$0x1], $0x10, s26, s19, $0xb8;
	[tilespmem:$0x5BD0] =	vst v63  }
0x75: {  	s26 =	sadd.s32 $0x180, s28  }
0x76: {  	[spmem:s2] =	stream.indirect.scatter.add.f32 [tilespmem:s20], [sflag:$0x1], $0x10, s26, s19, $0xb8;
	[tilespmem:$0x5BD0] =	vst v63  }
0x77: {  	s26 =	sadd.s32 $0x200, s28  }
0x78: {  	[spmem:s2] =	stream.indirect.scatter.add.f32 [tilespmem:s20], [sflag:$0x1], $0x10, s26, s19, $0xb8;
	[tilespmem:$0x5BD0] =	vst v63  }
0x79: {  	s26 =	sadd.s32 $0x280, s28  }
0x7a: {  	[spmem:s2] =	stream.indirect.scatter.add.f32 [tilespmem:s20], [sflag:$0x1], $0x10, s26, s19, $0xb8;
	[tilespmem:$0x5BD0] =	vst v63  }
0x7b: {  	s26 =	sadd.s32 $0x300, s28  }
0x7c: {  	[spmem:s2] =	stream.indirect.scatter.add.f32 [tilespmem:s20], [sflag:$0x1], $0x10, s26, s19, $0xb8;
	[tilespmem:$0x5BD0] =	vst v63  }
0x7d: {  	s26 =	sadd.s32 $0x380, s28  }
0x7e: {  	[spmem:s2] =	stream.indirect.scatter.add.f32 [tilespmem:s20], [sflag:$0x1], $0x10, s26, s19, $0xb8;
	[tilespmem:$0x5BD0] =	vst v63  }
0x7f: {  	_ =	swait.ge [sflag:s21], $0x7D0  }
0x80: {  	[sflag:s21] =	ssyncset.done $0x0  }
0x81: {  	[sflag:s21] =	ssyncadd.s32 $0xFFFFF830  }
0x82: {  	_ =	swait.ge [sflag:s21], $0x7D0  }
0x83: {  	[sflag:s21] =	ssyncset.done $0x0  }
0x84: {  	[sflag:s21] =	ssyncadd.s32 $0xFFFFF830  }
0x85: {  	_ =	swait.ge [sflag:s21], $0x7D0  }
0x86: {  	[sflag:s21] =	ssyncset.done $0x0  }
0x87: {  	[sflag:s21] =	ssyncadd.s32 $0xFFFFF830  }
0x88: {  	_ =	swait.ge [sflag:s21], $0x7D0  }
0x89: {  	[sflag:s21] =	ssyncset.done $0x0  }
0x8a: {  	[sflag:s21] =	ssyncadd.s32 $0xFFFFF830  }
0x8b: {  	_ =	swait.ge [sflag:s21], $0x7D0  }
0x8c: {  	[sflag:s21] =	ssyncset.done $0x0  }
0x8d: {  	[sflag:s21] =	ssyncadd.s32 $0xFFFFF830  }
0x8e: {  	_ =	swait.ge [sflag:s21], $0x7D0  }
0x8f: {  	[sflag:s21] =	ssyncset.done $0x0  }
0x90: {  	[sflag:s21] =	ssyncadd.s32 $0xFFFFF830  }
.Ltmp2:
0x91: {  	_ =	swait.ge [sflag:s21], $0x7D0;
	(pc) =	sbr.rel @p0 .LBB2_6-.Ltmp2, $4  }
0x92: {  	[sflag:s21] =	ssyncset.done $0x0  }
0x93: {  	[sflag:s21] =	ssyncadd.s32 $0xFFFFF830  }
0x94: {  	_ =	swait.ge [sflag:s21], $0x7D0  }
0x95: {  	s26 =	smov.u32 s25;
	[sflag:s21] =	ssyncset.done $0x0  }
0x96: {  	s24 =	sshra.s32 s24, $0x2;
	[sflag:s21] =	ssyncadd.s32 $0xFFFFF830  }
0x97: {  	[spmem:s2] =	stream.indirect.scatter.add.f32 [tilespmem:s20], [sflag:$0x1], $0x10, s24, s19, $0xb8;
	[tilespmem:$0x5BD0] =	vst v63  }
0x98: {  	s25 =	sadd.s32 $0x80, s24  }
0x99: {  	[spmem:s2] =	stream.indirect.scatter.add.f32 [tilespmem:s20], [sflag:$0x1], $0x10, s25, s19, $0xb8;
	[tilespmem:$0x5BD0] =	vst v63  }
0x9a: {  	s31 =	sadd.s32 $0x100, s24  }
0x9b: {  	[spmem:s2] =	stream.indirect.scatter.add.f32 [tilespmem:s20], [sflag:$0x1], $0x10, s31, s19, $0xb8;
	[tilespmem:$0x5BD0] =	vst v63  }
0x9c: {  	s26 =	sadd.s32 $0x180, s24  }
0x9d: {  	[spmem:s2] =	stream.indirect.scatter.add.f32 [tilespmem:s20], [sflag:$0x1], $0x10, s26, s19, $0xb8;
	[tilespmem:$0x5BD0] =	vst v63  }
0x9e: {  	s28 =	sadd.s32 $0x200, s24  }
0x9f: {  	[spmem:s2] =	stream.indirect.scatter.add.f32 [tilespmem:s20], [sflag:$0x1], $0x10, s28, s19, $0xb8;
	[tilespmem:$0x5BD0] =	vst v63  }
0xa0: {  	s29 =	sadd.s32 $0x280, s24  }
0xa1: {  	[spmem:s2] =	stream.indirect.scatter.add.f32 [tilespmem:s20], [sflag:$0x1], $0x10, s29, s19, $0xb8;
	[tilespmem:$0x5BD0] =	vst v63  }
0xa2: {  	s30 =	sadd.s32 $0x300, s24  }
0xa3: {  	[spmem:s2] =	stream.indirect.scatter.add.f32 [tilespmem:s20], [sflag:$0x1], $0x10, s30, s19, $0xb8;
	[tilespmem:$0x5BD0] =	vst v63  }
0xa4: {  	s24 =	sadd.s32 $0x380, s24  }
0xa5: {  	[spmem:s2] =	stream.indirect.scatter.add.f32 [tilespmem:s20], [sflag:$0x1], $0x10, s24, s19, $0xb8;
	[tilespmem:$0x5BD0] =	vst v63  }
0xa6: {  	_ =	swait.ge [sflag:s21], $0x7D0  }
0xa7: {  	[sflag:s21] =	ssyncset.done $0x0  }
0xa8: {  	[sflag:s21] =	ssyncadd.s32 $0xFFFFF830  }
0xa9: {  	_ =	swait.ge [sflag:s21], $0x7D0  }
0xaa: {  	[sflag:s21] =	ssyncset.done $0x0  }
0xab: {  	[sflag:s21] =	ssyncadd.s32 $0xFFFFF830  }
0xac: {  	_ =	swait.ge [sflag:s21], $0x7D0  }
0xad: {  	[sflag:s21] =	ssyncset.done $0x0  }
0xae: {  	[sflag:s21] =	ssyncadd.s32 $0xFFFFF830  }
0xaf: {  	_ =	swait.ge [sflag:s21], $0x7D0  }
0xb0: {  	[sflag:s21] =	ssyncset.done $0x0  }
0xb1: {  	[sflag:s21] =	ssyncadd.s32 $0xFFFFF830  }
0xb2: {  	_ =	swait.ge [sflag:s21], $0x7D0  }
0xb3: {  	[sflag:s21] =	ssyncset.done $0x0  }
0xb4: {  	[sflag:s21] =	ssyncadd.s32 $0xFFFFF830  }
0xb5: {  	_ =	swait.ge [sflag:s21], $0x7D0  }
0xb6: {  	[sflag:s21] =	ssyncset.done $0x0  }
0xb7: {  	[sflag:s21] =	ssyncadd.s32 $0xFFFFF830  }
0xb8: {  	_ =	swait.ge [sflag:s21], $0x7D0  }
0xb9: {  	[sflag:s21] =	ssyncset.done $0x0  }
0xba: {  	[sflag:s21] =	ssyncadd.s32 $0xFFFFF830  }
0xbb: {  	_ =	swait.ge [sflag:s21], $0x7D0  }
0xbc: {  	s23 =	sadd.s32 $0x1, s23;
	[sflag:s21] =	ssyncset.done $0x0  }
0xbd: {  	p0 =	sne.s32 s23, s6;
	s31 =	sshll.u32 s0, $0x6;
	[sflag:s21] =	ssyncadd.s32 $0xFFFFF830  }
.Ltmp3:
0xbe: {  	s24 =	sor.u32 $0x1C02, s31;
	[bflag:$0x0] =	sbarrier.arrive $0xFFFF;
	(pc) =	sbr.rel @p0 .LBB2_1-.Ltmp3, $4  }
0xbf: {  	[hbm:s16], [sflag:s24] =	dma.local [spmem:s22], $0x500  }
0xc0: {  	_ =	swait.ge [sflag:s17], $0x500  }
0xc1: {  	[sflag:s17] =	ssyncset.done $0x0  }
0xc2: {  	[sflag:s17] =	ssyncadd.s32 $0xFFFFFB00  }
0xc3: {  	_ =	sfence.sel $0x180000  }
0xc4: {  	[bflag:$0x0] =	sbarrier.arrive $0xFFFF  }
0xc5: {  	p0 =	sne.s32 s0, $0x0;
	_ =	strace $0x90000047  }
0xc6: {  	s0 =	sadd.s32 @!p0 $0x100000, s1;
	[bflag:$0x2] =	sbarrier.arrive $0xFFFF  }
0xc7: {  	[sflag:s0] =	ssyncadd.tile.s32 @!p0 $0x1;
	_ =	shalt  }
.Lfunc_end2:
_tile_overlayer_lowered:
.L_overlay_start_2:
0xc8: {  	(tag) =	ssettag $0x2  }
0xc9: {  	s0 =	rddreg [dreg:$0x0];
	s2 =	stileid.u32  }
0xca: {  	s1 =	rddreg [dreg:$0x1];
	p0 =	sne.s32 s2, $0x0  }
0xcb: {  	s3 =	rddreg [dreg:$0x2];
	[bflag:$0x3] =	sbarrier.arrive $0xFFFF;
	s2 =	simm.s32 @!p0 $0x1C02  }
0xcc: {  	[timem:s3], [sflag:s2] =	dma.local @!p0 [hbm:s0], s1  }
0xcd: {  	s0 =	simm.s32 @!p0 $0x2  }
0xce: {  	_ =	swait.ge @!p0 [sflag:s0], s1  }
0xcf: {  	s1 =	ssub.s32 @!p0 $0x0, s1;
	[sflag:s0] =	ssyncset.done @!p0 $0x0  }
0xd0: {  	[sflag:s0] =	ssyncadd.s32 @!p0 s1  }
0xd1: {  	[bflag:$0x3] =	sbarrier.arrive $0xFFFF  }
0xd2: {  	_ =	shalt  }

</sc_bundles>
